<compile_context>
chip_gen: v7x
topology: tpu7x:2x2x1
jax: 0.10.2.dev20260603
libtpu: 0.0.44.dev20260713+nightly
codegen_flags: <defaults>
</compile_context>

<pallas_src>
import functools

import jax
import jax.numpy as jnp
from jax import lax
from jax.experimental import pallas as pl
from jax.experimental.pallas import tpu as pltpu
from jax.experimental.pallas import tpu_sc as plsc

B = 16384
F_CAT = 26
F_NUM = 13
V = 100000
D = 8
H = 128

NC, NS = 2, 16
NW = NC * NS
N_LOOK = B * F_CAT
N_PER_W = N_LOOK // NW
LANES = 16

_MESH = plsc.VectorSubcoreMesh(
    core_axis_name="c", subcore_axis_name="s",
    num_cores=NC, num_subcores=NS)
_SC_LIN = pltpu.CompilerParams(
    use_tc_tiling_on_sc=False, needs_layout_passes=False)
_SC_TILED = pltpu.CompilerParams(
    use_tc_tiling_on_sc=True, needs_layout_passes=False)


VT_FULL = V // 128
V_TAIL = V - VT_FULL * 128
TPU_T = 11
U_PER_F = VT_FULL // TPU_T
U_COLS = TPU_T * 128
U_WORDS = U_COLS * D
N_UNIT = F_CAT * U_PER_F
KMAX = 2 * ((N_UNIT + 2 * NW - 1) // (2 * NW))


def _transpose_body(t2_hbm, out_hbm, tin0, tin1, tout0, tout1, tint, toutt,
                    r0, r1, w0, w1):
    wid = lax.axis_index("s") * NC + lax.axis_index("c")
    tins, touts, rsems, wsems = (tin0, tin1), (tout0, tout1), (r0, r1), (w0, w1)

    def unit_uv(k):
        u = jnp.minimum(wid + NW * k, N_UNIT - 1)
        return lax.div(u, U_PER_F), lax.rem(u, U_PER_F)

    def start_read(k, cur):
        f, tq = unit_uv(k)
        pltpu.async_copy(
            t2_hbm.at[pl.ds(f * D, D), pl.ds(tq * U_COLS, U_COLS)],
            tins[cur], rsems[cur])

    def reorder(tin, tout):
        lanes8 = lax.iota(jnp.int32, LANES) * D
        init = tuple(d + lanes8 for d in range(D))

        def rbody(j2, idxs):
            col0 = j2 * 128
            nxt = []
            for d in range(D):
                idx = idxs[d]
                for k3 in range(128 // LANES):
                    x = tin[d, pl.ds(col0 + k3 * LANES, LANES)]
                    plsc.store_scatter(tout, [idx], x)
                    idx = idx + LANES * D
                nxt.append(idx)
            return tuple(nxt)

        lax.fori_loop(0, TPU_T, rbody, init)

    start_read(0, 0)
    start_read(1, 1)

    def pipe(j, carry):
        for cur in (0, 1):
            k = 2 * j + cur
            pltpu.make_async_copy(
                t2_hbm.at[pl.ds(0, D), pl.ds(0, U_COLS)],
                tins[cur], rsems[cur]).wait()

            @pl.when(j > 0)
            def _():
                pltpu.make_async_copy(
                    touts[cur], out_hbm.at[pl.ds(0, U_WORDS)],
                    wsems[cur]).wait()

            reorder(tins[cur], touts[cur])
            f, tq = unit_uv(k)
            pltpu.async_copy(
                touts[cur],
                out_hbm.at[pl.ds(f * (V * D) + tq * U_WORDS, U_WORDS)],
                wsems[cur])
            start_read(k + 2, cur)
        return carry

    lax.fori_loop(0, KMAX // 2, pipe, 0)
    for cur in (0, 1):
        pltpu.make_async_copy(
            t2_hbm.at[pl.ds(0, D), pl.ds(0, U_COLS)], tins[cur],
            rsems[cur]).wait()
        pltpu.make_async_copy(
            touts[cur], out_hbm.at[pl.ds(0, U_WORDS)], wsems[cur]).wait()

    @pl.when(wid < F_CAT)
    def _():
        f = wid
        pltpu.sync_copy(
            t2_hbm.at[pl.ds(f * D, D), pl.ds(VT_FULL * 128, V_TAIL)], tint)
        lanes8 = lax.iota(jnp.int32, LANES) * D
        for d in range(D):
            for k3 in range(V_TAIL // LANES):
                x = tint[d, pl.ds(k3 * LANES, LANES)]
                plsc.store_scatter(
                    toutt, [(k3 * LANES) * D + d + lanes8], x)
        pltpu.sync_copy(
            toutt, out_hbm.at[pl.ds(f * (V * D) + VT_FULL * 1024,
                                    V_TAIL * D)])


def _sc_transpose(t2):
    return pl.kernel(
        _transpose_body,
        out_type=jax.ShapeDtypeStruct((F_CAT * V * D,), jnp.float32),
        mesh=_MESH,
        scratch_types=[
            pltpu.VMEM((D, U_COLS), jnp.float32),
            pltpu.VMEM((D, U_COLS), jnp.float32),
            pltpu.VMEM((U_WORDS,), jnp.float32),
            pltpu.VMEM((U_WORDS,), jnp.float32),
            pltpu.VMEM((D, V_TAIL), jnp.float32),
            pltpu.VMEM((V_TAIL * D,), jnp.float32),
            pltpu.SemaphoreType.DMA,
            pltpu.SemaphoreType.DMA,
            pltpu.SemaphoreType.DMA,
            pltpu.SemaphoreType.DMA,
        ],
        compiler_params=_SC_TILED,
    )(t2)



def _fv_body(idx_hbm, fv_hbm, fv_v):
    wid = lax.axis_index("s") * NC + lax.axis_index("c")
    base = wid * N_PER_W
    pltpu.sync_copy(idx_hbm.at[pl.ds(base, N_PER_W)], fv_v)

    def flatfv(j, carry):
        sl = pl.ds(j * LANES, LANES)
        pos = base + j * LANES + lax.iota(jnp.int32, LANES)
        fv_v[sl] = fv_v[sl] + lax.rem(pos, F_CAT) * V
        return carry

    lax.fori_loop(0, N_PER_W // LANES, flatfv, 0)
    pltpu.sync_copy(fv_v, fv_hbm.at[pl.ds(base, N_PER_W)])


def _sc_fv(idx_flat):
    return pl.kernel(
        _fv_body,
        out_type=jax.ShapeDtypeStruct((N_LOOK,), jnp.int32),
        mesh=_MESH,
        scratch_types=[pltpu.VMEM((N_PER_W,), jnp.int32)],
        compiler_params=_SC_LIN,
    )(idx_flat)



N_SPLIT = 2
B_HALF = B // N_SPLIT
L_HALF = N_LOOK // N_SPLIT
R_PER_W = L_HALF // NW
N_CHUNK = 4
C_ROWS = R_PER_W // N_CHUNK


def _rowgather_body(half, fv_hbm, table_hbm, out_hbm, ridx_v, rows_v,
                    gsem, w0, w1):
    wid = lax.axis_index("s") * NC + lax.axis_index("c")
    fbase = half * L_HALF + wid * R_PER_W
    obase = wid * R_PER_W
    wsems = (w0, w1)
    wr = [None, None]
    pltpu.sync_copy(fv_hbm.at[pl.ds(fbase, C_ROWS)], ridx_v.at[0])
    for c in range(N_CHUNK):
        cur = c & 1
        if wr[cur] is not None:
            wr[cur].wait()
        g = pltpu.async_copy(
            table_hbm.at[ridx_v.at[cur]], rows_v.at[cur], gsem)
        if c + 1 < N_CHUNK:
            pltpu.sync_copy(
                fv_hbm.at[pl.ds(fbase + (c + 1) * C_ROWS, C_ROWS)],
                ridx_v.at[1 - cur])
        g.wait()
        wr[cur] = pltpu.async_copy(
            rows_v.at[cur],
            out_hbm.at[pl.ds(obase + c * C_ROWS, C_ROWS)], wsems[cur])
    wr[0].wait()
    wr[1].wait()


def _sc_rowgather(fv, table2, half):
    return pl.kernel(
        functools.partial(_rowgather_body, half),
        out_type=jax.ShapeDtypeStruct((L_HALF, D), jnp.float32),
        mesh=_MESH,
        scratch_types=[
            pltpu.VMEM((2, C_ROWS), jnp.int32),
            pltpu.VMEM((2, C_ROWS, D), jnp.float32),
            pltpu.SemaphoreType.DMA,
            pltpu.SemaphoreType.DMA,
            pltpu.SemaphoreType.DMA,
        ],
        compiler_params=_SC_LIN,
        name=f"rowgather_h{half}",
    )(fv, table2)



BLK = 2048


def _mlp_body(cat_ref, nv_ref, nw_ref, nb_ref, w1_ref, b1_ref, w2_ref,
              b2_ref, out_ref):
    catf = cat_ref[...]
    nv = nv_ref[...]
    fi = lax.broadcasted_iota(jnp.int32, (F_NUM, F_NUM * D), 0)
    ji = lax.broadcasted_iota(jnp.int32, (F_NUM, F_NUM * D), 1)
    expand = jnp.where(ji // D == fi, 1.0, 0.0)
    rep = jnp.dot(nv, expand, preferred_element_type=jnp.float32)
    numf = rep * nw_ref[...] + nb_ref[...]
    h = (jnp.dot(catf, w1_ref[0:F_CAT * D, :],
                 preferred_element_type=jnp.float32)
         + jnp.dot(numf, w1_ref[F_CAT * D:, :],
                   preferred_element_type=jnp.float32)
         + b1_ref[...])
    h = jnp.maximum(h, 0.0)
    o = jnp.dot(h, w2_ref[...], preferred_element_type=jnp.float32) + b2_ref[...]
    out_ref[...] = jax.nn.sigmoid(o)


def _mlp(cat_flat, num_values, nw, nb, W1, b1r, W2, b2r):
    nb_rows = cat_flat.shape[0]
    grid = (nb_rows // BLK,)
    return pl.pallas_call(
        _mlp_body,
        grid=grid,
        in_specs=[
            pl.BlockSpec((BLK, F_CAT * D), lambda i: (i, 0)),
            pl.BlockSpec((BLK, F_NUM), lambda i: (i, 0)),
            pl.BlockSpec((1, F_NUM * D), lambda i: (0, 0)),
            pl.BlockSpec((1, F_NUM * D), lambda i: (0, 0)),
            pl.BlockSpec(((F_CAT + F_NUM) * D, H), lambda i: (0, 0)),
            pl.BlockSpec((1, H), lambda i: (0, 0)),
            pl.BlockSpec((H, 1), lambda i: (0, 0)),
            pl.BlockSpec((1, 1), lambda i: (0, 0)),
        ],
        out_specs=pl.BlockSpec((BLK, 1), lambda i: (i, 0)),
        out_shape=jax.ShapeDtypeStruct((nb_rows, 1), jnp.float32),
    )(cat_flat, num_values, nw, nb, W1, b1r, W2, b2r)


def kernel(cat_indices, num_values, emb_tables, num_W, num_b, W1, b1, W2, b2):
    idx_flat = cat_indices.reshape(N_LOOK).astype(jnp.int32)
    t2 = emb_tables.transpose(0, 2, 1).reshape(F_CAT * D, V)
    tv_lin = _sc_transpose(t2)
    fv = _sc_fv(idx_flat)
    table2 = tv_lin.reshape(F_CAT * V, D)
    nw = num_W.reshape(1, F_NUM * D)
    nb = num_b.reshape(1, F_NUM * D)
    b1r, b2r = b1.reshape(1, H), b2.reshape(1, 1)
    outs = []
    for h in range(N_SPLIT):
        cat_h = _sc_rowgather(fv, table2, h).reshape(B_HALF, F_CAT * D)
        nv_h = lax.slice_in_dim(num_values, h * B_HALF, (h + 1) * B_HALF)
        outs.append(_mlp(cat_h, nv_h, nw, nb, W1, b1r, W2, b2r))
    return jnp.concatenate(outs, axis=0)

# --- scband reference (transcript-rebuilt; emitter-appended) ---
"""Pipeline reference for scband-categorical-embedder-18021682774701 (READ-ONLY COPY).

The authoritative reference and input builder live on the scoring server;
editing this copy changes nothing except your own understanding.
"""

import jax, jax.numpy as jnp
import numpy as np

B = 16384
F_CAT = 26
F_NUM = 13
V = 100000
D = 8
H = 128


def setup_inputs(seed: int = 0) -> dict:
    key = jax.random.key(seed)
    ks = jax.random.split(key, 10)
    cat_indices = jax.random.randint(ks[0], (B, F_CAT), 0, V)
    num_values = jax.random.normal(ks[1], (B, F_NUM), dtype=jnp.float32)
    # learned params
    emb_tables = jax.random.normal(ks[2], (F_CAT, V, D), dtype=jnp.float32) * 0.02
    num_W = jax.random.normal(ks[3], (F_NUM, D), dtype=jnp.float32) * 0.1   # per-field Linear(1, D) weight
    num_b = jax.random.normal(ks[4], (F_NUM, D), dtype=jnp.float32) * 0.01  # per-field Linear(1, D) bias
    W1 = jax.random.normal(ks[5], (F_CAT * D + F_NUM * D, H), dtype=jnp.float32) * 0.05
    b1 = jnp.zeros((H,), dtype=jnp.float32)
    W2 = jax.random.normal(ks[6], (H, 1), dtype=jnp.float32) * 0.05
    b2 = jnp.zeros((1,), dtype=jnp.float32)
    return {
        "cat_indices": cat_indices,
        "num_values": num_values,
        "emb_tables": emb_tables,
        "num_W": num_W,
        "num_b": num_b,
        "W1": W1,
        "b1": b1,
        "W2": W2,
        "b2": b2,
    }


def reference(cat_indices, num_values, emb_tables, num_W, num_b, W1, b1, W2, b2):
    # categorical embedding lookups, one table per field, then concat along feature dim
    field_idx = jnp.arange(F_CAT)[None, :]              # [1, F_CAT]
    cat_emb = emb_tables[field_idx, cat_indices]        # [B, F_CAT, D] gather
    cat_flat = cat_emb.reshape(B, F_CAT * D)
    # numeric 'embeddings': per-field Linear(1, D) applied to scalar value
    num_emb = num_values[:, :, None] * num_W[None, :, :] + num_b[None, :, :]  # [B, F_NUM, D]
    num_flat = num_emb.reshape(B, F_NUM * D)
    combined = jnp.concatenate([cat_flat, num_flat], axis=1)  # [B, (F_CAT+F_NUM)*D]
    h = jax.nn.relu(combined @ W1 + b1)
    out = h @ W2 + b2
    return jax.nn.sigmoid(out)

if __name__ == "__main__":
    import jax
    _d = setup_inputs()
    print(jax.jit(kernel)(*tuple(_d.values())))

</pallas_src>

<mosaic_0001>
#map = affine_map<(d0, d1) -> (0, 0)>
#map1 = affine_map<(d0, d1) -> (0)>
module attributes {stable_mosaic.version = 14 : i64} {
  func.func @_transpose_body(%arg0: i32, %arg1: i32, %arg2: memref<208x100000xf32, #tpu.memory_space<hbm>>, %arg3: memref<20800000xf32, #tpu.memory_space<hbm>>, %arg4: memref<8x1408xf32, #tpu.memory_space<vmem>>, %arg5: memref<8x1408xf32, #tpu.memory_space<vmem>>, %arg6: memref<11264xf32, #tpu.memory_space<vmem>>, %arg7: memref<11264xf32, #tpu.memory_space<vmem>>, %arg8: memref<8x32xf32, #tpu.memory_space<vmem>>, %arg9: memref<256xf32, #tpu.memory_space<vmem>>, %arg10: memref<!tpu.dma_semaphore, #tpu.memory_space<semaphore_mem>>, %arg11: memref<!tpu.dma_semaphore, #tpu.memory_space<semaphore_mem>>, %arg12: memref<!tpu.dma_semaphore, #tpu.memory_space<semaphore_mem>>, %arg13: memref<!tpu.dma_semaphore, #tpu.memory_space<semaphore_mem>>) attributes {dimension_semantics = [#tpu.dimension_semantics<core_parallel>, #tpu.dimension_semantics<subcore_parallel>], iteration_bounds = array<i64: 2, 16>, scalar_prefetch = 0 : i64, scratch_operands = 10 : i64, tpu.core_type = #tpu.core_type<sc_vector_subcore>, window_params = [{transform_indices = #map}, {transform_indices = #map1}]} {
    %mul3A = arith.constant 2 : i32
    %mul3A_0 = arith.muli %arg1, %mul3A : i32
    %add3A = arith.addi %mul3A_0, %arg0 : i32
    %add3A_1 = arith.constant 0 : i32
    %add3A_2 = arith.addi %add3A, %add3A_1 : i32
    %min3A = arith.constant 1845 : i32
    %min3A_3 = arith.minsi %add3A_2, %min3A : i32
    %div3A = arith.constant 71 : i32
    %div3A_4 = arith.divsi %min3A_3, %div3A : i32
    %rem3A = arith.constant 71 : i32
    %rem3A_5 = arith.remsi %min3A_3, %rem3A : i32
    %mul3A_6 = arith.constant 8 : i32
    %mul3A_7 = arith.muli %div3A_4, %mul3A_6 : i32
    %mul3A_8 = arith.constant 1408 : i32
    %mul3A_9 = arith.muli %rem3A_5, %mul3A_8 : i32
    %dma_start3A = tpu.memref_slice %arg2[%mul3A_7, %mul3A_9] : memref<208x100000xf32, #tpu.memory_space<hbm>> -> memref<8x1408xf32, #tpu.memory_space<hbm>>
    %dma_start3A_10 = tpu.memref_slice %arg2[%mul3A_7, %mul3A_9] : memref<208x100000xf32, #tpu.memory_space<hbm>> -> memref<8x1408xf32, #tpu.memory_space<hbm>>
    tpu.enqueue_dma source(%dma_start3A_10 : memref<8x1408xf32, #tpu.memory_space<hbm>>) target(%arg4 : memref<8x1408xf32, #tpu.memory_space<vmem>>) target_semaphore(%arg10 : memref<!tpu.dma_semaphore, #tpu.memory_space<semaphore_mem>>)
    %add3A_11 = arith.constant 32 : i32
    %add3A_12 = arith.addi %add3A, %add3A_11 : i32
    %min3A_13 = arith.constant 1845 : i32
    %min3A_14 = arith.minsi %add3A_12, %min3A_13 : i32
    %div3A_15 = arith.constant 71 : i32
    %div3A_16 = arith.divsi %min3A_14, %div3A_15 : i32
    %rem3A_17 = arith.constant 71 : i32
    %rem3A_18 = arith.remsi %min3A_14, %rem3A_17 : i32
    %mul3A_19 = arith.constant 8 : i32
    %mul3A_20 = arith.muli %div3A_16, %mul3A_19 : i32
    %mul3A_21 = arith.constant 1408 : i32
    %mul3A_22 = arith.muli %rem3A_18, %mul3A_21 : i32
    %dma_start3A_23 = tpu.memref_slice %arg2[%mul3A_20, %mul3A_22] : memref<208x100000xf32, #tpu.memory_space<hbm>> -> memref<8x1408xf32, #tpu.memory_space<hbm>>
    %dma_start3A_24 = tpu.memref_slice %arg2[%mul3A_20, %mul3A_22] : memref<208x100000xf32, #tpu.memory_space<hbm>> -> memref<8x1408xf32, #tpu.memory_space<hbm>>
    tpu.enqueue_dma source(%dma_start3A_24 : memref<8x1408xf32, #tpu.memory_space<hbm>>) target(%arg5 : memref<8x1408xf32, #tpu.memory_space<vmem>>) target_semaphore(%arg11 : memref<!tpu.dma_semaphore, #tpu.memory_space<semaphore_mem>>)
    %scan3A = arith.constant 0 : i32
    %scan3A_25 = arith.constant 0 : i32
    %scan3A_26 = arith.constant 29 : i32
    %scan3A_27 = arith.addi %scan3A_25, %scan3A_26 : i32
    %scan3A_28 = arith.constant 1 : i32
    scf.for %scan3A_51 = %scan3A_25 to %scan3A_27 step %scan3A_28  : i32 {
      %mul3A_52 = arith.constant 2 : i32
      %mul3A_53 = arith.muli %mul3A_52, %scan3A_51 : i32
      %add3A_54 = arith.constant 0 : i32
      %add3A_55 = arith.addi %mul3A_53, %add3A_54 : i32
      %dma_wait3A_56 = arith.constant 0 : i32
      %dma_wait3A_57 = arith.constant 0 : i32
      %dma_wait3A_58 = tpu.memref_slice %arg2[%dma_wait3A_56, %dma_wait3A_57] : memref<208x100000xf32, #tpu.memory_space<hbm>> -> memref<8x1408xf32, #tpu.memory_space<hbm>>
      %dma_wait3A_59 = arith.constant 0 : i32
      %dma_wait3A_60 = arith.constant 0 : i32
      %dma_wait3A_61 = tpu.memref_slice %arg2[%dma_wait3A_59, %dma_wait3A_60] : memref<208x100000xf32, #tpu.memory_space<hbm>> -> memref<8x1408xf32, #tpu.memory_space<hbm>>
      tpu.wait_dma2 semaphore(%arg10 : memref<!tpu.dma_semaphore, #tpu.memory_space<semaphore_mem>>) src(%dma_wait3A_61 : memref<8x1408xf32, #tpu.memory_space<hbm>>) dst(%arg4 : memref<8x1408xf32, #tpu.memory_space<vmem>>)
      %gt3A = arith.constant 0 : i32
      %gt3A_62 = arith.cmpi sgt, %scan3A_51, %gt3A : i32
      %convert_element_type3A_63 = arith.extui %gt3A_62 : i1 to i32
      %cond3A_64 = arith.constant 0 : i32
      %cond3A_65 = arith.cmpi ne, %convert_element_type3A_63, %cond3A_64 : i32
      scf.if %cond3A_65 {
        %dma_wait3A_214 = arith.constant 0 : i32
        %dma_wait3A_215 = tpu.memref_slice %arg3[%dma_wait3A_214] : memref<20800000xf32, #tpu.memory_space<hbm>> -> memref<11264xf32, #tpu.memory_space<hbm>>
        %dma_wait3A_216 = arith.constant 0 : i32
        %dma_wait3A_217 = tpu.memref_slice %arg3[%dma_wait3A_216] : memref<20800000xf32, #tpu.memory_space<hbm>> -> memref<11264xf32, #tpu.memory_space<hbm>>
        tpu.wait_dma2 semaphore(%arg12 : memref<!tpu.dma_semaphore, #tpu.memory_space<semaphore_mem>>) src(%arg6 : memref<11264xf32, #tpu.memory_space<vmem>>) dst(%dma_wait3A_217 : memref<11264xf32, #tpu.memory_space<hbm>>)
      } else {
      }
      %iota3A = tpu.iota {dimensions = array<i32: 0>} : vector<16xi32>
      %mul3A_66 = arith.constant 8 : i32
      %mul3A_67 = vector.broadcast %mul3A_66 : i32 to vector<16xi32>
      %mul3A_68 = arith.muli %iota3A, %mul3A_67 : vector<16xi32>
      %add3A_69 = arith.constant 0 : i32
      %add3A_70 = vector.broadcast %add3A_69 : i32 to vector<16xi32>
      %add3A_71 = arith.addi %add3A_70, %mul3A_68 : vector<16xi32>
      %add3A_72 = arith.constant 1 : i32
      %add3A_73 = vector.broadcast %add3A_72 : i32 to vector<16xi32>
      %add3A_74 = arith.addi %add3A_73, %mul3A_68 : vector<16xi32>
      %add3A_75 = arith.constant 2 : i32
      %add3A_76 = vector.broadcast %add3A_75 : i32 to vector<16xi32>
      %add3A_77 = arith.addi %add3A_76, %mul3A_68 : vector<16xi32>
      %add3A_78 = arith.constant 3 : i32
      %add3A_79 = vector.broadcast %add3A_78 : i32 to vector<16xi32>
      %add3A_80 = arith.addi %add3A_79, %mul3A_68 : vector<16xi32>
      %add3A_81 = arith.constant 4 : i32
      %add3A_82 = vector.broadcast %add3A_81 : i32 to vector<16xi32>
      %add3A_83 = arith.addi %add3A_82, %mul3A_68 : vector<16xi32>
      %add3A_84 = arith.constant 5 : i32
      %add3A_85 = vector.broadcast %add3A_84 : i32 to vector<16xi32>
      %add3A_86 = arith.addi %add3A_85, %mul3A_68 : vector<16xi32>
      %add3A_87 = arith.constant 6 : i32
      %add3A_88 = vector.broadcast %add3A_87 : i32 to vector<16xi32>
      %add3A_89 = arith.addi %add3A_88, %mul3A_68 : vector<16xi32>
      %add3A_90 = arith.constant 7 : i32
      %add3A_91 = vector.broadcast %add3A_90 : i32 to vector<16xi32>
      %add3A_92 = arith.addi %add3A_91, %mul3A_68 : vector<16xi32>
      %scan3A_93 = arith.constant 0 : i32
      %scan3A_94 = arith.constant 11 : i32
      %scan3A_95 = arith.addi %scan3A_93, %scan3A_94 : i32
      %scan3A_96 = arith.constant 1 : i32
      %scan3A_97:8 = scf.for %scan3A_214 = %scan3A_93 to %scan3A_95 step %scan3A_96 iter_args(%scan3A_215 = %add3A_71, %scan3A_216 = %add3A_74, %scan3A_217 = %add3A_77, %scan3A_218 = %add3A_80, %scan3A_219 = %add3A_83, %scan3A_220 = %add3A_86, %scan3A_221 = %add3A_89, %scan3A_222 = %add3A_92) -> (vector<16xi32>, vector<16xi32>, vector<16xi32>, vector<16xi32>, vector<16xi32>, vector<16xi32>, vector<16xi32>, vector<16xi32>)  : i32 {
        %mul3A_223 = arith.constant 128 : i32
        %mul3A_224 = arith.muli %scan3A_214, %mul3A_223 : i32
        %add3A_225 = arith.constant 0 : i32
        %add3A_226 = arith.addi %mul3A_224, %add3A_225 : i32
        %get3A = arith.constant 0 : i32
        %get3A_227 = arith.index_cast %get3A : i32 to index
        %get3A_228 = arith.index_cast %add3A_226 : i32 to index
        %get3A_229 = tpu.vector_load %arg4[%get3A_227, %get3A_228] {strides = array<i32>} : memref<8x1408xf32, #tpu.memory_space<vmem>>, vector<16xf32>,
        tpu.vector_store_idx %arg6[%scan3A_215], %get3A_229 : memref<11264xf32, #tpu.memory_space<vmem>>[vector<16xi32>], vector<16xf32>,
        %add3A_230 = arith.constant 128 : i32
        %add3A_231 = vector.broadcast %add3A_230 : i32 to vector<16xi32>
        %add3A_232 = arith.addi %scan3A_215, %add3A_231 : vector<16xi32>
        %add3A_233 = arith.constant 16 : i32
        %add3A_234 = arith.addi %mul3A_224, %add3A_233 : i32
        %get3A_235 = arith.constant 0 : i32
        %get3A_236 = arith.index_cast %get3A_235 : i32 to index
        %get3A_237 = arith.index_cast %add3A_234 : i32 to index
        %get3A_238 = tpu.vector_load %arg4[%get3A_236, %get3A_237] {strides = array<i32>} : memref<8x1408xf32, #tpu.memory_space<vmem>>, vector<16xf32>,
        tpu.vector_store_idx %arg6[%add3A_232], %get3A_238 : memref<11264xf32, #tpu.memory_space<vmem>>[vector<16xi32>], vector<16xf32>,
        %add3A_239 = arith.constant 128 : i32
        %add3A_240 = vector.broadcast %add3A_239 : i32 to vector<16xi32>
        %add3A_241 = arith.addi %add3A_232, %add3A_240 : vector<16xi32>
        %add3A_242 = arith.constant 32 : i32
        %add3A_243 = arith.addi %mul3A_224, %add3A_242 : i32
        %get3A_244 = arith.constant 0 : i32
        %get3A_245 = arith.index_cast %get3A_244 : i32 to index
        %get3A_246 = arith.index_cast %add3A_243 : i32 to index
        %get3A_247 = tpu.vector_load %arg4[%get3A_245, %get3A_246] {strides = array<i32>} : memref<8x1408xf32, #tpu.memory_space<vmem>>, vector<16xf32>,
        tpu.vector_store_idx %arg6[%add3A_241], %get3A_247 : memref<11264xf32, #tpu.memory_space<vmem>>[vector<16xi32>], vector<16xf32>,
        %add3A_248 = arith.constant 128 : i32
        %add3A_249 = vector.broadcast %add3A_248 : i32 to vector<16xi32>
        %add3A_250 = arith.addi %add3A_241, %add3A_249 : vector<16xi32>
        %add3A_251 = arith.constant 48 : i32
        %add3A_252 = arith.addi %mul3A_224, %add3A_251 : i32
        %get3A_253 = arith.constant 0 : i32
        %get3A_254 = arith.index_cast %get3A_253 : i32 to index
        %get3A_255 = arith.index_cast %add3A_252 : i32 to index
        %get3A_256 = tpu.vector_load %arg4[%get3A_254, %get3A_255] {strides = array<i32>} : memref<8x1408xf32, #tpu.memory_space<vmem>>, vector<16xf32>,
        tpu.vector_store_idx %arg6[%add3A_250], %get3A_256 : memref<11264xf32, #tpu.memory_space<vmem>>[vector<16xi32>], vector<16xf32>,
        %add3A_257 = arith.constant 128 : i32
        %add3A_258 = vector.broadcast %add3A_257 : i32 to vector<16xi32>
        %add3A_259 = arith.addi %add3A_250, %add3A_258 : vector<16xi32>
        %add3A_260 = arith.constant 64 : i32
        %add3A_261 = arith.addi %mul3A_224, %add3A_260 : i32
        %get3A_262 = arith.constant 0 : i32
        %get3A_263 = arith.index_cast %get3A_262 : i32 to index
        %get3A_264 = arith.index_cast %add3A_261 : i32 to index
        %get3A_265 = tpu.vector_load %arg4[%get3A_263, %get3A_264] {strides = array<i32>} : memref<8x1408xf32, #tpu.memory_space<vmem>>, vector<16xf32>,
        tpu.vector_store_idx %arg6[%add3A_259], %get3A_265 : memref<11264xf32, #tpu.memory_space<vmem>>[vector<16xi32>], vector<16xf32>,
        %add3A_266 = arith.constant 128 : i32
        %add3A_267 = vector.broadcast %add3A_266 : i32 to vector<16xi32>
        %add3A_268 = arith.addi %add3A_259, %add3A_267 : vector<16xi32>
        %add3A_269 = arith.constant 80 : i32
        %add3A_270 = arith.addi %mul3A_224, %add3A_269 : i32
        %get3A_271 = arith.constant 0 : i32
        %get3A_272 = arith.index_cast %get3A_271 : i32 to index
        %get3A_273 = arith.index_cast %add3A_270 : i32 to index
        %get3A_274 = tpu.vector_load %arg4[%get3A_272, %get3A_273] {strides = array<i32>} : memref<8x1408xf32, #tpu.memory_space<vmem>>, vector<16xf32>,
        tpu.vector_store_idx %arg6[%add3A_268], %get3A_274 : memref<11264xf32, #tpu.memory_space<vmem>>[vector<16xi32>], vector<16xf32>,
        %add3A_275 = arith.constant 128 : i32
        %add3A_276 = vector.broadcast %add3A_275 : i32 to vector<16xi32>
        %add3A_277 = arith.addi %add3A_268, %add3A_276 : vector<16xi32>
        %add3A_278 = arith.constant 96 : i32
        %add3A_279 = arith.addi %mul3A_224, %add3A_278 : i32
        %get3A_280 = arith.constant 0 : i32
        %get3A_281 = arith.index_cast %get3A_280 : i32 to index
        %get3A_282 = arith.index_cast %add3A_279 : i32 to index
        %get3A_283 = tpu.vector_load %arg4[%get3A_281, %get3A_282] {strides = array<i32>} : memref<8x1408xf32, #tpu.memory_space<vmem>>, vector<16xf32>,
        tpu.vector_store_idx %arg6[%add3A_277], %get3A_283 : memref<11264xf32, #tpu.memory_space<vmem>>[vector<16xi32>], vector<16xf32>,
        %add3A_284 = arith.constant 128 : i32
        %add3A_285 = vector.broadcast %add3A_284 : i32 to vector<16xi32>
        %add3A_286 = arith.addi %add3A_277, %add3A_285 : vector<16xi32>
        %add3A_287 = arith.constant 112 : i32
        %add3A_288 = arith.addi %mul3A_224, %add3A_287 : i32
        %get3A_289 = arith.constant 0 : i32
        %get3A_290 = arith.index_cast %get3A_289 : i32 to index
        %get3A_291 = arith.index_cast %add3A_288 : i32 to index
        %get3A_292 = tpu.vector_load %arg4[%get3A_290, %get3A_291] {strides = array<i32>} : memref<8x1408xf32, #tpu.memory_space<vmem>>, vector<16xf32>,
        tpu.vector_store_idx %arg6[%add3A_286], %get3A_292 : memref<11264xf32, #tpu.memory_space<vmem>>[vector<16xi32>], vector<16xf32>,
        %add3A_293 = arith.constant 128 : i32
        %add3A_294 = vector.broadcast %add3A_293 : i32 to vector<16xi32>
        %add3A_295 = arith.addi %add3A_286, %add3A_294 : vector<16xi32>
        %add3A_296 = arith.constant 0 : i32
        %add3A_297 = arith.addi %mul3A_224, %add3A_296 : i32
        %get3A_298 = arith.constant 1 : i32
        %get3A_299 = arith.index_cast %get3A_298 : i32 to index
        %get3A_300 = arith.index_cast %add3A_297 : i32 to index
        %get3A_301 = tpu.vector_load %arg4[%get3A_299, %get3A_300] {strides = array<i32>} : memref<8x1408xf32, #tpu.memory_space<vmem>>, vector<16xf32>,
        tpu.vector_store_idx %arg6[%scan3A_216], %get3A_301 : memref<11264xf32, #tpu.memory_space<vmem>>[vector<16xi32>], vector<16xf32>,
        %add3A_302 = arith.constant 128 : i32
        %add3A_303 = vector.broadcast %add3A_302 : i32 to vector<16xi32>
        %add3A_304 = arith.addi %scan3A_216, %add3A_303 : vector<16xi32>
        %add3A_305 = arith.constant 16 : i32
        %add3A_306 = arith.addi %mul3A_224, %add3A_305 : i32
        %get3A_307 = arith.constant 1 : i32
        %get3A_308 = arith.index_cast %get3A_307 : i32 to index
        %get3A_309 = arith.index_cast %add3A_306 : i32 to index
        %get3A_310 = tpu.vector_load %arg4[%get3A_308, %get3A_309] {strides = array<i32>} : memref<8x1408xf32, #tpu.memory_space<vmem>>, vector<16xf32>,
        tpu.vector_store_idx %arg6[%add3A_304], %get3A_310 : memref<11264xf32, #tpu.memory_space<vmem>>[vector<16xi32>], vector<16xf32>,
        %add3A_311 = arith.constant 128 : i32
        %add3A_312 = vector.broadcast %add3A_311 : i32 to vector<16xi32>
        %add3A_313 = arith.addi %add3A_304, %add3A_312 : vector<16xi32>
        %add3A_314 = arith.constant 32 : i32
        %add3A_315 = arith.addi %mul3A_224, %add3A_314 : i32
        %get3A_316 = arith.constant 1 : i32
        %get3A_317 = arith.index_cast %get3A_316 : i32 to index
        %get3A_318 = arith.index_cast %add3A_315 : i32 to index
        %get3A_319 = tpu.vector_load %arg4[%get3A_317, %get3A_318] {strides = array<i32>} : memref<8x1408xf32, #tpu.memory_space<vmem>>, vector<16xf32>,
        tpu.vector_store_idx %arg6[%add3A_313], %get3A_319 : memref<11264xf32, #tpu.memory_space<vmem>>[vector<16xi32>], vector<16xf32>,
        %add3A_320 = arith.constant 128 : i32
        %add3A_321 = vector.broadcast %add3A_320 : i32 to vector<16xi32>
        %add3A_322 = arith.addi %add3A_313, %add3A_321 : vector<16xi32>
        %add3A_323 = arith.constant 48 : i32
        %add3A_324 = arith.addi %mul3A_224, %add3A_323 : i32
        %get3A_325 = arith.constant 1 : i32
        %get3A_326 = arith.index_cast %get3A_325 : i32 to index
        %get3A_327 = arith.index_cast %add3A_324 : i32 to index
        %get3A_328 = tpu.vector_load %arg4[%get3A_326, %get3A_327] {strides = array<i32>} : memref<8x1408xf32, #tpu.memory_space<vmem>>, vector<16xf32>,
        tpu.vector_store_idx %arg6[%add3A_322], %get3A_328 : memref<11264xf32, #tpu.memory_space<vmem>>[vector<16xi32>], vector<16xf32>,
        %add3A_329 = arith.constant 128 : i32
        %add3A_330 = vector.broadcast %add3A_329 : i32 to vector<16xi32>
        %add3A_331 = arith.addi %add3A_322, %add3A_330 : vector<16xi32>
        %add3A_332 = arith.constant 64 : i32
        %add3A_333 = arith.addi %mul3A_224, %add3A_332 : i32
        %get3A_334 = arith.constant 1 : i32
        %get3A_335 = arith.index_cast %get3A_334 : i32 to index
        %get3A_336 = arith.index_cast %add3A_333 : i32 to index
        %get3A_337 = tpu.vector_load %arg4[%get3A_335, %get3A_336] {strides = array<i32>} : memref<8x1408xf32, #tpu.memory_space<vmem>>, vector<16xf32>,
        tpu.vector_store_idx %arg6[%add3A_331], %get3A_337 : memref<11264xf32, #tpu.memory_space<vmem>>[vector<16xi32>], vector<16xf32>,
        %add3A_338 = arith.constant 128 : i32
        %add3A_339 = vector.broadcast %add3A_338 : i32 to vector<16xi32>
        %add3A_340 = arith.addi %add3A_331, %add3A_339 : vector<16xi32>
        %add3A_341 = arith.constant 80 : i32
        %add3A_342 = arith.addi %mul3A_224, %add3A_341 : i32
        %get3A_343 = arith.constant 1 : i32
        %get3A_344 = arith.index_cast %get3A_343 : i32 to index
        %get3A_345 = arith.index_cast %add3A_342 : i32 to index
        %get3A_346 = tpu.vector_load %arg4[%get3A_344, %get3A_345] {strides = array<i32>} : memref<8x1408xf32, #tpu.memory_space<vmem>>, vector<16xf32>,
        tpu.vector_store_idx %arg6[%add3A_340], %get3A_346 : memref<11264xf32, #tpu.memory_space<vmem>>[vector<16xi32>], vector<16xf32>,
        %add3A_347 = arith.constant 128 : i32
        %add3A_348 = vector.broadcast %add3A_347 : i32 to vector<16xi32>
        %add3A_349 = arith.addi %add3A_340, %add3A_348 : vector<16xi32>
        %add3A_350 = arith.constant 96 : i32
        %add3A_351 = arith.addi %mul3A_224, %add3A_350 : i32
        %get3A_352 = arith.constant 1 : i32
        %get3A_353 = arith.index_cast %get3A_352 : i32 to index
        %get3A_354 = arith.index_cast %add3A_351 : i32 to index
        %get3A_355 = tpu.vector_load %arg4[%get3A_353, %get3A_354] {strides = array<i32>} : memref<8x1408xf32, #tpu.memory_space<vmem>>, vector<16xf32>,
        tpu.vector_store_idx %arg6[%add3A_349], %get3A_355 : memref<11264xf32, #tpu.memory_space<vmem>>[vector<16xi32>], vector<16xf32>,
        %add3A_356 = arith.constant 128 : i32
        %add3A_357 = vector.broadcast %add3A_356 : i32 to vector<16xi32>
        %add3A_358 = arith.addi %add3A_349, %add3A_357 : vector<16xi32>
        %add3A_359 = arith.constant 112 : i32
        %add3A_360 = arith.addi %mul3A_224, %add3A_359 : i32
        %get3A_361 = arith.constant 1 : i32
        %get3A_362 = arith.index_cast %get3A_361 : i32 to index
        %get3A_363 = arith.index_cast %add3A_360 : i32 to index
        %get3A_364 = tpu.vector_load %arg4[%get3A_362, %get3A_363] {strides = array<i32>} : memref<8x1408xf32, #tpu.memory_space<vmem>>, vector<16xf32>,
        tpu.vector_store_idx %arg6[%add3A_358], %get3A_364 : memref<11264xf32, #tpu.memory_space<vmem>>[vector<16xi32>], vector<16xf32>,
        %add3A_365 = arith.constant 128 : i32
        %add3A_366 = vector.broadcast %add3A_365 : i32 to vector<16xi32>
        %add3A_367 = arith.addi %add3A_358, %add3A_366 : vector<16xi32>
        %add3A_368 = arith.constant 0 : i32
        %add3A_369 = arith.addi %mul3A_224, %add3A_368 : i32
        %get3A_370 = arith.constant 2 : i32
        %get3A_371 = arith.index_cast %get3A_370 : i32 to index
        %get3A_372 = arith.index_cast %add3A_369 : i32 to index
        %get3A_373 = tpu.vector_load %arg4[%get3A_371, %get3A_372] {strides = array<i32>} : memref<8x1408xf32, #tpu.memory_space<vmem>>, vector<16xf32>,
        tpu.vector_store_idx %arg6[%scan3A_217], %get3A_373 : memref<11264xf32, #tpu.memory_space<vmem>>[vector<16xi32>], vector<16xf32>,
        %add3A_374 = arith.constant 128 : i32
        %add3A_375 = vector.broadcast %add3A_374 : i32 to vector<16xi32>
        %add3A_376 = arith.addi %scan3A_217, %add3A_375 : vector<16xi32>
        %add3A_377 = arith.constant 16 : i32
        %add3A_378 = arith.addi %mul3A_224, %add3A_377 : i32
        %get3A_379 = arith.constant 2 : i32
        %get3A_380 = arith.index_cast %get3A_379 : i32 to index
        %get3A_381 = arith.index_cast %add3A_378 : i32 to index
        %get3A_382 = tpu.vector_load %arg4[%get3A_380, %get3A_381] {strides = array<i32>} : memref<8x1408xf32, #tpu.memory_space<vmem>>, vector<16xf32>,
        tpu.vector_store_idx %arg6[%add3A_376], %get3A_382 : memref<11264xf32, #tpu.memory_space<vmem>>[vector<16xi32>], vector<16xf32>,
        %add3A_383 = arith.constant 128 : i32
        %add3A_384 = vector.broadcast %add3A_383 : i32 to vector<16xi32>
        %add3A_385 = arith.addi %add3A_376, %add3A_384 : vector<16xi32>
        %add3A_386 = arith.constant 32 : i32
        %add3A_387 = arith.addi %mul3A_224, %add3A_386 : i32
        %get3A_388 = arith.constant 2 : i32
        %get3A_389 = arith.index_cast %get3A_388 : i32 to index
        %get3A_390 = arith.index_cast %add3A_387 : i32 to index
        %get3A_391 = tpu.vector_load %arg4[%get3A_389, %get3A_390] {strides = array<i32>} : memref<8x1408xf32, #tpu.memory_space<vmem>>, vector<16xf32>,
        tpu.vector_store_idx %arg6[%add3A_385], %get3A_391 : memref<11264xf32, #tpu.memory_space<vmem>>[vector<16xi32>], vector<16xf32>,
        %add3A_392 = arith.constant 128 : i32
        %add3A_393 = vector.broadcast %add3A_392 : i32 to vector<16xi32>
        %add3A_394 = arith.addi %add3A_385, %add3A_393 : vector<16xi32>
        %add3A_395 = arith.constant 48 : i32
        %add3A_396 = arith.addi %mul3A_224, %add3A_395 : i32
        %get3A_397 = arith.constant 2 : i32
        %get3A_398 = arith.index_cast %get3A_397 : i32 to index
        %get3A_399 = arith.index_cast %add3A_396 : i32 to index
        %get3A_400 = tpu.vector_load %arg4[%get3A_398, %get3A_399] {strides = array<i32>} : memref<8x1408xf32, #tpu.memory_space<vmem>>, vector<16xf32>,
        tpu.vector_store_idx %arg6[%add3A_394], %get3A_400 : memref<11264xf32, #tpu.memory_space<vmem>>[vector<16xi32>], vector<16xf32>,
        %add3A_401 = arith.constant 128 : i32
        %add3A_402 = vector.broadcast %add3A_401 : i32 to vector<16xi32>
        %add3A_403 = arith.addi %add3A_394, %add3A_402 : vector<16xi32>
        %add3A_404 = arith.constant 64 : i32
        %add3A_405 = arith.addi %mul3A_224, %add3A_404 : i32
        %get3A_406 = arith.constant 2 : i32
        %get3A_407 = arith.index_cast %get3A_406 : i32 to index
        %get3A_408 = arith.index_cast %add3A_405 : i32 to index
        %get3A_409 = tpu.vector_load %arg4[%get3A_407, %get3A_408] {strides = array<i32>} : memref<8x1408xf32, #tpu.memory_space<vmem>>, vector<16xf32>,
        tpu.vector_store_idx %arg6[%add3A_403], %get3A_409 : memref<11264xf32, #tpu.memory_space<vmem>>[vector<16xi32>], vector<16xf32>,
        %add3A_410 = arith.constant 128 : i32
        %add3A_411 = vector.broadcast %add3A_410 : i32 to vector<16xi32>
        %add3A_412 = arith.addi %add3A_403, %add3A_411 : vector<16xi32>
        %add3A_413 = arith.constant 80 : i32
        %add3A_414 = arith.addi %mul3A_224, %add3A_413 : i32
        %get3A_415 = arith.constant 2 : i32
        %get3A_416 = arith.index_cast %get3A_415 : i32 to index
        %get3A_417 = arith.index_cast %add3A_414 : i32 to index
        %get3A_418 = tpu.vector_load %arg4[%get3A_416, %get3A_417] {strides = array<i32>} : memref<8x1408xf32, #tpu.memory_space<vmem>>, vector<16xf32>,
        tpu.vector_store_idx %arg6[%add3A_412], %get3A_418 : memref<11264xf32, #tpu.memory_space<vmem>>[vector<16xi32>], vector<16xf32>,
        %add3A_419 = arith.constant 128 : i32
        %add3A_420 = vector.broadcast %add3A_419 : i32 to vector<16xi32>
        %add3A_421 = arith.addi %add3A_412, %add3A_420 : vector<16xi32>
        %add3A_422 = arith.constant 96 : i32
        %add3A_423 = arith.addi %mul3A_224, %add3A_422 : i32
        %get3A_424 = arith.constant 2 : i32
        %get3A_425 = arith.index_cast %get3A_424 : i32 to index
        %get3A_426 = arith.index_cast %add3A_423 : i32 to index
        %get3A_427 = tpu.vector_load %arg4[%get3A_425, %get3A_426] {strides = array<i32>} : memref<8x1408xf32, #tpu.memory_space<vmem>>, vector<16xf32>,
        tpu.vector_store_idx %arg6[%add3A_421], %get3A_427 : memref<11264xf32, #tpu.memory_space<vmem>>[vector<16xi32>], vector<16xf32>,
        %add3A_428 = arith.constant 128 : i32
        %add3A_429 = vector.broadcast %add3A_428 : i32 to vector<16xi32>
        %add3A_430 = arith.addi %add3A_421, %add3A_429 : vector<16xi32>
        %add3A_431 = arith.constant 112 : i32
        %add3A_432 = arith.addi %mul3A_224, %add3A_431 : i32
        %get3A_433 = arith.constant 2 : i32
        %get3A_434 = arith.index_cast %get3A_433 : i32 to index
        %get3A_435 = arith.index_cast %add3A_432 : i32 to index
        %get3A_436 = tpu.vector_load %arg4[%get3A_434, %get3A_435] {strides = array<i32>} : memref<8x1408xf32, #tpu.memory_space<vmem>>, vector<16xf32>,
        tpu.vector_store_idx %arg6[%add3A_430], %get3A_436 : memref<11264xf32, #tpu.memory_space<vmem>>[vector<16xi32>], vector<16xf32>,
        %add3A_437 = arith.constant 128 : i32
        %add3A_438 = vector.broadcast %add3A_437 : i32 to vector<16xi32>
        %add3A_439 = arith.addi %add3A_430, %add3A_438 : vector<16xi32>
        %add3A_440 = arith.constant 0 : i32
        %add3A_441 = arith.addi %mul3A_224, %add3A_440 : i32
        %get3A_442 = arith.constant 3 : i32
        %get3A_443 = arith.index_cast %get3A_442 : i32 to index
        %get3A_444 = arith.index_cast %add3A_441 : i32 to index
        %get3A_445 = tpu.vector_load %arg4[%get3A_443, %get3A_444] {strides = array<i32>} : memref<8x1408xf32, #tpu.memory_space<vmem>>, vector<16xf32>,
        tpu.vector_store_idx %arg6[%scan3A_218], %get3A_445 : memref<11264xf32, #tpu.memory_space<vmem>>[vector<16xi32>], vector<16xf32>,
        %add3A_446 = arith.constant 128 : i32
        %add3A_447 = vector.broadcast %add3A_446 : i32 to vector<16xi32>
        %add3A_448 = arith.addi %scan3A_218, %add3A_447 : vector<16xi32>
        %add3A_449 = arith.constant 16 : i32
        %add3A_450 = arith.addi %mul3A_224, %add3A_449 : i32
        %get3A_451 = arith.constant 3 : i32
        %get3A_452 = arith.index_cast %get3A_451 : i32 to index
        %get3A_453 = arith.index_cast %add3A_450 : i32 to index
        %get3A_454 = tpu.vector_load %arg4[%get3A_452, %get3A_453] {strides = array<i32>} : memref<8x1408xf32, #tpu.memory_space<vmem>>, vector<16xf32>,
        tpu.vector_store_idx %arg6[%add3A_448], %get3A_454 : memref<11264xf32, #tpu.memory_space<vmem>>[vector<16xi32>], vector<16xf32>,
        %add3A_455 = arith.constant 128 : i32
        %add3A_456 = vector.broadcast %add3A_455 : i32 to vector<16xi32>
        %add3A_457 = arith.addi %add3A_448, %add3A_456 : vector<16xi32>
        %add3A_458 = arith.constant 32 : i32
        %add3A_459 = arith.addi %mul3A_224, %add3A_458 : i32
        %get3A_460 = arith.constant 3 : i32
        %get3A_461 = arith.index_cast %get3A_460 : i32 to index
        %get3A_462 = arith.index_cast %add3A_459 : i32 to index
        %get3A_463 = tpu.vector_load %arg4[%get3A_461, %get3A_462] {strides = array<i32>} : memref<8x1408xf32, #tpu.memory_space<vmem>>, vector<16xf32>,
        tpu.vector_store_idx %arg6[%add3A_457], %get3A_463 : memref<11264xf32, #tpu.memory_space<vmem>>[vector<16xi32>], vector<16xf32>,
        %add3A_464 = arith.constant 128 : i32
        %add3A_465 = vector.broadcast %add3A_464 : i32 to vector<16xi32>
        %add3A_466 = arith.addi %add3A_457, %add3A_465 : vector<16xi32>
        %add3A_467 = arith.constant 48 : i32
        %add3A_468 = arith.addi %mul3A_224, %add3A_467 : i32
        %get3A_469 = arith.constant 3 : i32
        %get3A_470 = arith.index_cast %get3A_469 : i32 to index
        %get3A_471 = arith.index_cast %add3A_468 : i32 to index
        %get3A_472 = tpu.vector_load %arg4[%get3A_470, %get3A_471] {strides = array<i32>} : memref<8x1408xf32, #tpu.memory_space<vmem>>, vector<16xf32>,
        tpu.vector_store_idx %arg6[%add3A_466], %get3A_472 : memref<11264xf32, #tpu.memory_space<vmem>>[vector<16xi32>], vector<16xf32>,
        %add3A_473 = arith.constant 128 : i32
        %add3A_474 = vector.broadcast %add3A_473 : i32 to vector<16xi32>
        %add3A_475 = arith.addi %add3A_466, %add3A_474 : vector<16xi32>
        %add3A_476 = arith.constant 64 : i32
        %add3A_477 = arith.addi %mul3A_224, %add3A_476 : i32
        %get3A_478 = arith.constant 3 : i32
        %get3A_479 = arith.index_cast %get3A_478 : i32 to index
        %get3A_480 = arith.index_cast %add3A_477 : i32 to index
        %get3A_481 = tpu.vector_load %arg4[%get3A_479, %get3A_480] {strides = array<i32>} : memref<8x1408xf32, #tpu.memory_space<vmem>>, vector<16xf32>,
        tpu.vector_store_idx %arg6[%add3A_475], %get3A_481 : memref<11264xf32, #tpu.memory_space<vmem>>[vector<16xi32>], vector<16xf32>,
        %add3A_482 = arith.constant 128 : i32
        %add3A_483 = vector.broadcast %add3A_482 : i32 to vector<16xi32>
        %add3A_484 = arith.addi %add3A_475, %add3A_483 : vector<16xi32>
        %add3A_485 = arith.constant 80 : i32
        %add3A_486 = arith.addi %mul3A_224, %add3A_485 : i32
        %get3A_487 = arith.constant 3 : i32
        %get3A_488 = arith.index_cast %get3A_487 : i32 to index
        %get3A_489 = arith.index_cast %add3A_486 : i32 to index
        %get3A_490 = tpu.vector_load %arg4[%get3A_488, %get3A_489] {strides = array<i32>} : memref<8x1408xf32, #tpu.memory_space<vmem>>, vector<16xf32>,
        tpu.vector_store_idx %arg6[%add3A_484], %get3A_490 : memref<11264xf32, #tpu.memory_space<vmem>>[vector<16xi32>], vector<16xf32>,
        %add3A_491 = arith.constant 128 : i32
        %add3A_492 = vector.broadcast %add3A_491 : i32 to vector<16xi32>
        %add3A_493 = arith.addi %add3A_484, %add3A_492 : vector<16xi32>
        %add3A_494 = arith.constant 96 : i32
        %add3A_495 = arith.addi %mul3A_224, %add3A_494 : i32
        %get3A_496 = arith.constant 3 : i32
        %get3A_497 = arith.index_cast %get3A_496 : i32 to index
        %get3A_498 = arith.index_cast %add3A_495 : i32 to index
        %get3A_499 = tpu.vector_load %arg4[%get3A_497, %get3A_498] {strides = array<i32>} : memref<8x1408xf32, #tpu.memory_space<vmem>>, vector<16xf32>,
        tpu.vector_store_idx %arg6[%add3A_493], %get3A_499 : memref<11264xf32, #tpu.memory_space<vmem>>[vector<16xi32>], vector<16xf32>,
        %add3A_500 = arith.constant 128 : i32
        %add3A_501 = vector.broadcast %add3A_500 : i32 to vector<16xi32>
        %add3A_502 = arith.addi %add3A_493, %add3A_501 : vector<16xi32>
        %add3A_503 = arith.constant 112 : i32
        %add3A_504 = arith.addi %mul3A_224, %add3A_503 : i32
        %get3A_505 = arith.constant 3 : i32
        %get3A_506 = arith.index_cast %get3A_505 : i32 to index
        %get3A_507 = arith.index_cast %add3A_504 : i32 to index
        %get3A_508 = tpu.vector_load %arg4[%get3A_506, %get3A_507] {strides = array<i32>} : memref<8x1408xf32, #tpu.memory_space<vmem>>, vector<16xf32>,
        tpu.vector_store_idx %arg6[%add3A_502], %get3A_508 : memref<11264xf32, #tpu.memory_space<vmem>>[vector<16xi32>], vector<16xf32>,
        %add3A_509 = arith.constant 128 : i32
        %add3A_510 = vector.broadcast %add3A_509 : i32 to vector<16xi32>
        %add3A_511 = arith.addi %add3A_502, %add3A_510 : vector<16xi32>
        %add3A_512 = arith.constant 0 : i32
        %add3A_513 = arith.addi %mul3A_224, %add3A_512 : i32
        %get3A_514 = arith.constant 4 : i32
        %get3A_515 = arith.index_cast %get3A_514 : i32 to index
        %get3A_516 = arith.index_cast %add3A_513 : i32 to index
        %get3A_517 = tpu.vector_load %arg4[%get3A_515, %get3A_516] {strides = array<i32>} : memref<8x1408xf32, #tpu.memory_space<vmem>>, vector<16xf32>,
        tpu.vector_store_idx %arg6[%scan3A_219], %get3A_517 : memref<11264xf32, #tpu.memory_space<vmem>>[vector<16xi32>], vector<16xf32>,
        %add3A_518 = arith.constant 128 : i32
        %add3A_519 = vector.broadcast %add3A_518 : i32 to vector<16xi32>
        %add3A_520 = arith.addi %scan3A_219, %add3A_519 : vector<16xi32>
        %add3A_521 = arith.constant 16 : i32
        %add3A_522 = arith.addi %mul3A_224, %add3A_521 : i32
        %get3A_523 = arith.constant 4 : i32
        %get3A_524 = arith.index_cast %get3A_523 : i32 to index
        %get3A_525 = arith.index_cast %add3A_522 : i32 to index
        %get3A_526 = tpu.vector_load %arg4[%get3A_524, %get3A_525] {strides = array<i32>} : memref<8x1408xf32, #tpu.memory_space<vmem>>, vector<16xf32>,
        tpu.vector_store_idx %arg6[%add3A_520], %get3A_526 : memref<11264xf32, #tpu.memory_space<vmem>>[vector<16xi32>], vector<16xf32>,
        %add3A_527 = arith.constant 128 : i32
        %add3A_528 = vector.broadcast %add3A_527 : i32 to vector<16xi32>
        %add3A_529 = arith.addi %add3A_520, %add3A_528 : vector<16xi32>
        %add3A_530 = arith.constant 32 : i32
        %add3A_531 = arith.addi %mul3A_224, %add3A_530 : i32
        %get3A_532 = arith.constant 4 : i32
        %get3A_533 = arith.index_cast %get3A_532 : i32 to index
        %get3A_534 = arith.index_cast %add3A_531 : i32 to index
        %get3A_535 = tpu.vector_load %arg4[%get3A_533, %get3A_534] {strides = array<i32>} : memref<8x1408xf32, #tpu.memory_space<vmem>>, vector<16xf32>,
        tpu.vector_store_idx %arg6[%add3A_529], %get3A_535 : memref<11264xf32, #tpu.memory_space<vmem>>[vector<16xi32>], vector<16xf32>,
        %add3A_536 = arith.constant 128 : i32
        %add3A_537 = vector.broadcast %add3A_536 : i32 to vector<16xi32>
        %add3A_538 = arith.addi %add3A_529, %add3A_537 : vector<16xi32>
        %add3A_539 = arith.constant 48 : i32
        %add3A_540 = arith.addi %mul3A_224, %add3A_539 : i32
        %get3A_541 = arith.constant 4 : i32
        %get3A_542 = arith.index_cast %get3A_541 : i32 to index
        %get3A_543 = arith.index_cast %add3A_540 : i32 to index
        %get3A_544 = tpu.vector_load %arg4[%get3A_542, %get3A_543] {strides = array<i32>} : memref<8x1408xf32, #tpu.memory_space<vmem>>, vector<16xf32>,
        tpu.vector_store_idx %arg6[%add3A_538], %get3A_544 : memref<11264xf32, #tpu.memory_space<vmem>>[vector<16xi32>], vector<16xf32>,
        %add3A_545 = arith.constant 128 : i32
        %add3A_546 = vector.broadcast %add3A_545 : i32 to vector<16xi32>
        %add3A_547 = arith.addi %add3A_538, %add3A_546 : vector<16xi32>
        %add3A_548 = arith.constant 64 : i32
        %add3A_549 = arith.addi %mul3A_224, %add3A_548 : i32
        %get3A_550 = arith.constant 4 : i32
        %get3A_551 = arith.index_cast %get3A_550 : i32 to index
        %get3A_552 = arith.index_cast %add3A_549 : i32 to index
        %get3A_553 = tpu.vector_load %arg4[%get3A_551, %get3A_552] {strides = array<i32>} : memref<8x1408xf32, #tpu.memory_space<vmem>>, vector<16xf32>,
        tpu.vector_store_idx %arg6[%add3A_547], %get3A_553 : memref<11264xf32, #tpu.memory_space<vmem>>[vector<16xi32>], vector<16xf32>,
        %add3A_554 = arith.constant 128 : i32
        %add3A_555 = vector.broadcast %add3A_554 : i32 to vector<16xi32>
        %add3A_556 = arith.addi %add3A_547, %add3A_555 : vector<16xi32>
        %add3A_557 = arith.constant 80 : i32
        %add3A_558 = arith.addi %mul3A_224, %add3A_557 : i32
        %get3A_559 = arith.constant 4 : i32
        %get3A_560 = arith.index_cast %get3A_559 : i32 to index
        %get3A_561 = arith.index_cast %add3A_558 : i32 to index
        %get3A_562 = tpu.vector_load %arg4[%get3A_560, %get3A_561] {strides = array<i32>} : memref<8x1408xf32, #tpu.memory_space<vmem>>, vector<16xf32>,
        tpu.vector_store_idx %arg6[%add3A_556], %get3A_562 : memref<11264xf32, #tpu.memory_space<vmem>>[vector<16xi32>], vector<16xf32>,
        %add3A_563 = arith.constant 128 : i32
        %add3A_564 = vector.broadcast %add3A_563 : i32 to vector<16xi32>
        %add3A_565 = arith.addi %add3A_556, %add3A_564 : vector<16xi32>
        %add3A_566 = arith.constant 96 : i32
        %add3A_567 = arith.addi %mul3A_224, %add3A_566 : i32
        %get3A_568 = arith.constant 4 : i32
        %get3A_569 = arith.index_cast %get3A_568 : i32 to index
        %get3A_570 = arith.index_cast %add3A_567 : i32 to index
        %get3A_571 = tpu.vector_load %arg4[%get3A_569, %get3A_570] {strides = array<i32>} : memref<8x1408xf32, #tpu.memory_space<vmem>>, vector<16xf32>,
        tpu.vector_store_idx %arg6[%add3A_565], %get3A_571 : memref<11264xf32, #tpu.memory_space<vmem>>[vector<16xi32>], vector<16xf32>,
        %add3A_572 = arith.constant 128 : i32
        %add3A_573 = vector.broadcast %add3A_572 : i32 to vector<16xi32>
        %add3A_574 = arith.addi %add3A_565, %add3A_573 : vector<16xi32>
        %add3A_575 = arith.constant 112 : i32
        %add3A_576 = arith.addi %mul3A_224, %add3A_575 : i32
        %get3A_577 = arith.constant 4 : i32
        %get3A_578 = arith.index_cast %get3A_577 : i32 to index
        %get3A_579 = arith.index_cast %add3A_576 : i32 to index
        %get3A_580 = tpu.vector_load %arg4[%get3A_578, %get3A_579] {strides = array<i32>} : memref<8x1408xf32, #tpu.memory_space<vmem>>, vector<16xf32>,
        tpu.vector_store_idx %arg6[%add3A_574], %get3A_580 : memref<11264xf32, #tpu.memory_space<vmem>>[vector<16xi32>], vector<16xf32>,
        %add3A_581 = arith.constant 128 : i32
        %add3A_582 = vector.broadcast %add3A_581 : i32 to vector<16xi32>
        %add3A_583 = arith.addi %add3A_574, %add3A_582 : vector<16xi32>
        %add3A_584 = arith.constant 0 : i32
        %add3A_585 = arith.addi %mul3A_224, %add3A_584 : i32
        %get3A_586 = arith.constant 5 : i32
        %get3A_587 = arith.index_cast %get3A_586 : i32 to index
        %get3A_588 = arith.index_cast %add3A_585 : i32 to index
        %get3A_589 = tpu.vector_load %arg4[%get3A_587, %get3A_588] {strides = array<i32>} : memref<8x1408xf32, #tpu.memory_space<vmem>>, vector<16xf32>,
        tpu.vector_store_idx %arg6[%scan3A_220], %get3A_589 : memref<11264xf32, #tpu.memory_space<vmem>>[vector<16xi32>], vector<16xf32>,
        %add3A_590 = arith.constant 128 : i32
        %add3A_591 = vector.broadcast %add3A_590 : i32 to vector<16xi32>
        %add3A_592 = arith.addi %scan3A_220, %add3A_591 : vector<16xi32>
        %add3A_593 = arith.constant 16 : i32
        %add3A_594 = arith.addi %mul3A_224, %add3A_593 : i32
        %get3A_595 = arith.constant 5 : i32
        %get3A_596 = arith.index_cast %get3A_595 : i32 to index
        %get3A_597 = arith.index_cast %add3A_594 : i32 to index
        %get3A_598 = tpu.vector_load %arg4[%get3A_596, %get3A_597] {strides = array<i32>} : memref<8x1408xf32, #tpu.memory_space<vmem>>, vector<16xf32>,
        tpu.vector_store_idx %arg6[%add3A_592], %get3A_598 : memref<11264xf32, #tpu.memory_space<vmem>>[vector<16xi32>], vector<16xf32>,
        %add3A_599 = arith.constant 128 : i32
        %add3A_600 = vector.broadcast %add3A_599 : i32 to vector<16xi32>
        %add3A_601 = arith.addi %add3A_592, %add3A_600 : vector<16xi32>
        %add3A_602 = arith.constant 32 : i32
        %add3A_603 = arith.addi %mul3A_224, %add3A_602 : i32
        %get3A_604 = arith.constant 5 : i32
        %get3A_605 = arith.index_cast %get3A_604 : i32 to index
        %get3A_606 = arith.index_cast %add3A_603 : i32 to index
        %get3A_607 = tpu.vector_load %arg4[%get3A_605, %get3A_606] {strides = array<i32>} : memref<8x1408xf32, #tpu.memory_space<vmem>>, vector<16xf32>,
        tpu.vector_store_idx %arg6[%add3A_601], %get3A_607 : memref<11264xf32, #tpu.memory_space<vmem>>[vector<16xi32>], vector<16xf32>,
        %add3A_608 = arith.constant 128 : i32
        %add3A_609 = vector.broadcast %add3A_608 : i32 to vector<16xi32>
        %add3A_610 = arith.addi %add3A_601, %add3A_609 : vector<16xi32>
        %add3A_611 = arith.constant 48 : i32
        %add3A_612 = arith.addi %mul3A_224, %add3A_611 : i32
        %get3A_613 = arith.constant 5 : i32
        %get3A_614 = arith.index_cast %get3A_613 : i32 to index
        %get3A_615 = arith.index_cast %add3A_612 : i32 to index
        %get3A_616 = tpu.vector_load %arg4[%get3A_614, %get3A_615] {strides = array<i32>} : memref<8x1408xf32, #tpu.memory_space<vmem>>, vector<16xf32>,
        tpu.vector_store_idx %arg6[%add3A_610], %get3A_616 : memref<11264xf32, #tpu.memory_space<vmem>>[vector<16xi32>], vector<16xf32>,
        %add3A_617 = arith.constant 128 : i32
        %add3A_618 = vector.broadcast %add3A_617 : i32 to vector<16xi32>
        %add3A_619 = arith.addi %add3A_610, %add3A_618 : vector<16xi32>
        %add3A_620 = arith.constant 64 : i32
        %add3A_621 = arith.addi %mul3A_224, %add3A_620 : i32
        %get3A_622 = arith.constant 5 : i32
        %get3A_623 = arith.index_cast %get3A_622 : i32 to index
        %get3A_624 = arith.index_cast %add3A_621 : i32 to index
        %get3A_625 = tpu.vector_load %arg4[%get3A_623, %get3A_624] {strides = array<i32>} : memref<8x1408xf32, #tpu.memory_space<vmem>>, vector<16xf32>,
        tpu.vector_store_idx %arg6[%add3A_619], %get3A_625 : memref<11264xf32, #tpu.memory_space<vmem>>[vector<16xi32>], vector<16xf32>,
        %add3A_626 = arith.constant 128 : i32
        %add3A_627 = vector.broadcast %add3A_626 : i32 to vector<16xi32>
        %add3A_628 = arith.addi %add3A_619, %add3A_627 : vector<16xi32>
        %add3A_629 = arith.constant 80 : i32
        %add3A_630 = arith.addi %mul3A_224, %add3A_629 : i32
        %get3A_631 = arith.constant 5 : i32
        %get3A_632 = arith.index_cast %get3A_631 : i32 to index
        %get3A_633 = arith.index_cast %add3A_630 : i32 to index
        %get3A_634 = tpu.vector_load %arg4[%get3A_632, %get3A_633] {strides = array<i32>} : memref<8x1408xf32, #tpu.memory_space<vmem>>, vector<16xf32>,
        tpu.vector_store_idx %arg6[%add3A_628], %get3A_634 : memref<11264xf32, #tpu.memory_space<vmem>>[vector<16xi32>], vector<16xf32>,
        %add3A_635 = arith.constant 128 : i32
        %add3A_636 = vector.broadcast %add3A_635 : i32 to vector<16xi32>
        %add3A_637 = arith.addi %add3A_628, %add3A_636 : vector<16xi32>
        %add3A_638 = arith.constant 96 : i32
        %add3A_639 = arith.addi %mul3A_224, %add3A_638 : i32
        %get3A_640 = arith.constant 5 : i32
        %get3A_641 = arith.index_cast %get3A_640 : i32 to index
        %get3A_642 = arith.index_cast %add3A_639 : i32 to index
        %get3A_643 = tpu.vector_load %arg4[%get3A_641, %get3A_642] {strides = array<i32>} : memref<8x1408xf32, #tpu.memory_space<vmem>>, vector<16xf32>,
        tpu.vector_store_idx %arg6[%add3A_637], %get3A_643 : memref<11264xf32, #tpu.memory_space<vmem>>[vector<16xi32>], vector<16xf32>,
        %add3A_644 = arith.constant 128 : i32
        %add3A_645 = vector.broadcast %add3A_644 : i32 to vector<16xi32>
        %add3A_646 = arith.addi %add3A_637, %add3A_645 : vector<16xi32>
        %add3A_647 = arith.constant 112 : i32
        %add3A_648 = arith.addi %mul3A_224, %add3A_647 : i32
        %get3A_649 = arith.constant 5 : i32
        %get3A_650 = arith.index_cast %get3A_649 : i32 to index
        %get3A_651 = arith.index_cast %add3A_648 : i32 to index
        %get3A_652 = tpu.vector_load %arg4[%get3A_650, %get3A_651] {strides = array<i32>} : memref<8x1408xf32, #tpu.memory_space<vmem>>, vector<16xf32>,
        tpu.vector_store_idx %arg6[%add3A_646], %get3A_652 : memref<11264xf32, #tpu.memory_space<vmem>>[vector<16xi32>], vector<16xf32>,
        %add3A_653 = arith.constant 128 : i32
        %add3A_654 = vector.broadcast %add3A_653 : i32 to vector<16xi32>
        %add3A_655 = arith.addi %add3A_646, %add3A_654 : vector<16xi32>
        %add3A_656 = arith.constant 0 : i32
        %add3A_657 = arith.addi %mul3A_224, %add3A_656 : i32
        %get3A_658 = arith.constant 6 : i32
        %get3A_659 = arith.index_cast %get3A_658 : i32 to index
        %get3A_660 = arith.index_cast %add3A_657 : i32 to index
        %get3A_661 = tpu.vector_load %arg4[%get3A_659, %get3A_660] {strides = array<i32>} : memref<8x1408xf32, #tpu.memory_space<vmem>>, vector<16xf32>,
        tpu.vector_store_idx %arg6[%scan3A_221], %get3A_661 : memref<11264xf32, #tpu.memory_space<vmem>>[vector<16xi32>], vector<16xf32>,
        %add3A_662 = arith.constant 128 : i32
        %add3A_663 = vector.broadcast %add3A_662 : i32 to vector<16xi32>
        %add3A_664 = arith.addi %scan3A_221, %add3A_663 : vector<16xi32>
        %add3A_665 = arith.constant 16 : i32
        %add3A_666 = arith.addi %mul3A_224, %add3A_665 : i32
        %get3A_667 = arith.constant 6 : i32
        %get3A_668 = arith.index_cast %get3A_667 : i32 to index
        %get3A_669 = arith.index_cast %add3A_666 : i32 to index
        %get3A_670 = tpu.vector_load %arg4[%get3A_668, %get3A_669] {strides = array<i32>} : memref<8x1408xf32, #tpu.memory_space<vmem>>, vector<16xf32>,
        tpu.vector_store_idx %arg6[%add3A_664], %get3A_670 : memref<11264xf32, #tpu.memory_space<vmem>>[vector<16xi32>], vector<16xf32>,
        %add3A_671 = arith.constant 128 : i32
        %add3A_672 = vector.broadcast %add3A_671 : i32 to vector<16xi32>
        %add3A_673 = arith.addi %add3A_664, %add3A_672 : vector<16xi32>
        %add3A_674 = arith.constant 32 : i32
        %add3A_675 = arith.addi %mul3A_224, %add3A_674 : i32
        %get3A_676 = arith.constant 6 : i32
        %get3A_677 = arith.index_cast %get3A_676 : i32 to index
        %get3A_678 = arith.index_cast %add3A_675 : i32 to index
        %get3A_679 = tpu.vector_load %arg4[%get3A_677, %get3A_678] {strides = array<i32>} : memref<8x1408xf32, #tpu.memory_space<vmem>>, vector<16xf32>,
        tpu.vector_store_idx %arg6[%add3A_673], %get3A_679 : memref<11264xf32, #tpu.memory_space<vmem>>[vector<16xi32>], vector<16xf32>,
        %add3A_680 = arith.constant 128 : i32
        %add3A_681 = vector.broadcast %add3A_680 : i32 to vector<16xi32>
        %add3A_682 = arith.addi %add3A_673, %add3A_681 : vector<16xi32>
        %add3A_683 = arith.constant 48 : i32
        %add3A_684 = arith.addi %mul3A_224, %add3A_683 : i32
        %get3A_685 = arith.constant 6 : i32
        %get3A_686 = arith.index_cast %get3A_685 : i32 to index
        %get3A_687 = arith.index_cast %add3A_684 : i32 to index
        %get3A_688 = tpu.vector_load %arg4[%get3A_686, %get3A_687] {strides = array<i32>} : memref<8x1408xf32, #tpu.memory_space<vmem>>, vector<16xf32>,
        tpu.vector_store_idx %arg6[%add3A_682], %get3A_688 : memref<11264xf32, #tpu.memory_space<vmem>>[vector<16xi32>], vector<16xf32>,
        %add3A_689 = arith.constant 128 : i32
        %add3A_690 = vector.broadcast %add3A_689 : i32 to vector<16xi32>
        %add3A_691 = arith.addi %add3A_682, %add3A_690 : vector<16xi32>
        %add3A_692 = arith.constant 64 : i32
        %add3A_693 = arith.addi %mul3A_224, %add3A_692 : i32
        %get3A_694 = arith.constant 6 : i32
        %get3A_695 = arith.index_cast %get3A_694 : i32 to index
        %get3A_696 = arith.index_cast %add3A_693 : i32 to index
        %get3A_697 = tpu.vector_load %arg4[%get3A_695, %get3A_696] {strides = array<i32>} : memref<8x1408xf32, #tpu.memory_space<vmem>>, vector<16xf32>,
        tpu.vector_store_idx %arg6[%add3A_691], %get3A_697 : memref<11264xf32, #tpu.memory_space<vmem>>[vector<16xi32>], vector<16xf32>,
        %add3A_698 = arith.constant 128 : i32
        %add3A_699 = vector.broadcast %add3A_698 : i32 to vector<16xi32>
        %add3A_700 = arith.addi %add3A_691, %add3A_699 : vector<16xi32>
        %add3A_701 = arith.constant 80 : i32
        %add3A_702 = arith.addi %mul3A_224, %add3A_701 : i32
        %get3A_703 = arith.constant 6 : i32
        %get3A_704 = arith.index_cast %get3A_703 : i32 to index
        %get3A_705 = arith.index_cast %add3A_702 : i32 to index
        %get3A_706 = tpu.vector_load %arg4[%get3A_704, %get3A_705] {strides = array<i32>} : memref<8x1408xf32, #tpu.memory_space<vmem>>, vector<16xf32>,
        tpu.vector_store_idx %arg6[%add3A_700], %get3A_706 : memref<11264xf32, #tpu.memory_space<vmem>>[vector<16xi32>], vector<16xf32>,
        %add3A_707 = arith.constant 128 : i32
        %add3A_708 = vector.broadcast %add3A_707 : i32 to vector<16xi32>
        %add3A_709 = arith.addi %add3A_700, %add3A_708 : vector<16xi32>
        %add3A_710 = arith.constant 96 : i32
        %add3A_711 = arith.addi %mul3A_224, %add3A_710 : i32
        %get3A_712 = arith.constant 6 : i32
        %get3A_713 = arith.index_cast %get3A_712 : i32 to index
        %get3A_714 = arith.index_cast %add3A_711 : i32 to index
        %get3A_715 = tpu.vector_load %arg4[%get3A_713, %get3A_714] {strides = array<i32>} : memref<8x1408xf32, #tpu.memory_space<vmem>>, vector<16xf32>,
        tpu.vector_store_idx %arg6[%add3A_709], %get3A_715 : memref<11264xf32, #tpu.memory_space<vmem>>[vector<16xi32>], vector<16xf32>,
        %add3A_716 = arith.constant 128 : i32
        %add3A_717 = vector.broadcast %add3A_716 : i32 to vector<16xi32>
        %add3A_718 = arith.addi %add3A_709, %add3A_717 : vector<16xi32>
        %add3A_719 = arith.constant 112 : i32
        %add3A_720 = arith.addi %mul3A_224, %add3A_719 : i32
        %get3A_721 = arith.constant 6 : i32
        %get3A_722 = arith.index_cast %get3A_721 : i32 to index
        %get3A_723 = arith.index_cast %add3A_720 : i32 to index
        %get3A_724 = tpu.vector_load %arg4[%get3A_722, %get3A_723] {strides = array<i32>} : memref<8x1408xf32, #tpu.memory_space<vmem>>, vector<16xf32>,
        tpu.vector_store_idx %arg6[%add3A_718], %get3A_724 : memref<11264xf32, #tpu.memory_space<vmem>>[vector<16xi32>], vector<16xf32>,
        %add3A_725 = arith.constant 128 : i32
        %add3A_726 = vector.broadcast %add3A_725 : i32 to vector<16xi32>
        %add3A_727 = arith.addi %add3A_718, %add3A_726 : vector<16xi32>
        %add3A_728 = arith.constant 0 : i32
        %add3A_729 = arith.addi %mul3A_224, %add3A_728 : i32
        %get3A_730 = arith.constant 7 : i32
        %get3A_731 = arith.index_cast %get3A_730 : i32 to index
        %get3A_732 = arith.index_cast %add3A_729 : i32 to index
        %get3A_733 = tpu.vector_load %arg4[%get3A_731, %get3A_732] {strides = array<i32>} : memref<8x1408xf32, #tpu.memory_space<vmem>>, vector<16xf32>,
        tpu.vector_store_idx %arg6[%scan3A_222], %get3A_733 : memref<11264xf32, #tpu.memory_space<vmem>>[vector<16xi32>], vector<16xf32>,
        %add3A_734 = arith.constant 128 : i32
        %add3A_735 = vector.broadcast %add3A_734 : i32 to vector<16xi32>
        %add3A_736 = arith.addi %scan3A_222, %add3A_735 : vector<16xi32>
        %add3A_737 = arith.constant 16 : i32
        %add3A_738 = arith.addi %mul3A_224, %add3A_737 : i32
        %get3A_739 = arith.constant 7 : i32
        %get3A_740 = arith.index_cast %get3A_739 : i32 to index
        %get3A_741 = arith.index_cast %add3A_738 : i32 to index
        %get3A_742 = tpu.vector_load %arg4[%get3A_740, %get3A_741] {strides = array<i32>} : memref<8x1408xf32, #tpu.memory_space<vmem>>, vector<16xf32>,
        tpu.vector_store_idx %arg6[%add3A_736], %get3A_742 : memref<11264xf32, #tpu.memory_space<vmem>>[vector<16xi32>], vector<16xf32>,
        %add3A_743 = arith.constant 128 : i32
        %add3A_744 = vector.broadcast %add3A_743 : i32 to vector<16xi32>
        %add3A_745 = arith.addi %add3A_736, %add3A_744 : vector<16xi32>
        %add3A_746 = arith.constant 32 : i32
        %add3A_747 = arith.addi %mul3A_224, %add3A_746 : i32
        %get3A_748 = arith.constant 7 : i32
        %get3A_749 = arith.index_cast %get3A_748 : i32 to index
        %get3A_750 = arith.index_cast %add3A_747 : i32 to index
        %get3A_751 = tpu.vector_load %arg4[%get3A_749, %get3A_750] {strides = array<i32>} : memref<8x1408xf32, #tpu.memory_space<vmem>>, vector<16xf32>,
        tpu.vector_store_idx %arg6[%add3A_745], %get3A_751 : memref<11264xf32, #tpu.memory_space<vmem>>[vector<16xi32>], vector<16xf32>,
        %add3A_752 = arith.constant 128 : i32
        %add3A_753 = vector.broadcast %add3A_752 : i32 to vector<16xi32>
        %add3A_754 = arith.addi %add3A_745, %add3A_753 : vector<16xi32>
        %add3A_755 = arith.constant 48 : i32
        %add3A_756 = arith.addi %mul3A_224, %add3A_755 : i32
        %get3A_757 = arith.constant 7 : i32
        %get3A_758 = arith.index_cast %get3A_757 : i32 to index
        %get3A_759 = arith.index_cast %add3A_756 : i32 to index
        %get3A_760 = tpu.vector_load %arg4[%get3A_758, %get3A_759] {strides = array<i32>} : memref<8x1408xf32, #tpu.memory_space<vmem>>, vector<16xf32>,
        tpu.vector_store_idx %arg6[%add3A_754], %get3A_760 : memref<11264xf32, #tpu.memory_space<vmem>>[vector<16xi32>], vector<16xf32>,
        %add3A_761 = arith.constant 128 : i32
        %add3A_762 = vector.broadcast %add3A_761 : i32 to vector<16xi32>
        %add3A_763 = arith.addi %add3A_754, %add3A_762 : vector<16xi32>
        %add3A_764 = arith.constant 64 : i32
        %add3A_765 = arith.addi %mul3A_224, %add3A_764 : i32
        %get3A_766 = arith.constant 7 : i32
        %get3A_767 = arith.index_cast %get3A_766 : i32 to index
        %get3A_768 = arith.index_cast %add3A_765 : i32 to index
        %get3A_769 = tpu.vector_load %arg4[%get3A_767, %get3A_768] {strides = array<i32>} : memref<8x1408xf32, #tpu.memory_space<vmem>>, vector<16xf32>,
        tpu.vector_store_idx %arg6[%add3A_763], %get3A_769 : memref<11264xf32, #tpu.memory_space<vmem>>[vector<16xi32>], vector<16xf32>,
        %add3A_770 = arith.constant 128 : i32
        %add3A_771 = vector.broadcast %add3A_770 : i32 to vector<16xi32>
        %add3A_772 = arith.addi %add3A_763, %add3A_771 : vector<16xi32>
        %add3A_773 = arith.constant 80 : i32
        %add3A_774 = arith.addi %mul3A_224, %add3A_773 : i32
        %get3A_775 = arith.constant 7 : i32
        %get3A_776 = arith.index_cast %get3A_775 : i32 to index
        %get3A_777 = arith.index_cast %add3A_774 : i32 to index
        %get3A_778 = tpu.vector_load %arg4[%get3A_776, %get3A_777] {strides = array<i32>} : memref<8x1408xf32, #tpu.memory_space<vmem>>, vector<16xf32>,
        tpu.vector_store_idx %arg6[%add3A_772], %get3A_778 : memref<11264xf32, #tpu.memory_space<vmem>>[vector<16xi32>], vector<16xf32>,
        %add3A_779 = arith.constant 128 : i32
        %add3A_780 = vector.broadcast %add3A_779 : i32 to vector<16xi32>
        %add3A_781 = arith.addi %add3A_772, %add3A_780 : vector<16xi32>
        %add3A_782 = arith.constant 96 : i32
        %add3A_783 = arith.addi %mul3A_224, %add3A_782 : i32
        %get3A_784 = arith.constant 7 : i32
        %get3A_785 = arith.index_cast %get3A_784 : i32 to index
        %get3A_786 = arith.index_cast %add3A_783 : i32 to index
        %get3A_787 = tpu.vector_load %arg4[%get3A_785, %get3A_786] {strides = array<i32>} : memref<8x1408xf32, #tpu.memory_space<vmem>>, vector<16xf32>,
        tpu.vector_store_idx %arg6[%add3A_781], %get3A_787 : memref<11264xf32, #tpu.memory_space<vmem>>[vector<16xi32>], vector<16xf32>,
        %add3A_788 = arith.constant 128 : i32
        %add3A_789 = vector.broadcast %add3A_788 : i32 to vector<16xi32>
        %add3A_790 = arith.addi %add3A_781, %add3A_789 : vector<16xi32>
        %add3A_791 = arith.constant 112 : i32
        %add3A_792 = arith.addi %mul3A_224, %add3A_791 : i32
        %get3A_793 = arith.constant 7 : i32
        %get3A_794 = arith.index_cast %get3A_793 : i32 to index
        %get3A_795 = arith.index_cast %add3A_792 : i32 to index
        %get3A_796 = tpu.vector_load %arg4[%get3A_794, %get3A_795] {strides = array<i32>} : memref<8x1408xf32, #tpu.memory_space<vmem>>, vector<16xf32>,
        tpu.vector_store_idx %arg6[%add3A_790], %get3A_796 : memref<11264xf32, #tpu.memory_space<vmem>>[vector<16xi32>], vector<16xf32>,
        %add3A_797 = arith.constant 128 : i32
        %add3A_798 = vector.broadcast %add3A_797 : i32 to vector<16xi32>
        %add3A_799 = arith.addi %add3A_790, %add3A_798 : vector<16xi32>
        scf.yield %add3A_295, %add3A_367, %add3A_439, %add3A_511, %add3A_583, %add3A_655, %add3A_727, %add3A_799 : vector<16xi32>, vector<16xi32>, vector<16xi32>, vector<16xi32>, vector<16xi32>, vector<16xi32>, vector<16xi32>, vector<16xi32>
      }
      %scan3A_98 = arith.constant 11 : i32
      %mul3A_99 = arith.constant 32 : i32
      %mul3A_100 = arith.muli %mul3A_99, %add3A_55 : i32
      %add3A_101 = arith.addi %add3A, %mul3A_100 : i32
      %min3A_102 = arith.constant 1845 : i32
      %min3A_103 = arith.minsi %add3A_101, %min3A_102 : i32
      %div3A_104 = arith.constant 71 : i32
      %div3A_105 = arith.divsi %min3A_103, %div3A_104 : i32
      %rem3A_106 = arith.constant 71 : i32
      %rem3A_107 = arith.remsi %min3A_103, %rem3A_106 : i32
      %mul3A_108 = arith.constant 800000 : i32
      %mul3A_109 = arith.muli %div3A_105, %mul3A_108 : i32
      %mul3A_110 = arith.constant 11264 : i32
      %mul3A_111 = arith.muli %rem3A_107, %mul3A_110 : i32
      %add3A_112 = arith.addi %mul3A_109, %mul3A_111 : i32
      %dma_start3A_113 = tpu.memref_slice %arg3[%add3A_112] : memref<20800000xf32, #tpu.memory_space<hbm>> -> memref<11264xf32, #tpu.memory_space<hbm>>
      %dma_start3A_114 = tpu.memref_slice %arg3[%add3A_112] : memref<20800000xf32, #tpu.memory_space<hbm>> -> memref<11264xf32, #tpu.memory_space<hbm>>
      tpu.enqueue_dma source(%arg6 : memref<11264xf32, #tpu.memory_space<vmem>>) target(%dma_start3A_114 : memref<11264xf32, #tpu.memory_space<hbm>>) target_semaphore(%arg12 : memref<!tpu.dma_semaphore, #tpu.memory_space<semaphore_mem>>)
      %add3A_115 = arith.constant 2 : i32
      %add3A_116 = arith.addi %add3A_55, %add3A_115 : i32
      %mul3A_117 = arith.constant 32 : i32
      %mul3A_118 = arith.muli %mul3A_117, %add3A_116 : i32
      %add3A_119 = arith.addi %add3A, %mul3A_118 : i32
      %min3A_120 = arith.constant 1845 : i32
      %min3A_121 = arith.minsi %add3A_119, %min3A_120 : i32
      %div3A_122 = arith.constant 71 : i32
      %div3A_123 = arith.divsi %min3A_121, %div3A_122 : i32
      %rem3A_124 = arith.constant 71 : i32
      %rem3A_125 = arith.remsi %min3A_121, %rem3A_124 : i32
      %mul3A_126 = arith.constant 8 : i32
      %mul3A_127 = arith.muli %div3A_123, %mul3A_126 : i32
      %mul3A_128 = arith.constant 1408 : i32
      %mul3A_129 = arith.muli %rem3A_125, %mul3A_128 : i32
      %dma_start3A_130 = tpu.memref_slice %arg2[%mul3A_127, %mul3A_129] : memref<208x100000xf32, #tpu.memory_space<hbm>> -> memref<8x1408xf32, #tpu.memory_space<hbm>>
      %dma_start3A_131 = tpu.memref_slice %arg2[%mul3A_127, %mul3A_129] : memref<208x100000xf32, #tpu.memory_space<hbm>> -> memref<8x1408xf32, #tpu.memory_space<hbm>>
      tpu.enqueue_dma source(%dma_start3A_131 : memref<8x1408xf32, #tpu.memory_space<hbm>>) target(%arg4 : memref<8x1408xf32, #tpu.memory_space<vmem>>) target_semaphore(%arg10 : memref<!tpu.dma_semaphore, #tpu.memory_space<semaphore_mem>>)
      %mul3A_132 = arith.constant 2 : i32
      %mul3A_133 = arith.muli %mul3A_132, %scan3A_51 : i32
      %add3A_134 = arith.constant 1 : i32
      %add3A_135 = arith.addi %mul3A_133, %add3A_134 : i32
      %dma_wait3A_136 = arith.constant 0 : i32
      %dma_wait3A_137 = arith.constant 0 : i32
      %dma_wait3A_138 = tpu.memref_slice %arg2[%dma_wait3A_136, %dma_wait3A_137] : memref<208x100000xf32, #tpu.memory_space<hbm>> -> memref<8x1408xf32, #tpu.memory_space<hbm>>
      %dma_wait3A_139 = arith.constant 0 : i32
      %dma_wait3A_140 = arith.constant 0 : i32
      %dma_wait3A_141 = tpu.memref_slice %arg2[%dma_wait3A_139, %dma_wait3A_140] : memref<208x100000xf32, #tpu.memory_space<hbm>> -> memref<8x1408xf32, #tpu.memory_space<hbm>>
      tpu.wait_dma2 semaphore(%arg11 : memref<!tpu.dma_semaphore, #tpu.memory_space<semaphore_mem>>) src(%dma_wait3A_141 : memref<8x1408xf32, #tpu.memory_space<hbm>>) dst(%arg5 : memref<8x1408xf32, #tpu.memory_space<vmem>>)
      %gt3A_142 = arith.constant 0 : i32
      %gt3A_143 = arith.cmpi sgt, %scan3A_51, %gt3A_142 : i32
      %convert_element_type3A_144 = arith.extui %gt3A_143 : i1 to i32
      %cond3A_145 = arith.constant 0 : i32
      %cond3A_146 = arith.cmpi ne, %convert_element_type3A_144, %cond3A_145 : i32
      scf.if %cond3A_146 {
        %dma_wait3A_214 = arith.constant 0 : i32
        %dma_wait3A_215 = tpu.memref_slice %arg3[%dma_wait3A_214] : memref<20800000xf32, #tpu.memory_space<hbm>> -> memref<11264xf32, #tpu.memory_space<hbm>>
        %dma_wait3A_216 = arith.constant 0 : i32
        %dma_wait3A_217 = tpu.memref_slice %arg3[%dma_wait3A_216] : memref<20800000xf32, #tpu.memory_space<hbm>> -> memref<11264xf32, #tpu.memory_space<hbm>>
        tpu.wait_dma2 semaphore(%arg13 : memref<!tpu.dma_semaphore, #tpu.memory_space<semaphore_mem>>) src(%arg7 : memref<11264xf32, #tpu.memory_space<vmem>>) dst(%dma_wait3A_217 : memref<11264xf32, #tpu.memory_space<hbm>>)
      } else {
      }
      %iota3A_147 = tpu.iota {dimensions = array<i32: 0>} : vector<16xi32>
      %mul3A_148 = arith.constant 8 : i32
      %mul3A_149 = vector.broadcast %mul3A_148 : i32 to vector<16xi32>
      %mul3A_150 = arith.muli %iota3A_147, %mul3A_149 : vector<16xi32>
      %add3A_151 = arith.constant 0 : i32
      %add3A_152 = vector.broadcast %add3A_151 : i32 to vector<16xi32>
      %add3A_153 = arith.addi %add3A_152, %mul3A_150 : vector<16xi32>
      %add3A_154 = arith.constant 1 : i32
      %add3A_155 = vector.broadcast %add3A_154 : i32 to vector<16xi32>
      %add3A_156 = arith.addi %add3A_155, %mul3A_150 : vector<16xi32>
      %add3A_157 = arith.constant 2 : i32
      %add3A_158 = vector.broadcast %add3A_157 : i32 to vector<16xi32>
      %add3A_159 = arith.addi %add3A_158, %mul3A_150 : vector<16xi32>
      %add3A_160 = arith.constant 3 : i32
      %add3A_161 = vector.broadcast %add3A_160 : i32 to vector<16xi32>
      %add3A_162 = arith.addi %add3A_161, %mul3A_150 : vector<16xi32>
      %add3A_163 = arith.constant 4 : i32
      %add3A_164 = vector.broadcast %add3A_163 : i32 to vector<16xi32>
      %add3A_165 = arith.addi %add3A_164, %mul3A_150 : vector<16xi32>
      %add3A_166 = arith.constant 5 : i32
      %add3A_167 = vector.broadcast %add3A_166 : i32 to vector<16xi32>
      %add3A_168 = arith.addi %add3A_167, %mul3A_150 : vector<16xi32>
      %add3A_169 = arith.constant 6 : i32
      %add3A_170 = vector.broadcast %add3A_169 : i32 to vector<16xi32>
      %add3A_171 = arith.addi %add3A_170, %mul3A_150 : vector<16xi32>
      %add3A_172 = arith.constant 7 : i32
      %add3A_173 = vector.broadcast %add3A_172 : i32 to vector<16xi32>
      %add3A_174 = arith.addi %add3A_173, %mul3A_150 : vector<16xi32>
      %scan3A_175 = arith.constant 0 : i32
      %scan3A_176 = arith.constant 11 : i32
      %scan3A_177 = arith.addi %scan3A_175, %scan3A_176 : i32
      %scan3A_178 = arith.constant 1 : i32
      %scan3A_179:8 = scf.for %scan3A_214 = %scan3A_175 to %scan3A_177 step %scan3A_178 iter_args(%scan3A_215 = %add3A_153, %scan3A_216 = %add3A_156, %scan3A_217 = %add3A_159, %scan3A_218 = %add3A_162, %scan3A_219 = %add3A_165, %scan3A_220 = %add3A_168, %scan3A_221 = %add3A_171, %scan3A_222 = %add3A_174) -> (vector<16xi32>, vector<16xi32>, vector<16xi32>, vector<16xi32>, vector<16xi32>, vector<16xi32>, vector<16xi32>, vector<16xi32>)  : i32 {
        %mul3A_223 = arith.constant 128 : i32
        %mul3A_224 = arith.muli %scan3A_214, %mul3A_223 : i32
        %add3A_225 = arith.constant 0 : i32
        %add3A_226 = arith.addi %mul3A_224, %add3A_225 : i32
        %get3A = arith.constant 0 : i32
        %get3A_227 = arith.index_cast %get3A : i32 to index
        %get3A_228 = arith.index_cast %add3A_226 : i32 to index
        %get3A_229 = tpu.vector_load %arg5[%get3A_227, %get3A_228] {strides = array<i32>} : memref<8x1408xf32, #tpu.memory_space<vmem>>, vector<16xf32>,
        tpu.vector_store_idx %arg7[%scan3A_215], %get3A_229 : memref<11264xf32, #tpu.memory_space<vmem>>[vector<16xi32>], vector<16xf32>,
        %add3A_230 = arith.constant 128 : i32
        %add3A_231 = vector.broadcast %add3A_230 : i32 to vector<16xi32>
        %add3A_232 = arith.addi %scan3A_215, %add3A_231 : vector<16xi32>
        %add3A_233 = arith.constant 16 : i32
        %add3A_234 = arith.addi %mul3A_224, %add3A_233 : i32
        %get3A_235 = arith.constant 0 : i32
        %get3A_236 = arith.index_cast %get3A_235 : i32 to index
        %get3A_237 = arith.index_cast %add3A_234 : i32 to index
        %get3A_238 = tpu.vector_load %arg5[%get3A_236, %get3A_237] {strides = array<i32>} : memref<8x1408xf32, #tpu.memory_space<vmem>>, vector<16xf32>,
        tpu.vector_store_idx %arg7[%add3A_232], %get3A_238 : memref<11264xf32, #tpu.memory_space<vmem>>[vector<16xi32>], vector<16xf32>,
        %add3A_239 = arith.constant 128 : i32
        %add3A_240 = vector.broadcast %add3A_239 : i32 to vector<16xi32>
        %add3A_241 = arith.addi %add3A_232, %add3A_240 : vector<16xi32>
        %add3A_242 = arith.constant 32 : i32
        %add3A_243 = arith.addi %mul3A_224, %add3A_242 : i32
        %get3A_244 = arith.constant 0 : i32
        %get3A_245 = arith.index_cast %get3A_244 : i32 to index
        %get3A_246 = arith.index_cast %add3A_243 : i32 to index
        %get3A_247 = tpu.vector_load %arg5[%get3A_245, %get3A_246] {strides = array<i32>} : memref<8x1408xf32, #tpu.memory_space<vmem>>, vector<16xf32>,
        tpu.vector_store_idx %arg7[%add3A_241], %get3A_247 : memref<11264xf32, #tpu.memory_space<vmem>>[vector<16xi32>], vector<16xf32>,
        %add3A_248 = arith.constant 128 : i32
        %add3A_249 = vector.broadcast %add3A_248 : i32 to vector<16xi32>
        %add3A_250 = arith.addi %add3A_241, %add3A_249 : vector<16xi32>
        %add3A_251 = arith.constant 48 : i32
        %add3A_252 = arith.addi %mul3A_224, %add3A_251 : i32
        %get3A_253 = arith.constant 0 : i32
        %get3A_254 = arith.index_cast %get3A_253 : i32 to index
        %get3A_255 = arith.index_cast %add3A_252 : i32 to index
        %get3A_256 = tpu.vector_load %arg5[%get3A_254, %get3A_255] {strides = array<i32>} : memref<8x1408xf32, #tpu.memory_space<vmem>>, vector<16xf32>,
        tpu.vector_store_idx %arg7[%add3A_250], %get3A_256 : memref<11264xf32, #tpu.memory_space<vmem>>[vector<16xi32>], vector<16xf32>,
        %add3A_257 = arith.constant 128 : i32
        %add3A_258 = vector.broadcast %add3A_257 : i32 to vector<16xi32>
        %add3A_259 = arith.addi %add3A_250, %add3A_258 : vector<16xi32>
        %add3A_260 = arith.constant 64 : i32
        %add3A_261 = arith.addi %mul3A_224, %add3A_260 : i32
        %get3A_262 = arith.constant 0 : i32
        %get3A_263 = arith.index_cast %get3A_262 : i32 to index
        %get3A_264 = arith.index_cast %add3A_261 : i32 to index
        %get3A_265 = tpu.vector_load %arg5[%get3A_263, %get3A_264] {strides = array<i32>} : memref<8x1408xf32, #tpu.memory_space<vmem>>, vector<16xf32>,
        tpu.vector_store_idx %arg7[%add3A_259], %get3A_265 : memref<11264xf32, #tpu.memory_space<vmem>>[vector<16xi32>], vector<16xf32>,
        %add3A_266 = arith.constant 128 : i32
        %add3A_267 = vector.broadcast %add3A_266 : i32 to vector<16xi32>
        %add3A_268 = arith.addi %add3A_259, %add3A_267 : vector<16xi32>
        %add3A_269 = arith.constant 80 : i32
        %add3A_270 = arith.addi %mul3A_224, %add3A_269 : i32
        %get3A_271 = arith.constant 0 : i32
        %get3A_272 = arith.index_cast %get3A_271 : i32 to index
        %get3A_273 = arith.index_cast %add3A_270 : i32 to index
        %get3A_274 = tpu.vector_load %arg5[%get3A_272, %get3A_273] {strides = array<i32>} : memref<8x1408xf32, #tpu.memory_space<vmem>>, vector<16xf32>,
        tpu.vector_store_idx %arg7[%add3A_268], %get3A_274 : memref<11264xf32, #tpu.memory_space<vmem>>[vector<16xi32>], vector<16xf32>,
        %add3A_275 = arith.constant 128 : i32
        %add3A_276 = vector.broadcast %add3A_275 : i32 to vector<16xi32>
        %add3A_277 = arith.addi %add3A_268, %add3A_276 : vector<16xi32>
        %add3A_278 = arith.constant 96 : i32
        %add3A_279 = arith.addi %mul3A_224, %add3A_278 : i32
        %get3A_280 = arith.constant 0 : i32
        %get3A_281 = arith.index_cast %get3A_280 : i32 to index
        %get3A_282 = arith.index_cast %add3A_279 : i32 to index
        %get3A_283 = tpu.vector_load %arg5[%get3A_281, %get3A_282] {strides = array<i32>} : memref<8x1408xf32, #tpu.memory_space<vmem>>, vector<16xf32>,
        tpu.vector_store_idx %arg7[%add3A_277], %get3A_283 : memref<11264xf32, #tpu.memory_space<vmem>>[vector<16xi32>], vector<16xf32>,
        %add3A_284 = arith.constant 128 : i32
        %add3A_285 = vector.broadcast %add3A_284 : i32 to vector<16xi32>
        %add3A_286 = arith.addi %add3A_277, %add3A_285 : vector<16xi32>
        %add3A_287 = arith.constant 112 : i32
        %add3A_288 = arith.addi %mul3A_224, %add3A_287 : i32
        %get3A_289 = arith.constant 0 : i32
        %get3A_290 = arith.index_cast %get3A_289 : i32 to index
        %get3A_291 = arith.index_cast %add3A_288 : i32 to index
        %get3A_292 = tpu.vector_load %arg5[%get3A_290, %get3A_291] {strides = array<i32>} : memref<8x1408xf32, #tpu.memory_space<vmem>>, vector<16xf32>,
        tpu.vector_store_idx %arg7[%add3A_286], %get3A_292 : memref<11264xf32, #tpu.memory_space<vmem>>[vector<16xi32>], vector<16xf32>,
        %add3A_293 = arith.constant 128 : i32
        %add3A_294 = vector.broadcast %add3A_293 : i32 to vector<16xi32>
        %add3A_295 = arith.addi %add3A_286, %add3A_294 : vector<16xi32>
        %add3A_296 = arith.constant 0 : i32
        %add3A_297 = arith.addi %mul3A_224, %add3A_296 : i32
        %get3A_298 = arith.constant 1 : i32
        %get3A_299 = arith.index_cast %get3A_298 : i32 to index
        %get3A_300 = arith.index_cast %add3A_297 : i32 to index
        %get3A_301 = tpu.vector_load %arg5[%get3A_299, %get3A_300] {strides = array<i32>} : memref<8x1408xf32, #tpu.memory_space<vmem>>, vector<16xf32>,
        tpu.vector_store_idx %arg7[%scan3A_216], %get3A_301 : memref<11264xf32, #tpu.memory_space<vmem>>[vector<16xi32>], vector<16xf32>,
        %add3A_302 = arith.constant 128 : i32
        %add3A_303 = vector.broadcast %add3A_302 : i32 to vector<16xi32>
        %add3A_304 = arith.addi %scan3A_216, %add3A_303 : vector<16xi32>
        %add3A_305 = arith.constant 16 : i32
        %add3A_306 = arith.addi %mul3A_224, %add3A_305 : i32
        %get3A_307 = arith.constant 1 : i32
        %get3A_308 = arith.index_cast %get3A_307 : i32 to index
        %get3A_309 = arith.index_cast %add3A_306 : i32 to index
        %get3A_310 = tpu.vector_load %arg5[%get3A_308, %get3A_309] {strides = array<i32>} : memref<8x1408xf32, #tpu.memory_space<vmem>>, vector<16xf32>,
        tpu.vector_store_idx %arg7[%add3A_304], %get3A_310 : memref<11264xf32, #tpu.memory_space<vmem>>[vector<16xi32>], vector<16xf32>,
        %add3A_311 = arith.constant 128 : i32
        %add3A_312 = vector.broadcast %add3A_311 : i32 to vector<16xi32>
        %add3A_313 = arith.addi %add3A_304, %add3A_312 : vector<16xi32>
        %add3A_314 = arith.constant 32 : i32
        %add3A_315 = arith.addi %mul3A_224, %add3A_314 : i32
        %get3A_316 = arith.constant 1 : i32
        %get3A_317 = arith.index_cast %get3A_316 : i32 to index
        %get3A_318 = arith.index_cast %add3A_315 : i32 to index
        %get3A_319 = tpu.vector_load %arg5[%get3A_317, %get3A_318] {strides = array<i32>} : memref<8x1408xf32, #tpu.memory_space<vmem>>, vector<16xf32>,
        tpu.vector_store_idx %arg7[%add3A_313], %get3A_319 : memref<11264xf32, #tpu.memory_space<vmem>>[vector<16xi32>], vector<16xf32>,
        %add3A_320 = arith.constant 128 : i32
        %add3A_321 = vector.broadcast %add3A_320 : i32 to vector<16xi32>
        %add3A_322 = arith.addi %add3A_313, %add3A_321 : vector<16xi32>
        %add3A_323 = arith.constant 48 : i32
        %add3A_324 = arith.addi %mul3A_224, %add3A_323 : i32
        %get3A_325 = arith.constant 1 : i32
        %get3A_326 = arith.index_cast %get3A_325 : i32 to index
        %get3A_327 = arith.index_cast %add3A_324 : i32 to index
        %get3A_328 = tpu.vector_load %arg5[%get3A_326, %get3A_327] {strides = array<i32>} : memref<8x1408xf32, #tpu.memory_space<vmem>>, vector<16xf32>,
        tpu.vector_store_idx %arg7[%add3A_322], %get3A_328 : memref<11264xf32, #tpu.memory_space<vmem>>[vector<16xi32>], vector<16xf32>,
        %add3A_329 = arith.constant 128 : i32
        %add3A_330 = vector.broadcast %add3A_329 : i32 to vector<16xi32>
        %add3A_331 = arith.addi %add3A_322, %add3A_330 : vector<16xi32>
        %add3A_332 = arith.constant 64 : i32
        %add3A_333 = arith.addi %mul3A_224, %add3A_332 : i32
        %get3A_334 = arith.constant 1 : i32
        %get3A_335 = arith.index_cast %get3A_334 : i32 to index
        %get3A_336 = arith.index_cast %add3A_333 : i32 to index
        %get3A_337 = tpu.vector_load %arg5[%get3A_335, %get3A_336] {strides = array<i32>} : memref<8x1408xf32, #tpu.memory_space<vmem>>, vector<16xf32>,
        tpu.vector_store_idx %arg7[%add3A_331], %get3A_337 : memref<11264xf32, #tpu.memory_space<vmem>>[vector<16xi32>], vector<16xf32>,
        %add3A_338 = arith.constant 128 : i32
        %add3A_339 = vector.broadcast %add3A_338 : i32 to vector<16xi32>
        %add3A_340 = arith.addi %add3A_331, %add3A_339 : vector<16xi32>
        %add3A_341 = arith.constant 80 : i32
        %add3A_342 = arith.addi %mul3A_224, %add3A_341 : i32
        %get3A_343 = arith.constant 1 : i32
        %get3A_344 = arith.index_cast %get3A_343 : i32 to index
        %get3A_345 = arith.index_cast %add3A_342 : i32 to index
        %get3A_346 = tpu.vector_load %arg5[%get3A_344, %get3A_345] {strides = array<i32>} : memref<8x1408xf32, #tpu.memory_space<vmem>>, vector<16xf32>,
        tpu.vector_store_idx %arg7[%add3A_340], %get3A_346 : memref<11264xf32, #tpu.memory_space<vmem>>[vector<16xi32>], vector<16xf32>,
        %add3A_347 = arith.constant 128 : i32
        %add3A_348 = vector.broadcast %add3A_347 : i32 to vector<16xi32>
        %add3A_349 = arith.addi %add3A_340, %add3A_348 : vector<16xi32>
        %add3A_350 = arith.constant 96 : i32
        %add3A_351 = arith.addi %mul3A_224, %add3A_350 : i32
        %get3A_352 = arith.constant 1 : i32
        %get3A_353 = arith.index_cast %get3A_352 : i32 to index
        %get3A_354 = arith.index_cast %add3A_351 : i32 to index
        %get3A_355 = tpu.vector_load %arg5[%get3A_353, %get3A_354] {strides = array<i32>} : memref<8x1408xf32, #tpu.memory_space<vmem>>, vector<16xf32>,
        tpu.vector_store_idx %arg7[%add3A_349], %get3A_355 : memref<11264xf32, #tpu.memory_space<vmem>>[vector<16xi32>], vector<16xf32>,
        %add3A_356 = arith.constant 128 : i32
        %add3A_357 = vector.broadcast %add3A_356 : i32 to vector<16xi32>
        %add3A_358 = arith.addi %add3A_349, %add3A_357 : vector<16xi32>
        %add3A_359 = arith.constant 112 : i32
        %add3A_360 = arith.addi %mul3A_224, %add3A_359 : i32
        %get3A_361 = arith.constant 1 : i32
        %get3A_362 = arith.index_cast %get3A_361 : i32 to index
        %get3A_363 = arith.index_cast %add3A_360 : i32 to index
        %get3A_364 = tpu.vector_load %arg5[%get3A_362, %get3A_363] {strides = array<i32>} : memref<8x1408xf32, #tpu.memory_space<vmem>>, vector<16xf32>,
        tpu.vector_store_idx %arg7[%add3A_358], %get3A_364 : memref<11264xf32, #tpu.memory_space<vmem>>[vector<16xi32>], vector<16xf32>,
        %add3A_365 = arith.constant 128 : i32
        %add3A_366 = vector.broadcast %add3A_365 : i32 to vector<16xi32>
        %add3A_367 = arith.addi %add3A_358, %add3A_366 : vector<16xi32>
        %add3A_368 = arith.constant 0 : i32
        %add3A_369 = arith.addi %mul3A_224, %add3A_368 : i32
        %get3A_370 = arith.constant 2 : i32
        %get3A_371 = arith.index_cast %get3A_370 : i32 to index
        %get3A_372 = arith.index_cast %add3A_369 : i32 to index
        %get3A_373 = tpu.vector_load %arg5[%get3A_371, %get3A_372] {strides = array<i32>} : memref<8x1408xf32, #tpu.memory_space<vmem>>, vector<16xf32>,
        tpu.vector_store_idx %arg7[%scan3A_217], %get3A_373 : memref<11264xf32, #tpu.memory_space<vmem>>[vector<16xi32>], vector<16xf32>,
        %add3A_374 = arith.constant 128 : i32
        %add3A_375 = vector.broadcast %add3A_374 : i32 to vector<16xi32>
        %add3A_376 = arith.addi %scan3A_217, %add3A_375 : vector<16xi32>
        %add3A_377 = arith.constant 16 : i32
        %add3A_378 = arith.addi %mul3A_224, %add3A_377 : i32
        %get3A_379 = arith.constant 2 : i32
        %get3A_380 = arith.index_cast %get3A_379 : i32 to index
        %get3A_381 = arith.index_cast %add3A_378 : i32 to index
        %get3A_382 = tpu.vector_load %arg5[%get3A_380, %get3A_381] {strides = array<i32>} : memref<8x1408xf32, #tpu.memory_space<vmem>>, vector<16xf32>,
        tpu.vector_store_idx %arg7[%add3A_376], %get3A_382 : memref<11264xf32, #tpu.memory_space<vmem>>[vector<16xi32>], vector<16xf32>,
        %add3A_383 = arith.constant 128 : i32
        %add3A_384 = vector.broadcast %add3A_383 : i32 to vector<16xi32>
        %add3A_385 = arith.addi %add3A_376, %add3A_384 : vector<16xi32>
        %add3A_386 = arith.constant 32 : i32
        %add3A_387 = arith.addi %mul3A_224, %add3A_386 : i32
        %get3A_388 = arith.constant 2 : i32
        %get3A_389 = arith.index_cast %get3A_388 : i32 to index
        %get3A_390 = arith.index_cast %add3A_387 : i32 to index
        %get3A_391 = tpu.vector_load %arg5[%get3A_389, %get3A_390] {strides = array<i32>} : memref<8x1408xf32, #tpu.memory_space<vmem>>, vector<16xf32>,
        tpu.vector_store_idx %arg7[%add3A_385], %get3A_391 : memref<11264xf32, #tpu.memory_space<vmem>>[vector<16xi32>], vector<16xf32>,
        %add3A_392 = arith.constant 128 : i32
        %add3A_393 = vector.broadcast %add3A_392 : i32 to vector<16xi32>
        %add3A_394 = arith.addi %add3A_385, %add3A_393 : vector<16xi32>
        %add3A_395 = arith.constant 48 : i32
        %add3A_396 = arith.addi %mul3A_224, %add3A_395 : i32
        %get3A_397 = arith.constant 2 : i32
        %get3A_398 = arith.index_cast %get3A_397 : i32 to index
        %get3A_399 = arith.index_cast %add3A_396 : i32 to index
        %get3A_400 = tpu.vector_load %arg5[%get3A_398, %get3A_399] {strides = array<i32>} : memref<8x1408xf32, #tpu.memory_space<vmem>>, vector<16xf32>,
        tpu.vector_store_idx %arg7[%add3A_394], %get3A_400 : memref<11264xf32, #tpu.memory_space<vmem>>[vector<16xi32>], vector<16xf32>,
        %add3A_401 = arith.constant 128 : i32
        %add3A_402 = vector.broadcast %add3A_401 : i32 to vector<16xi32>
        %add3A_403 = arith.addi %add3A_394, %add3A_402 : vector<16xi32>
        %add3A_404 = arith.constant 64 : i32
        %add3A_405 = arith.addi %mul3A_224, %add3A_404 : i32
        %get3A_406 = arith.constant 2 : i32
        %get3A_407 = arith.index_cast %get3A_406 : i32 to index
        %get3A_408 = arith.index_cast %add3A_405 : i32 to index
        %get3A_409 = tpu.vector_load %arg5[%get3A_407, %get3A_408] {strides = array<i32>} : memref<8x1408xf32, #tpu.memory_space<vmem>>, vector<16xf32>,
        tpu.vector_store_idx %arg7[%add3A_403], %get3A_409 : memref<11264xf32, #tpu.memory_space<vmem>>[vector<16xi32>], vector<16xf32>,
        %add3A_410 = arith.constant 128 : i32
        %add3A_411 = vector.broadcast %add3A_410 : i32 to vector<16xi32>
        %add3A_412 = arith.addi %add3A_403, %add3A_411 : vector<16xi32>
        %add3A_413 = arith.constant 80 : i32
        %add3A_414 = arith.addi %mul3A_224, %add3A_413 : i32
        %get3A_415 = arith.constant 2 : i32
        %get3A_416 = arith.index_cast %get3A_415 : i32 to index
        %get3A_417 = arith.index_cast %add3A_414 : i32 to index
        %get3A_418 = tpu.vector_load %arg5[%get3A_416, %get3A_417] {strides = array<i32>} : memref<8x1408xf32, #tpu.memory_space<vmem>>, vector<16xf32>,
        tpu.vector_store_idx %arg7[%add3A_412], %get3A_418 : memref<11264xf32, #tpu.memory_space<vmem>>[vector<16xi32>], vector<16xf32>,
        %add3A_419 = arith.constant 128 : i32
        %add3A_420 = vector.broadcast %add3A_419 : i32 to vector<16xi32>
        %add3A_421 = arith.addi %add3A_412, %add3A_420 : vector<16xi32>
        %add3A_422 = arith.constant 96 : i32
        %add3A_423 = arith.addi %mul3A_224, %add3A_422 : i32
        %get3A_424 = arith.constant 2 : i32
        %get3A_425 = arith.index_cast %get3A_424 : i32 to index
        %get3A_426 = arith.index_cast %add3A_423 : i32 to index
        %get3A_427 = tpu.vector_load %arg5[%get3A_425, %get3A_426] {strides = array<i32>} : memref<8x1408xf32, #tpu.memory_space<vmem>>, vector<16xf32>,
        tpu.vector_store_idx %arg7[%add3A_421], %get3A_427 : memref<11264xf32, #tpu.memory_space<vmem>>[vector<16xi32>], vector<16xf32>,
        %add3A_428 = arith.constant 128 : i32
        %add3A_429 = vector.broadcast %add3A_428 : i32 to vector<16xi32>
        %add3A_430 = arith.addi %add3A_421, %add3A_429 : vector<16xi32>
        %add3A_431 = arith.constant 112 : i32
        %add3A_432 = arith.addi %mul3A_224, %add3A_431 : i32
        %get3A_433 = arith.constant 2 : i32
        %get3A_434 = arith.index_cast %get3A_433 : i32 to index
        %get3A_435 = arith.index_cast %add3A_432 : i32 to index
        %get3A_436 = tpu.vector_load %arg5[%get3A_434, %get3A_435] {strides = array<i32>} : memref<8x1408xf32, #tpu.memory_space<vmem>>, vector<16xf32>,
        tpu.vector_store_idx %arg7[%add3A_430], %get3A_436 : memref<11264xf32, #tpu.memory_space<vmem>>[vector<16xi32>], vector<16xf32>,
        %add3A_437 = arith.constant 128 : i32
        %add3A_438 = vector.broadcast %add3A_437 : i32 to vector<16xi32>
        %add3A_439 = arith.addi %add3A_430, %add3A_438 : vector<16xi32>
        %add3A_440 = arith.constant 0 : i32
        %add3A_441 = arith.addi %mul3A_224, %add3A_440 : i32
        %get3A_442 = arith.constant 3 : i32
        %get3A_443 = arith.index_cast %get3A_442 : i32 to index
        %get3A_444 = arith.index_cast %add3A_441 : i32 to index
        %get3A_445 = tpu.vector_load %arg5[%get3A_443, %get3A_444] {strides = array<i32>} : memref<8x1408xf32, #tpu.memory_space<vmem>>, vector<16xf32>,
        tpu.vector_store_idx %arg7[%scan3A_218], %get3A_445 : memref<11264xf32, #tpu.memory_space<vmem>>[vector<16xi32>], vector<16xf32>,
        %add3A_446 = arith.constant 128 : i32
        %add3A_447 = vector.broadcast %add3A_446 : i32 to vector<16xi32>
        %add3A_448 = arith.addi %scan3A_218, %add3A_447 : vector<16xi32>
        %add3A_449 = arith.constant 16 : i32
        %add3A_450 = arith.addi %mul3A_224, %add3A_449 : i32
        %get3A_451 = arith.constant 3 : i32
        %get3A_452 = arith.index_cast %get3A_451 : i32 to index
        %get3A_453 = arith.index_cast %add3A_450 : i32 to index
        %get3A_454 = tpu.vector_load %arg5[%get3A_452, %get3A_453] {strides = array<i32>} : memref<8x1408xf32, #tpu.memory_space<vmem>>, vector<16xf32>,
        tpu.vector_store_idx %arg7[%add3A_448], %get3A_454 : memref<11264xf32, #tpu.memory_space<vmem>>[vector<16xi32>], vector<16xf32>,
        %add3A_455 = arith.constant 128 : i32
        %add3A_456 = vector.broadcast %add3A_455 : i32 to vector<16xi32>
        %add3A_457 = arith.addi %add3A_448, %add3A_456 : vector<16xi32>
        %add3A_458 = arith.constant 32 : i32
        %add3A_459 = arith.addi %mul3A_224, %add3A_458 : i32
        %get3A_460 = arith.constant 3 : i32
        %get3A_461 = arith.index_cast %get3A_460 : i32 to index
        %get3A_462 = arith.index_cast %add3A_459 : i32 to index
        %get3A_463 = tpu.vector_load %arg5[%get3A_461, %get3A_462] {strides = array<i32>} : memref<8x1408xf32, #tpu.memory_space<vmem>>, vector<16xf32>,
        tpu.vector_store_idx %arg7[%add3A_457], %get3A_463 : memref<11264xf32, #tpu.memory_space<vmem>>[vector<16xi32>], vector<16xf32>,
        %add3A_464 = arith.constant 128 : i32
        %add3A_465 = vector.broadcast %add3A_464 : i32 to vector<16xi32>
        %add3A_466 = arith.addi %add3A_457, %add3A_465 : vector<16xi32>
        %add3A_467 = arith.constant 48 : i32
        %add3A_468 = arith.addi %mul3A_224, %add3A_467 : i32
        %get3A_469 = arith.constant 3 : i32
        %get3A_470 = arith.index_cast %get3A_469 : i32 to index
        %get3A_471 = arith.index_cast %add3A_468 : i32 to index
        %get3A_472 = tpu.vector_load %arg5[%get3A_470, %get3A_471] {strides = array<i32>} : memref<8x1408xf32, #tpu.memory_space<vmem>>, vector<16xf32>,
        tpu.vector_store_idx %arg7[%add3A_466], %get3A_472 : memref<11264xf32, #tpu.memory_space<vmem>>[vector<16xi32>], vector<16xf32>,
        %add3A_473 = arith.constant 128 : i32
        %add3A_474 = vector.broadcast %add3A_473 : i32 to vector<16xi32>
        %add3A_475 = arith.addi %add3A_466, %add3A_474 : vector<16xi32>
        %add3A_476 = arith.constant 64 : i32
        %add3A_477 = arith.addi %mul3A_224, %add3A_476 : i32
        %get3A_478 = arith.constant 3 : i32
        %get3A_479 = arith.index_cast %get3A_478 : i32 to index
        %get3A_480 = arith.index_cast %add3A_477 : i32 to index
        %get3A_481 = tpu.vector_load %arg5[%get3A_479, %get3A_480] {strides = array<i32>} : memref<8x1408xf32, #tpu.memory_space<vmem>>, vector<16xf32>,
        tpu.vector_store_idx %arg7[%add3A_475], %get3A_481 : memref<11264xf32, #tpu.memory_space<vmem>>[vector<16xi32>], vector<16xf32>,
        %add3A_482 = arith.constant 128 : i32
        %add3A_483 = vector.broadcast %add3A_482 : i32 to vector<16xi32>
        %add3A_484 = arith.addi %add3A_475, %add3A_483 : vector<16xi32>
        %add3A_485 = arith.constant 80 : i32
        %add3A_486 = arith.addi %mul3A_224, %add3A_485 : i32
        %get3A_487 = arith.constant 3 : i32
        %get3A_488 = arith.index_cast %get3A_487 : i32 to index
        %get3A_489 = arith.index_cast %add3A_486 : i32 to index
        %get3A_490 = tpu.vector_load %arg5[%get3A_488, %get3A_489] {strides = array<i32>} : memref<8x1408xf32, #tpu.memory_space<vmem>>, vector<16xf32>,
        tpu.vector_store_idx %arg7[%add3A_484], %get3A_490 : memref<11264xf32, #tpu.memory_space<vmem>>[vector<16xi32>], vector<16xf32>,
        %add3A_491 = arith.constant 128 : i32
        %add3A_492 = vector.broadcast %add3A_491 : i32 to vector<16xi32>
        %add3A_493 = arith.addi %add3A_484, %add3A_492 : vector<16xi32>
        %add3A_494 = arith.constant 96 : i32
        %add3A_495 = arith.addi %mul3A_224, %add3A_494 : i32
        %get3A_496 = arith.constant 3 : i32
        %get3A_497 = arith.index_cast %get3A_496 : i32 to index
        %get3A_498 = arith.index_cast %add3A_495 : i32 to index
        %get3A_499 = tpu.vector_load %arg5[%get3A_497, %get3A_498] {strides = array<i32>} : memref<8x1408xf32, #tpu.memory_space<vmem>>, vector<16xf32>,
        tpu.vector_store_idx %arg7[%add3A_493], %get3A_499 : memref<11264xf32, #tpu.memory_space<vmem>>[vector<16xi32>], vector<16xf32>,
        %add3A_500 = arith.constant 128 : i32
        %add3A_501 = vector.broadcast %add3A_500 : i32 to vector<16xi32>
        %add3A_502 = arith.addi %add3A_493, %add3A_501 : vector<16xi32>
        %add3A_503 = arith.constant 112 : i32
        %add3A_504 = arith.addi %mul3A_224, %add3A_503 : i32
        %get3A_505 = arith.constant 3 : i32
        %get3A_506 = arith.index_cast %get3A_505 : i32 to index
        %get3A_507 = arith.index_cast %add3A_504 : i32 to index
        %get3A_508 = tpu.vector_load %arg5[%get3A_506, %get3A_507] {strides = array<i32>} : memref<8x1408xf32, #tpu.memory_space<vmem>>, vector<16xf32>,
        tpu.vector_store_idx %arg7[%add3A_502], %get3A_508 : memref<11264xf32, #tpu.memory_space<vmem>>[vector<16xi32>], vector<16xf32>,
        %add3A_509 = arith.constant 128 : i32
        %add3A_510 = vector.broadcast %add3A_509 : i32 to vector<16xi32>
        %add3A_511 = arith.addi %add3A_502, %add3A_510 : vector<16xi32>
        %add3A_512 = arith.constant 0 : i32
        %add3A_513 = arith.addi %mul3A_224, %add3A_512 : i32
        %get3A_514 = arith.constant 4 : i32
        %get3A_515 = arith.index_cast %get3A_514 : i32 to index
        %get3A_516 = arith.index_cast %add3A_513 : i32 to index
        %get3A_517 = tpu.vector_load %arg5[%get3A_515, %get3A_516] {strides = array<i32>} : memref<8x1408xf32, #tpu.memory_space<vmem>>, vector<16xf32>,
        tpu.vector_store_idx %arg7[%scan3A_219], %get3A_517 : memref<11264xf32, #tpu.memory_space<vmem>>[vector<16xi32>], vector<16xf32>,
        %add3A_518 = arith.constant 128 : i32
        %add3A_519 = vector.broadcast %add3A_518 : i32 to vector<16xi32>
        %add3A_520 = arith.addi %scan3A_219, %add3A_519 : vector<16xi32>
        %add3A_521 = arith.constant 16 : i32
        %add3A_522 = arith.addi %mul3A_224, %add3A_521 : i32
        %get3A_523 = arith.constant 4 : i32
        %get3A_524 = arith.index_cast %get3A_523 : i32 to index
        %get3A_525 = arith.index_cast %add3A_522 : i32 to index
        %get3A_526 = tpu.vector_load %arg5[%get3A_524, %get3A_525] {strides = array<i32>} : memref<8x1408xf32, #tpu.memory_space<vmem>>, vector<16xf32>,
        tpu.vector_store_idx %arg7[%add3A_520], %get3A_526 : memref<11264xf32, #tpu.memory_space<vmem>>[vector<16xi32>], vector<16xf32>,
        %add3A_527 = arith.constant 128 : i32
        %add3A_528 = vector.broadcast %add3A_527 : i32 to vector<16xi32>
        %add3A_529 = arith.addi %add3A_520, %add3A_528 : vector<16xi32>
        %add3A_530 = arith.constant 32 : i32
        %add3A_531 = arith.addi %mul3A_224, %add3A_530 : i32
        %get3A_532 = arith.constant 4 : i32
        %get3A_533 = arith.index_cast %get3A_532 : i32 to index
        %get3A_534 = arith.index_cast %add3A_531 : i32 to index
        %get3A_535 = tpu.vector_load %arg5[%get3A_533, %get3A_534] {strides = array<i32>} : memref<8x1408xf32, #tpu.memory_space<vmem>>, vector<16xf32>,
        tpu.vector_store_idx %arg7[%add3A_529], %get3A_535 : memref<11264xf32, #tpu.memory_space<vmem>>[vector<16xi32>], vector<16xf32>,
        %add3A_536 = arith.constant 128 : i32
        %add3A_537 = vector.broadcast %add3A_536 : i32 to vector<16xi32>
        %add3A_538 = arith.addi %add3A_529, %add3A_537 : vector<16xi32>
        %add3A_539 = arith.constant 48 : i32
        %add3A_540 = arith.addi %mul3A_224, %add3A_539 : i32
        %get3A_541 = arith.constant 4 : i32
        %get3A_542 = arith.index_cast %get3A_541 : i32 to index
        %get3A_543 = arith.index_cast %add3A_540 : i32 to index
        %get3A_544 = tpu.vector_load %arg5[%get3A_542, %get3A_543] {strides = array<i32>} : memref<8x1408xf32, #tpu.memory_space<vmem>>, vector<16xf32>,
        tpu.vector_store_idx %arg7[%add3A_538], %get3A_544 : memref<11264xf32, #tpu.memory_space<vmem>>[vector<16xi32>], vector<16xf32>,
        %add3A_545 = arith.constant 128 : i32
        %add3A_546 = vector.broadcast %add3A_545 : i32 to vector<16xi32>
        %add3A_547 = arith.addi %add3A_538, %add3A_546 : vector<16xi32>
        %add3A_548 = arith.constant 64 : i32
        %add3A_549 = arith.addi %mul3A_224, %add3A_548 : i32
        %get3A_550 = arith.constant 4 : i32
        %get3A_551 = arith.index_cast %get3A_550 : i32 to index
        %get3A_552 = arith.index_cast %add3A_549 : i32 to index
        %get3A_553 = tpu.vector_load %arg5[%get3A_551, %get3A_552] {strides = array<i32>} : memref<8x1408xf32, #tpu.memory_space<vmem>>, vector<16xf32>,
        tpu.vector_store_idx %arg7[%add3A_547], %get3A_553 : memref<11264xf32, #tpu.memory_space<vmem>>[vector<16xi32>], vector<16xf32>,
        %add3A_554 = arith.constant 128 : i32
        %add3A_555 = vector.broadcast %add3A_554 : i32 to vector<16xi32>
        %add3A_556 = arith.addi %add3A_547, %add3A_555 : vector<16xi32>
        %add3A_557 = arith.constant 80 : i32
        %add3A_558 = arith.addi %mul3A_224, %add3A_557 : i32
        %get3A_559 = arith.constant 4 : i32
        %get3A_560 = arith.index_cast %get3A_559 : i32 to index
        %get3A_561 = arith.index_cast %add3A_558 : i32 to index
        %get3A_562 = tpu.vector_load %arg5[%get3A_560, %get3A_561] {strides = array<i32>} : memref<8x1408xf32, #tpu.memory_space<vmem>>, vector<16xf32>,
        tpu.vector_store_idx %arg7[%add3A_556], %get3A_562 : memref<11264xf32, #tpu.memory_space<vmem>>[vector<16xi32>], vector<16xf32>,
        %add3A_563 = arith.constant 128 : i32
        %add3A_564 = vector.broadcast %add3A_563 : i32 to vector<16xi32>
        %add3A_565 = arith.addi %add3A_556, %add3A_564 : vector<16xi32>
        %add3A_566 = arith.constant 96 : i32
        %add3A_567 = arith.addi %mul3A_224, %add3A_566 : i32
        %get3A_568 = arith.constant 4 : i32
        %get3A_569 = arith.index_cast %get3A_568 : i32 to index
        %get3A_570 = arith.index_cast %add3A_567 : i32 to index
        %get3A_571 = tpu.vector_load %arg5[%get3A_569, %get3A_570] {strides = array<i32>} : memref<8x1408xf32, #tpu.memory_space<vmem>>, vector<16xf32>,
        tpu.vector_store_idx %arg7[%add3A_565], %get3A_571 : memref<11264xf32, #tpu.memory_space<vmem>>[vector<16xi32>], vector<16xf32>,
        %add3A_572 = arith.constant 128 : i32
        %add3A_573 = vector.broadcast %add3A_572 : i32 to vector<16xi32>
        %add3A_574 = arith.addi %add3A_565, %add3A_573 : vector<16xi32>
        %add3A_575 = arith.constant 112 : i32
        %add3A_576 = arith.addi %mul3A_224, %add3A_575 : i32
        %get3A_577 = arith.constant 4 : i32
        %get3A_578 = arith.index_cast %get3A_577 : i32 to index
        %get3A_579 = arith.index_cast %add3A_576 : i32 to index
        %get3A_580 = tpu.vector_load %arg5[%get3A_578, %get3A_579] {strides = array<i32>} : memref<8x1408xf32, #tpu.memory_space<vmem>>, vector<16xf32>,
        tpu.vector_store_idx %arg7[%add3A_574], %get3A_580 : memref<11264xf32, #tpu.memory_space<vmem>>[vector<16xi32>], vector<16xf32>,
        %add3A_581 = arith.constant 128 : i32
        %add3A_582 = vector.broadcast %add3A_581 : i32 to vector<16xi32>
        %add3A_583 = arith.addi %add3A_574, %add3A_582 : vector<16xi32>
        %add3A_584 = arith.constant 0 : i32
        %add3A_585 = arith.addi %mul3A_224, %add3A_584 : i32
        %get3A_586 = arith.constant 5 : i32
        %get3A_587 = arith.index_cast %get3A_586 : i32 to index
        %get3A_588 = arith.index_cast %add3A_585 : i32 to index
        %get3A_589 = tpu.vector_load %arg5[%get3A_587, %get3A_588] {strides = array<i32>} : memref<8x1408xf32, #tpu.memory_space<vmem>>, vector<16xf32>,
        tpu.vector_store_idx %arg7[%scan3A_220], %get3A_589 : memref<11264xf32, #tpu.memory_space<vmem>>[vector<16xi32>], vector<16xf32>,
        %add3A_590 = arith.constant 128 : i32
        %add3A_591 = vector.broadcast %add3A_590 : i32 to vector<16xi32>
        %add3A_592 = arith.addi %scan3A_220, %add3A_591 : vector<16xi32>
        %add3A_593 = arith.constant 16 : i32
        %add3A_594 = arith.addi %mul3A_224, %add3A_593 : i32
        %get3A_595 = arith.constant 5 : i32
        %get3A_596 = arith.index_cast %get3A_595 : i32 to index
        %get3A_597 = arith.index_cast %add3A_594 : i32 to index
        %get3A_598 = tpu.vector_load %arg5[%get3A_596, %get3A_597] {strides = array<i32>} : memref<8x1408xf32, #tpu.memory_space<vmem>>, vector<16xf32>,
        tpu.vector_store_idx %arg7[%add3A_592], %get3A_598 : memref<11264xf32, #tpu.memory_space<vmem>>[vector<16xi32>], vector<16xf32>,
        %add3A_599 = arith.constant 128 : i32
        %add3A_600 = vector.broadcast %add3A_599 : i32 to vector<16xi32>
        %add3A_601 = arith.addi %add3A_592, %add3A_600 : vector<16xi32>
        %add3A_602 = arith.constant 32 : i32
        %add3A_603 = arith.addi %mul3A_224, %add3A_602 : i32
        %get3A_604 = arith.constant 5 : i32
        %get3A_605 = arith.index_cast %get3A_604 : i32 to index
        %get3A_606 = arith.index_cast %add3A_603 : i32 to index
        %get3A_607 = tpu.vector_load %arg5[%get3A_605, %get3A_606] {strides = array<i32>} : memref<8x1408xf32, #tpu.memory_space<vmem>>, vector<16xf32>,
        tpu.vector_store_idx %arg7[%add3A_601], %get3A_607 : memref<11264xf32, #tpu.memory_space<vmem>>[vector<16xi32>], vector<16xf32>,
        %add3A_608 = arith.constant 128 : i32
        %add3A_609 = vector.broadcast %add3A_608 : i32 to vector<16xi32>
        %add3A_610 = arith.addi %add3A_601, %add3A_609 : vector<16xi32>
        %add3A_611 = arith.constant 48 : i32
        %add3A_612 = arith.addi %mul3A_224, %add3A_611 : i32
        %get3A_613 = arith.constant 5 : i32
        %get3A_614 = arith.index_cast %get3A_613 : i32 to index
        %get3A_615 = arith.index_cast %add3A_612 : i32 to index
        %get3A_616 = tpu.vector_load %arg5[%get3A_614, %get3A_615] {strides = array<i32>} : memref<8x1408xf32, #tpu.memory_space<vmem>>, vector<16xf32>,
        tpu.vector_store_idx %arg7[%add3A_610], %get3A_616 : memref<11264xf32, #tpu.memory_space<vmem>>[vector<16xi32>], vector<16xf32>,
        %add3A_617 = arith.constant 128 : i32
        %add3A_618 = vector.broadcast %add3A_617 : i32 to vector<16xi32>
        %add3A_619 = arith.addi %add3A_610, %add3A_618 : vector<16xi32>
        %add3A_620 = arith.constant 64 : i32
        %add3A_621 = arith.addi %mul3A_224, %add3A_620 : i32
        %get3A_622 = arith.constant 5 : i32
        %get3A_623 = arith.index_cast %get3A_622 : i32 to index
        %get3A_624 = arith.index_cast %add3A_621 : i32 to index
        %get3A_625 = tpu.vector_load %arg5[%get3A_623, %get3A_624] {strides = array<i32>} : memref<8x1408xf32, #tpu.memory_space<vmem>>, vector<16xf32>,
        tpu.vector_store_idx %arg7[%add3A_619], %get3A_625 : memref<11264xf32, #tpu.memory_space<vmem>>[vector<16xi32>], vector<16xf32>,
        %add3A_626 = arith.constant 128 : i32
        %add3A_627 = vector.broadcast %add3A_626 : i32 to vector<16xi32>
        %add3A_628 = arith.addi %add3A_619, %add3A_627 : vector<16xi32>
        %add3A_629 = arith.constant 80 : i32
        %add3A_630 = arith.addi %mul3A_224, %add3A_629 : i32
        %get3A_631 = arith.constant 5 : i32
        %get3A_632 = arith.index_cast %get3A_631 : i32 to index
        %get3A_633 = arith.index_cast %add3A_630 : i32 to index
        %get3A_634 = tpu.vector_load %arg5[%get3A_632, %get3A_633] {strides = array<i32>} : memref<8x1408xf32, #tpu.memory_space<vmem>>, vector<16xf32>,
        tpu.vector_store_idx %arg7[%add3A_628], %get3A_634 : memref<11264xf32, #tpu.memory_space<vmem>>[vector<16xi32>], vector<16xf32>,
        %add3A_635 = arith.constant 128 : i32
        %add3A_636 = vector.broadcast %add3A_635 : i32 to vector<16xi32>
        %add3A_637 = arith.addi %add3A_628, %add3A_636 : vector<16xi32>
        %add3A_638 = arith.constant 96 : i32
        %add3A_639 = arith.addi %mul3A_224, %add3A_638 : i32
        %get3A_640 = arith.constant 5 : i32
        %get3A_641 = arith.index_cast %get3A_640 : i32 to index
        %get3A_642 = arith.index_cast %add3A_639 : i32 to index
        %get3A_643 = tpu.vector_load %arg5[%get3A_641, %get3A_642] {strides = array<i32>} : memref<8x1408xf32, #tpu.memory_space<vmem>>, vector<16xf32>,
        tpu.vector_store_idx %arg7[%add3A_637], %get3A_643 : memref<11264xf32, #tpu.memory_space<vmem>>[vector<16xi32>], vector<16xf32>,
        %add3A_644 = arith.constant 128 : i32
        %add3A_645 = vector.broadcast %add3A_644 : i32 to vector<16xi32>
        %add3A_646 = arith.addi %add3A_637, %add3A_645 : vector<16xi32>
        %add3A_647 = arith.constant 112 : i32
        %add3A_648 = arith.addi %mul3A_224, %add3A_647 : i32
        %get3A_649 = arith.constant 5 : i32
        %get3A_650 = arith.index_cast %get3A_649 : i32 to index
        %get3A_651 = arith.index_cast %add3A_648 : i32 to index
        %get3A_652 = tpu.vector_load %arg5[%get3A_650, %get3A_651] {strides = array<i32>} : memref<8x1408xf32, #tpu.memory_space<vmem>>, vector<16xf32>,
        tpu.vector_store_idx %arg7[%add3A_646], %get3A_652 : memref<11264xf32, #tpu.memory_space<vmem>>[vector<16xi32>], vector<16xf32>,
        %add3A_653 = arith.constant 128 : i32
        %add3A_654 = vector.broadcast %add3A_653 : i32 to vector<16xi32>
        %add3A_655 = arith.addi %add3A_646, %add3A_654 : vector<16xi32>
        %add3A_656 = arith.constant 0 : i32
        %add3A_657 = arith.addi %mul3A_224, %add3A_656 : i32
        %get3A_658 = arith.constant 6 : i32
        %get3A_659 = arith.index_cast %get3A_658 : i32 to index
        %get3A_660 = arith.index_cast %add3A_657 : i32 to index
        %get3A_661 = tpu.vector_load %arg5[%get3A_659, %get3A_660] {strides = array<i32>} : memref<8x1408xf32, #tpu.memory_space<vmem>>, vector<16xf32>,
        tpu.vector_store_idx %arg7[%scan3A_221], %get3A_661 : memref<11264xf32, #tpu.memory_space<vmem>>[vector<16xi32>], vector<16xf32>,
        %add3A_662 = arith.constant 128 : i32
        %add3A_663 = vector.broadcast %add3A_662 : i32 to vector<16xi32>
        %add3A_664 = arith.addi %scan3A_221, %add3A_663 : vector<16xi32>
        %add3A_665 = arith.constant 16 : i32
        %add3A_666 = arith.addi %mul3A_224, %add3A_665 : i32
        %get3A_667 = arith.constant 6 : i32
        %get3A_668 = arith.index_cast %get3A_667 : i32 to index
        %get3A_669 = arith.index_cast %add3A_666 : i32 to index
        %get3A_670 = tpu.vector_load %arg5[%get3A_668, %get3A_669] {strides = array<i32>} : memref<8x1408xf32, #tpu.memory_space<vmem>>, vector<16xf32>,
        tpu.vector_store_idx %arg7[%add3A_664], %get3A_670 : memref<11264xf32, #tpu.memory_space<vmem>>[vector<16xi32>], vector<16xf32>,
        %add3A_671 = arith.constant 128 : i32
        %add3A_672 = vector.broadcast %add3A_671 : i32 to vector<16xi32>
        %add3A_673 = arith.addi %add3A_664, %add3A_672 : vector<16xi32>
        %add3A_674 = arith.constant 32 : i32
        %add3A_675 = arith.addi %mul3A_224, %add3A_674 : i32
        %get3A_676 = arith.constant 6 : i32
        %get3A_677 = arith.index_cast %get3A_676 : i32 to index
        %get3A_678 = arith.index_cast %add3A_675 : i32 to index
        %get3A_679 = tpu.vector_load %arg5[%get3A_677, %get3A_678] {strides = array<i32>} : memref<8x1408xf32, #tpu.memory_space<vmem>>, vector<16xf32>,
        tpu.vector_store_idx %arg7[%add3A_673], %get3A_679 : memref<11264xf32, #tpu.memory_space<vmem>>[vector<16xi32>], vector<16xf32>,
        %add3A_680 = arith.constant 128 : i32
        %add3A_681 = vector.broadcast %add3A_680 : i32 to vector<16xi32>
        %add3A_682 = arith.addi %add3A_673, %add3A_681 : vector<16xi32>
        %add3A_683 = arith.constant 48 : i32
        %add3A_684 = arith.addi %mul3A_224, %add3A_683 : i32
        %get3A_685 = arith.constant 6 : i32
        %get3A_686 = arith.index_cast %get3A_685 : i32 to index
        %get3A_687 = arith.index_cast %add3A_684 : i32 to index
        %get3A_688 = tpu.vector_load %arg5[%get3A_686, %get3A_687] {strides = array<i32>} : memref<8x1408xf32, #tpu.memory_space<vmem>>, vector<16xf32>,
        tpu.vector_store_idx %arg7[%add3A_682], %get3A_688 : memref<11264xf32, #tpu.memory_space<vmem>>[vector<16xi32>], vector<16xf32>,
        %add3A_689 = arith.constant 128 : i32
        %add3A_690 = vector.broadcast %add3A_689 : i32 to vector<16xi32>
        %add3A_691 = arith.addi %add3A_682, %add3A_690 : vector<16xi32>
        %add3A_692 = arith.constant 64 : i32
        %add3A_693 = arith.addi %mul3A_224, %add3A_692 : i32
        %get3A_694 = arith.constant 6 : i32
        %get3A_695 = arith.index_cast %get3A_694 : i32 to index
        %get3A_696 = arith.index_cast %add3A_693 : i32 to index
        %get3A_697 = tpu.vector_load %arg5[%get3A_695, %get3A_696] {strides = array<i32>} : memref<8x1408xf32, #tpu.memory_space<vmem>>, vector<16xf32>,
        tpu.vector_store_idx %arg7[%add3A_691], %get3A_697 : memref<11264xf32, #tpu.memory_space<vmem>>[vector<16xi32>], vector<16xf32>,
        %add3A_698 = arith.constant 128 : i32
        %add3A_699 = vector.broadcast %add3A_698 : i32 to vector<16xi32>
        %add3A_700 = arith.addi %add3A_691, %add3A_699 : vector<16xi32>
        %add3A_701 = arith.constant 80 : i32
        %add3A_702 = arith.addi %mul3A_224, %add3A_701 : i32
        %get3A_703 = arith.constant 6 : i32
        %get3A_704 = arith.index_cast %get3A_703 : i32 to index
        %get3A_705 = arith.index_cast %add3A_702 : i32 to index
        %get3A_706 = tpu.vector_load %arg5[%get3A_704, %get3A_705] {strides = array<i32>} : memref<8x1408xf32, #tpu.memory_space<vmem>>, vector<16xf32>,
        tpu.vector_store_idx %arg7[%add3A_700], %get3A_706 : memref<11264xf32, #tpu.memory_space<vmem>>[vector<16xi32>], vector<16xf32>,
        %add3A_707 = arith.constant 128 : i32
        %add3A_708 = vector.broadcast %add3A_707 : i32 to vector<16xi32>
        %add3A_709 = arith.addi %add3A_700, %add3A_708 : vector<16xi32>
        %add3A_710 = arith.constant 96 : i32
        %add3A_711 = arith.addi %mul3A_224, %add3A_710 : i32
        %get3A_712 = arith.constant 6 : i32
        %get3A_713 = arith.index_cast %get3A_712 : i32 to index
        %get3A_714 = arith.index_cast %add3A_711 : i32 to index
        %get3A_715 = tpu.vector_load %arg5[%get3A_713, %get3A_714] {strides = array<i32>} : memref<8x1408xf32, #tpu.memory_space<vmem>>, vector<16xf32>,
        tpu.vector_store_idx %arg7[%add3A_709], %get3A_715 : memref<11264xf32, #tpu.memory_space<vmem>>[vector<16xi32>], vector<16xf32>,
        %add3A_716 = arith.constant 128 : i32
        %add3A_717 = vector.broadcast %add3A_716 : i32 to vector<16xi32>
        %add3A_718 = arith.addi %add3A_709, %add3A_717 : vector<16xi32>
        %add3A_719 = arith.constant 112 : i32
        %add3A_720 = arith.addi %mul3A_224, %add3A_719 : i32
        %get3A_721 = arith.constant 6 : i32
        %get3A_722 = arith.index_cast %get3A_721 : i32 to index
        %get3A_723 = arith.index_cast %add3A_720 : i32 to index
        %get3A_724 = tpu.vector_load %arg5[%get3A_722, %get3A_723] {strides = array<i32>} : memref<8x1408xf32, #tpu.memory_space<vmem>>, vector<16xf32>,
        tpu.vector_store_idx %arg7[%add3A_718], %get3A_724 : memref<11264xf32, #tpu.memory_space<vmem>>[vector<16xi32>], vector<16xf32>,
        %add3A_725 = arith.constant 128 : i32
        %add3A_726 = vector.broadcast %add3A_725 : i32 to vector<16xi32>
        %add3A_727 = arith.addi %add3A_718, %add3A_726 : vector<16xi32>
        %add3A_728 = arith.constant 0 : i32
        %add3A_729 = arith.addi %mul3A_224, %add3A_728 : i32
        %get3A_730 = arith.constant 7 : i32
        %get3A_731 = arith.index_cast %get3A_730 : i32 to index
        %get3A_732 = arith.index_cast %add3A_729 : i32 to index
        %get3A_733 = tpu.vector_load %arg5[%get3A_731, %get3A_732] {strides = array<i32>} : memref<8x1408xf32, #tpu.memory_space<vmem>>, vector<16xf32>,
        tpu.vector_store_idx %arg7[%scan3A_222], %get3A_733 : memref<11264xf32, #tpu.memory_space<vmem>>[vector<16xi32>], vector<16xf32>,
        %add3A_734 = arith.constant 128 : i32
        %add3A_735 = vector.broadcast %add3A_734 : i32 to vector<16xi32>
        %add3A_736 = arith.addi %scan3A_222, %add3A_735 : vector<16xi32>
        %add3A_737 = arith.constant 16 : i32
        %add3A_738 = arith.addi %mul3A_224, %add3A_737 : i32
        %get3A_739 = arith.constant 7 : i32
        %get3A_740 = arith.index_cast %get3A_739 : i32 to index
        %get3A_741 = arith.index_cast %add3A_738 : i32 to index
        %get3A_742 = tpu.vector_load %arg5[%get3A_740, %get3A_741] {strides = array<i32>} : memref<8x1408xf32, #tpu.memory_space<vmem>>, vector<16xf32>,
        tpu.vector_store_idx %arg7[%add3A_736], %get3A_742 : memref<11264xf32, #tpu.memory_space<vmem>>[vector<16xi32>], vector<16xf32>,
        %add3A_743 = arith.constant 128 : i32
        %add3A_744 = vector.broadcast %add3A_743 : i32 to vector<16xi32>
        %add3A_745 = arith.addi %add3A_736, %add3A_744 : vector<16xi32>
        %add3A_746 = arith.constant 32 : i32
        %add3A_747 = arith.addi %mul3A_224, %add3A_746 : i32
        %get3A_748 = arith.constant 7 : i32
        %get3A_749 = arith.index_cast %get3A_748 : i32 to index
        %get3A_750 = arith.index_cast %add3A_747 : i32 to index
        %get3A_751 = tpu.vector_load %arg5[%get3A_749, %get3A_750] {strides = array<i32>} : memref<8x1408xf32, #tpu.memory_space<vmem>>, vector<16xf32>,
        tpu.vector_store_idx %arg7[%add3A_745], %get3A_751 : memref<11264xf32, #tpu.memory_space<vmem>>[vector<16xi32>], vector<16xf32>,
        %add3A_752 = arith.constant 128 : i32
        %add3A_753 = vector.broadcast %add3A_752 : i32 to vector<16xi32>
        %add3A_754 = arith.addi %add3A_745, %add3A_753 : vector<16xi32>
        %add3A_755 = arith.constant 48 : i32
        %add3A_756 = arith.addi %mul3A_224, %add3A_755 : i32
        %get3A_757 = arith.constant 7 : i32
        %get3A_758 = arith.index_cast %get3A_757 : i32 to index
        %get3A_759 = arith.index_cast %add3A_756 : i32 to index
        %get3A_760 = tpu.vector_load %arg5[%get3A_758, %get3A_759] {strides = array<i32>} : memref<8x1408xf32, #tpu.memory_space<vmem>>, vector<16xf32>,
        tpu.vector_store_idx %arg7[%add3A_754], %get3A_760 : memref<11264xf32, #tpu.memory_space<vmem>>[vector<16xi32>], vector<16xf32>,
        %add3A_761 = arith.constant 128 : i32
        %add3A_762 = vector.broadcast %add3A_761 : i32 to vector<16xi32>
        %add3A_763 = arith.addi %add3A_754, %add3A_762 : vector<16xi32>
        %add3A_764 = arith.constant 64 : i32
        %add3A_765 = arith.addi %mul3A_224, %add3A_764 : i32
        %get3A_766 = arith.constant 7 : i32
        %get3A_767 = arith.index_cast %get3A_766 : i32 to index
        %get3A_768 = arith.index_cast %add3A_765 : i32 to index
        %get3A_769 = tpu.vector_load %arg5[%get3A_767, %get3A_768] {strides = array<i32>} : memref<8x1408xf32, #tpu.memory_space<vmem>>, vector<16xf32>,
        tpu.vector_store_idx %arg7[%add3A_763], %get3A_769 : memref<11264xf32, #tpu.memory_space<vmem>>[vector<16xi32>], vector<16xf32>,
        %add3A_770 = arith.constant 128 : i32
        %add3A_771 = vector.broadcast %add3A_770 : i32 to vector<16xi32>
        %add3A_772 = arith.addi %add3A_763, %add3A_771 : vector<16xi32>
        %add3A_773 = arith.constant 80 : i32
        %add3A_774 = arith.addi %mul3A_224, %add3A_773 : i32
        %get3A_775 = arith.constant 7 : i32
        %get3A_776 = arith.index_cast %get3A_775 : i32 to index
        %get3A_777 = arith.index_cast %add3A_774 : i32 to index
        %get3A_778 = tpu.vector_load %arg5[%get3A_776, %get3A_777] {strides = array<i32>} : memref<8x1408xf32, #tpu.memory_space<vmem>>, vector<16xf32>,
        tpu.vector_store_idx %arg7[%add3A_772], %get3A_778 : memref<11264xf32, #tpu.memory_space<vmem>>[vector<16xi32>], vector<16xf32>,
        %add3A_779 = arith.constant 128 : i32
        %add3A_780 = vector.broadcast %add3A_779 : i32 to vector<16xi32>
        %add3A_781 = arith.addi %add3A_772, %add3A_780 : vector<16xi32>
        %add3A_782 = arith.constant 96 : i32
        %add3A_783 = arith.addi %mul3A_224, %add3A_782 : i32
        %get3A_784 = arith.constant 7 : i32
        %get3A_785 = arith.index_cast %get3A_784 : i32 to index
        %get3A_786 = arith.index_cast %add3A_783 : i32 to index
        %get3A_787 = tpu.vector_load %arg5[%get3A_785, %get3A_786] {strides = array<i32>} : memref<8x1408xf32, #tpu.memory_space<vmem>>, vector<16xf32>,
        tpu.vector_store_idx %arg7[%add3A_781], %get3A_787 : memref<11264xf32, #tpu.memory_space<vmem>>[vector<16xi32>], vector<16xf32>,
        %add3A_788 = arith.constant 128 : i32
        %add3A_789 = vector.broadcast %add3A_788 : i32 to vector<16xi32>
        %add3A_790 = arith.addi %add3A_781, %add3A_789 : vector<16xi32>
        %add3A_791 = arith.constant 112 : i32
        %add3A_792 = arith.addi %mul3A_224, %add3A_791 : i32
        %get3A_793 = arith.constant 7 : i32
        %get3A_794 = arith.index_cast %get3A_793 : i32 to index
        %get3A_795 = arith.index_cast %add3A_792 : i32 to index
        %get3A_796 = tpu.vector_load %arg5[%get3A_794, %get3A_795] {strides = array<i32>} : memref<8x1408xf32, #tpu.memory_space<vmem>>, vector<16xf32>,
        tpu.vector_store_idx %arg7[%add3A_790], %get3A_796 : memref<11264xf32, #tpu.memory_space<vmem>>[vector<16xi32>], vector<16xf32>,
        %add3A_797 = arith.constant 128 : i32
        %add3A_798 = vector.broadcast %add3A_797 : i32 to vector<16xi32>
        %add3A_799 = arith.addi %add3A_790, %add3A_798 : vector<16xi32>
        scf.yield %add3A_295, %add3A_367, %add3A_439, %add3A_511, %add3A_583, %add3A_655, %add3A_727, %add3A_799 : vector<16xi32>, vector<16xi32>, vector<16xi32>, vector<16xi32>, vector<16xi32>, vector<16xi32>, vector<16xi32>, vector<16xi32>
      }
      %scan3A_180 = arith.constant 11 : i32
      %mul3A_181 = arith.constant 32 : i32
      %mul3A_182 = arith.muli %mul3A_181, %add3A_135 : i32
      %add3A_183 = arith.addi %add3A, %mul3A_182 : i32
      %min3A_184 = arith.constant 1845 : i32
      %min3A_185 = arith.minsi %add3A_183, %min3A_184 : i32
      %div3A_186 = arith.constant 71 : i32
      %div3A_187 = arith.divsi %min3A_185, %div3A_186 : i32
      %rem3A_188 = arith.constant 71 : i32
      %rem3A_189 = arith.remsi %min3A_185, %rem3A_188 : i32
      %mul3A_190 = arith.constant 800000 : i32
      %mul3A_191 = arith.muli %div3A_187, %mul3A_190 : i32
      %mul3A_192 = arith.constant 11264 : i32
      %mul3A_193 = arith.muli %rem3A_189, %mul3A_192 : i32
      %add3A_194 = arith.addi %mul3A_191, %mul3A_193 : i32
      %dma_start3A_195 = tpu.memref_slice %arg3[%add3A_194] : memref<20800000xf32, #tpu.memory_space<hbm>> -> memref<11264xf32, #tpu.memory_space<hbm>>
      %dma_start3A_196 = tpu.memref_slice %arg3[%add3A_194] : memref<20800000xf32, #tpu.memory_space<hbm>> -> memref<11264xf32, #tpu.memory_space<hbm>>
      tpu.enqueue_dma source(%arg7 : memref<11264xf32, #tpu.memory_space<vmem>>) target(%dma_start3A_196 : memref<11264xf32, #tpu.memory_space<hbm>>) target_semaphore(%arg13 : memref<!tpu.dma_semaphore, #tpu.memory_space<semaphore_mem>>)
      %add3A_197 = arith.constant 2 : i32
      %add3A_198 = arith.addi %add3A_135, %add3A_197 : i32
      %mul3A_199 = arith.constant 32 : i32
      %mul3A_200 = arith.muli %mul3A_199, %add3A_198 : i32
      %add3A_201 = arith.addi %add3A, %mul3A_200 : i32
      %min3A_202 = arith.constant 1845 : i32
      %min3A_203 = arith.minsi %add3A_201, %min3A_202 : i32
      %div3A_204 = arith.constant 71 : i32
      %div3A_205 = arith.divsi %min3A_203, %div3A_204 : i32
      %rem3A_206 = arith.constant 71 : i32
      %rem3A_207 = arith.remsi %min3A_203, %rem3A_206 : i32
      %mul3A_208 = arith.constant 8 : i32
      %mul3A_209 = arith.muli %div3A_205, %mul3A_208 : i32
      %mul3A_210 = arith.constant 1408 : i32
      %mul3A_211 = arith.muli %rem3A_207, %mul3A_210 : i32
      %dma_start3A_212 = tpu.memref_slice %arg2[%mul3A_209, %mul3A_211] : memref<208x100000xf32, #tpu.memory_space<hbm>> -> memref<8x1408xf32, #tpu.memory_space<hbm>>
      %dma_start3A_213 = tpu.memref_slice %arg2[%mul3A_209, %mul3A_211] : memref<208x100000xf32, #tpu.memory_space<hbm>> -> memref<8x1408xf32, #tpu.memory_space<hbm>>
      tpu.enqueue_dma source(%dma_start3A_213 : memref<8x1408xf32, #tpu.memory_space<hbm>>) target(%arg5 : memref<8x1408xf32, #tpu.memory_space<vmem>>) target_semaphore(%arg11 : memref<!tpu.dma_semaphore, #tpu.memory_space<semaphore_mem>>)
    }
    %scan3A_29 = arith.constant 29 : i32
    %dma_wait3A = arith.constant 0 : i32
    %dma_wait3A_30 = arith.constant 0 : i32
    %dma_wait3A_31 = tpu.memref_slice %arg2[%dma_wait3A, %dma_wait3A_30] : memref<208x100000xf32, #tpu.memory_space<hbm>> -> memref<8x1408xf32, #tpu.memory_space<hbm>>
    %dma_wait3A_32 = arith.constant 0 : i32
    %dma_wait3A_33 = arith.constant 0 : i32
    %dma_wait3A_34 = tpu.memref_slice %arg2[%dma_wait3A_32, %dma_wait3A_33] : memref<208x100000xf32, #tpu.memory_space<hbm>> -> memref<8x1408xf32, #tpu.memory_space<hbm>>
    tpu.wait_dma2 semaphore(%arg10 : memref<!tpu.dma_semaphore, #tpu.memory_space<semaphore_mem>>) src(%dma_wait3A_34 : memref<8x1408xf32, #tpu.memory_space<hbm>>) dst(%arg4 : memref<8x1408xf32, #tpu.memory_space<vmem>>)
    %dma_wait3A_35 = arith.constant 0 : i32
    %dma_wait3A_36 = tpu.memref_slice %arg3[%dma_wait3A_35] : memref<20800000xf32, #tpu.memory_space<hbm>> -> memref<11264xf32, #tpu.memory_space<hbm>>
    %dma_wait3A_37 = arith.constant 0 : i32
    %dma_wait3A_38 = tpu.memref_slice %arg3[%dma_wait3A_37] : memref<20800000xf32, #tpu.memory_space<hbm>> -> memref<11264xf32, #tpu.memory_space<hbm>>
    tpu.wait_dma2 semaphore(%arg12 : memref<!tpu.dma_semaphore, #tpu.memory_space<semaphore_mem>>) src(%arg6 : memref<11264xf32, #tpu.memory_space<vmem>>) dst(%dma_wait3A_38 : memref<11264xf32, #tpu.memory_space<hbm>>)
    %dma_wait3A_39 = arith.constant 0 : i32
    %dma_wait3A_40 = arith.constant 0 : i32
    %dma_wait3A_41 = tpu.memref_slice %arg2[%dma_wait3A_39, %dma_wait3A_40] : memref<208x100000xf32, #tpu.memory_space<hbm>> -> memref<8x1408xf32, #tpu.memory_space<hbm>>
    %dma_wait3A_42 = arith.constant 0 : i32
    %dma_wait3A_43 = arith.constant 0 : i32
    %dma_wait3A_44 = tpu.memref_slice %arg2[%dma_wait3A_42, %dma_wait3A_43] : memref<208x100000xf32, #tpu.memory_space<hbm>> -> memref<8x1408xf32, #tpu.memory_space<hbm>>
    tpu.wait_dma2 semaphore(%arg11 : memref<!tpu.dma_semaphore, #tpu.memory_space<semaphore_mem>>) src(%dma_wait3A_44 : memref<8x1408xf32, #tpu.memory_space<hbm>>) dst(%arg5 : memref<8x1408xf32, #tpu.memory_space<vmem>>)
    %dma_wait3A_45 = arith.constant 0 : i32
    %dma_wait3A_46 = tpu.memref_slice %arg3[%dma_wait3A_45] : memref<20800000xf32, #tpu.memory_space<hbm>> -> memref<11264xf32, #tpu.memory_space<hbm>>
    %dma_wait3A_47 = arith.constant 0 : i32
    %dma_wait3A_48 = tpu.memref_slice %arg3[%dma_wait3A_47] : memref<20800000xf32, #tpu.memory_space<hbm>> -> memref<11264xf32, #tpu.memory_space<hbm>>
    tpu.wait_dma2 semaphore(%arg13 : memref<!tpu.dma_semaphore, #tpu.memory_space<semaphore_mem>>) src(%arg7 : memref<11264xf32, #tpu.memory_space<vmem>>) dst(%dma_wait3A_48 : memref<11264xf32, #tpu.memory_space<hbm>>)
    %lt3A = arith.constant 26 : i32
    %lt3A_49 = arith.cmpi slt, %add3A, %lt3A : i32
    %convert_element_type3A = arith.extui %lt3A_49 : i1 to i32
    %cond3A = arith.constant 0 : i32
    %cond3A_50 = arith.cmpi ne, %convert_element_type3A, %cond3A : i32
    scf.if %cond3A_50 {
      %mul3A_51 = arith.constant 8 : i32
      %mul3A_52 = arith.muli %add3A, %mul3A_51 : i32
      "tpu.region"() ({
        %run_scoped3A = tpu.sem_alloc : memref<!tpu.dma_semaphore, #tpu.memory_space<semaphore_mem>>
        %dma_start3A_171 = arith.constant 99968 : i32
        %dma_start3A_172 = tpu.memref_slice %arg2[%mul3A_52, %dma_start3A_171] : memref<208x100000xf32, #tpu.memory_space<hbm>> -> memref<8x32xf32, #tpu.memory_space<hbm>>
        %dma_start3A_173 = arith.constant 99968 : i32
        %dma_start3A_174 = tpu.memref_slice %arg2[%mul3A_52, %dma_start3A_173] : memref<208x100000xf32, #tpu.memory_space<hbm>> -> memref<8x32xf32, #tpu.memory_space<hbm>>
        tpu.enqueue_dma source(%dma_start3A_174 : memref<8x32xf32, #tpu.memory_space<hbm>>) target(%arg8 : memref<8x32xf32, #tpu.memory_space<vmem>>) target_semaphore(%run_scoped3A : memref<!tpu.dma_semaphore, #tpu.memory_space<semaphore_mem>>)
        %dma_wait3A_175 = arith.constant 99968 : i32
        %dma_wait3A_176 = tpu.memref_slice %arg2[%mul3A_52, %dma_wait3A_175] : memref<208x100000xf32, #tpu.memory_space<hbm>> -> memref<8x32xf32, #tpu.memory_space<hbm>>
        %dma_wait3A_177 = arith.constant 99968 : i32
        %dma_wait3A_178 = tpu.memref_slice %arg2[%mul3A_52, %dma_wait3A_177] : memref<208x100000xf32, #tpu.memory_space<hbm>> -> memref<8x32xf32, #tpu.memory_space<hbm>>
        tpu.wait_dma2 semaphore(%run_scoped3A : memref<!tpu.dma_semaphore, #tpu.memory_space<semaphore_mem>>) src(%dma_wait3A_178 : memref<8x32xf32, #tpu.memory_space<hbm>>) dst(%arg8 : memref<8x32xf32, #tpu.memory_space<vmem>>)
        tpu.yield
      }) : () -> ()
      %iota3A = tpu.iota {dimensions = array<i32: 0>} : vector<16xi32>
      %mul3A_53 = arith.constant 8 : i32
      %mul3A_54 = vector.broadcast %mul3A_53 : i32 to vector<16xi32>
      %mul3A_55 = arith.muli %iota3A, %mul3A_54 : vector<16xi32>
      %get3A = arith.constant 0 : i32
      %get3A_56 = arith.index_cast %get3A : i32 to index
      %get3A_57 = arith.constant 0 : index
      %get3A_58 = tpu.vector_load %arg8[%get3A_56, %get3A_57] {strides = array<i32>} : memref<8x32xf32, #tpu.memory_space<vmem>>, vector<16xf32>,
      %add3A_59 = arith.constant 0 : i32
      %add3A_60 = vector.broadcast %add3A_59 : i32 to vector<16xi32>
      %add3A_61 = arith.addi %add3A_60, %mul3A_55 : vector<16xi32>
      tpu.vector_store_idx %arg9[%add3A_61], %get3A_58 : memref<256xf32, #tpu.memory_space<vmem>>[vector<16xi32>], vector<16xf32>,
      %get3A_62 = arith.constant 0 : i32
      %get3A_63 = arith.index_cast %get3A_62 : i32 to index
      %get3A_64 = arith.constant 16 : index
      %get3A_65 = tpu.vector_load %arg8[%get3A_63, %get3A_64] {strides = array<i32>} : memref<8x32xf32, #tpu.memory_space<vmem>>, vector<16xf32>,
      %add3A_66 = arith.constant 128 : i32
      %add3A_67 = vector.broadcast %add3A_66 : i32 to vector<16xi32>
      %add3A_68 = arith.addi %add3A_67, %mul3A_55 : vector<16xi32>
      tpu.vector_store_idx %arg9[%add3A_68], %get3A_65 : memref<256xf32, #tpu.memory_space<vmem>>[vector<16xi32>], vector<16xf32>,
      %get3A_69 = arith.constant 1 : i32
      %get3A_70 = arith.index_cast %get3A_69 : i32 to index
      %get3A_71 = arith.constant 0 : index
      %get3A_72 = tpu.vector_load %arg8[%get3A_70, %get3A_71] {strides = array<i32>} : memref<8x32xf32, #tpu.memory_space<vmem>>, vector<16xf32>,
      %add3A_73 = arith.constant 1 : i32
      %add3A_74 = vector.broadcast %add3A_73 : i32 to vector<16xi32>
      %add3A_75 = arith.addi %add3A_74, %mul3A_55 : vector<16xi32>
      tpu.vector_store_idx %arg9[%add3A_75], %get3A_72 : memref<256xf32, #tpu.memory_space<vmem>>[vector<16xi32>], vector<16xf32>,
      %get3A_76 = arith.constant 1 : i32
      %get3A_77 = arith.index_cast %get3A_76 : i32 to index
      %get3A_78 = arith.constant 16 : index
      %get3A_79 = tpu.vector_load %arg8[%get3A_77, %get3A_78] {strides = array<i32>} : memref<8x32xf32, #tpu.memory_space<vmem>>, vector<16xf32>,
      %add3A_80 = arith.constant 129 : i32
      %add3A_81 = vector.broadcast %add3A_80 : i32 to vector<16xi32>
      %add3A_82 = arith.addi %add3A_81, %mul3A_55 : vector<16xi32>
      tpu.vector_store_idx %arg9[%add3A_82], %get3A_79 : memref<256xf32, #tpu.memory_space<vmem>>[vector<16xi32>], vector<16xf32>,
      %get3A_83 = arith.constant 2 : i32
      %get3A_84 = arith.index_cast %get3A_83 : i32 to index
      %get3A_85 = arith.constant 0 : index
      %get3A_86 = tpu.vector_load %arg8[%get3A_84, %get3A_85] {strides = array<i32>} : memref<8x32xf32, #tpu.memory_space<vmem>>, vector<16xf32>,
      %add3A_87 = arith.constant 2 : i32
      %add3A_88 = vector.broadcast %add3A_87 : i32 to vector<16xi32>
      %add3A_89 = arith.addi %add3A_88, %mul3A_55 : vector<16xi32>
      tpu.vector_store_idx %arg9[%add3A_89], %get3A_86 : memref<256xf32, #tpu.memory_space<vmem>>[vector<16xi32>], vector<16xf32>,
      %get3A_90 = arith.constant 2 : i32
      %get3A_91 = arith.index_cast %get3A_90 : i32 to index
      %get3A_92 = arith.constant 16 : index
      %get3A_93 = tpu.vector_load %arg8[%get3A_91, %get3A_92] {strides = array<i32>} : memref<8x32xf32, #tpu.memory_space<vmem>>, vector<16xf32>,
      %add3A_94 = arith.constant 130 : i32
      %add3A_95 = vector.broadcast %add3A_94 : i32 to vector<16xi32>
      %add3A_96 = arith.addi %add3A_95, %mul3A_55 : vector<16xi32>
      tpu.vector_store_idx %arg9[%add3A_96], %get3A_93 : memref<256xf32, #tpu.memory_space<vmem>>[vector<16xi32>], vector<16xf32>,
      %get3A_97 = arith.constant 3 : i32
      %get3A_98 = arith.index_cast %get3A_97 : i32 to index
      %get3A_99 = arith.constant 0 : index
      %get3A_100 = tpu.vector_load %arg8[%get3A_98, %get3A_99] {strides = array<i32>} : memref<8x32xf32, #tpu.memory_space<vmem>>, vector<16xf32>,
      %add3A_101 = arith.constant 3 : i32
      %add3A_102 = vector.broadcast %add3A_101 : i32 to vector<16xi32>
      %add3A_103 = arith.addi %add3A_102, %mul3A_55 : vector<16xi32>
      tpu.vector_store_idx %arg9[%add3A_103], %get3A_100 : memref<256xf32, #tpu.memory_space<vmem>>[vector<16xi32>], vector<16xf32>,
      %get3A_104 = arith.constant 3 : i32
      %get3A_105 = arith.index_cast %get3A_104 : i32 to index
      %get3A_106 = arith.constant 16 : index
      %get3A_107 = tpu.vector_load %arg8[%get3A_105, %get3A_106] {strides = array<i32>} : memref<8x32xf32, #tpu.memory_space<vmem>>, vector<16xf32>,
      %add3A_108 = arith.constant 131 : i32
      %add3A_109 = vector.broadcast %add3A_108 : i32 to vector<16xi32>
      %add3A_110 = arith.addi %add3A_109, %mul3A_55 : vector<16xi32>
      tpu.vector_store_idx %arg9[%add3A_110], %get3A_107 : memref<256xf32, #tpu.memory_space<vmem>>[vector<16xi32>], vector<16xf32>,
      %get3A_111 = arith.constant 4 : i32
      %get3A_112 = arith.index_cast %get3A_111 : i32 to index
      %get3A_113 = arith.constant 0 : index
      %get3A_114 = tpu.vector_load %arg8[%get3A_112, %get3A_113] {strides = array<i32>} : memref<8x32xf32, #tpu.memory_space<vmem>>, vector<16xf32>,
      %add3A_115 = arith.constant 4 : i32
      %add3A_116 = vector.broadcast %add3A_115 : i32 to vector<16xi32>
      %add3A_117 = arith.addi %add3A_116, %mul3A_55 : vector<16xi32>
      tpu.vector_store_idx %arg9[%add3A_117], %get3A_114 : memref<256xf32, #tpu.memory_space<vmem>>[vector<16xi32>], vector<16xf32>,
      %get3A_118 = arith.constant 4 : i32
      %get3A_119 = arith.index_cast %get3A_118 : i32 to index
      %get3A_120 = arith.constant 16 : index
      %get3A_121 = tpu.vector_load %arg8[%get3A_119, %get3A_120] {strides = array<i32>} : memref<8x32xf32, #tpu.memory_space<vmem>>, vector<16xf32>,
      %add3A_122 = arith.constant 132 : i32
      %add3A_123 = vector.broadcast %add3A_122 : i32 to vector<16xi32>
      %add3A_124 = arith.addi %add3A_123, %mul3A_55 : vector<16xi32>
      tpu.vector_store_idx %arg9[%add3A_124], %get3A_121 : memref<256xf32, #tpu.memory_space<vmem>>[vector<16xi32>], vector<16xf32>,
      %get3A_125 = arith.constant 5 : i32
      %get3A_126 = arith.index_cast %get3A_125 : i32 to index
      %get3A_127 = arith.constant 0 : index
      %get3A_128 = tpu.vector_load %arg8[%get3A_126, %get3A_127] {strides = array<i32>} : memref<8x32xf32, #tpu.memory_space<vmem>>, vector<16xf32>,
      %add3A_129 = arith.constant 5 : i32
      %add3A_130 = vector.broadcast %add3A_129 : i32 to vector<16xi32>
      %add3A_131 = arith.addi %add3A_130, %mul3A_55 : vector<16xi32>
      tpu.vector_store_idx %arg9[%add3A_131], %get3A_128 : memref<256xf32, #tpu.memory_space<vmem>>[vector<16xi32>], vector<16xf32>,
      %get3A_132 = arith.constant 5 : i32
      %get3A_133 = arith.index_cast %get3A_132 : i32 to index
      %get3A_134 = arith.constant 16 : index
      %get3A_135 = tpu.vector_load %arg8[%get3A_133, %get3A_134] {strides = array<i32>} : memref<8x32xf32, #tpu.memory_space<vmem>>, vector<16xf32>,
      %add3A_136 = arith.constant 133 : i32
      %add3A_137 = vector.broadcast %add3A_136 : i32 to vector<16xi32>
      %add3A_138 = arith.addi %add3A_137, %mul3A_55 : vector<16xi32>
      tpu.vector_store_idx %arg9[%add3A_138], %get3A_135 : memref<256xf32, #tpu.memory_space<vmem>>[vector<16xi32>], vector<16xf32>,
      %get3A_139 = arith.constant 6 : i32
      %get3A_140 = arith.index_cast %get3A_139 : i32 to index
      %get3A_141 = arith.constant 0 : index
      %get3A_142 = tpu.vector_load %arg8[%get3A_140, %get3A_141] {strides = array<i32>} : memref<8x32xf32, #tpu.memory_space<vmem>>, vector<16xf32>,
      %add3A_143 = arith.constant 6 : i32
      %add3A_144 = vector.broadcast %add3A_143 : i32 to vector<16xi32>
      %add3A_145 = arith.addi %add3A_144, %mul3A_55 : vector<16xi32>
      tpu.vector_store_idx %arg9[%add3A_145], %get3A_142 : memref<256xf32, #tpu.memory_space<vmem>>[vector<16xi32>], vector<16xf32>,
      %get3A_146 = arith.constant 6 : i32
      %get3A_147 = arith.index_cast %get3A_146 : i32 to index
      %get3A_148 = arith.constant 16 : index
      %get3A_149 = tpu.vector_load %arg8[%get3A_147, %get3A_148] {strides = array<i32>} : memref<8x32xf32, #tpu.memory_space<vmem>>, vector<16xf32>,
      %add3A_150 = arith.constant 134 : i32
      %add3A_151 = vector.broadcast %add3A_150 : i32 to vector<16xi32>
      %add3A_152 = arith.addi %add3A_151, %mul3A_55 : vector<16xi32>
      tpu.vector_store_idx %arg9[%add3A_152], %get3A_149 : memref<256xf32, #tpu.memory_space<vmem>>[vector<16xi32>], vector<16xf32>,
      %get3A_153 = arith.constant 7 : i32
      %get3A_154 = arith.index_cast %get3A_153 : i32 to index
      %get3A_155 = arith.constant 0 : index
      %get3A_156 = tpu.vector_load %arg8[%get3A_154, %get3A_155] {strides = array<i32>} : memref<8x32xf32, #tpu.memory_space<vmem>>, vector<16xf32>,
      %add3A_157 = arith.constant 7 : i32
      %add3A_158 = vector.broadcast %add3A_157 : i32 to vector<16xi32>
      %add3A_159 = arith.addi %add3A_158, %mul3A_55 : vector<16xi32>
      tpu.vector_store_idx %arg9[%add3A_159], %get3A_156 : memref<256xf32, #tpu.memory_space<vmem>>[vector<16xi32>], vector<16xf32>,
      %get3A_160 = arith.constant 7 : i32
      %get3A_161 = arith.index_cast %get3A_160 : i32 to index
      %get3A_162 = arith.constant 16 : index
      %get3A_163 = tpu.vector_load %arg8[%get3A_161, %get3A_162] {strides = array<i32>} : memref<8x32xf32, #tpu.memory_space<vmem>>, vector<16xf32>,
      %add3A_164 = arith.constant 135 : i32
      %add3A_165 = vector.broadcast %add3A_164 : i32 to vector<16xi32>
      %add3A_166 = arith.addi %add3A_165, %mul3A_55 : vector<16xi32>
      tpu.vector_store_idx %arg9[%add3A_166], %get3A_163 : memref<256xf32, #tpu.memory_space<vmem>>[vector<16xi32>], vector<16xf32>,
      %mul3A_167 = arith.constant 800000 : i32
      %mul3A_168 = arith.muli %add3A, %mul3A_167 : i32
      %add3A_169 = arith.constant 799744 : i32
      %add3A_170 = arith.addi %mul3A_168, %add3A_169 : i32
      "tpu.region"() ({
        %run_scoped3A = tpu.sem_alloc : memref<!tpu.dma_semaphore, #tpu.memory_space<semaphore_mem>>
        %dma_start3A_171 = tpu.memref_slice %arg3[%add3A_170] : memref<20800000xf32, #tpu.memory_space<hbm>> -> memref<256xf32, #tpu.memory_space<hbm>>
        %dma_start3A_172 = tpu.memref_slice %arg3[%add3A_170] : memref<20800000xf32, #tpu.memory_space<hbm>> -> memref<256xf32, #tpu.memory_space<hbm>>
        tpu.enqueue_dma source(%arg9 : memref<256xf32, #tpu.memory_space<vmem>>) target(%dma_start3A_172 : memref<256xf32, #tpu.memory_space<hbm>>) target_semaphore(%run_scoped3A : memref<!tpu.dma_semaphore, #tpu.memory_space<semaphore_mem>>)
        %dma_wait3A_173 = tpu.memref_slice %arg3[%add3A_170] : memref<20800000xf32, #tpu.memory_space<hbm>> -> memref<256xf32, #tpu.memory_space<hbm>>
        %dma_wait3A_174 = tpu.memref_slice %arg3[%add3A_170] : memref<20800000xf32, #tpu.memory_space<hbm>> -> memref<256xf32, #tpu.memory_space<hbm>>
        tpu.wait_dma2 semaphore(%run_scoped3A : memref<!tpu.dma_semaphore, #tpu.memory_space<semaphore_mem>>) src(%arg9 : memref<256xf32, #tpu.memory_space<vmem>>) dst(%dma_wait3A_174 : memref<256xf32, #tpu.memory_space<hbm>>)
        tpu.yield
      }) : () -> ()
    } else {
    }
    return
  }
}

#map = affine_map<(d0, d1) -> (0)>
module attributes {stable_mosaic.version = 14 : i64} {
  func.func @_fv_body(%arg0: i32, %arg1: i32, %arg2: memref<425984xi32, #tpu.memory_space<hbm>>, %arg3: memref<425984xi32, #tpu.memory_space<hbm>>, %arg4: memref<13312xi32, #tpu.memory_space<vmem>>) attributes {dimension_semantics = [#tpu.dimension_semantics<core_parallel>, #tpu.dimension_semantics<subcore_parallel>], iteration_bounds = array<i64: 2, 16>, scalar_prefetch = 0 : i64, scratch_operands = 1 : i64, tpu.core_type = #tpu.core_type<sc_vector_subcore>, window_params = [{transform_indices = #map}, {transform_indices = #map}]} {
    %mul3A = arith.constant 2 : i32
    %mul3A_0 = arith.muli %arg1, %mul3A : i32
    %add3A = arith.addi %mul3A_0, %arg0 : i32
    %mul3A_1 = arith.constant 13312 : i32
    %mul3A_2 = arith.muli %add3A, %mul3A_1 : i32
    "tpu.region"() ({
      %run_scoped3A = tpu.sem_alloc : memref<!tpu.dma_semaphore, #tpu.memory_space<semaphore_mem>>
      %dma_start3A = tpu.memref_slice %arg2[%mul3A_2] : memref<425984xi32, #tpu.memory_space<hbm>> -> memref<13312xi32, #tpu.memory_space<hbm>>
      %dma_start3A_8 = tpu.memref_slice %arg2[%mul3A_2] : memref<425984xi32, #tpu.memory_space<hbm>> -> memref<13312xi32, #tpu.memory_space<hbm>>
      tpu.enqueue_dma source(%dma_start3A_8 : memref<13312xi32, #tpu.memory_space<hbm>>) target(%arg4 : memref<13312xi32, #tpu.memory_space<vmem>>) target_semaphore(%run_scoped3A : memref<!tpu.dma_semaphore, #tpu.memory_space<semaphore_mem>>)
      %dma_wait3A = tpu.memref_slice %arg2[%mul3A_2] : memref<425984xi32, #tpu.memory_space<hbm>> -> memref<13312xi32, #tpu.memory_space<hbm>>
      %dma_wait3A_9 = tpu.memref_slice %arg2[%mul3A_2] : memref<425984xi32, #tpu.memory_space<hbm>> -> memref<13312xi32, #tpu.memory_space<hbm>>
      tpu.wait_dma2 semaphore(%run_scoped3A : memref<!tpu.dma_semaphore, #tpu.memory_space<semaphore_mem>>) src(%dma_wait3A_9 : memref<13312xi32, #tpu.memory_space<hbm>>) dst(%arg4 : memref<13312xi32, #tpu.memory_space<vmem>>)
      tpu.yield
    }) : () -> ()
    %scan3A = arith.constant 0 : i32
    %scan3A_3 = arith.constant 0 : i32
    %scan3A_4 = arith.constant 832 : i32
    %scan3A_5 = arith.addi %scan3A_3, %scan3A_4 : i32
    %scan3A_6 = arith.constant 1 : i32
    scf.for %scan3A_8 = %scan3A_3 to %scan3A_5 step %scan3A_6  : i32 {
      %mul3A_9 = arith.constant 16 : i32
      %mul3A_10 = arith.muli %scan3A_8, %mul3A_9 : i32
      %mul3A_11 = arith.constant 16 : i32
      %mul3A_12 = arith.muli %scan3A_8, %mul3A_11 : i32
      %add3A_13 = arith.addi %mul3A_2, %mul3A_12 : i32
      %iota3A = tpu.iota {dimensions = array<i32: 0>} : vector<16xi32>
      %add3A_14 = vector.broadcast %add3A_13 : i32 to vector<16xi32>
      %add3A_15 = arith.addi %add3A_14, %iota3A : vector<16xi32>
      %get3A = arith.index_cast %mul3A_10 : i32 to index
      %get3A_16 = tpu.vector_load %arg4[%get3A] {strides = array<i32>} : memref<13312xi32, #tpu.memory_space<vmem>>, vector<16xi32>,
      %rem3A = arith.constant 26 : i32
      %rem3A_17 = vector.broadcast %rem3A : i32 to vector<16xi32>
      %rem3A_18 = arith.remsi %add3A_15, %rem3A_17 : vector<16xi32>
      %mul3A_19 = arith.constant 100000 : i32
      %mul3A_20 = vector.broadcast %mul3A_19 : i32 to vector<16xi32>
      %mul3A_21 = arith.muli %rem3A_18, %mul3A_20 : vector<16xi32>
      %add3A_22 = arith.addi %get3A_16, %mul3A_21 : vector<16xi32>
      %swap3A = arith.index_cast %mul3A_10 : i32 to index
      %swap3A_23 = tpu.vector_load %arg4[%swap3A] {strides = array<i32>} : memref<13312xi32, #tpu.memory_space<vmem>>, vector<16xi32>,
      tpu.vector_store %arg4[%swap3A], %add3A_22 {strides = array<i32>} : memref<13312xi32, #tpu.memory_space<vmem>>, vector<16xi32>,
    }
    %scan3A_7 = arith.constant 832 : i32
    "tpu.region"() ({
      %run_scoped3A = tpu.sem_alloc : memref<!tpu.dma_semaphore, #tpu.memory_space<semaphore_mem>>
      %dma_start3A = tpu.memref_slice %arg3[%mul3A_2] : memref<425984xi32, #tpu.memory_space<hbm>> -> memref<13312xi32, #tpu.memory_space<hbm>>
      %dma_start3A_8 = tpu.memref_slice %arg3[%mul3A_2] : memref<425984xi32, #tpu.memory_space<hbm>> -> memref<13312xi32, #tpu.memory_space<hbm>>
      tpu.enqueue_dma source(%arg4 : memref<13312xi32, #tpu.memory_space<vmem>>) target(%dma_start3A_8 : memref<13312xi32, #tpu.memory_space<hbm>>) target_semaphore(%run_scoped3A : memref<!tpu.dma_semaphore, #tpu.memory_space<semaphore_mem>>)
      %dma_wait3A = tpu.memref_slice %arg3[%mul3A_2] : memref<425984xi32, #tpu.memory_space<hbm>> -> memref<13312xi32, #tpu.memory_space<hbm>>
      %dma_wait3A_9 = tpu.memref_slice %arg3[%mul3A_2] : memref<425984xi32, #tpu.memory_space<hbm>> -> memref<13312xi32, #tpu.memory_space<hbm>>
      tpu.wait_dma2 semaphore(%run_scoped3A : memref<!tpu.dma_semaphore, #tpu.memory_space<semaphore_mem>>) src(%arg4 : memref<13312xi32, #tpu.memory_space<vmem>>) dst(%dma_wait3A_9 : memref<13312xi32, #tpu.memory_space<hbm>>)
      tpu.yield
    }) : () -> ()
    return
  }
}

#map = affine_map<(d0, d1) -> (0)>
#map1 = affine_map<(d0, d1) -> (0, 0)>
module attributes {stable_mosaic.version = 14 : i64} {
  func.func @rowgather_h0(%arg0: i32, %arg1: i32, %arg2: memref<425984xi32, #tpu.memory_space<hbm>>, %arg3: memref<2600000x8xf32, #tpu.memory_space<hbm>>, %arg4: memref<212992x8xf32, #tpu.memory_space<hbm>>, %arg5: memref<2x1664xi32, #tpu.memory_space<vmem>>, %arg6: memref<2x1664x8xf32, #tpu.memory_space<vmem>>, %arg7: memref<!tpu.dma_semaphore, #tpu.memory_space<semaphore_mem>>, %arg8: memref<!tpu.dma_semaphore, #tpu.memory_space<semaphore_mem>>, %arg9: memref<!tpu.dma_semaphore, #tpu.memory_space<semaphore_mem>>) attributes {dimension_semantics = [#tpu.dimension_semantics<core_parallel>, #tpu.dimension_semantics<subcore_parallel>], iteration_bounds = array<i64: 2, 16>, scalar_prefetch = 0 : i64, scratch_operands = 5 : i64, tpu.core_type = #tpu.core_type<sc_vector_subcore>, window_params = [{transform_indices = #map}, {transform_indices = #map1}, {transform_indices = #map1}]} {
    %mul3A = arith.constant 2 : i32
    %mul3A_0 = arith.muli %arg1, %mul3A : i32
    %add3A = arith.addi %mul3A_0, %arg0 : i32
    %mul3A_1 = arith.constant 6656 : i32
    %mul3A_2 = arith.muli %add3A, %mul3A_1 : i32
    %add3A_3 = arith.constant 0 : i32
    %add3A_4 = arith.addi %add3A_3, %mul3A_2 : i32
    %mul3A_5 = arith.constant 6656 : i32
    %mul3A_6 = arith.muli %add3A, %mul3A_5 : i32
    %run_scoped3A = arith.constant 0 : i32
    "tpu.region"() ({
      %run_scoped3A_222 = tpu.sem_alloc : memref<!tpu.dma_semaphore, #tpu.memory_space<semaphore_mem>>
      %dma_start3A_223 = arith.constant 0 : i32
      %dma_start3A_224 = tpu.memref_slice %arg5[%run_scoped3A, %dma_start3A_223] : memref<2x1664xi32, #tpu.memory_space<vmem>> -> memref<1x1664xi32, #tpu.memory_space<vmem>>
      %dma_start3A_225 = tpu.memref_squeeze %dma_start3A_224 : memref<1x1664xi32, #tpu.memory_space<vmem>> -> memref<1664xi32, #tpu.memory_space<vmem>>
      %dma_start3A_226 = tpu.memref_slice %arg2[%add3A_4] : memref<425984xi32, #tpu.memory_space<hbm>> -> memref<1664xi32, #tpu.memory_space<hbm>>
      %dma_start3A_227 = arith.constant 0 : i32
      %dma_start3A_228 = tpu.memref_slice %arg5[%run_scoped3A, %dma_start3A_227] : memref<2x1664xi32, #tpu.memory_space<vmem>> -> memref<1x1664xi32, #tpu.memory_space<vmem>>
      %dma_start3A_229 = tpu.memref_squeeze %dma_start3A_228 : memref<1x1664xi32, #tpu.memory_space<vmem>> -> memref<1664xi32, #tpu.memory_space<vmem>>
      %dma_start3A_230 = tpu.memref_slice %arg2[%add3A_4] : memref<425984xi32, #tpu.memory_space<hbm>> -> memref<1664xi32, #tpu.memory_space<hbm>>
      tpu.enqueue_dma source(%dma_start3A_230 : memref<1664xi32, #tpu.memory_space<hbm>>) target(%dma_start3A_229 : memref<1664xi32, #tpu.memory_space<vmem>>) target_semaphore(%run_scoped3A_222 : memref<!tpu.dma_semaphore, #tpu.memory_space<semaphore_mem>>)
      %dma_wait3A_231 = arith.constant 0 : i32
      %dma_wait3A_232 = tpu.memref_slice %arg5[%run_scoped3A, %dma_wait3A_231] : memref<2x1664xi32, #tpu.memory_space<vmem>> -> memref<1x1664xi32, #tpu.memory_space<vmem>>
      %dma_wait3A_233 = tpu.memref_squeeze %dma_wait3A_232 : memref<1x1664xi32, #tpu.memory_space<vmem>> -> memref<1664xi32, #tpu.memory_space<vmem>>
      %dma_wait3A_234 = tpu.memref_slice %arg2[%add3A_4] : memref<425984xi32, #tpu.memory_space<hbm>> -> memref<1664xi32, #tpu.memory_space<hbm>>
      %dma_wait3A_235 = arith.constant 0 : i32
      %dma_wait3A_236 = tpu.memref_slice %arg5[%run_scoped3A, %dma_wait3A_235] : memref<2x1664xi32, #tpu.memory_space<vmem>> -> memref<1x1664xi32, #tpu.memory_space<vmem>>
      %dma_wait3A_237 = tpu.memref_squeeze %dma_wait3A_236 : memref<1x1664xi32, #tpu.memory_space<vmem>> -> memref<1664xi32, #tpu.memory_space<vmem>>
      %dma_wait3A_238 = tpu.memref_slice %arg2[%add3A_4] : memref<425984xi32, #tpu.memory_space<hbm>> -> memref<1664xi32, #tpu.memory_space<hbm>>
      tpu.wait_dma2 semaphore(%run_scoped3A_222 : memref<!tpu.dma_semaphore, #tpu.memory_space<semaphore_mem>>) src(%dma_wait3A_238 : memref<1664xi32, #tpu.memory_space<hbm>>) dst(%dma_wait3A_237 : memref<1664xi32, #tpu.memory_space<vmem>>)
      tpu.yield
    }) : () -> ()
    %dma_start3A = arith.constant 0 : i32
    %dma_start3A_7 = arith.constant 0 : i32
    %dma_start3A_8 = arith.constant 0 : i32
    %dma_start3A_9 = arith.constant 0 : i32
    %dma_start3A_10 = tpu.memref_slice %arg6[%dma_start3A_7, %dma_start3A_8, %dma_start3A_9] : memref<2x1664x8xf32, #tpu.memory_space<vmem>> -> memref<1x1664x8xf32, #tpu.memory_space<vmem>>
    %dma_start3A_11 = tpu.memref_squeeze %dma_start3A_10 : memref<1x1664x8xf32, #tpu.memory_space<vmem>> -> memref<1664x8xf32, #tpu.memory_space<vmem>>
    %dma_start3A_12 = arith.constant 0 : i32
    %dma_start3A_13 = tpu.memref_slice %arg5[%dma_start3A, %dma_start3A_12] : memref<2x1664xi32, #tpu.memory_space<vmem>> -> memref<1x1664xi32, #tpu.memory_space<vmem>>
    %dma_start3A_14 = tpu.memref_squeeze %dma_start3A_13 : memref<1x1664xi32, #tpu.memory_space<vmem>> -> memref<1664xi32, #tpu.memory_space<vmem>>
    %dma_start3A_15 = arith.constant 0 : i32
    %dma_start3A_16 = arith.constant 0 : i32
    %dma_start3A_17 = tpu.memref_slice %arg3[%dma_start3A_15, %dma_start3A_16] : memref<2600000x8xf32, #tpu.memory_space<hbm>> -> memref<2600000x8xf32, #tpu.memory_space<hbm>>
    tpu.enqueue_indirect_dma source(%dma_start3A_17 : memref<2600000x8xf32, #tpu.memory_space<hbm>>) target(%dma_start3A_11 : memref<1664x8xf32, #tpu.memory_space<vmem>>) offsets(%dma_start3A_14 : memref<1664xi32, #tpu.memory_space<vmem>>) semaphore(%arg7 : memref<!tpu.dma_semaphore, #tpu.memory_space<semaphore_mem>>)
    %add3A_18 = arith.constant 1664 : i32
    %add3A_19 = arith.addi %add3A_4, %add3A_18 : i32
    %run_scoped3A_20 = arith.constant 1 : i32
    "tpu.region"() ({
      %run_scoped3A_222 = tpu.sem_alloc : memref<!tpu.dma_semaphore, #tpu.memory_space<semaphore_mem>>
      %dma_start3A_223 = arith.constant 0 : i32
      %dma_start3A_224 = tpu.memref_slice %arg5[%run_scoped3A_20, %dma_start3A_223] : memref<2x1664xi32, #tpu.memory_space<vmem>> -> memref<1x1664xi32, #tpu.memory_space<vmem>>
      %dma_start3A_225 = tpu.memref_squeeze %dma_start3A_224 : memref<1x1664xi32, #tpu.memory_space<vmem>> -> memref<1664xi32, #tpu.memory_space<vmem>>
      %dma_start3A_226 = tpu.memref_slice %arg2[%add3A_19] : memref<425984xi32, #tpu.memory_space<hbm>> -> memref<1664xi32, #tpu.memory_space<hbm>>
      %dma_start3A_227 = arith.constant 0 : i32
      %dma_start3A_228 = tpu.memref_slice %arg5[%run_scoped3A_20, %dma_start3A_227] : memref<2x1664xi32, #tpu.memory_space<vmem>> -> memref<1x1664xi32, #tpu.memory_space<vmem>>
      %dma_start3A_229 = tpu.memref_squeeze %dma_start3A_228 : memref<1x1664xi32, #tpu.memory_space<vmem>> -> memref<1664xi32, #tpu.memory_space<vmem>>
      %dma_start3A_230 = tpu.memref_slice %arg2[%add3A_19] : memref<425984xi32, #tpu.memory_space<hbm>> -> memref<1664xi32, #tpu.memory_space<hbm>>
      tpu.enqueue_dma source(%dma_start3A_230 : memref<1664xi32, #tpu.memory_space<hbm>>) target(%dma_start3A_229 : memref<1664xi32, #tpu.memory_space<vmem>>) target_semaphore(%run_scoped3A_222 : memref<!tpu.dma_semaphore, #tpu.memory_space<semaphore_mem>>)
      %dma_wait3A_231 = arith.constant 0 : i32
      %dma_wait3A_232 = tpu.memref_slice %arg5[%run_scoped3A_20, %dma_wait3A_231] : memref<2x1664xi32, #tpu.memory_space<vmem>> -> memref<1x1664xi32, #tpu.memory_space<vmem>>
      %dma_wait3A_233 = tpu.memref_squeeze %dma_wait3A_232 : memref<1x1664xi32, #tpu.memory_space<vmem>> -> memref<1664xi32, #tpu.memory_space<vmem>>
      %dma_wait3A_234 = tpu.memref_slice %arg2[%add3A_19] : memref<425984xi32, #tpu.memory_space<hbm>> -> memref<1664xi32, #tpu.memory_space<hbm>>
      %dma_wait3A_235 = arith.constant 0 : i32
      %dma_wait3A_236 = tpu.memref_slice %arg5[%run_scoped3A_20, %dma_wait3A_235] : memref<2x1664xi32, #tpu.memory_space<vmem>> -> memref<1x1664xi32, #tpu.memory_space<vmem>>
      %dma_wait3A_237 = tpu.memref_squeeze %dma_wait3A_236 : memref<1x1664xi32, #tpu.memory_space<vmem>> -> memref<1664xi32, #tpu.memory_space<vmem>>
      %dma_wait3A_238 = tpu.memref_slice %arg2[%add3A_19] : memref<425984xi32, #tpu.memory_space<hbm>> -> memref<1664xi32, #tpu.memory_space<hbm>>
      tpu.wait_dma2 semaphore(%run_scoped3A_222 : memref<!tpu.dma_semaphore, #tpu.memory_space<semaphore_mem>>) src(%dma_wait3A_238 : memref<1664xi32, #tpu.memory_space<hbm>>) dst(%dma_wait3A_237 : memref<1664xi32, #tpu.memory_space<vmem>>)
      tpu.yield
    }) : () -> ()
    %dma_wait3A = arith.constant 0 : i32
    %dma_wait3A_21 = arith.constant 0 : i32
    %dma_wait3A_22 = arith.constant 0 : i32
    %dma_wait3A_23 = arith.constant 0 : i32
    %dma_wait3A_24 = tpu.memref_slice %arg6[%dma_wait3A_21, %dma_wait3A_22, %dma_wait3A_23] : memref<2x1664x8xf32, #tpu.memory_space<vmem>> -> memref<1x1664x8xf32, #tpu.memory_space<vmem>>
    %dma_wait3A_25 = tpu.memref_squeeze %dma_wait3A_24 : memref<1x1664x8xf32, #tpu.memory_space<vmem>> -> memref<1664x8xf32, #tpu.memory_space<vmem>>
    %dma_wait3A_26 = arith.constant 0 : i32
    %dma_wait3A_27 = tpu.memref_slice %arg5[%dma_wait3A, %dma_wait3A_26] : memref<2x1664xi32, #tpu.memory_space<vmem>> -> memref<1x1664xi32, #tpu.memory_space<vmem>>
    %dma_wait3A_28 = tpu.memref_squeeze %dma_wait3A_27 : memref<1x1664xi32, #tpu.memory_space<vmem>> -> memref<1664xi32, #tpu.memory_space<vmem>>
    %dma_wait3A_29 = arith.constant 0 : i32
    %dma_wait3A_30 = arith.constant 0 : i32
    %dma_wait3A_31 = tpu.memref_slice %arg3[%dma_wait3A_29, %dma_wait3A_30] : memref<2600000x8xf32, #tpu.memory_space<hbm>> -> memref<2600000x8xf32, #tpu.memory_space<hbm>>
    tpu.wait_indirect_dma semaphore(%arg7 : memref<!tpu.dma_semaphore, #tpu.memory_space<semaphore_mem>>) src(%dma_wait3A_31 : memref<2600000x8xf32, #tpu.memory_space<hbm>>) dst(%dma_wait3A_25 : memref<1664x8xf32, #tpu.memory_space<vmem>>)
    %add3A_32 = arith.constant 0 : i32
    %add3A_33 = arith.addi %mul3A_6, %add3A_32 : i32
    %dma_start3A_34 = arith.constant 0 : i32
    %dma_start3A_35 = arith.constant 0 : i32
    %dma_start3A_36 = arith.constant 0 : i32
    %dma_start3A_37 = tpu.memref_slice %arg6[%dma_start3A_34, %dma_start3A_35, %dma_start3A_36] : memref<2x1664x8xf32, #tpu.memory_space<vmem>> -> memref<1x1664x8xf32, #tpu.memory_space<vmem>>
    %dma_start3A_38 = tpu.memref_squeeze %dma_start3A_37 : memref<1x1664x8xf32, #tpu.memory_space<vmem>> -> memref<1664x8xf32, #tpu.memory_space<vmem>>
    %dma_start3A_39 = arith.constant 0 : i32
    %dma_start3A_40 = tpu.memref_slice %arg4[%add3A_33, %dma_start3A_39] : memref<212992x8xf32, #tpu.memory_space<hbm>> -> memref<1664x8xf32, #tpu.memory_space<hbm>>
    %dma_start3A_41 = arith.constant 0 : i32
    %dma_start3A_42 = tpu.memref_slice %arg4[%add3A_33, %dma_start3A_41] : memref<212992x8xf32, #tpu.memory_space<hbm>> -> memref<1664x8xf32, #tpu.memory_space<hbm>>
    %dma_start3A_43 = arith.constant 0 : i32
    %dma_start3A_44 = arith.constant 0 : i32
    %dma_start3A_45 = tpu.memref_slice %arg6[%dma_start3A_34, %dma_start3A_43, %dma_start3A_44] : memref<2x1664x8xf32, #tpu.memory_space<vmem>> -> memref<1x1664x8xf32, #tpu.memory_space<vmem>>
    %dma_start3A_46 = tpu.memref_squeeze %dma_start3A_45 : memref<1x1664x8xf32, #tpu.memory_space<vmem>> -> memref<1664x8xf32, #tpu.memory_space<vmem>>
    tpu.enqueue_dma source(%dma_start3A_46 : memref<1664x8xf32, #tpu.memory_space<vmem>>) target(%dma_start3A_42 : memref<1664x8xf32, #tpu.memory_space<hbm>>) target_semaphore(%arg8 : memref<!tpu.dma_semaphore, #tpu.memory_space<semaphore_mem>>)
    %dma_start3A_47 = arith.constant 1 : i32
    %dma_start3A_48 = arith.constant 1 : i32
    %dma_start3A_49 = arith.constant 0 : i32
    %dma_start3A_50 = arith.constant 0 : i32
    %dma_start3A_51 = tpu.memref_slice %arg6[%dma_start3A_48, %dma_start3A_49, %dma_start3A_50] : memref<2x1664x8xf32, #tpu.memory_space<vmem>> -> memref<1x1664x8xf32, #tpu.memory_space<vmem>>
    %dma_start3A_52 = tpu.memref_squeeze %dma_start3A_51 : memref<1x1664x8xf32, #tpu.memory_space<vmem>> -> memref<1664x8xf32, #tpu.memory_space<vmem>>
    %dma_start3A_53 = arith.constant 0 : i32
    %dma_start3A_54 = tpu.memref_slice %arg5[%dma_start3A_47, %dma_start3A_53] : memref<2x1664xi32, #tpu.memory_space<vmem>> -> memref<1x1664xi32, #tpu.memory_space<vmem>>
    %dma_start3A_55 = tpu.memref_squeeze %dma_start3A_54 : memref<1x1664xi32, #tpu.memory_space<vmem>> -> memref<1664xi32, #tpu.memory_space<vmem>>
    %dma_start3A_56 = arith.constant 0 : i32
    %dma_start3A_57 = arith.constant 0 : i32
    %dma_start3A_58 = tpu.memref_slice %arg3[%dma_start3A_56, %dma_start3A_57] : memref<2600000x8xf32, #tpu.memory_space<hbm>> -> memref<2600000x8xf32, #tpu.memory_space<hbm>>
    tpu.enqueue_indirect_dma source(%dma_start3A_58 : memref<2600000x8xf32, #tpu.memory_space<hbm>>) target(%dma_start3A_52 : memref<1664x8xf32, #tpu.memory_space<vmem>>) offsets(%dma_start3A_55 : memref<1664xi32, #tpu.memory_space<vmem>>) semaphore(%arg7 : memref<!tpu.dma_semaphore, #tpu.memory_space<semaphore_mem>>)
    %add3A_59 = arith.constant 3328 : i32
    %add3A_60 = arith.addi %add3A_4, %add3A_59 : i32
    %run_scoped3A_61 = arith.constant 0 : i32
    "tpu.region"() ({
      %run_scoped3A_222 = tpu.sem_alloc : memref<!tpu.dma_semaphore, #tpu.memory_space<semaphore_mem>>
      %dma_start3A_223 = arith.constant 0 : i32
      %dma_start3A_224 = tpu.memref_slice %arg5[%run_scoped3A_61, %dma_start3A_223] : memref<2x1664xi32, #tpu.memory_space<vmem>> -> memref<1x1664xi32, #tpu.memory_space<vmem>>
      %dma_start3A_225 = tpu.memref_squeeze %dma_start3A_224 : memref<1x1664xi32, #tpu.memory_space<vmem>> -> memref<1664xi32, #tpu.memory_space<vmem>>
      %dma_start3A_226 = tpu.memref_slice %arg2[%add3A_60] : memref<425984xi32, #tpu.memory_space<hbm>> -> memref<1664xi32, #tpu.memory_space<hbm>>
      %dma_start3A_227 = arith.constant 0 : i32
      %dma_start3A_228 = tpu.memref_slice %arg5[%run_scoped3A_61, %dma_start3A_227] : memref<2x1664xi32, #tpu.memory_space<vmem>> -> memref<1x1664xi32, #tpu.memory_space<vmem>>
      %dma_start3A_229 = tpu.memref_squeeze %dma_start3A_228 : memref<1x1664xi32, #tpu.memory_space<vmem>> -> memref<1664xi32, #tpu.memory_space<vmem>>
      %dma_start3A_230 = tpu.memref_slice %arg2[%add3A_60] : memref<425984xi32, #tpu.memory_space<hbm>> -> memref<1664xi32, #tpu.memory_space<hbm>>
      tpu.enqueue_dma source(%dma_start3A_230 : memref<1664xi32, #tpu.memory_space<hbm>>) target(%dma_start3A_229 : memref<1664xi32, #tpu.memory_space<vmem>>) target_semaphore(%run_scoped3A_222 : memref<!tpu.dma_semaphore, #tpu.memory_space<semaphore_mem>>)
      %dma_wait3A_231 = arith.constant 0 : i32
      %dma_wait3A_232 = tpu.memref_slice %arg5[%run_scoped3A_61, %dma_wait3A_231] : memref<2x1664xi32, #tpu.memory_space<vmem>> -> memref<1x1664xi32, #tpu.memory_space<vmem>>
      %dma_wait3A_233 = tpu.memref_squeeze %dma_wait3A_232 : memref<1x1664xi32, #tpu.memory_space<vmem>> -> memref<1664xi32, #tpu.memory_space<vmem>>
      %dma_wait3A_234 = tpu.memref_slice %arg2[%add3A_60] : memref<425984xi32, #tpu.memory_space<hbm>> -> memref<1664xi32, #tpu.memory_space<hbm>>
      %dma_wait3A_235 = arith.constant 0 : i32
      %dma_wait3A_236 = tpu.memref_slice %arg5[%run_scoped3A_61, %dma_wait3A_235] : memref<2x1664xi32, #tpu.memory_space<vmem>> -> memref<1x1664xi32, #tpu.memory_space<vmem>>
      %dma_wait3A_237 = tpu.memref_squeeze %dma_wait3A_236 : memref<1x1664xi32, #tpu.memory_space<vmem>> -> memref<1664xi32, #tpu.memory_space<vmem>>
      %dma_wait3A_238 = tpu.memref_slice %arg2[%add3A_60] : memref<425984xi32, #tpu.memory_space<hbm>> -> memref<1664xi32, #tpu.memory_space<hbm>>
      tpu.wait_dma2 semaphore(%run_scoped3A_222 : memref<!tpu.dma_semaphore, #tpu.memory_space<semaphore_mem>>) src(%dma_wait3A_238 : memref<1664xi32, #tpu.memory_space<hbm>>) dst(%dma_wait3A_237 : memref<1664xi32, #tpu.memory_space<vmem>>)
      tpu.yield
    }) : () -> ()
    %dma_wait3A_62 = arith.constant 1 : i32
    %dma_wait3A_63 = arith.constant 1 : i32
    %dma_wait3A_64 = arith.constant 0 : i32
    %dma_wait3A_65 = arith.constant 0 : i32
    %dma_wait3A_66 = tpu.memref_slice %arg6[%dma_wait3A_63, %dma_wait3A_64, %dma_wait3A_65] : memref<2x1664x8xf32, #tpu.memory_space<vmem>> -> memref<1x1664x8xf32, #tpu.memory_space<vmem>>
    %dma_wait3A_67 = tpu.memref_squeeze %dma_wait3A_66 : memref<1x1664x8xf32, #tpu.memory_space<vmem>> -> memref<1664x8xf32, #tpu.memory_space<vmem>>
    %dma_wait3A_68 = arith.constant 0 : i32
    %dma_wait3A_69 = tpu.memref_slice %arg5[%dma_wait3A_62, %dma_wait3A_68] : memref<2x1664xi32, #tpu.memory_space<vmem>> -> memref<1x1664xi32, #tpu.memory_space<vmem>>
    %dma_wait3A_70 = tpu.memref_squeeze %dma_wait3A_69 : memref<1x1664xi32, #tpu.memory_space<vmem>> -> memref<1664xi32, #tpu.memory_space<vmem>>
    %dma_wait3A_71 = arith.constant 0 : i32
    %dma_wait3A_72 = arith.constant 0 : i32
    %dma_wait3A_73 = tpu.memref_slice %arg3[%dma_wait3A_71, %dma_wait3A_72] : memref<2600000x8xf32, #tpu.memory_space<hbm>> -> memref<2600000x8xf32, #tpu.memory_space<hbm>>
    tpu.wait_indirect_dma semaphore(%arg7 : memref<!tpu.dma_semaphore, #tpu.memory_space<semaphore_mem>>) src(%dma_wait3A_73 : memref<2600000x8xf32, #tpu.memory_space<hbm>>) dst(%dma_wait3A_67 : memref<1664x8xf32, #tpu.memory_space<vmem>>)
    %add3A_74 = arith.constant 1664 : i32
    %add3A_75 = arith.addi %mul3A_6, %add3A_74 : i32
    %dma_start3A_76 = arith.constant 1 : i32
    %dma_start3A_77 = arith.constant 0 : i32
    %dma_start3A_78 = arith.constant 0 : i32
    %dma_start3A_79 = tpu.memref_slice %arg6[%dma_start3A_76, %dma_start3A_77, %dma_start3A_78] : memref<2x1664x8xf32, #tpu.memory_space<vmem>> -> memref<1x1664x8xf32, #tpu.memory_space<vmem>>
    %dma_start3A_80 = tpu.memref_squeeze %dma_start3A_79 : memref<1x1664x8xf32, #tpu.memory_space<vmem>> -> memref<1664x8xf32, #tpu.memory_space<vmem>>
    %dma_start3A_81 = arith.constant 0 : i32
    %dma_start3A_82 = tpu.memref_slice %arg4[%add3A_75, %dma_start3A_81] : memref<212992x8xf32, #tpu.memory_space<hbm>> -> memref<1664x8xf32, #tpu.memory_space<hbm>>
    %dma_start3A_83 = arith.constant 0 : i32
    %dma_start3A_84 = tpu.memref_slice %arg4[%add3A_75, %dma_start3A_83] : memref<212992x8xf32, #tpu.memory_space<hbm>> -> memref<1664x8xf32, #tpu.memory_space<hbm>>
    %dma_start3A_85 = arith.constant 0 : i32
    %dma_start3A_86 = arith.constant 0 : i32
    %dma_start3A_87 = tpu.memref_slice %arg6[%dma_start3A_76, %dma_start3A_85, %dma_start3A_86] : memref<2x1664x8xf32, #tpu.memory_space<vmem>> -> memref<1x1664x8xf32, #tpu.memory_space<vmem>>
    %dma_start3A_88 = tpu.memref_squeeze %dma_start3A_87 : memref<1x1664x8xf32, #tpu.memory_space<vmem>> -> memref<1664x8xf32, #tpu.memory_space<vmem>>
    tpu.enqueue_dma source(%dma_start3A_88 : memref<1664x8xf32, #tpu.memory_space<vmem>>) target(%dma_start3A_84 : memref<1664x8xf32, #tpu.memory_space<hbm>>) target_semaphore(%arg9 : memref<!tpu.dma_semaphore, #tpu.memory_space<semaphore_mem>>)
    %dma_wait3A_89 = arith.constant 0 : i32
    %dma_wait3A_90 = arith.constant 0 : i32
    %dma_wait3A_91 = arith.constant 0 : i32
    %dma_wait3A_92 = tpu.memref_slice %arg6[%dma_wait3A_89, %dma_wait3A_90, %dma_wait3A_91] : memref<2x1664x8xf32, #tpu.memory_space<vmem>> -> memref<1x1664x8xf32, #tpu.memory_space<vmem>>
    %dma_wait3A_93 = tpu.memref_squeeze %dma_wait3A_92 : memref<1x1664x8xf32, #tpu.memory_space<vmem>> -> memref<1664x8xf32, #tpu.memory_space<vmem>>
    %dma_wait3A_94 = arith.constant 0 : i32
    %dma_wait3A_95 = tpu.memref_slice %arg4[%add3A_33, %dma_wait3A_94] : memref<212992x8xf32, #tpu.memory_space<hbm>> -> memref<1664x8xf32, #tpu.memory_space<hbm>>
    %dma_wait3A_96 = arith.constant 0 : i32
    %dma_wait3A_97 = tpu.memref_slice %arg4[%add3A_33, %dma_wait3A_96] : memref<212992x8xf32, #tpu.memory_space<hbm>> -> memref<1664x8xf32, #tpu.memory_space<hbm>>
    %dma_wait3A_98 = arith.constant 0 : i32
    %dma_wait3A_99 = arith.constant 0 : i32
    %dma_wait3A_100 = tpu.memref_slice %arg6[%dma_wait3A_89, %dma_wait3A_98, %dma_wait3A_99] : memref<2x1664x8xf32, #tpu.memory_space<vmem>> -> memref<1x1664x8xf32, #tpu.memory_space<vmem>>
    %dma_wait3A_101 = tpu.memref_squeeze %dma_wait3A_100 : memref<1x1664x8xf32, #tpu.memory_space<vmem>> -> memref<1664x8xf32, #tpu.memory_space<vmem>>
    tpu.wait_dma2 semaphore(%arg8 : memref<!tpu.dma_semaphore, #tpu.memory_space<semaphore_mem>>) src(%dma_wait3A_101 : memref<1664x8xf32, #tpu.memory_space<vmem>>) dst(%dma_wait3A_97 : memref<1664x8xf32, #tpu.memory_space<hbm>>)
    %dma_start3A_102 = arith.constant 0 : i32
    %dma_start3A_103 = arith.constant 0 : i32
    %dma_start3A_104 = arith.constant 0 : i32
    %dma_start3A_105 = arith.constant 0 : i32
    %dma_start3A_106 = tpu.memref_slice %arg6[%dma_start3A_103, %dma_start3A_104, %dma_start3A_105] : memref<2x1664x8xf32, #tpu.memory_space<vmem>> -> memref<1x1664x8xf32, #tpu.memory_space<vmem>>
    %dma_start3A_107 = tpu.memref_squeeze %dma_start3A_106 : memref<1x1664x8xf32, #tpu.memory_space<vmem>> -> memref<1664x8xf32, #tpu.memory_space<vmem>>
    %dma_start3A_108 = arith.constant 0 : i32
    %dma_start3A_109 = tpu.memref_slice %arg5[%dma_start3A_102, %dma_start3A_108] : memref<2x1664xi32, #tpu.memory_space<vmem>> -> memref<1x1664xi32, #tpu.memory_space<vmem>>
    %dma_start3A_110 = tpu.memref_squeeze %dma_start3A_109 : memref<1x1664xi32, #tpu.memory_space<vmem>> -> memref<1664xi32, #tpu.memory_space<vmem>>
    %dma_start3A_111 = arith.constant 0 : i32
    %dma_start3A_112 = arith.constant 0 : i32
    %dma_start3A_113 = tpu.memref_slice %arg3[%dma_start3A_111, %dma_start3A_112] : memref<2600000x8xf32, #tpu.memory_space<hbm>> -> memref<2600000x8xf32, #tpu.memory_space<hbm>>
    tpu.enqueue_indirect_dma source(%dma_start3A_113 : memref<2600000x8xf32, #tpu.memory_space<hbm>>) target(%dma_start3A_107 : memref<1664x8xf32, #tpu.memory_space<vmem>>) offsets(%dma_start3A_110 : memref<1664xi32, #tpu.memory_space<vmem>>) semaphore(%arg7 : memref<!tpu.dma_semaphore, #tpu.memory_space<semaphore_mem>>)
    %add3A_114 = arith.constant 4992 : i32
    %add3A_115 = arith.addi %add3A_4, %add3A_114 : i32
    %run_scoped3A_116 = arith.constant 1 : i32
    "tpu.region"() ({
      %run_scoped3A_222 = tpu.sem_alloc : memref<!tpu.dma_semaphore, #tpu.memory_space<semaphore_mem>>
      %dma_start3A_223 = arith.constant 0 : i32
      %dma_start3A_224 = tpu.memref_slice %arg5[%run_scoped3A_116, %dma_start3A_223] : memref<2x1664xi32, #tpu.memory_space<vmem>> -> memref<1x1664xi32, #tpu.memory_space<vmem>>
      %dma_start3A_225 = tpu.memref_squeeze %dma_start3A_224 : memref<1x1664xi32, #tpu.memory_space<vmem>> -> memref<1664xi32, #tpu.memory_space<vmem>>
      %dma_start3A_226 = tpu.memref_slice %arg2[%add3A_115] : memref<425984xi32, #tpu.memory_space<hbm>> -> memref<1664xi32, #tpu.memory_space<hbm>>
      %dma_start3A_227 = arith.constant 0 : i32
      %dma_start3A_228 = tpu.memref_slice %arg5[%run_scoped3A_116, %dma_start3A_227] : memref<2x1664xi32, #tpu.memory_space<vmem>> -> memref<1x1664xi32, #tpu.memory_space<vmem>>
      %dma_start3A_229 = tpu.memref_squeeze %dma_start3A_228 : memref<1x1664xi32, #tpu.memory_space<vmem>> -> memref<1664xi32, #tpu.memory_space<vmem>>
      %dma_start3A_230 = tpu.memref_slice %arg2[%add3A_115] : memref<425984xi32, #tpu.memory_space<hbm>> -> memref<1664xi32, #tpu.memory_space<hbm>>
      tpu.enqueue_dma source(%dma_start3A_230 : memref<1664xi32, #tpu.memory_space<hbm>>) target(%dma_start3A_229 : memref<1664xi32, #tpu.memory_space<vmem>>) target_semaphore(%run_scoped3A_222 : memref<!tpu.dma_semaphore, #tpu.memory_space<semaphore_mem>>)
      %dma_wait3A_231 = arith.constant 0 : i32
      %dma_wait3A_232 = tpu.memref_slice %arg5[%run_scoped3A_116, %dma_wait3A_231] : memref<2x1664xi32, #tpu.memory_space<vmem>> -> memref<1x1664xi32, #tpu.memory_space<vmem>>
      %dma_wait3A_233 = tpu.memref_squeeze %dma_wait3A_232 : memref<1x1664xi32, #tpu.memory_space<vmem>> -> memref<1664xi32, #tpu.memory_space<vmem>>
      %dma_wait3A_234 = tpu.memref_slice %arg2[%add3A_115] : memref<425984xi32, #tpu.memory_space<hbm>> -> memref<1664xi32, #tpu.memory_space<hbm>>
      %dma_wait3A_235 = arith.constant 0 : i32
      %dma_wait3A_236 = tpu.memref_slice %arg5[%run_scoped3A_116, %dma_wait3A_235] : memref<2x1664xi32, #tpu.memory_space<vmem>> -> memref<1x1664xi32, #tpu.memory_space<vmem>>
      %dma_wait3A_237 = tpu.memref_squeeze %dma_wait3A_236 : memref<1x1664xi32, #tpu.memory_space<vmem>> -> memref<1664xi32, #tpu.memory_space<vmem>>
      %dma_wait3A_238 = tpu.memref_slice %arg2[%add3A_115] : memref<425984xi32, #tpu.memory_space<hbm>> -> memref<1664xi32, #tpu.memory_space<hbm>>
      tpu.wait_dma2 semaphore(%run_scoped3A_222 : memref<!tpu.dma_semaphore, #tpu.memory_space<semaphore_mem>>) src(%dma_wait3A_238 : memref<1664xi32, #tpu.memory_space<hbm>>) dst(%dma_wait3A_237 : memref<1664xi32, #tpu.memory_space<vmem>>)
      tpu.yield
    }) : () -> ()
    %dma_wait3A_117 = arith.constant 0 : i32
    %dma_wait3A_118 = arith.constant 0 : i32
    %dma_wait3A_119 = arith.constant 0 : i32
    %dma_wait3A_120 = arith.constant 0 : i32
    %dma_wait3A_121 = tpu.memref_slice %arg6[%dma_wait3A_118, %dma_wait3A_119, %dma_wait3A_120] : memref<2x1664x8xf32, #tpu.memory_space<vmem>> -> memref<1x1664x8xf32, #tpu.memory_space<vmem>>
    %dma_wait3A_122 = tpu.memref_squeeze %dma_wait3A_121 : memref<1x1664x8xf32, #tpu.memory_space<vmem>> -> memref<1664x8xf32, #tpu.memory_space<vmem>>
    %dma_wait3A_123 = arith.constant 0 : i32
    %dma_wait3A_124 = tpu.memref_slice %arg5[%dma_wait3A_117, %dma_wait3A_123] : memref<2x1664xi32, #tpu.memory_space<vmem>> -> memref<1x1664xi32, #tpu.memory_space<vmem>>
    %dma_wait3A_125 = tpu.memref_squeeze %dma_wait3A_124 : memref<1x1664xi32, #tpu.memory_space<vmem>> -> memref<1664xi32, #tpu.memory_space<vmem>>
    %dma_wait3A_126 = arith.constant 0 : i32
    %dma_wait3A_127 = arith.constant 0 : i32
    %dma_wait3A_128 = tpu.memref_slice %arg3[%dma_wait3A_126, %dma_wait3A_127] : memref<2600000x8xf32, #tpu.memory_space<hbm>> -> memref<2600000x8xf32, #tpu.memory_space<hbm>>
    tpu.wait_indirect_dma semaphore(%arg7 : memref<!tpu.dma_semaphore, #tpu.memory_space<semaphore_mem>>) src(%dma_wait3A_128 : memref<2600000x8xf32, #tpu.memory_space<hbm>>) dst(%dma_wait3A_122 : memref<1664x8xf32, #tpu.memory_space<vmem>>)
    %add3A_129 = arith.constant 3328 : i32
    %add3A_130 = arith.addi %mul3A_6, %add3A_129 : i32
    %dma_start3A_131 = arith.constant 0 : i32
    %dma_start3A_132 = arith.constant 0 : i32
    %dma_start3A_133 = arith.constant 0 : i32
    %dma_start3A_134 = tpu.memref_slice %arg6[%dma_start3A_131, %dma_start3A_132, %dma_start3A_133] : memref<2x1664x8xf32, #tpu.memory_space<vmem>> -> memref<1x1664x8xf32, #tpu.memory_space<vmem>>
    %dma_start3A_135 = tpu.memref_squeeze %dma_start3A_134 : memref<1x1664x8xf32, #tpu.memory_space<vmem>> -> memref<1664x8xf32, #tpu.memory_space<vmem>>
    %dma_start3A_136 = arith.constant 0 : i32
    %dma_start3A_137 = tpu.memref_slice %arg4[%add3A_130, %dma_start3A_136] : memref<212992x8xf32, #tpu.memory_space<hbm>> -> memref<1664x8xf32, #tpu.memory_space<hbm>>
    %dma_start3A_138 = arith.constant 0 : i32
    %dma_start3A_139 = tpu.memref_slice %arg4[%add3A_130, %dma_start3A_138] : memref<212992x8xf32, #tpu.memory_space<hbm>> -> memref<1664x8xf32, #tpu.memory_space<hbm>>
    %dma_start3A_140 = arith.constant 0 : i32
    %dma_start3A_141 = arith.constant 0 : i32
    %dma_start3A_142 = tpu.memref_slice %arg6[%dma_start3A_131, %dma_start3A_140, %dma_start3A_141] : memref<2x1664x8xf32, #tpu.memory_space<vmem>> -> memref<1x1664x8xf32, #tpu.memory_space<vmem>>
    %dma_start3A_143 = tpu.memref_squeeze %dma_start3A_142 : memref<1x1664x8xf32, #tpu.memory_space<vmem>> -> memref<1664x8xf32, #tpu.memory_space<vmem>>
    tpu.enqueue_dma source(%dma_start3A_143 : memref<1664x8xf32, #tpu.memory_space<vmem>>) target(%dma_start3A_139 : memref<1664x8xf32, #tpu.memory_space<hbm>>) target_semaphore(%arg8 : memref<!tpu.dma_semaphore, #tpu.memory_space<semaphore_mem>>)
    %dma_wait3A_144 = arith.constant 1 : i32
    %dma_wait3A_145 = arith.constant 0 : i32
    %dma_wait3A_146 = arith.constant 0 : i32
    %dma_wait3A_147 = tpu.memref_slice %arg6[%dma_wait3A_144, %dma_wait3A_145, %dma_wait3A_146] : memref<2x1664x8xf32, #tpu.memory_space<vmem>> -> memref<1x1664x8xf32, #tpu.memory_space<vmem>>
    %dma_wait3A_148 = tpu.memref_squeeze %dma_wait3A_147 : memref<1x1664x8xf32, #tpu.memory_space<vmem>> -> memref<1664x8xf32, #tpu.memory_space<vmem>>
    %dma_wait3A_149 = arith.constant 0 : i32
    %dma_wait3A_150 = tpu.memref_slice %arg4[%add3A_75, %dma_wait3A_149] : memref<212992x8xf32, #tpu.memory_space<hbm>> -> memref<1664x8xf32, #tpu.memory_space<hbm>>
    %dma_wait3A_151 = arith.constant 0 : i32
    %dma_wait3A_152 = tpu.memref_slice %arg4[%add3A_75, %dma_wait3A_151] : memref<212992x8xf32, #tpu.memory_space<hbm>> -> memref<1664x8xf32, #tpu.memory_space<hbm>>
    %dma_wait3A_153 = arith.constant 0 : i32
    %dma_wait3A_154 = arith.constant 0 : i32
    %dma_wait3A_155 = tpu.memref_slice %arg6[%dma_wait3A_144, %dma_wait3A_153, %dma_wait3A_154] : memref<2x1664x8xf32, #tpu.memory_space<vmem>> -> memref<1x1664x8xf32, #tpu.memory_space<vmem>>
    %dma_wait3A_156 = tpu.memref_squeeze %dma_wait3A_155 : memref<1x1664x8xf32, #tpu.memory_space<vmem>> -> memref<1664x8xf32, #tpu.memory_space<vmem>>
    tpu.wait_dma2 semaphore(%arg9 : memref<!tpu.dma_semaphore, #tpu.memory_space<semaphore_mem>>) src(%dma_wait3A_156 : memref<1664x8xf32, #tpu.memory_space<vmem>>) dst(%dma_wait3A_152 : memref<1664x8xf32, #tpu.memory_space<hbm>>)
    %dma_start3A_157 = arith.constant 1 : i32
    %dma_start3A_158 = arith.constant 1 : i32
    %dma_start3A_159 = arith.constant 0 : i32
    %dma_start3A_160 = arith.constant 0 : i32
    %dma_start3A_161 = tpu.memref_slice %arg6[%dma_start3A_158, %dma_start3A_159, %dma_start3A_160] : memref<2x1664x8xf32, #tpu.memory_space<vmem>> -> memref<1x1664x8xf32, #tpu.memory_space<vmem>>
    %dma_start3A_162 = tpu.memref_squeeze %dma_start3A_161 : memref<1x1664x8xf32, #tpu.memory_space<vmem>> -> memref<1664x8xf32, #tpu.memory_space<vmem>>
    %dma_start3A_163 = arith.constant 0 : i32
    %dma_start3A_164 = tpu.memref_slice %arg5[%dma_start3A_157, %dma_start3A_163] : memref<2x1664xi32, #tpu.memory_space<vmem>> -> memref<1x1664xi32, #tpu.memory_space<vmem>>
    %dma_start3A_165 = tpu.memref_squeeze %dma_start3A_164 : memref<1x1664xi32, #tpu.memory_space<vmem>> -> memref<1664xi32, #tpu.memory_space<vmem>>
    %dma_start3A_166 = arith.constant 0 : i32
    %dma_start3A_167 = arith.constant 0 : i32
    %dma_start3A_168 = tpu.memref_slice %arg3[%dma_start3A_166, %dma_start3A_167] : memref<2600000x8xf32, #tpu.memory_space<hbm>> -> memref<2600000x8xf32, #tpu.memory_space<hbm>>
    tpu.enqueue_indirect_dma source(%dma_start3A_168 : memref<2600000x8xf32, #tpu.memory_space<hbm>>) target(%dma_start3A_162 : memref<1664x8xf32, #tpu.memory_space<vmem>>) offsets(%dma_start3A_165 : memref<1664xi32, #tpu.memory_space<vmem>>) semaphore(%arg7 : memref<!tpu.dma_semaphore, #tpu.memory_space<semaphore_mem>>)
    %dma_wait3A_169 = arith.constant 1 : i32
    %dma_wait3A_170 = arith.constant 1 : i32
    %dma_wait3A_171 = arith.constant 0 : i32
    %dma_wait3A_172 = arith.constant 0 : i32
    %dma_wait3A_173 = tpu.memref_slice %arg6[%dma_wait3A_170, %dma_wait3A_171, %dma_wait3A_172] : memref<2x1664x8xf32, #tpu.memory_space<vmem>> -> memref<1x1664x8xf32, #tpu.memory_space<vmem>>
    %dma_wait3A_174 = tpu.memref_squeeze %dma_wait3A_173 : memref<1x1664x8xf32, #tpu.memory_space<vmem>> -> memref<1664x8xf32, #tpu.memory_space<vmem>>
    %dma_wait3A_175 = arith.constant 0 : i32
    %dma_wait3A_176 = tpu.memref_slice %arg5[%dma_wait3A_169, %dma_wait3A_175] : memref<2x1664xi32, #tpu.memory_space<vmem>> -> memref<1x1664xi32, #tpu.memory_space<vmem>>
    %dma_wait3A_177 = tpu.memref_squeeze %dma_wait3A_176 : memref<1x1664xi32, #tpu.memory_space<vmem>> -> memref<1664xi32, #tpu.memory_space<vmem>>
    %dma_wait3A_178 = arith.constant 0 : i32
    %dma_wait3A_179 = arith.constant 0 : i32
    %dma_wait3A_180 = tpu.memref_slice %arg3[%dma_wait3A_178, %dma_wait3A_179] : memref<2600000x8xf32, #tpu.memory_space<hbm>> -> memref<2600000x8xf32, #tpu.memory_space<hbm>>
    tpu.wait_indirect_dma semaphore(%arg7 : memref<!tpu.dma_semaphore, #tpu.memory_space<semaphore_mem>>) src(%dma_wait3A_180 : memref<2600000x8xf32, #tpu.memory_space<hbm>>) dst(%dma_wait3A_174 : memref<1664x8xf32, #tpu.memory_space<vmem>>)
    %add3A_181 = arith.constant 4992 : i32
    %add3A_182 = arith.addi %mul3A_6, %add3A_181 : i32
    %dma_start3A_183 = arith.constant 1 : i32
    %dma_start3A_184 = arith.constant 0 : i32
    %dma_start3A_185 = arith.constant 0 : i32
    %dma_start3A_186 = tpu.memref_slice %arg6[%dma_start3A_183, %dma_start3A_184, %dma_start3A_185] : memref<2x1664x8xf32, #tpu.memory_space<vmem>> -> memref<1x1664x8xf32, #tpu.memory_space<vmem>>
    %dma_start3A_187 = tpu.memref_squeeze %dma_start3A_186 : memref<1x1664x8xf32, #tpu.memory_space<vmem>> -> memref<1664x8xf32, #tpu.memory_space<vmem>>
    %dma_start3A_188 = arith.constant 0 : i32
    %dma_start3A_189 = tpu.memref_slice %arg4[%add3A_182, %dma_start3A_188] : memref<212992x8xf32, #tpu.memory_space<hbm>> -> memref<1664x8xf32, #tpu.memory_space<hbm>>
    %dma_start3A_190 = arith.constant 0 : i32
    %dma_start3A_191 = tpu.memref_slice %arg4[%add3A_182, %dma_start3A_190] : memref<212992x8xf32, #tpu.memory_space<hbm>> -> memref<1664x8xf32, #tpu.memory_space<hbm>>
    %dma_start3A_192 = arith.constant 0 : i32
    %dma_start3A_193 = arith.constant 0 : i32
    %dma_start3A_194 = tpu.memref_slice %arg6[%dma_start3A_183, %dma_start3A_192, %dma_start3A_193] : memref<2x1664x8xf32, #tpu.memory_space<vmem>> -> memref<1x1664x8xf32, #tpu.memory_space<vmem>>
    %dma_start3A_195 = tpu.memref_squeeze %dma_start3A_194 : memref<1x1664x8xf32, #tpu.memory_space<vmem>> -> memref<1664x8xf32, #tpu.memory_space<vmem>>
    tpu.enqueue_dma source(%dma_start3A_195 : memref<1664x8xf32, #tpu.memory_space<vmem>>) target(%dma_start3A_191 : memref<1664x8xf32, #tpu.memory_space<hbm>>) target_semaphore(%arg9 : memref<!tpu.dma_semaphore, #tpu.memory_space<semaphore_mem>>)
    %dma_wait3A_196 = arith.constant 0 : i32
    %dma_wait3A_197 = arith.constant 0 : i32
    %dma_wait3A_198 = arith.constant 0 : i32
    %dma_wait3A_199 = tpu.memref_slice %arg6[%dma_wait3A_196, %dma_wait3A_197, %dma_wait3A_198] : memref<2x1664x8xf32, #tpu.memory_space<vmem>> -> memref<1x1664x8xf32, #tpu.memory_space<vmem>>
    %dma_wait3A_200 = tpu.memref_squeeze %dma_wait3A_199 : memref<1x1664x8xf32, #tpu.memory_space<vmem>> -> memref<1664x8xf32, #tpu.memory_space<vmem>>
    %dma_wait3A_201 = arith.constant 0 : i32
    %dma_wait3A_202 = tpu.memref_slice %arg4[%add3A_130, %dma_wait3A_201] : memref<212992x8xf32, #tpu.memory_space<hbm>> -> memref<1664x8xf32, #tpu.memory_space<hbm>>
    %dma_wait3A_203 = arith.constant 0 : i32
    %dma_wait3A_204 = tpu.memref_slice %arg4[%add3A_130, %dma_wait3A_203] : memref<212992x8xf32, #tpu.memory_space<hbm>> -> memref<1664x8xf32, #tpu.memory_space<hbm>>
    %dma_wait3A_205 = arith.constant 0 : i32
    %dma_wait3A_206 = arith.constant 0 : i32
    %dma_wait3A_207 = tpu.memref_slice %arg6[%dma_wait3A_196, %dma_wait3A_205, %dma_wait3A_206] : memref<2x1664x8xf32, #tpu.memory_space<vmem>> -> memref<1x1664x8xf32, #tpu.memory_space<vmem>>
    %dma_wait3A_208 = tpu.memref_squeeze %dma_wait3A_207 : memref<1x1664x8xf32, #tpu.memory_space<vmem>> -> memref<1664x8xf32, #tpu.memory_space<vmem>>
    tpu.wait_dma2 semaphore(%arg8 : memref<!tpu.dma_semaphore, #tpu.memory_space<semaphore_mem>>) src(%dma_wait3A_208 : memref<1664x8xf32, #tpu.memory_space<vmem>>) dst(%dma_wait3A_204 : memref<1664x8xf32, #tpu.memory_space<hbm>>)
    %dma_wait3A_209 = arith.constant 1 : i32
    %dma_wait3A_210 = arith.constant 0 : i32
    %dma_wait3A_211 = arith.constant 0 : i32
    %dma_wait3A_212 = tpu.memref_slice %arg6[%dma_wait3A_209, %dma_wait3A_210, %dma_wait3A_211] : memref<2x1664x8xf32, #tpu.memory_space<vmem>> -> memref<1x1664x8xf32, #tpu.memory_space<vmem>>
    %dma_wait3A_213 = tpu.memref_squeeze %dma_wait3A_212 : memref<1x1664x8xf32, #tpu.memory_space<vmem>> -> memref<1664x8xf32, #tpu.memory_space<vmem>>
    %dma_wait3A_214 = arith.constant 0 : i32
    %dma_wait3A_215 = tpu.memref_slice %arg4[%add3A_182, %dma_wait3A_214] : memref<212992x8xf32, #tpu.memory_space<hbm>> -> memref<1664x8xf32, #tpu.memory_space<hbm>>
    %dma_wait3A_216 = arith.constant 0 : i32
    %dma_wait3A_217 = tpu.memref_slice %arg4[%add3A_182, %dma_wait3A_216] : memref<212992x8xf32, #tpu.memory_space<hbm>> -> memref<1664x8xf32, #tpu.memory_space<hbm>>
    %dma_wait3A_218 = arith.constant 0 : i32
    %dma_wait3A_219 = arith.constant 0 : i32
    %dma_wait3A_220 = tpu.memref_slice %arg6[%dma_wait3A_209, %dma_wait3A_218, %dma_wait3A_219] : memref<2x1664x8xf32, #tpu.memory_space<vmem>> -> memref<1x1664x8xf32, #tpu.memory_space<vmem>>
    %dma_wait3A_221 = tpu.memref_squeeze %dma_wait3A_220 : memref<1x1664x8xf32, #tpu.memory_space<vmem>> -> memref<1664x8xf32, #tpu.memory_space<vmem>>
    tpu.wait_dma2 semaphore(%arg9 : memref<!tpu.dma_semaphore, #tpu.memory_space<semaphore_mem>>) src(%dma_wait3A_221 : memref<1664x8xf32, #tpu.memory_space<vmem>>) dst(%dma_wait3A_217 : memref<1664x8xf32, #tpu.memory_space<hbm>>)
    return
  }
}

#map = affine_map<(d0, d1) -> (0)>
#map1 = affine_map<(d0, d1) -> (0, 0)>
module attributes {stable_mosaic.version = 14 : i64} {
  func.func @rowgather_h1(%arg0: i32, %arg1: i32, %arg2: memref<425984xi32, #tpu.memory_space<hbm>>, %arg3: memref<2600000x8xf32, #tpu.memory_space<hbm>>, %arg4: memref<212992x8xf32, #tpu.memory_space<hbm>>, %arg5: memref<2x1664xi32, #tpu.memory_space<vmem>>, %arg6: memref<2x1664x8xf32, #tpu.memory_space<vmem>>, %arg7: memref<!tpu.dma_semaphore, #tpu.memory_space<semaphore_mem>>, %arg8: memref<!tpu.dma_semaphore, #tpu.memory_space<semaphore_mem>>, %arg9: memref<!tpu.dma_semaphore, #tpu.memory_space<semaphore_mem>>) attributes {dimension_semantics = [#tpu.dimension_semantics<core_parallel>, #tpu.dimension_semantics<subcore_parallel>], iteration_bounds = array<i64: 2, 16>, scalar_prefetch = 0 : i64, scratch_operands = 5 : i64, tpu.core_type = #tpu.core_type<sc_vector_subcore>, window_params = [{transform_indices = #map}, {transform_indices = #map1}, {transform_indices = #map1}]} {
    %mul3A = arith.constant 2 : i32
    %mul3A_0 = arith.muli %arg1, %mul3A : i32
    %add3A = arith.addi %mul3A_0, %arg0 : i32
    %mul3A_1 = arith.constant 6656 : i32
    %mul3A_2 = arith.muli %add3A, %mul3A_1 : i32
    %add3A_3 = arith.constant 212992 : i32
    %add3A_4 = arith.addi %add3A_3, %mul3A_2 : i32
    %mul3A_5 = arith.constant 6656 : i32
    %mul3A_6 = arith.muli %add3A, %mul3A_5 : i32
    %run_scoped3A = arith.constant 0 : i32
    "tpu.region"() ({
      %run_scoped3A_222 = tpu.sem_alloc : memref<!tpu.dma_semaphore, #tpu.memory_space<semaphore_mem>>
      %dma_start3A_223 = arith.constant 0 : i32
      %dma_start3A_224 = tpu.memref_slice %arg5[%run_scoped3A, %dma_start3A_223] : memref<2x1664xi32, #tpu.memory_space<vmem>> -> memref<1x1664xi32, #tpu.memory_space<vmem>>
      %dma_start3A_225 = tpu.memref_squeeze %dma_start3A_224 : memref<1x1664xi32, #tpu.memory_space<vmem>> -> memref<1664xi32, #tpu.memory_space<vmem>>
      %dma_start3A_226 = tpu.memref_slice %arg2[%add3A_4] : memref<425984xi32, #tpu.memory_space<hbm>> -> memref<1664xi32, #tpu.memory_space<hbm>>
      %dma_start3A_227 = arith.constant 0 : i32
      %dma_start3A_228 = tpu.memref_slice %arg5[%run_scoped3A, %dma_start3A_227] : memref<2x1664xi32, #tpu.memory_space<vmem>> -> memref<1x1664xi32, #tpu.memory_space<vmem>>
      %dma_start3A_229 = tpu.memref_squeeze %dma_start3A_228 : memref<1x1664xi32, #tpu.memory_space<vmem>> -> memref<1664xi32, #tpu.memory_space<vmem>>
      %dma_start3A_230 = tpu.memref_slice %arg2[%add3A_4] : memref<425984xi32, #tpu.memory_space<hbm>> -> memref<1664xi32, #tpu.memory_space<hbm>>
      tpu.enqueue_dma source(%dma_start3A_230 : memref<1664xi32, #tpu.memory_space<hbm>>) target(%dma_start3A_229 : memref<1664xi32, #tpu.memory_space<vmem>>) target_semaphore(%run_scoped3A_222 : memref<!tpu.dma_semaphore, #tpu.memory_space<semaphore_mem>>)
      %dma_wait3A_231 = arith.constant 0 : i32
      %dma_wait3A_232 = tpu.memref_slice %arg5[%run_scoped3A, %dma_wait3A_231] : memref<2x1664xi32, #tpu.memory_space<vmem>> -> memref<1x1664xi32, #tpu.memory_space<vmem>>
      %dma_wait3A_233 = tpu.memref_squeeze %dma_wait3A_232 : memref<1x1664xi32, #tpu.memory_space<vmem>> -> memref<1664xi32, #tpu.memory_space<vmem>>
      %dma_wait3A_234 = tpu.memref_slice %arg2[%add3A_4] : memref<425984xi32, #tpu.memory_space<hbm>> -> memref<1664xi32, #tpu.memory_space<hbm>>
      %dma_wait3A_235 = arith.constant 0 : i32
      %dma_wait3A_236 = tpu.memref_slice %arg5[%run_scoped3A, %dma_wait3A_235] : memref<2x1664xi32, #tpu.memory_space<vmem>> -> memref<1x1664xi32, #tpu.memory_space<vmem>>
      %dma_wait3A_237 = tpu.memref_squeeze %dma_wait3A_236 : memref<1x1664xi32, #tpu.memory_space<vmem>> -> memref<1664xi32, #tpu.memory_space<vmem>>
      %dma_wait3A_238 = tpu.memref_slice %arg2[%add3A_4] : memref<425984xi32, #tpu.memory_space<hbm>> -> memref<1664xi32, #tpu.memory_space<hbm>>
      tpu.wait_dma2 semaphore(%run_scoped3A_222 : memref<!tpu.dma_semaphore, #tpu.memory_space<semaphore_mem>>) src(%dma_wait3A_238 : memref<1664xi32, #tpu.memory_space<hbm>>) dst(%dma_wait3A_237 : memref<1664xi32, #tpu.memory_space<vmem>>)
      tpu.yield
    }) : () -> ()
    %dma_start3A = arith.constant 0 : i32
    %dma_start3A_7 = arith.constant 0 : i32
    %dma_start3A_8 = arith.constant 0 : i32
    %dma_start3A_9 = arith.constant 0 : i32
    %dma_start3A_10 = tpu.memref_slice %arg6[%dma_start3A_7, %dma_start3A_8, %dma_start3A_9] : memref<2x1664x8xf32, #tpu.memory_space<vmem>> -> memref<1x1664x8xf32, #tpu.memory_space<vmem>>
    %dma_start3A_11 = tpu.memref_squeeze %dma_start3A_10 : memref<1x1664x8xf32, #tpu.memory_space<vmem>> -> memref<1664x8xf32, #tpu.memory_space<vmem>>
    %dma_start3A_12 = arith.constant 0 : i32
    %dma_start3A_13 = tpu.memref_slice %arg5[%dma_start3A, %dma_start3A_12] : memref<2x1664xi32, #tpu.memory_space<vmem>> -> memref<1x1664xi32, #tpu.memory_space<vmem>>
    %dma_start3A_14 = tpu.memref_squeeze %dma_start3A_13 : memref<1x1664xi32, #tpu.memory_space<vmem>> -> memref<1664xi32, #tpu.memory_space<vmem>>
    %dma_start3A_15 = arith.constant 0 : i32
    %dma_start3A_16 = arith.constant 0 : i32
    %dma_start3A_17 = tpu.memref_slice %arg3[%dma_start3A_15, %dma_start3A_16] : memref<2600000x8xf32, #tpu.memory_space<hbm>> -> memref<2600000x8xf32, #tpu.memory_space<hbm>>
    tpu.enqueue_indirect_dma source(%dma_start3A_17 : memref<2600000x8xf32, #tpu.memory_space<hbm>>) target(%dma_start3A_11 : memref<1664x8xf32, #tpu.memory_space<vmem>>) offsets(%dma_start3A_14 : memref<1664xi32, #tpu.memory_space<vmem>>) semaphore(%arg7 : memref<!tpu.dma_semaphore, #tpu.memory_space<semaphore_mem>>)
    %add3A_18 = arith.constant 1664 : i32
    %add3A_19 = arith.addi %add3A_4, %add3A_18 : i32
    %run_scoped3A_20 = arith.constant 1 : i32
    "tpu.region"() ({
      %run_scoped3A_222 = tpu.sem_alloc : memref<!tpu.dma_semaphore, #tpu.memory_space<semaphore_mem>>
      %dma_start3A_223 = arith.constant 0 : i32
      %dma_start3A_224 = tpu.memref_slice %arg5[%run_scoped3A_20, %dma_start3A_223] : memref<2x1664xi32, #tpu.memory_space<vmem>> -> memref<1x1664xi32, #tpu.memory_space<vmem>>
      %dma_start3A_225 = tpu.memref_squeeze %dma_start3A_224 : memref<1x1664xi32, #tpu.memory_space<vmem>> -> memref<1664xi32, #tpu.memory_space<vmem>>
      %dma_start3A_226 = tpu.memref_slice %arg2[%add3A_19] : memref<425984xi32, #tpu.memory_space<hbm>> -> memref<1664xi32, #tpu.memory_space<hbm>>
      %dma_start3A_227 = arith.constant 0 : i32
      %dma_start3A_228 = tpu.memref_slice %arg5[%run_scoped3A_20, %dma_start3A_227] : memref<2x1664xi32, #tpu.memory_space<vmem>> -> memref<1x1664xi32, #tpu.memory_space<vmem>>
      %dma_start3A_229 = tpu.memref_squeeze %dma_start3A_228 : memref<1x1664xi32, #tpu.memory_space<vmem>> -> memref<1664xi32, #tpu.memory_space<vmem>>
      %dma_start3A_230 = tpu.memref_slice %arg2[%add3A_19] : memref<425984xi32, #tpu.memory_space<hbm>> -> memref<1664xi32, #tpu.memory_space<hbm>>
      tpu.enqueue_dma source(%dma_start3A_230 : memref<1664xi32, #tpu.memory_space<hbm>>) target(%dma_start3A_229 : memref<1664xi32, #tpu.memory_space<vmem>>) target_semaphore(%run_scoped3A_222 : memref<!tpu.dma_semaphore, #tpu.memory_space<semaphore_mem>>)
      %dma_wait3A_231 = arith.constant 0 : i32
      %dma_wait3A_232 = tpu.memref_slice %arg5[%run_scoped3A_20, %dma_wait3A_231] : memref<2x1664xi32, #tpu.memory_space<vmem>> -> memref<1x1664xi32, #tpu.memory_space<vmem>>
      %dma_wait3A_233 = tpu.memref_squeeze %dma_wait3A_232 : memref<1x1664xi32, #tpu.memory_space<vmem>> -> memref<1664xi32, #tpu.memory_space<vmem>>
      %dma_wait3A_234 = tpu.memref_slice %arg2[%add3A_19] : memref<425984xi32, #tpu.memory_space<hbm>> -> memref<1664xi32, #tpu.memory_space<hbm>>
      %dma_wait3A_235 = arith.constant 0 : i32
      %dma_wait3A_236 = tpu.memref_slice %arg5[%run_scoped3A_20, %dma_wait3A_235] : memref<2x1664xi32, #tpu.memory_space<vmem>> -> memref<1x1664xi32, #tpu.memory_space<vmem>>
      %dma_wait3A_237 = tpu.memref_squeeze %dma_wait3A_236 : memref<1x1664xi32, #tpu.memory_space<vmem>> -> memref<1664xi32, #tpu.memory_space<vmem>>
      %dma_wait3A_238 = tpu.memref_slice %arg2[%add3A_19] : memref<425984xi32, #tpu.memory_space<hbm>> -> memref<1664xi32, #tpu.memory_space<hbm>>
      tpu.wait_dma2 semaphore(%run_scoped3A_222 : memref<!tpu.dma_semaphore, #tpu.memory_space<semaphore_mem>>) src(%dma_wait3A_238 : memref<1664xi32, #tpu.memory_space<hbm>>) dst(%dma_wait3A_237 : memref<1664xi32, #tpu.memory_space<vmem>>)
      tpu.yield
    }) : () -> ()
    %dma_wait3A = arith.constant 0 : i32
    %dma_wait3A_21 = arith.constant 0 : i32
    %dma_wait3A_22 = arith.constant 0 : i32
    %dma_wait3A_23 = arith.constant 0 : i32
    %dma_wait3A_24 = tpu.memref_slice %arg6[%dma_wait3A_21, %dma_wait3A_22, %dma_wait3A_23] : memref<2x1664x8xf32, #tpu.memory_space<vmem>> -> memref<1x1664x8xf32, #tpu.memory_space<vmem>>
    %dma_wait3A_25 = tpu.memref_squeeze %dma_wait3A_24 : memref<1x1664x8xf32, #tpu.memory_space<vmem>> -> memref<1664x8xf32, #tpu.memory_space<vmem>>
    %dma_wait3A_26 = arith.constant 0 : i32
    %dma_wait3A_27 = tpu.memref_slice %arg5[%dma_wait3A, %dma_wait3A_26] : memref<2x1664xi32, #tpu.memory_space<vmem>> -> memref<1x1664xi32, #tpu.memory_space<vmem>>
    %dma_wait3A_28 = tpu.memref_squeeze %dma_wait3A_27 : memref<1x1664xi32, #tpu.memory_space<vmem>> -> memref<1664xi32, #tpu.memory_space<vmem>>
    %dma_wait3A_29 = arith.constant 0 : i32
    %dma_wait3A_30 = arith.constant 0 : i32
    %dma_wait3A_31 = tpu.memref_slice %arg3[%dma_wait3A_29, %dma_wait3A_30] : memref<2600000x8xf32, #tpu.memory_space<hbm>> -> memref<2600000x8xf32, #tpu.memory_space<hbm>>
    tpu.wait_indirect_dma semaphore(%arg7 : memref<!tpu.dma_semaphore, #tpu.memory_space<semaphore_mem>>) src(%dma_wait3A_31 : memref<2600000x8xf32, #tpu.memory_space<hbm>>) dst(%dma_wait3A_25 : memref<1664x8xf32, #tpu.memory_space<vmem>>)
    %add3A_32 = arith.constant 0 : i32
    %add3A_33 = arith.addi %mul3A_6, %add3A_32 : i32
    %dma_start3A_34 = arith.constant 0 : i32
    %dma_start3A_35 = arith.constant 0 : i32
    %dma_start3A_36 = arith.constant 0 : i32
    %dma_start3A_37 = tpu.memref_slice %arg6[%dma_start3A_34, %dma_start3A_35, %dma_start3A_36] : memref<2x1664x8xf32, #tpu.memory_space<vmem>> -> memref<1x1664x8xf32, #tpu.memory_space<vmem>>
    %dma_start3A_38 = tpu.memref_squeeze %dma_start3A_37 : memref<1x1664x8xf32, #tpu.memory_space<vmem>> -> memref<1664x8xf32, #tpu.memory_space<vmem>>
    %dma_start3A_39 = arith.constant 0 : i32
    %dma_start3A_40 = tpu.memref_slice %arg4[%add3A_33, %dma_start3A_39] : memref<212992x8xf32, #tpu.memory_space<hbm>> -> memref<1664x8xf32, #tpu.memory_space<hbm>>
    %dma_start3A_41 = arith.constant 0 : i32
    %dma_start3A_42 = tpu.memref_slice %arg4[%add3A_33, %dma_start3A_41] : memref<212992x8xf32, #tpu.memory_space<hbm>> -> memref<1664x8xf32, #tpu.memory_space<hbm>>
    %dma_start3A_43 = arith.constant 0 : i32
    %dma_start3A_44 = arith.constant 0 : i32
    %dma_start3A_45 = tpu.memref_slice %arg6[%dma_start3A_34, %dma_start3A_43, %dma_start3A_44] : memref<2x1664x8xf32, #tpu.memory_space<vmem>> -> memref<1x1664x8xf32, #tpu.memory_space<vmem>>
    %dma_start3A_46 = tpu.memref_squeeze %dma_start3A_45 : memref<1x1664x8xf32, #tpu.memory_space<vmem>> -> memref<1664x8xf32, #tpu.memory_space<vmem>>
    tpu.enqueue_dma source(%dma_start3A_46 : memref<1664x8xf32, #tpu.memory_space<vmem>>) target(%dma_start3A_42 : memref<1664x8xf32, #tpu.memory_space<hbm>>) target_semaphore(%arg8 : memref<!tpu.dma_semaphore, #tpu.memory_space<semaphore_mem>>)
    %dma_start3A_47 = arith.constant 1 : i32
    %dma_start3A_48 = arith.constant 1 : i32
    %dma_start3A_49 = arith.constant 0 : i32
    %dma_start3A_50 = arith.constant 0 : i32
    %dma_start3A_51 = tpu.memref_slice %arg6[%dma_start3A_48, %dma_start3A_49, %dma_start3A_50] : memref<2x1664x8xf32, #tpu.memory_space<vmem>> -> memref<1x1664x8xf32, #tpu.memory_space<vmem>>
    %dma_start3A_52 = tpu.memref_squeeze %dma_start3A_51 : memref<1x1664x8xf32, #tpu.memory_space<vmem>> -> memref<1664x8xf32, #tpu.memory_space<vmem>>
    %dma_start3A_53 = arith.constant 0 : i32
    %dma_start3A_54 = tpu.memref_slice %arg5[%dma_start3A_47, %dma_start3A_53] : memref<2x1664xi32, #tpu.memory_space<vmem>> -> memref<1x1664xi32, #tpu.memory_space<vmem>>
    %dma_start3A_55 = tpu.memref_squeeze %dma_start3A_54 : memref<1x1664xi32, #tpu.memory_space<vmem>> -> memref<1664xi32, #tpu.memory_space<vmem>>
    %dma_start3A_56 = arith.constant 0 : i32
    %dma_start3A_57 = arith.constant 0 : i32
    %dma_start3A_58 = tpu.memref_slice %arg3[%dma_start3A_56, %dma_start3A_57] : memref<2600000x8xf32, #tpu.memory_space<hbm>> -> memref<2600000x8xf32, #tpu.memory_space<hbm>>
    tpu.enqueue_indirect_dma source(%dma_start3A_58 : memref<2600000x8xf32, #tpu.memory_space<hbm>>) target(%dma_start3A_52 : memref<1664x8xf32, #tpu.memory_space<vmem>>) offsets(%dma_start3A_55 : memref<1664xi32, #tpu.memory_space<vmem>>) semaphore(%arg7 : memref<!tpu.dma_semaphore, #tpu.memory_space<semaphore_mem>>)
    %add3A_59 = arith.constant 3328 : i32
    %add3A_60 = arith.addi %add3A_4, %add3A_59 : i32
    %run_scoped3A_61 = arith.constant 0 : i32
    "tpu.region"() ({
      %run_scoped3A_222 = tpu.sem_alloc : memref<!tpu.dma_semaphore, #tpu.memory_space<semaphore_mem>>
      %dma_start3A_223 = arith.constant 0 : i32
      %dma_start3A_224 = tpu.memref_slice %arg5[%run_scoped3A_61, %dma_start3A_223] : memref<2x1664xi32, #tpu.memory_space<vmem>> -> memref<1x1664xi32, #tpu.memory_space<vmem>>
      %dma_start3A_225 = tpu.memref_squeeze %dma_start3A_224 : memref<1x1664xi32, #tpu.memory_space<vmem>> -> memref<1664xi32, #tpu.memory_space<vmem>>
      %dma_start3A_226 = tpu.memref_slice %arg2[%add3A_60] : memref<425984xi32, #tpu.memory_space<hbm>> -> memref<1664xi32, #tpu.memory_space<hbm>>
      %dma_start3A_227 = arith.constant 0 : i32
      %dma_start3A_228 = tpu.memref_slice %arg5[%run_scoped3A_61, %dma_start3A_227] : memref<2x1664xi32, #tpu.memory_space<vmem>> -> memref<1x1664xi32, #tpu.memory_space<vmem>>
      %dma_start3A_229 = tpu.memref_squeeze %dma_start3A_228 : memref<1x1664xi32, #tpu.memory_space<vmem>> -> memref<1664xi32, #tpu.memory_space<vmem>>
      %dma_start3A_230 = tpu.memref_slice %arg2[%add3A_60] : memref<425984xi32, #tpu.memory_space<hbm>> -> memref<1664xi32, #tpu.memory_space<hbm>>
      tpu.enqueue_dma source(%dma_start3A_230 : memref<1664xi32, #tpu.memory_space<hbm>>) target(%dma_start3A_229 : memref<1664xi32, #tpu.memory_space<vmem>>) target_semaphore(%run_scoped3A_222 : memref<!tpu.dma_semaphore, #tpu.memory_space<semaphore_mem>>)
      %dma_wait3A_231 = arith.constant 0 : i32
      %dma_wait3A_232 = tpu.memref_slice %arg5[%run_scoped3A_61, %dma_wait3A_231] : memref<2x1664xi32, #tpu.memory_space<vmem>> -> memref<1x1664xi32, #tpu.memory_space<vmem>>
      %dma_wait3A_233 = tpu.memref_squeeze %dma_wait3A_232 : memref<1x1664xi32, #tpu.memory_space<vmem>> -> memref<1664xi32, #tpu.memory_space<vmem>>
      %dma_wait3A_234 = tpu.memref_slice %arg2[%add3A_60] : memref<425984xi32, #tpu.memory_space<hbm>> -> memref<1664xi32, #tpu.memory_space<hbm>>
      %dma_wait3A_235 = arith.constant 0 : i32
      %dma_wait3A_236 = tpu.memref_slice %arg5[%run_scoped3A_61, %dma_wait3A_235] : memref<2x1664xi32, #tpu.memory_space<vmem>> -> memref<1x1664xi32, #tpu.memory_space<vmem>>
      %dma_wait3A_237 = tpu.memref_squeeze %dma_wait3A_236 : memref<1x1664xi32, #tpu.memory_space<vmem>> -> memref<1664xi32, #tpu.memory_space<vmem>>
      %dma_wait3A_238 = tpu.memref_slice %arg2[%add3A_60] : memref<425984xi32, #tpu.memory_space<hbm>> -> memref<1664xi32, #tpu.memory_space<hbm>>
      tpu.wait_dma2 semaphore(%run_scoped3A_222 : memref<!tpu.dma_semaphore, #tpu.memory_space<semaphore_mem>>) src(%dma_wait3A_238 : memref<1664xi32, #tpu.memory_space<hbm>>) dst(%dma_wait3A_237 : memref<1664xi32, #tpu.memory_space<vmem>>)
      tpu.yield
    }) : () -> ()
    %dma_wait3A_62 = arith.constant 1 : i32
    %dma_wait3A_63 = arith.constant 1 : i32
    %dma_wait3A_64 = arith.constant 0 : i32
    %dma_wait3A_65 = arith.constant 0 : i32
    %dma_wait3A_66 = tpu.memref_slice %arg6[%dma_wait3A_63, %dma_wait3A_64, %dma_wait3A_65] : memref<2x1664x8xf32, #tpu.memory_space<vmem>> -> memref<1x1664x8xf32, #tpu.memory_space<vmem>>
    %dma_wait3A_67 = tpu.memref_squeeze %dma_wait3A_66 : memref<1x1664x8xf32, #tpu.memory_space<vmem>> -> memref<1664x8xf32, #tpu.memory_space<vmem>>
    %dma_wait3A_68 = arith.constant 0 : i32
    %dma_wait3A_69 = tpu.memref_slice %arg5[%dma_wait3A_62, %dma_wait3A_68] : memref<2x1664xi32, #tpu.memory_space<vmem>> -> memref<1x1664xi32, #tpu.memory_space<vmem>>
    %dma_wait3A_70 = tpu.memref_squeeze %dma_wait3A_69 : memref<1x1664xi32, #tpu.memory_space<vmem>> -> memref<1664xi32, #tpu.memory_space<vmem>>
    %dma_wait3A_71 = arith.constant 0 : i32
    %dma_wait3A_72 = arith.constant 0 : i32
    %dma_wait3A_73 = tpu.memref_slice %arg3[%dma_wait3A_71, %dma_wait3A_72] : memref<2600000x8xf32, #tpu.memory_space<hbm>> -> memref<2600000x8xf32, #tpu.memory_space<hbm>>
    tpu.wait_indirect_dma semaphore(%arg7 : memref<!tpu.dma_semaphore, #tpu.memory_space<semaphore_mem>>) src(%dma_wait3A_73 : memref<2600000x8xf32, #tpu.memory_space<hbm>>) dst(%dma_wait3A_67 : memref<1664x8xf32, #tpu.memory_space<vmem>>)
    %add3A_74 = arith.constant 1664 : i32
    %add3A_75 = arith.addi %mul3A_6, %add3A_74 : i32
    %dma_start3A_76 = arith.constant 1 : i32
    %dma_start3A_77 = arith.constant 0 : i32
    %dma_start3A_78 = arith.constant 0 : i32
    %dma_start3A_79 = tpu.memref_slice %arg6[%dma_start3A_76, %dma_start3A_77, %dma_start3A_78] : memref<2x1664x8xf32, #tpu.memory_space<vmem>> -> memref<1x1664x8xf32, #tpu.memory_space<vmem>>
    %dma_start3A_80 = tpu.memref_squeeze %dma_start3A_79 : memref<1x1664x8xf32, #tpu.memory_space<vmem>> -> memref<1664x8xf32, #tpu.memory_space<vmem>>
    %dma_start3A_81 = arith.constant 0 : i32
    %dma_start3A_82 = tpu.memref_slice %arg4[%add3A_75, %dma_start3A_81] : memref<212992x8xf32, #tpu.memory_space<hbm>> -> memref<1664x8xf32, #tpu.memory_space<hbm>>
    %dma_start3A_83 = arith.constant 0 : i32
    %dma_start3A_84 = tpu.memref_slice %arg4[%add3A_75, %dma_start3A_83] : memref<212992x8xf32, #tpu.memory_space<hbm>> -> memref<1664x8xf32, #tpu.memory_space<hbm>>
    %dma_start3A_85 = arith.constant 0 : i32
    %dma_start3A_86 = arith.constant 0 : i32
    %dma_start3A_87 = tpu.memref_slice %arg6[%dma_start3A_76, %dma_start3A_85, %dma_start3A_86] : memref<2x1664x8xf32, #tpu.memory_space<vmem>> -> memref<1x1664x8xf32, #tpu.memory_space<vmem>>
    %dma_start3A_88 = tpu.memref_squeeze %dma_start3A_87 : memref<1x1664x8xf32, #tpu.memory_space<vmem>> -> memref<1664x8xf32, #tpu.memory_space<vmem>>
    tpu.enqueue_dma source(%dma_start3A_88 : memref<1664x8xf32, #tpu.memory_space<vmem>>) target(%dma_start3A_84 : memref<1664x8xf32, #tpu.memory_space<hbm>>) target_semaphore(%arg9 : memref<!tpu.dma_semaphore, #tpu.memory_space<semaphore_mem>>)
    %dma_wait3A_89 = arith.constant 0 : i32
    %dma_wait3A_90 = arith.constant 0 : i32
    %dma_wait3A_91 = arith.constant 0 : i32
    %dma_wait3A_92 = tpu.memref_slice %arg6[%dma_wait3A_89, %dma_wait3A_90, %dma_wait3A_91] : memref<2x1664x8xf32, #tpu.memory_space<vmem>> -> memref<1x1664x8xf32, #tpu.memory_space<vmem>>
    %dma_wait3A_93 = tpu.memref_squeeze %dma_wait3A_92 : memref<1x1664x8xf32, #tpu.memory_space<vmem>> -> memref<1664x8xf32, #tpu.memory_space<vmem>>
    %dma_wait3A_94 = arith.constant 0 : i32
    %dma_wait3A_95 = tpu.memref_slice %arg4[%add3A_33, %dma_wait3A_94] : memref<212992x8xf32, #tpu.memory_space<hbm>> -> memref<1664x8xf32, #tpu.memory_space<hbm>>
    %dma_wait3A_96 = arith.constant 0 : i32
    %dma_wait3A_97 = tpu.memref_slice %arg4[%add3A_33, %dma_wait3A_96] : memref<212992x8xf32, #tpu.memory_space<hbm>> -> memref<1664x8xf32, #tpu.memory_space<hbm>>
    %dma_wait3A_98 = arith.constant 0 : i32
    %dma_wait3A_99 = arith.constant 0 : i32
    %dma_wait3A_100 = tpu.memref_slice %arg6[%dma_wait3A_89, %dma_wait3A_98, %dma_wait3A_99] : memref<2x1664x8xf32, #tpu.memory_space<vmem>> -> memref<1x1664x8xf32, #tpu.memory_space<vmem>>
    %dma_wait3A_101 = tpu.memref_squeeze %dma_wait3A_100 : memref<1x1664x8xf32, #tpu.memory_space<vmem>> -> memref<1664x8xf32, #tpu.memory_space<vmem>>
    tpu.wait_dma2 semaphore(%arg8 : memref<!tpu.dma_semaphore, #tpu.memory_space<semaphore_mem>>) src(%dma_wait3A_101 : memref<1664x8xf32, #tpu.memory_space<vmem>>) dst(%dma_wait3A_97 : memref<1664x8xf32, #tpu.memory_space<hbm>>)
    %dma_start3A_102 = arith.constant 0 : i32
    %dma_start3A_103 = arith.constant 0 : i32
    %dma_start3A_104 = arith.constant 0 : i32
    %dma_start3A_105 = arith.constant 0 : i32
    %dma_start3A_106 = tpu.memref_slice %arg6[%dma_start3A_103, %dma_start3A_104, %dma_start3A_105] : memref<2x1664x8xf32, #tpu.memory_space<vmem>> -> memref<1x1664x8xf32, #tpu.memory_space<vmem>>
    %dma_start3A_107 = tpu.memref_squeeze %dma_start3A_106 : memref<1x1664x8xf32, #tpu.memory_space<vmem>> -> memref<1664x8xf32, #tpu.memory_space<vmem>>
    %dma_start3A_108 = arith.constant 0 : i32
    %dma_start3A_109 = tpu.memref_slice %arg5[%dma_start3A_102, %dma_start3A_108] : memref<2x1664xi32, #tpu.memory_space<vmem>> -> memref<1x1664xi32, #tpu.memory_space<vmem>>
    %dma_start3A_110 = tpu.memref_squeeze %dma_start3A_109 : memref<1x1664xi32, #tpu.memory_space<vmem>> -> memref<1664xi32, #tpu.memory_space<vmem>>
    %dma_start3A_111 = arith.constant 0 : i32
    %dma_start3A_112 = arith.constant 0 : i32
    %dma_start3A_113 = tpu.memref_slice %arg3[%dma_start3A_111, %dma_start3A_112] : memref<2600000x8xf32, #tpu.memory_space<hbm>> -> memref<2600000x8xf32, #tpu.memory_space<hbm>>
    tpu.enqueue_indirect_dma source(%dma_start3A_113 : memref<2600000x8xf32, #tpu.memory_space<hbm>>) target(%dma_start3A_107 : memref<1664x8xf32, #tpu.memory_space<vmem>>) offsets(%dma_start3A_110 : memref<1664xi32, #tpu.memory_space<vmem>>) semaphore(%arg7 : memref<!tpu.dma_semaphore, #tpu.memory_space<semaphore_mem>>)
    %add3A_114 = arith.constant 4992 : i32
    %add3A_115 = arith.addi %add3A_4, %add3A_114 : i32
    %run_scoped3A_116 = arith.constant 1 : i32
    "tpu.region"() ({
      %run_scoped3A_222 = tpu.sem_alloc : memref<!tpu.dma_semaphore, #tpu.memory_space<semaphore_mem>>
      %dma_start3A_223 = arith.constant 0 : i32
      %dma_start3A_224 = tpu.memref_slice %arg5[%run_scoped3A_116, %dma_start3A_223] : memref<2x1664xi32, #tpu.memory_space<vmem>> -> memref<1x1664xi32, #tpu.memory_space<vmem>>
      %dma_start3A_225 = tpu.memref_squeeze %dma_start3A_224 : memref<1x1664xi32, #tpu.memory_space<vmem>> -> memref<1664xi32, #tpu.memory_space<vmem>>
      %dma_start3A_226 = tpu.memref_slice %arg2[%add3A_115] : memref<425984xi32, #tpu.memory_space<hbm>> -> memref<1664xi32, #tpu.memory_space<hbm>>
      %dma_start3A_227 = arith.constant 0 : i32
      %dma_start3A_228 = tpu.memref_slice %arg5[%run_scoped3A_116, %dma_start3A_227] : memref<2x1664xi32, #tpu.memory_space<vmem>> -> memref<1x1664xi32, #tpu.memory_space<vmem>>
      %dma_start3A_229 = tpu.memref_squeeze %dma_start3A_228 : memref<1x1664xi32, #tpu.memory_space<vmem>> -> memref<1664xi32, #tpu.memory_space<vmem>>
      %dma_start3A_230 = tpu.memref_slice %arg2[%add3A_115] : memref<425984xi32, #tpu.memory_space<hbm>> -> memref<1664xi32, #tpu.memory_space<hbm>>
      tpu.enqueue_dma source(%dma_start3A_230 : memref<1664xi32, #tpu.memory_space<hbm>>) target(%dma_start3A_229 : memref<1664xi32, #tpu.memory_space<vmem>>) target_semaphore(%run_scoped3A_222 : memref<!tpu.dma_semaphore, #tpu.memory_space<semaphore_mem>>)
      %dma_wait3A_231 = arith.constant 0 : i32
      %dma_wait3A_232 = tpu.memref_slice %arg5[%run_scoped3A_116, %dma_wait3A_231] : memref<2x1664xi32, #tpu.memory_space<vmem>> -> memref<1x1664xi32, #tpu.memory_space<vmem>>
      %dma_wait3A_233 = tpu.memref_squeeze %dma_wait3A_232 : memref<1x1664xi32, #tpu.memory_space<vmem>> -> memref<1664xi32, #tpu.memory_space<vmem>>
      %dma_wait3A_234 = tpu.memref_slice %arg2[%add3A_115] : memref<425984xi32, #tpu.memory_space<hbm>> -> memref<1664xi32, #tpu.memory_space<hbm>>
      %dma_wait3A_235 = arith.constant 0 : i32
      %dma_wait3A_236 = tpu.memref_slice %arg5[%run_scoped3A_116, %dma_wait3A_235] : memref<2x1664xi32, #tpu.memory_space<vmem>> -> memref<1x1664xi32, #tpu.memory_space<vmem>>
      %dma_wait3A_237 = tpu.memref_squeeze %dma_wait3A_236 : memref<1x1664xi32, #tpu.memory_space<vmem>> -> memref<1664xi32, #tpu.memory_space<vmem>>
      %dma_wait3A_238 = tpu.memref_slice %arg2[%add3A_115] : memref<425984xi32, #tpu.memory_space<hbm>> -> memref<1664xi32, #tpu.memory_space<hbm>>
      tpu.wait_dma2 semaphore(%run_scoped3A_222 : memref<!tpu.dma_semaphore, #tpu.memory_space<semaphore_mem>>) src(%dma_wait3A_238 : memref<1664xi32, #tpu.memory_space<hbm>>) dst(%dma_wait3A_237 : memref<1664xi32, #tpu.memory_space<vmem>>)
      tpu.yield
    }) : () -> ()
    %dma_wait3A_117 = arith.constant 0 : i32
    %dma_wait3A_118 = arith.constant 0 : i32
    %dma_wait3A_119 = arith.constant 0 : i32
    %dma_wait3A_120 = arith.constant 0 : i32
    %dma_wait3A_121 = tpu.memref_slice %arg6[%dma_wait3A_118, %dma_wait3A_119, %dma_wait3A_120] : memref<2x1664x8xf32, #tpu.memory_space<vmem>> -> memref<1x1664x8xf32, #tpu.memory_space<vmem>>
    %dma_wait3A_122 = tpu.memref_squeeze %dma_wait3A_121 : memref<1x1664x8xf32, #tpu.memory_space<vmem>> -> memref<1664x8xf32, #tpu.memory_space<vmem>>
    %dma_wait3A_123 = arith.constant 0 : i32
    %dma_wait3A_124 = tpu.memref_slice %arg5[%dma_wait3A_117, %dma_wait3A_123] : memref<2x1664xi32, #tpu.memory_space<vmem>> -> memref<1x1664xi32, #tpu.memory_space<vmem>>
    %dma_wait3A_125 = tpu.memref_squeeze %dma_wait3A_124 : memref<1x1664xi32, #tpu.memory_space<vmem>> -> memref<1664xi32, #tpu.memory_space<vmem>>
    %dma_wait3A_126 = arith.constant 0 : i32
    %dma_wait3A_127 = arith.constant 0 : i32
    %dma_wait3A_128 = tpu.memref_slice %arg3[%dma_wait3A_126, %dma_wait3A_127] : memref<2600000x8xf32, #tpu.memory_space<hbm>> -> memref<2600000x8xf32, #tpu.memory_space<hbm>>
    tpu.wait_indirect_dma semaphore(%arg7 : memref<!tpu.dma_semaphore, #tpu.memory_space<semaphore_mem>>) src(%dma_wait3A_128 : memref<2600000x8xf32, #tpu.memory_space<hbm>>) dst(%dma_wait3A_122 : memref<1664x8xf32, #tpu.memory_space<vmem>>)
    %add3A_129 = arith.constant 3328 : i32
    %add3A_130 = arith.addi %mul3A_6, %add3A_129 : i32
    %dma_start3A_131 = arith.constant 0 : i32
    %dma_start3A_132 = arith.constant 0 : i32
    %dma_start3A_133 = arith.constant 0 : i32
    %dma_start3A_134 = tpu.memref_slice %arg6[%dma_start3A_131, %dma_start3A_132, %dma_start3A_133] : memref<2x1664x8xf32, #tpu.memory_space<vmem>> -> memref<1x1664x8xf32, #tpu.memory_space<vmem>>
    %dma_start3A_135 = tpu.memref_squeeze %dma_start3A_134 : memref<1x1664x8xf32, #tpu.memory_space<vmem>> -> memref<1664x8xf32, #tpu.memory_space<vmem>>
    %dma_start3A_136 = arith.constant 0 : i32
    %dma_start3A_137 = tpu.memref_slice %arg4[%add3A_130, %dma_start3A_136] : memref<212992x8xf32, #tpu.memory_space<hbm>> -> memref<1664x8xf32, #tpu.memory_space<hbm>>
    %dma_start3A_138 = arith.constant 0 : i32
    %dma_start3A_139 = tpu.memref_slice %arg4[%add3A_130, %dma_start3A_138] : memref<212992x8xf32, #tpu.memory_space<hbm>> -> memref<1664x8xf32, #tpu.memory_space<hbm>>
    %dma_start3A_140 = arith.constant 0 : i32
    %dma_start3A_141 = arith.constant 0 : i32
    %dma_start3A_142 = tpu.memref_slice %arg6[%dma_start3A_131, %dma_start3A_140, %dma_start3A_141] : memref<2x1664x8xf32, #tpu.memory_space<vmem>> -> memref<1x1664x8xf32, #tpu.memory_space<vmem>>
    %dma_start3A_143 = tpu.memref_squeeze %dma_start3A_142 : memref<1x1664x8xf32, #tpu.memory_space<vmem>> -> memref<1664x8xf32, #tpu.memory_space<vmem>>
    tpu.enqueue_dma source(%dma_start3A_143 : memref<1664x8xf32, #tpu.memory_space<vmem>>) target(%dma_start3A_139 : memref<1664x8xf32, #tpu.memory_space<hbm>>) target_semaphore(%arg8 : memref<!tpu.dma_semaphore, #tpu.memory_space<semaphore_mem>>)
    %dma_wait3A_144 = arith.constant 1 : i32
    %dma_wait3A_145 = arith.constant 0 : i32
    %dma_wait3A_146 = arith.constant 0 : i32
    %dma_wait3A_147 = tpu.memref_slice %arg6[%dma_wait3A_144, %dma_wait3A_145, %dma_wait3A_146] : memref<2x1664x8xf32, #tpu.memory_space<vmem>> -> memref<1x1664x8xf32, #tpu.memory_space<vmem>>
    %dma_wait3A_148 = tpu.memref_squeeze %dma_wait3A_147 : memref<1x1664x8xf32, #tpu.memory_space<vmem>> -> memref<1664x8xf32, #tpu.memory_space<vmem>>
    %dma_wait3A_149 = arith.constant 0 : i32
    %dma_wait3A_150 = tpu.memref_slice %arg4[%add3A_75, %dma_wait3A_149] : memref<212992x8xf32, #tpu.memory_space<hbm>> -> memref<1664x8xf32, #tpu.memory_space<hbm>>
    %dma_wait3A_151 = arith.constant 0 : i32
    %dma_wait3A_152 = tpu.memref_slice %arg4[%add3A_75, %dma_wait3A_151] : memref<212992x8xf32, #tpu.memory_space<hbm>> -> memref<1664x8xf32, #tpu.memory_space<hbm>>
    %dma_wait3A_153 = arith.constant 0 : i32
    %dma_wait3A_154 = arith.constant 0 : i32
    %dma_wait3A_155 = tpu.memref_slice %arg6[%dma_wait3A_144, %dma_wait3A_153, %dma_wait3A_154] : memref<2x1664x8xf32, #tpu.memory_space<vmem>> -> memref<1x1664x8xf32, #tpu.memory_space<vmem>>
    %dma_wait3A_156 = tpu.memref_squeeze %dma_wait3A_155 : memref<1x1664x8xf32, #tpu.memory_space<vmem>> -> memref<1664x8xf32, #tpu.memory_space<vmem>>
    tpu.wait_dma2 semaphore(%arg9 : memref<!tpu.dma_semaphore, #tpu.memory_space<semaphore_mem>>) src(%dma_wait3A_156 : memref<1664x8xf32, #tpu.memory_space<vmem>>) dst(%dma_wait3A_152 : memref<1664x8xf32, #tpu.memory_space<hbm>>)
    %dma_start3A_157 = arith.constant 1 : i32
    %dma_start3A_158 = arith.constant 1 : i32
    %dma_start3A_159 = arith.constant 0 : i32
    %dma_start3A_160 = arith.constant 0 : i32
    %dma_start3A_161 = tpu.memref_slice %arg6[%dma_start3A_158, %dma_start3A_159, %dma_start3A_160] : memref<2x1664x8xf32, #tpu.memory_space<vmem>> -> memref<1x1664x8xf32, #tpu.memory_space<vmem>>
    %dma_start3A_162 = tpu.memref_squeeze %dma_start3A_161 : memref<1x1664x8xf32, #tpu.memory_space<vmem>> -> memref<1664x8xf32, #tpu.memory_space<vmem>>
    %dma_start3A_163 = arith.constant 0 : i32
    %dma_start3A_164 = tpu.memref_slice %arg5[%dma_start3A_157, %dma_start3A_163] : memref<2x1664xi32, #tpu.memory_space<vmem>> -> memref<1x1664xi32, #tpu.memory_space<vmem>>
    %dma_start3A_165 = tpu.memref_squeeze %dma_start3A_164 : memref<1x1664xi32, #tpu.memory_space<vmem>> -> memref<1664xi32, #tpu.memory_space<vmem>>
    %dma_start3A_166 = arith.constant 0 : i32
    %dma_start3A_167 = arith.constant 0 : i32
    %dma_start3A_168 = tpu.memref_slice %arg3[%dma_start3A_166, %dma_start3A_167] : memref<2600000x8xf32, #tpu.memory_space<hbm>> -> memref<2600000x8xf32, #tpu.memory_space<hbm>>
    tpu.enqueue_indirect_dma source(%dma_start3A_168 : memref<2600000x8xf32, #tpu.memory_space<hbm>>) target(%dma_start3A_162 : memref<1664x8xf32, #tpu.memory_space<vmem>>) offsets(%dma_start3A_165 : memref<1664xi32, #tpu.memory_space<vmem>>) semaphore(%arg7 : memref<!tpu.dma_semaphore, #tpu.memory_space<semaphore_mem>>)
    %dma_wait3A_169 = arith.constant 1 : i32
    %dma_wait3A_170 = arith.constant 1 : i32
    %dma_wait3A_171 = arith.constant 0 : i32
    %dma_wait3A_172 = arith.constant 0 : i32
    %dma_wait3A_173 = tpu.memref_slice %arg6[%dma_wait3A_170, %dma_wait3A_171, %dma_wait3A_172] : memref<2x1664x8xf32, #tpu.memory_space<vmem>> -> memref<1x1664x8xf32, #tpu.memory_space<vmem>>
    %dma_wait3A_174 = tpu.memref_squeeze %dma_wait3A_173 : memref<1x1664x8xf32, #tpu.memory_space<vmem>> -> memref<1664x8xf32, #tpu.memory_space<vmem>>
    %dma_wait3A_175 = arith.constant 0 : i32
    %dma_wait3A_176 = tpu.memref_slice %arg5[%dma_wait3A_169, %dma_wait3A_175] : memref<2x1664xi32, #tpu.memory_space<vmem>> -> memref<1x1664xi32, #tpu.memory_space<vmem>>
    %dma_wait3A_177 = tpu.memref_squeeze %dma_wait3A_176 : memref<1x1664xi32, #tpu.memory_space<vmem>> -> memref<1664xi32, #tpu.memory_space<vmem>>
    %dma_wait3A_178 = arith.constant 0 : i32
    %dma_wait3A_179 = arith.constant 0 : i32
    %dma_wait3A_180 = tpu.memref_slice %arg3[%dma_wait3A_178, %dma_wait3A_179] : memref<2600000x8xf32, #tpu.memory_space<hbm>> -> memref<2600000x8xf32, #tpu.memory_space<hbm>>
    tpu.wait_indirect_dma semaphore(%arg7 : memref<!tpu.dma_semaphore, #tpu.memory_space<semaphore_mem>>) src(%dma_wait3A_180 : memref<2600000x8xf32, #tpu.memory_space<hbm>>) dst(%dma_wait3A_174 : memref<1664x8xf32, #tpu.memory_space<vmem>>)
    %add3A_181 = arith.constant 4992 : i32
    %add3A_182 = arith.addi %mul3A_6, %add3A_181 : i32
    %dma_start3A_183 = arith.constant 1 : i32
    %dma_start3A_184 = arith.constant 0 : i32
    %dma_start3A_185 = arith.constant 0 : i32
    %dma_start3A_186 = tpu.memref_slice %arg6[%dma_start3A_183, %dma_start3A_184, %dma_start3A_185] : memref<2x1664x8xf32, #tpu.memory_space<vmem>> -> memref<1x1664x8xf32, #tpu.memory_space<vmem>>
    %dma_start3A_187 = tpu.memref_squeeze %dma_start3A_186 : memref<1x1664x8xf32, #tpu.memory_space<vmem>> -> memref<1664x8xf32, #tpu.memory_space<vmem>>
    %dma_start3A_188 = arith.constant 0 : i32
    %dma_start3A_189 = tpu.memref_slice %arg4[%add3A_182, %dma_start3A_188] : memref<212992x8xf32, #tpu.memory_space<hbm>> -> memref<1664x8xf32, #tpu.memory_space<hbm>>
    %dma_start3A_190 = arith.constant 0 : i32
    %dma_start3A_191 = tpu.memref_slice %arg4[%add3A_182, %dma_start3A_190] : memref<212992x8xf32, #tpu.memory_space<hbm>> -> memref<1664x8xf32, #tpu.memory_space<hbm>>
    %dma_start3A_192 = arith.constant 0 : i32
    %dma_start3A_193 = arith.constant 0 : i32
    %dma_start3A_194 = tpu.memref_slice %arg6[%dma_start3A_183, %dma_start3A_192, %dma_start3A_193] : memref<2x1664x8xf32, #tpu.memory_space<vmem>> -> memref<1x1664x8xf32, #tpu.memory_space<vmem>>
    %dma_start3A_195 = tpu.memref_squeeze %dma_start3A_194 : memref<1x1664x8xf32, #tpu.memory_space<vmem>> -> memref<1664x8xf32, #tpu.memory_space<vmem>>
    tpu.enqueue_dma source(%dma_start3A_195 : memref<1664x8xf32, #tpu.memory_space<vmem>>) target(%dma_start3A_191 : memref<1664x8xf32, #tpu.memory_space<hbm>>) target_semaphore(%arg9 : memref<!tpu.dma_semaphore, #tpu.memory_space<semaphore_mem>>)
    %dma_wait3A_196 = arith.constant 0 : i32
    %dma_wait3A_197 = arith.constant 0 : i32
    %dma_wait3A_198 = arith.constant 0 : i32
    %dma_wait3A_199 = tpu.memref_slice %arg6[%dma_wait3A_196, %dma_wait3A_197, %dma_wait3A_198] : memref<2x1664x8xf32, #tpu.memory_space<vmem>> -> memref<1x1664x8xf32, #tpu.memory_space<vmem>>
    %dma_wait3A_200 = tpu.memref_squeeze %dma_wait3A_199 : memref<1x1664x8xf32, #tpu.memory_space<vmem>> -> memref<1664x8xf32, #tpu.memory_space<vmem>>
    %dma_wait3A_201 = arith.constant 0 : i32
    %dma_wait3A_202 = tpu.memref_slice %arg4[%add3A_130, %dma_wait3A_201] : memref<212992x8xf32, #tpu.memory_space<hbm>> -> memref<1664x8xf32, #tpu.memory_space<hbm>>
    %dma_wait3A_203 = arith.constant 0 : i32
    %dma_wait3A_204 = tpu.memref_slice %arg4[%add3A_130, %dma_wait3A_203] : memref<212992x8xf32, #tpu.memory_space<hbm>> -> memref<1664x8xf32, #tpu.memory_space<hbm>>
    %dma_wait3A_205 = arith.constant 0 : i32
    %dma_wait3A_206 = arith.constant 0 : i32
    %dma_wait3A_207 = tpu.memref_slice %arg6[%dma_wait3A_196, %dma_wait3A_205, %dma_wait3A_206] : memref<2x1664x8xf32, #tpu.memory_space<vmem>> -> memref<1x1664x8xf32, #tpu.memory_space<vmem>>
    %dma_wait3A_208 = tpu.memref_squeeze %dma_wait3A_207 : memref<1x1664x8xf32, #tpu.memory_space<vmem>> -> memref<1664x8xf32, #tpu.memory_space<vmem>>
    tpu.wait_dma2 semaphore(%arg8 : memref<!tpu.dma_semaphore, #tpu.memory_space<semaphore_mem>>) src(%dma_wait3A_208 : memref<1664x8xf32, #tpu.memory_space<vmem>>) dst(%dma_wait3A_204 : memref<1664x8xf32, #tpu.memory_space<hbm>>)
    %dma_wait3A_209 = arith.constant 1 : i32
    %dma_wait3A_210 = arith.constant 0 : i32
    %dma_wait3A_211 = arith.constant 0 : i32
    %dma_wait3A_212 = tpu.memref_slice %arg6[%dma_wait3A_209, %dma_wait3A_210, %dma_wait3A_211] : memref<2x1664x8xf32, #tpu.memory_space<vmem>> -> memref<1x1664x8xf32, #tpu.memory_space<vmem>>
    %dma_wait3A_213 = tpu.memref_squeeze %dma_wait3A_212 : memref<1x1664x8xf32, #tpu.memory_space<vmem>> -> memref<1664x8xf32, #tpu.memory_space<vmem>>
    %dma_wait3A_214 = arith.constant 0 : i32
    %dma_wait3A_215 = tpu.memref_slice %arg4[%add3A_182, %dma_wait3A_214] : memref<212992x8xf32, #tpu.memory_space<hbm>> -> memref<1664x8xf32, #tpu.memory_space<hbm>>
    %dma_wait3A_216 = arith.constant 0 : i32
    %dma_wait3A_217 = tpu.memref_slice %arg4[%add3A_182, %dma_wait3A_216] : memref<212992x8xf32, #tpu.memory_space<hbm>> -> memref<1664x8xf32, #tpu.memory_space<hbm>>
    %dma_wait3A_218 = arith.constant 0 : i32
    %dma_wait3A_219 = arith.constant 0 : i32
    %dma_wait3A_220 = tpu.memref_slice %arg6[%dma_wait3A_209, %dma_wait3A_218, %dma_wait3A_219] : memref<2x1664x8xf32, #tpu.memory_space<vmem>> -> memref<1x1664x8xf32, #tpu.memory_space<vmem>>
    %dma_wait3A_221 = tpu.memref_squeeze %dma_wait3A_220 : memref<1x1664x8xf32, #tpu.memory_space<vmem>> -> memref<1664x8xf32, #tpu.memory_space<vmem>>
    tpu.wait_dma2 semaphore(%arg9 : memref<!tpu.dma_semaphore, #tpu.memory_space<semaphore_mem>>) src(%dma_wait3A_221 : memref<1664x8xf32, #tpu.memory_space<vmem>>) dst(%dma_wait3A_217 : memref<1664x8xf32, #tpu.memory_space<hbm>>)
    return
  }
}

module attributes {stable_mosaic.version = 14 : i64} {
  func.func @_mlp_body(%arg0: i32, %arg1: memref<2048x208xf32, #tpu.memory_space<vmem>>, %arg2: memref<2048x13xf32, #tpu.memory_space<vmem>>, %arg3: memref<1x104xf32, #tpu.memory_space<vmem>>, %arg4: memref<1x104xf32, #tpu.memory_space<vmem>>, %arg5: memref<312x128xf32, #tpu.memory_space<vmem>>, %arg6: memref<1x128xf32, #tpu.memory_space<vmem>>, %arg7: memref<128x1xf32, #tpu.memory_space<vmem>>, %arg8: memref<1x1xf32, #tpu.memory_space<vmem>>, %arg9: memref<2048x1xf32, #tpu.memory_space<vmem>>) attributes {dimension_semantics = [#tpu.dimension_semantics<arbitrary>], iteration_bounds = array<i64: 4>, scalar_prefetch = 0 : i64, scratch_operands = 0 : i64, tpu.core_type = #tpu.core_type<tc>, window_params = [{transform_indices = @transform_0, window_bounds = array<i64: 2048, 208>}, {transform_indices = @transform_1, window_bounds = array<i64: 2048, 13>}, {pipeline_mode = #tpu.pipeline_mode<synchronous>, transform_indices = @transform_2, window_bounds = array<i64: 1, 104>}, {pipeline_mode = #tpu.pipeline_mode<synchronous>, transform_indices = @transform_3, window_bounds = array<i64: 1, 104>}, {pipeline_mode = #tpu.pipeline_mode<synchronous>, transform_indices = @transform_4, window_bounds = array<i64: 312, 128>}, {pipeline_mode = #tpu.pipeline_mode<synchronous>, transform_indices = @transform_5, window_bounds = array<i64: 1, 128>}, {pipeline_mode = #tpu.pipeline_mode<synchronous>, transform_indices = @transform_6, window_bounds = array<i64: 128, 1>}, {pipeline_mode = #tpu.pipeline_mode<synchronous>, transform_indices = @transform_7, window_bounds = array<i64: 1, 1>}, {transform_indices = @transform_8, window_bounds = array<i64: 2048, 1>}]} {
    %get3A = arith.constant 0 : index
    %get3A_0 = arith.constant 0 : index
    %get3A_1 = vector.load %arg1[%get3A, %get3A_0] : memref<2048x208xf32, #tpu.memory_space<vmem>>, vector<2048x208xf32>
    %get3A_2 = arith.constant 0 : index
    %get3A_3 = arith.constant 0 : index
    %get3A_4 = vector.load %arg2[%get3A_2, %get3A_3] : memref<2048x13xf32, #tpu.memory_space<vmem>>, vector<2048x13xf32>
    %iota3A = tpu.iota {dimensions = array<i32: 0>} : vector<13x104xi32>
    %iota3A_5 = tpu.iota {dimensions = array<i32: 1>} : vector<13x104xi32>
    %jit3A = arith.constant 8 : i32
    %div3A = vector.broadcast %jit3A : i32 to vector<13x104xi32>
    %div3A_6 = arith.divsi %iota3A_5, %div3A : vector<13x104xi32>
    %sign3A = arith.constant 0 : i32
    %sign3A_7 = vector.broadcast %sign3A : i32 to vector<13x104xi32>
    %sign3A_8 = arith.cmpi sgt, %iota3A_5, %sign3A_7 : vector<13x104xi32>
    %sign3A_9 = arith.extui %sign3A_8 : vector<13x104xi1> to vector<13x104xi32>
    %sign3A_10 = arith.constant 0 : i32
    %sign3A_11 = vector.broadcast %sign3A_10 : i32 to vector<13x104xi32>
    %sign3A_12 = arith.cmpi slt, %iota3A_5, %sign3A_11 : vector<13x104xi32>
    %sign3A_13 = arith.extui %sign3A_12 : vector<13x104xi1> to vector<13x104xi32>
    %sign3A_14 = arith.subi %sign3A_9, %sign3A_13 : vector<13x104xi32>
    %sign3A_15 = arith.constant 0 : i32
    %sign3A_16 = arith.cmpi sgt, %jit3A, %sign3A_15 : i32
    %sign3A_17 = arith.extui %sign3A_16 : i1 to i32
    %sign3A_18 = arith.constant 0 : i32
    %sign3A_19 = arith.cmpi slt, %jit3A, %sign3A_18 : i32
    %sign3A_20 = arith.extui %sign3A_19 : i1 to i32
    %sign3A_21 = arith.subi %sign3A_17, %sign3A_20 : i32
    %ne3A = vector.broadcast %sign3A_21 : i32 to vector<13x104xi32>
    %ne3A_22 = arith.cmpi ne, %sign3A_14, %ne3A : vector<13x104xi32>
    %rem3A = vector.broadcast %jit3A : i32 to vector<13x104xi32>
    %rem3A_23 = arith.remsi %iota3A_5, %rem3A : vector<13x104xi32>
    %ne3A_24 = arith.constant 0 : i32
    %ne3A_25 = vector.broadcast %ne3A_24 : i32 to vector<13x104xi32>
    %ne3A_26 = arith.cmpi ne, %rem3A_23, %ne3A_25 : vector<13x104xi32>
    %and3A = arith.andi %ne3A_22, %ne3A_26 : vector<13x104xi1>
    %sub3A = arith.constant 1 : i32
    %sub3A_27 = vector.broadcast %sub3A : i32 to vector<13x104xi32>
    %sub3A_28 = arith.subi %div3A_6, %sub3A_27 : vector<13x104xi32>
    %select_n3A = arith.select %and3A, %sub3A_28, %div3A_6 : vector<13x104xi1>, vector<13x104xi32>
    %eq3A = arith.cmpi eq, %select_n3A, %iota3A : vector<13x104xi32>
    %jit3A_29 = arith.constant 1.000000e+00 : f32
    %jit3A_30 = arith.constant 0.000000e+00 : f32
    %broadcast_in_dim3A = vector.broadcast %jit3A_29 : f32 to vector<13x104xf32>
    %broadcast_in_dim3A_31 = vector.broadcast %jit3A_30 : f32 to vector<13x104xf32>
    %select_n3A_32 = arith.select %eq3A, %broadcast_in_dim3A, %broadcast_in_dim3A_31 : vector<13x104xi1>, vector<13x104xf32>
    %dot_general3A = arith.constant dense<0.000000e+00> : vector<2048x104xf32>
    %dot_general3A_33 = tpu.matmul %get3A_4, %select_n3A_32, %dot_general3A {dimension_numbers = #tpu.dot_dimension_numbers<[1], [0], [0], [1], [0, 0, 1, 1], [], []>, transpose_lhs_hint = false} : vector<2048x13xf32>, vector<13x104xf32>, vector<2048x104xf32> -> vector<2048x104xf32>
    %get3A_34 = arith.constant 0 : index
    %get3A_35 = arith.constant 0 : index
    %get3A_36 = vector.load %arg3[%get3A_34, %get3A_35] : memref<1x104xf32, #tpu.memory_space<vmem>>, vector<1x104xf32>
    %mul3A = vector.broadcast %get3A_36 : vector<1x104xf32> to vector<2048x104xf32>
    %mul3A_37 = arith.mulf %dot_general3A_33, %mul3A : vector<2048x104xf32>
    %get3A_38 = arith.constant 0 : index
    %get3A_39 = arith.constant 0 : index
    %get3A_40 = vector.load %arg4[%get3A_38, %get3A_39] : memref<1x104xf32, #tpu.memory_space<vmem>>, vector<1x104xf32>
    %add3A = vector.broadcast %get3A_40 : vector<1x104xf32> to vector<2048x104xf32>
    %add3A_41 = arith.addf %mul3A_37, %add3A : vector<2048x104xf32>
    %get3A_42 = arith.constant 0 : index
    %get3A_43 = arith.constant 0 : index
    %get3A_44 = vector.load %arg5[%get3A_42, %get3A_43] : memref<312x128xf32, #tpu.memory_space<vmem>>, vector<208x128xf32>
    %dot_general3A_45 = arith.constant dense<0.000000e+00> : vector<2048x128xf32>
    %dot_general3A_46 = tpu.matmul %get3A_1, %get3A_44, %dot_general3A_45 {dimension_numbers = #tpu.dot_dimension_numbers<[1], [0], [0], [1], [0, 0, 1, 1], [], []>, transpose_lhs_hint = false} : vector<2048x208xf32>, vector<208x128xf32>, vector<2048x128xf32> -> vector<2048x128xf32>
    %get3A_47 = arith.constant 208 : index
    %get3A_48 = arith.constant 0 : index
    %get3A_49 = vector.load %arg5[%get3A_47, %get3A_48] : memref<312x128xf32, #tpu.memory_space<vmem>>, vector<104x128xf32>
    %dot_general3A_50 = arith.constant dense<0.000000e+00> : vector<2048x128xf32>
    %dot_general3A_51 = tpu.matmul %add3A_41, %get3A_49, %dot_general3A_50 {dimension_numbers = #tpu.dot_dimension_numbers<[1], [0], [0], [1], [0, 0, 1, 1], [], []>, transpose_lhs_hint = false} : vector<2048x104xf32>, vector<104x128xf32>, vector<2048x128xf32> -> vector<2048x128xf32>
    %add3A_52 = arith.addf %dot_general3A_46, %dot_general3A_51 : vector<2048x128xf32>
    %get3A_53 = arith.constant 0 : index
    %get3A_54 = arith.constant 0 : index
    %get3A_55 = vector.load %arg6[%get3A_53, %get3A_54] : memref<1x128xf32, #tpu.memory_space<vmem>>, vector<1x128xf32>
    %add3A_56 = vector.broadcast %get3A_55 : vector<1x128xf32> to vector<2048x128xf32>
    %add3A_57 = arith.addf %add3A_52, %add3A_56 : vector<2048x128xf32>
    %max3A = arith.constant 0.000000e+00 : f32
    %max3A_58 = vector.broadcast %max3A : f32 to vector<2048x128xf32>
    %max3A_59 = arith.maximumf %add3A_57, %max3A_58 : vector<2048x128xf32>
    %get3A_60 = arith.constant 0 : index
    %get3A_61 = arith.constant 0 : index
    %get3A_62 = vector.load %arg7[%get3A_60, %get3A_61] : memref<128x1xf32, #tpu.memory_space<vmem>>, vector<128x1xf32>
    %dot_general3A_63 = arith.constant dense<0.000000e+00> : vector<2048x1xf32>
    %dot_general3A_64 = tpu.matmul %max3A_59, %get3A_62, %dot_general3A_63 {dimension_numbers = #tpu.dot_dimension_numbers<[1], [0], [0], [1], [0, 0, 1, 1], [], []>, transpose_lhs_hint = false} : vector<2048x128xf32>, vector<128x1xf32>, vector<2048x1xf32> -> vector<2048x1xf32>
    %get3A_65 = arith.constant 0 : index
    %get3A_66 = arith.constant 0 : index
    %get3A_67 = vector.load %arg8[%get3A_65, %get3A_66] : memref<1x1xf32, #tpu.memory_space<vmem>>, vector<1x1xf32>
    %add3A_68 = vector.broadcast %get3A_67 : vector<1x1xf32> to vector<2048x1xf32>
    %add3A_69 = arith.addf %dot_general3A_64, %add3A_68 : vector<2048x1xf32>
    %logistic3A = arith.negf %add3A_69 : vector<2048x1xf32>
    %logistic3A_70 = math.exp %logistic3A : vector<2048x1xf32>
    %logistic3A_71 = arith.constant 1.000000e+00 : f32
    %logistic3A_72 = vector.broadcast %logistic3A_71 : f32 to vector<2048x1xf32>
    %logistic3A_73 = arith.addf %logistic3A_72, %logistic3A_70 : vector<2048x1xf32>
    %logistic3A_74 = arith.divf %logistic3A_72, %logistic3A_73 : vector<2048x1xf32>
    %swap3A = arith.constant 0 : index
    %swap3A_75 = arith.constant 0 : index
    %swap3A_76 = vector.load %arg9[%swap3A, %swap3A_75] : memref<2048x1xf32, #tpu.memory_space<vmem>>, vector<2048x1xf32>
    tpu.vector_store %arg9[%swap3A, %swap3A_75], %logistic3A_74 {strides = array<i32>} : memref<2048x1xf32, #tpu.memory_space<vmem>>, vector<2048x1xf32>,
    return
  }
  func.func @transform_0(%arg0: i32) -> (i32, i32) {
    %c0_i32 = arith.constant 0 : i32
    %c0_i32_0 = arith.constant 0 : i32
    return %arg0, %c0_i32 : i32, i32
  }
  func.func @transform_1(%arg0: i32) -> (i32, i32) {
    %c0_i32 = arith.constant 0 : i32
    %c0_i32_0 = arith.constant 0 : i32
    return %arg0, %c0_i32 : i32, i32
  }
  func.func @transform_2(%arg0: i32) -> (i32, i32) {
    %c0_i32 = arith.constant 0 : i32
    %c0_i32_0 = arith.constant 0 : i32
    %c0_i32_1 = arith.constant 0 : i32
    return %c0_i32, %c0_i32_0 : i32, i32
  }
  func.func @transform_3(%arg0: i32) -> (i32, i32) {
    %c0_i32 = arith.constant 0 : i32
    %c0_i32_0 = arith.constant 0 : i32
    %c0_i32_1 = arith.constant 0 : i32
    return %c0_i32, %c0_i32_0 : i32, i32
  }
  func.func @transform_4(%arg0: i32) -> (i32, i32) {
    %c0_i32 = arith.constant 0 : i32
    %c0_i32_0 = arith.constant 0 : i32
    %c0_i32_1 = arith.constant 0 : i32
    return %c0_i32, %c0_i32_0 : i32, i32
  }
  func.func @transform_5(%arg0: i32) -> (i32, i32) {
    %c0_i32 = arith.constant 0 : i32
    %c0_i32_0 = arith.constant 0 : i32
    %c0_i32_1 = arith.constant 0 : i32
    return %c0_i32, %c0_i32_0 : i32, i32
  }
  func.func @transform_6(%arg0: i32) -> (i32, i32) {
    %c0_i32 = arith.constant 0 : i32
    %c0_i32_0 = arith.constant 0 : i32
    %c0_i32_1 = arith.constant 0 : i32
    return %c0_i32, %c0_i32_0 : i32, i32
  }
  func.func @transform_7(%arg0: i32) -> (i32, i32) {
    %c0_i32 = arith.constant 0 : i32
    %c0_i32_0 = arith.constant 0 : i32
    %c0_i32_1 = arith.constant 0 : i32
    return %c0_i32, %c0_i32_0 : i32, i32
  }
  func.func @transform_8(%arg0: i32) -> (i32, i32) {
    %c0_i32 = arith.constant 0 : i32
    %c0_i32_0 = arith.constant 0 : i32
    return %arg0, %c0_i32 : i32, i32
  }
}

</mosaic_0001>

<sc_bundles>
// kernel: kernel.6.cloned.1.call-start
scs
__scs_entry_jumppad:
0x0: {  	(pc) =	sbr.rel $0x88, $3  }
0x1: {  	(tag) =	ssettag $0x0;
	lr =	simm.s32 $0x1  }
0x2: {  	[smem:$0x3F98] =	sst lr;
	_ =	strace $0xD0000000  }
0x3: {  	_ = 	snop  }
0x4: {  	_ = 	snop  }
0x5: {  	_ = 	snop  }
0x6: {  	_ = 	snop  }
0x7: {  	_ = 	snop  }
__scs_overlays_trampoline_lowered:
0x8: {  	[smem:$0x3FA7] =	sst s0  }
0x9: {  	[smem:$0x3FA8] =	sst s1  }
0xa: {  	[smem:$0x3FA9] =	sst s2  }
0xb: {  	[smem:$0x3FAA] =	sst s3  }
0xc: {  	[smem:$0x3FAB] =	sst s4  }
0xd: {  	[smem:$0x3FAC] =	sst s5  }
0xe: {  	[smem:$0x3FAD] =	sst s6  }
0xf: {  	[smem:$0x3FAE] =	sst s7  }
0x10: {  	[smem:$0x3FAF] =	sst s8  }
0x11: {  	[smem:$0x3FB0] =	sst s9;
	s0 =	simm.s32 @!p0 $0x0  }
0x12: {  	s1 =	sld [smem:$0x3F96];
	s0 =	simm.s32 @p0 $0x1  }
0x13: {  	[smem:$0x3FB1] =	sst s0;
	s0 =	simm.s32 @!p1 $0x0  }
0x14: {  	s2 =	sld [smem:$0x3F95];
	s0 =	simm.s32 @p1 $0x1  }
0x15: {  	[smem:$0x3FB2] =	sst s0;
	s0 =	simm.s32 @!p2 $0x0  }
0x16: {  	s3 =	sld [smem:$0x3FDB];
	s0 =	simm.s32 @p2 $0x1  }
0x17: {  	s4 =	simm.s32 $0x1BF5;
	[smem:$0x3FB4] =	sst s0  }
0x18: {  	s0 =	sld [smem:$0x3F97];
	_ =	swait.ge [sflag:s4], $0x0  }
0x19: {  	s7 =	sld [smem:$0x3F98]  }
0x1a: {  	s8 =	sadd.s32 $0xFFFFE003, lr  }
0x1b: {  	s9 =	sadd.s32 $0xFFFFFEF7, lr;
	s5 =	simm.s32 $0xFFFFFFFF;
	p2 =	slt.u32 s8, $0xFFFFF086  }
0x1c: {  	p1 =	slt.u32 s9, $0xF7A;
	s5 =	simm.s32 @!p2 $0x0  }
0x1d: {  	s5 =	simm.s32 @p1 $0x1;
	p0 =	seq.s32 s7, s2  }
0x1e: {  	s7 =	smul.u32 @!p0 $0xF7A, s2;
	p2 =	seq.s32 @!p0 s5, $0x0  }
0x1f: {  	s9 =	smul.u32 $0xF7A, s1;
	s8 =	simm.s32 @!p0 $0x1BF5;
	p2 =	por !p2, p0  }
0x20: {  	[sflag:s8] =	ssyncset.s32 @!p0 $0xFFFFF086;
	s6 =	sadd.s32 @!p0 s3, s7;
	s7 =	simm.s32 @!p0 $0x108  }
0x21: {  	s3 =	sadd.s32 s3, s9;
	s6 =	sadd.s32 @!p0 $0x88, s6;
	s7 =	simm.s32 @p2 $0x1082  }
0x22: {  	[simem:s7], [sflag:s8] =	dma.local @!p0 [hbm:s6], $0xF7A  }
0x23: {  	s9 =	sor.u32 $0xD0000000, s2;
	s6 =	simm.s32 $0x108;
	_ =	swait.ge @!p0 [sflag:s8], $0x0  }
0x24: {  	s3 =	sadd.s32 $0x88, s3;
	s6 =	simm.s32 @!p1 $0x1082;
	[sflag:s4] =	ssyncset.s32 $0xFFFFF086  }
0x25: {  	[simem:s6], [sflag:s4] =	dma.local [hbm:s3], $0xF7A  }
0x26: {  	[smem:$0x3F98] =	sst s1;
	(tag) =	ssettag s2;
	_ =	strace s9  }
0x27: {  	s1 =	sld [smem:$0x3FA8]  }
0x28: {  	s2 =	sld [smem:$0x3FA9]  }
0x29: {  	s4 =	sld [smem:$0x3FAB]  }
0x2a: {  	p0 =	seq.s32 s5, $0x0;
	s5 =	sld [smem:$0x3FAC]  }
0x2b: {  	s6 =	sld [smem:$0x3FAD]  }
0x2c: {  	s7 =	sld [smem:$0x3FAE]  }
0x2d: {  	s3 =	simm.s32 $0x108;
	s8 =	sld [smem:$0x3FAF]  }
0x2e: {  	s3 =	simm.s32 @!p0 $0x1082;
	s9 =	sld [smem:$0x3FB0]  }
0x2f: {  	lr =	sadd.s32 s0, s3;
	s0 =	sld [smem:$0x3FA7]  }
0x30: {  	s3 =	sld [smem:$0x3FAA]  }
0x31: {  	[smem:$0x3FB3] =	sst s10  }
0x32: {  	s10 =	sld [smem:$0x3FB1];
	_ =	sdelay $0x3  }
0x33: {  	p0 =	seq.s32 s10, $0x1;
	s10 =	sld [smem:$0x3FB3];
	_ =	sdelay $0x3  }
0x34: {  	[smem:$0x3FB3] =	sst s10  }
0x35: {  	s10 =	sld [smem:$0x3FB2];
	_ =	sdelay $0x3  }
0x36: {  	p1 =	seq.s32 s10, $0x1;
	s10 =	sld [smem:$0x3FB3];
	_ =	sdelay $0x3  }
0x37: {  	[smem:$0x3FB3] =	sst s10  }
0x38: {  	s10 =	sld [smem:$0x3FB4]  }
0x39: {  	_ = 	snop;
	(pc) =	sbr.ind lr, $3  }
0x3a: {  	_ = 	snop  }
0x3b: {  	_ = 	snop  }
0x3c: {  	p2 =	seq.s32 s10, $0x1;
	s10 =	sld [smem:$0x3FB3]  }
0x3d: {  	_ =	shalt  }
0x3e: {  	_ =	shalt  }
0x3f: {  	_ =	shalt  }
0x40: {  	_ =	shalt  }
0x41: {  	_ =	shalt  }
0x42: {  	_ =	shalt  }
0x43: {  	_ =	shalt  }
0x44: {  	_ =	shalt  }
0x45: {  	_ =	shalt  }
0x46: {  	_ =	shalt  }
0x47: {  	_ =	shalt  }
0x48: {  	_ =	shalt  }
0x49: {  	_ =	shalt  }
0x4a: {  	_ =	shalt  }
0x4b: {  	_ =	shalt  }
0x4c: {  	_ =	shalt  }
0x4d: {  	_ =	shalt  }
0x4e: {  	_ =	shalt  }
0x4f: {  	_ =	shalt  }
0x50: {  	_ =	shalt  }
0x51: {  	_ =	shalt  }
0x52: {  	_ =	shalt  }
0x53: {  	_ =	shalt  }
0x54: {  	_ =	shalt  }
0x55: {  	_ =	shalt  }
0x56: {  	_ =	shalt  }
0x57: {  	_ =	shalt  }
0x58: {  	_ =	shalt  }
0x59: {  	_ =	shalt  }
0x5a: {  	_ =	shalt  }
0x5b: {  	_ =	shalt  }
0x5c: {  	_ =	shalt  }
0x5d: {  	_ =	shalt  }
0x5e: {  	_ =	shalt  }
0x5f: {  	_ =	shalt  }
0x60: {  	_ =	shalt  }
0x61: {  	_ =	shalt  }
0x62: {  	_ =	shalt  }
0x63: {  	_ =	shalt  }
0x64: {  	_ =	shalt  }
0x65: {  	_ =	shalt  }
0x66: {  	_ =	shalt  }
0x67: {  	_ =	shalt  }
0x68: {  	_ =	shalt  }
0x69: {  	_ =	shalt  }
0x6a: {  	_ =	shalt  }
0x6b: {  	_ =	shalt  }
0x6c: {  	_ =	shalt  }
0x6d: {  	_ =	shalt  }
0x6e: {  	_ =	shalt  }
0x6f: {  	_ =	shalt  }
0x70: {  	_ =	shalt  }
0x71: {  	_ =	shalt  }
0x72: {  	_ =	shalt  }
0x73: {  	_ =	shalt  }
0x74: {  	_ =	shalt  }
0x75: {  	_ =	shalt  }
0x76: {  	_ =	shalt  }
0x77: {  	_ =	shalt  }
0x78: {  	_ =	shalt  }
0x79: {  	_ =	shalt  }
0x7a: {  	_ =	shalt  }
0x7b: {  	_ =	shalt  }
0x7c: {  	_ =	shalt  }
0x7d: {  	_ =	shalt  }
0x7e: {  	_ =	shalt  }
0x7f: {  	_ =	shalt  }
0x80: {  	_ =	shalt  }
0x81: {  	_ =	shalt  }
0x82: {  	_ =	shalt  }
0x83: {  	_ =	shalt  }
0x84: {  	_ =	shalt  }
0x85: {  	_ =	shalt  }
0x86: {  	_ =	shalt  }
0x87: {  	_ =	shalt  }
.Lfunc_end0:
.L_simem_size_0:
called_computation_lowered:
.L_overlay_start_0:
0x88: {  	s2 =	sld [smem:$0x3FD9]  }
0x89: {  	s3 =	sld [smem:$0x3FFE];
	_ =	sdelay $0x1  }
0x8a: {  	s1 =	srdreg.scid  }
0x8b: {  	s0 =	sand.u32 $0x1, s1  }
0x8c: {  	s17 =	sshll.u32 s0, $0xA;
	s2 =	sadd.s32 s3, s2  }
0x8d: {  	s2 =	sadd.s32 s2, s17  }
0x8e: {  	[smem:$0x3FBF] =	sst s2  }
0x8f: {  	_ = 	snop  }
0x90: {  	s18 =	sld [smem:$0x3FC7];
	(tm) =	ssettm $0x1  }
0x91: {  	s19 =	sld [smem:$0x3FFB];
	_ =	sdelay $0x3  }
0x92: {  	_ =	strace s19  }
0x93: {  	s2 =	sld [smem:$0x3FFC];
	_ =	sdelay $0x3  }
0x94: {  	_ =	strace s2  }
0x95: {  	s2 =	sld [smem:$0x3FFD];
	_ =	sdelay $0x3  }
0x96: {  	_ =	strace s2  }
0x97: {  	_ =	strace $0x8FFFFFFF  }
0x98: {  	s20 =	sld [smem:$0x3FDB];
	_ =	sdelay $0x1  }
0x99: {  	s4 =	simm.s32 $_scs_section_size  }
0x9a: {  	s5 =	simm.s32 $_size__tile_overlayer_lowered;
	s6 =	simm.s32 $_tile_overlayer_lowered  }
0x9b: {  	s7 =	simm.s32 $0x1BFF;
	s21 =	sshll.u32 s6, $0x1;
	s4 =	sadd.s32 s4, s20  }
0x9c: {  	s22 =	simm.s32 $0x0;
	s5 =	sshll.u32 s5, $0x1;
	s6 =	sadd.s32 s21, s4  }
0x9d: {  	[timem:s22], [sflag:s7] =	dma.local [hbm:s6], s5  }
0x9e: {  	_ =	swait.ge [sflag:s7], s5  }
0x9f: {  	s5 =	ssub.s32 $0x0, s5;
	[sflag:s7] =	ssyncset.done $0x0  }
0xa0: {  	[sflag:s7] =	ssyncadd.s32 s5;
	_ =	sdelay $0x1  }
0xa1: {  	s23 =	simm.s32 $0x1B8B  }
0xa2: {  	_ =	swait.ge [sflag:s23], $0x1  }
0xa3: {  	[sflag:s23] =	ssyncset.done $0x0  }
0xa4: {  	[sflag:s23] =	ssyncadd.s32 $0xFFFFFFFF  }
0xa5: {  	s5 =	sld [smem:$0x0]  }
0xa6: {  	s6 =	sand.u32 $0xFFFFFFFE, s1  }
0xa7: {  	p0 =	sne.s32 s1, s6  }
0xa8: {  	s6 =	sshll.u32 @p0 s6, $0xE  }
0xa9: {  	s6 =	sadd.s32 @p0 $0x11B8D, s6;
	s7 =	sshll.u32 @p0 s5, $0x11  }
0xaa: {  	s6 =	sor.u32 @p0 s7, s6  }
0xab: {  	[sflag:s6] =	ssyncadd.remote.s32 @p0 $0x1;
	_ =	sdelay $0x1  }
0xac: {  	s6 =	simm.s32 @p0 $0x1B8D  }
0xad: {  	_ =	swait.eq @p0 [sflag:s6], $0x1  }
0xae: {  	[sflag:s6] =	ssyncadd.s32 @p0 $0xFFFFFFFF  }
0xaf: {  	s7 =	sshll.u32 @!p0 s1, $0xE  }
0xb0: {  	s7 =	sor.u32 @!p0 $0x4000, s7;
	s6 =	simm.s32 @!p0 $0x1B8D  }
0xb1: {  	s5 =	sshll.u32 @!p0 s5, $0x11;
	s7 =	sadd.s32 @!p0 $0x11B8D, s7;
	_ =	swait.eq @!p0 [sflag:s6], $0x1  }
0xb2: {  	s5 =	sor.u32 @!p0 s5, s7;
	[sflag:s6] =	ssyncadd.s32 @!p0 $0xFFFFFFFF  }
0xb3: {  	s25 =	simm.s32 $0x1B8E;
	s24 =	sld [smem:$0x3FFE];
	[sflag:s5] =	ssyncadd.remote.s32 @!p0 $0x1  }
0xb4: {  	s26 =	simm.s32 $execute0_lowered;
	[smem:$0x3FD2] =	sst s25  }
0xb5: {  	s6 =	sshll.u32 s26, $0x1;
	_ =	strace $0x80000049;
	[dreg:$0x1] =	wrdreg $0xFFFFFFFF  }
0xb6: {  	s28 =	simm.s32 $_size_execute0_lowered;
	s4 =	sadd.s32 s4, s6;
	[dreg:$0x0] =	wrdreg $0x0  }
0xb7: {  	s6 =	sshll.u32 s28, $0x1;
	[dreg:$0x2] =	wrdreg s4  }
0xb8: {  	[dreg:$0x3] =	wrdreg s6  }
0xb9: {  	[dreg:$0x4] =	wrdreg $0xC0  }
0xba: {  	_ =	task [dreg:s22], $0x5FFFF  }
0xbb: {  	[dreg:$0x1] =	wrdreg $0xFFFFFFFF  }
0xbc: {  	[dreg:$0x0] =	wrdreg $0x60  }
0xbd: {  	[dreg:$0x2] =	wrdreg s18  }
0xbe: {  	[dreg:$0x3] =	wrdreg s24  }
0xbf: {  	[dreg:$0x4] =	wrdreg $0x9  }
0xc0: {  	_ =	task.clear_ibuf [dreg:s22], $0x5FFFF;
	_ =	strace $0x90000049  }
0xc1: {  	s29 =	simm.s32 $0x9;
	_ =	strace $0x8000004B  }
0xc2: {  	_ =	swait.ge [sflag:s29], $0x1  }
0xc3: {  	[sflag:s29] =	ssyncadd.s32 $0xFFFFFFFF  }
0xc4: {  	_ =	strace $0x9000004B  }
0xc5: {  	_ =	sfence  }
0xc6: {  	s30 =	sld [smem:$0x0];
	_ =	sdelay $0x2  }
0xc7: {  	s31 =	sshll.u32 s1, $0xD;
	s1 =	sshrl.u32 s1, $0x2  }
0xc8: {  	s4 =	sand.u32 $0x4000, s31;
	s1 =	sadd.s32 s1, s30  }
0xc9: {  	s0 =	sor.u32 s4, s0;
	s1 =	sshll.u32 s1, $0x11  }
0xca: {  	s0 =	sor.u32 s1, s0  }
0xcb: {  	s0 =	sadd.s32 $0x8F2B, s0  }
0xcc: {  	[sflag:s0] =	ssyncadd.remote.s32 $0x1  }
0xcd: {  	_ =	sfence.sel $0xFFFF  }
0xce: {  	[dreg:$0x0] =	wrdreg $0xFFFFFFFF;
	(pc) =	sbr.abs _section_cstart, $3  }
0xcf: {  	[dreg:$0x1] =	wrdreg $0xFFFFFFFF  }
0xd0: {  	_ =	task.clear_ibuf [dreg:s22], $0x2FFFF;
	_ =	strace $0x9FFFFFFF  }
0xd1: {  	(tm) =	ssettm $0x7FFFFFFF  }
tec
execute0_lowered:
.L_overlay_start_1:
0x0: {  	(tag) =	ssettag $0x1  }
0x1: {  	s2 =	rddreg [dreg:$0x0];
	s1 =	srdreg.scid  }
0x2: {  	s0 =	stileid.u32;
	s6 =	rddreg [dreg:$0x1];
	s3 =	simm.s32 $0x0  }
0x3: {  	s13 =	simm.s32 $0x2C00;
	s14 =	simm.s32 $0x1;
	s15 =	simm.s32 $0x5800  }
0x4: {  	s16 =	simm.s32 $0x2;
	s17 =	simm.s32 $0x8400;
	s18 =	simm.s32 $0x3  }
0x5: {  	s19 =	simm.s32 $0x4;
	s5 =	sand.u32 $0x1, s1;
	s4 =	sshll.u32 s0, $0x1  }
0x6: {  	s20 =	simm.s32 $0x0;
	s1 =	rddreg [dreg:$0x2];
	s4 =	sor.u32 s5, s4  }
0x7: {  	[smem:$0x7FF] =	sst s3;
	s6 =	sadd.s32 $0x1BE00, s6;
	s7 =	smul.u32 $0x580, s4  }
0x8: {  	v0 =	vlaneseq.u32;
	p0 =	sgt.u32 s0, $0xC;
	s8 =	ssub.s32 $0x2, s5;
	s9 =	smul.u32 $0xC3800, s4  }
0x9: {  	v16 =	vmul.u32 $0x8, v0;
	_ =	strace $0x8000004A;
	s10 =	sshrl.u32 s8, $0x1;
	s11 =	smul.u32 $0xC3500, s4  }
0xa: {  	s12 =	ssub.s32 s8, s10;
	s8 =	sor.u32 $0x40, s4;
	s5 =	sadd.s32 s2, s7  }
0xb: {  	v14 =	vor.u32 $0x1, v16;
	s31 =	sshrl.u32 s9, $0x3;
	s11 =	sshrl.u32 s11, $0x3;
	s9 =	sor.u32 $0x60, s4  }
0xc: {  	v13 =	vor.u32 $0x2, v16;
	v12 =	vor.u32 $0x3, v16;
	v11 =	vor.u32 $0x4, v16;
	s12 =	smax.u32 s12, $0x1;
	s10 =	sadd.s32 s2, s31;
	s11 =	sadd.s32 s6, s11  }
0xd: {  	v10 =	vor.u32 $0x5, v16;
	v9 =	vor.u32 $0x6, v16;
	v8 =	vor.u32 $0x7, v16;
	s7 =	sadd.s32 $0xB000, s5;
	s10 =	sadd.s32 $0x18680, s10;
	s11 =	sadd.s32 $0x18680, s11  }
.LBB2_1:
0xe: {  	[tilespmem:s3], [sflag:$0x1] =	stream.linear.gather [hbm4b:s5+s3], $0x2C00, $0x38;
	[tilespmem:$0xB500] =	vst v63  }
0xf: {  	s21 =	simm.s32 $0x0  }
0x10: {  	[tilespmem:s13], [sflag:$0x2] =	stream.linear.gather [hbm4b:s7+s3], $0x2C00, $0x38;
	[tilespmem:$0xB500] =	vst v63  }
.LBB2_2:
0x11: {  	_ =	swait.ge [sflag:s14], $0x2C00  }
0x12: {  	p1 =	seq.s32 s21, $0x0;
	[sflag:s14] =	ssyncset.done $0x0  }
0x13: {  	s22 =	simm.s32 @!p1 $0x3;
	[sflag:s14] =	ssyncadd.s32 $0xFFFFD400  }
0x14: {  	_ =	swait.ge @!p1 [sflag:s22], $0x2C00  }
0x15: {  	[sflag:s22] =	ssyncset.done @!p1 $0x0  }
0x16: {  	s31 =	simm.s32 $0x0;
	[sflag:s22] =	ssyncadd.s32 @!p1 $0xFFFFD400  }
0x17: {  	v0 =	vld [tilespmem:s31+$0x0];
	_ =	sdelay $0x4  }
0x18: {  	[tilespmem:v16+s15+$0x0] =	vst.idx.msk $0xffff, v0  }
0x19: {  	v1 =	vadd.s32 $0x80, v16;
	v0 =	vld [tilespmem:s31+$0x10];
	_ =	sdelay $0x4  }
0x1a: {  	[tilespmem:v1+s15+$0x0] =	vst.idx.msk $0xffff, v0  }
0x1b: {  	[tilespmem:$0x1FF60] =	vst v1;
	v1 =	vadd.s32 $0x100, v16;
	v0 =	vld [tilespmem:s31+$0x20];
	_ =	sdelay $0x4  }
0x1c: {  	[tilespmem:v1+s15+$0x0] =	vst.idx.msk $0xffff, v0  }
0x1d: {  	[tilespmem:$0x1FF70] =	vst v1;
	v1 =	vadd.s32 $0x180, v16;
	v0 =	vld [tilespmem:s31+$0x30];
	_ =	sdelay $0x4  }
0x1e: {  	[tilespmem:v1+s15+$0x0] =	vst.idx.msk $0xffff, v0  }
0x1f: {  	[tilespmem:$0x1FF80] =	vst v1;
	v1 =	vadd.s32 $0x200, v16;
	v0 =	vld [tilespmem:s31+$0x40];
	_ =	sdelay $0x4  }
0x20: {  	[tilespmem:v1+s15+$0x0] =	vst.idx.msk $0xffff, v0  }
0x21: {  	[tilespmem:$0x1FF90] =	vst v1;
	v1 =	vadd.s32 $0x280, v16;
	v0 =	vld [tilespmem:s31+$0x50];
	_ =	sdelay $0x4  }
0x22: {  	[tilespmem:v1+s15+$0x0] =	vst.idx.msk $0xffff, v0  }
0x23: {  	[tilespmem:$0x1FFA0] =	vst v1;
	v1 =	vadd.s32 $0x300, v16;
	v0 =	vld [tilespmem:s31+$0x60];
	_ =	sdelay $0x4  }
0x24: {  	[tilespmem:v1+s15+$0x0] =	vst.idx.msk $0xffff, v0  }
0x25: {  	[tilespmem:$0x1FFB0] =	vst v1;
	v1 =	vadd.s32 $0x380, v16;
	v0 =	vld [tilespmem:s31+$0x70];
	_ =	sdelay $0x4  }
0x26: {  	[tilespmem:v1+s15+$0x0] =	vst.idx.msk $0xffff, v0  }
0x27: {  	v0 =	vld [tilespmem:s31+$0x80];
	_ =	sdelay $0x4  }
0x28: {  	[tilespmem:v14+s15+$0x0] =	vst.idx.msk $0xffff, v0  }
0x29: {  	[tilespmem:$0x1FFC0] =	vst v1;
	v1 =	vadd.s32 $0x80, v14;
	v0 =	vld [tilespmem:s31+$0x90];
	_ =	sdelay $0x4  }
0x2a: {  	[tilespmem:v1+s15+$0x0] =	vst.idx.msk $0xffff, v0  }
0x2b: {  	[tilespmem:$0x1FFD0] =	vst v1;
	v1 =	vadd.s32 $0x100, v14;
	v0 =	vld [tilespmem:s31+$0xA0];
	_ =	sdelay $0x4  }
0x2c: {  	[tilespmem:v1+s15+$0x0] =	vst.idx.msk $0xffff, v0  }
0x2d: {  	[tilespmem:$0x1FFE0] =	vst v1;
	v1 =	vadd.s32 $0x180, v14;
	v0 =	vld [tilespmem:s31+$0xB0];
	_ =	sdelay $0x4  }
0x2e: {  	[tilespmem:v1+s15+$0x0] =	vst.idx.msk $0xffff, v0  }
0x2f: {  	v18 =	vadd.s32 $0x200, v14;
	v0 =	vld [tilespmem:s31+$0xC0];
	_ =	sdelay $0x4  }
0x30: {  	[tilespmem:v18+s15+$0x0] =	vst.idx.msk $0xffff, v0  }
0x31: {  	v19 =	vadd.s32 $0x280, v14;
	v0 =	vld [tilespmem:s31+$0xD0];
	_ =	sdelay $0x4  }
0x32: {  	[tilespmem:v19+s15+$0x0] =	vst.idx.msk $0xffff, v0  }
0x33: {  	v20 =	vadd.s32 $0x300, v14;
	v0 =	vld [tilespmem:s31+$0xE0];
	_ =	sdelay $0x4  }
0x34: {  	[tilespmem:v20+s15+$0x0] =	vst.idx.msk $0xffff, v0  }
0x35: {  	v21 =	vadd.s32 $0x380, v14;
	v0 =	vld [tilespmem:s31+$0xF0];
	_ =	sdelay $0x4  }
0x36: {  	[tilespmem:v21+s15+$0x0] =	vst.idx.msk $0xffff, v0  }
0x37: {  	v0 =	vld [tilespmem:s31+$0x100];
	_ =	sdelay $0x4  }
0x38: {  	[tilespmem:v13+s15+$0x0] =	vst.idx.msk $0xffff, v0  }
0x39: {  	v22 =	vadd.s32 $0x80, v13;
	v0 =	vld [tilespmem:s31+$0x110];
	_ =	sdelay $0x4  }
0x3a: {  	[tilespmem:v22+s15+$0x0] =	vst.idx.msk $0xffff, v0  }
0x3b: {  	v23 =	vadd.s32 $0x100, v13;
	v0 =	vld [tilespmem:s31+$0x120];
	_ =	sdelay $0x4  }
0x3c: {  	[tilespmem:v23+s15+$0x0] =	vst.idx.msk $0xffff, v0  }
0x3d: {  	v24 =	vadd.s32 $0x180, v13;
	v0 =	vld [tilespmem:s31+$0x130];
	_ =	sdelay $0x4  }
0x3e: {  	[tilespmem:v24+s15+$0x0] =	vst.idx.msk $0xffff, v0  }
0x3f: {  	v25 =	vadd.s32 $0x200, v13;
	v0 =	vld [tilespmem:s31+$0x140];
	_ =	sdelay $0x4  }
0x40: {  	[tilespmem:v25+s15+$0x0] =	vst.idx.msk $0xffff, v0  }
0x41: {  	v26 =	vadd.s32 $0x280, v13;
	v0 =	vld [tilespmem:s31+$0x150];
	_ =	sdelay $0x4  }
0x42: {  	[tilespmem:v26+s15+$0x0] =	vst.idx.msk $0xffff, v0  }
0x43: {  	v27 =	vadd.s32 $0x300, v13;
	v0 =	vld [tilespmem:s31+$0x160];
	_ =	sdelay $0x4  }
0x44: {  	[tilespmem:v27+s15+$0x0] =	vst.idx.msk $0xffff, v0  }
0x45: {  	v28 =	vadd.s32 $0x380, v13;
	v0 =	vld [tilespmem:s31+$0x170];
	_ =	sdelay $0x4  }
0x46: {  	[tilespmem:v28+s15+$0x0] =	vst.idx.msk $0xffff, v0  }
0x47: {  	v0 =	vld [tilespmem:s31+$0x180];
	_ =	sdelay $0x4  }
0x48: {  	[tilespmem:v12+s15+$0x0] =	vst.idx.msk $0xffff, v0  }
0x49: {  	v29 =	vadd.s32 $0x80, v12;
	v0 =	vld [tilespmem:s31+$0x190];
	_ =	sdelay $0x4  }
0x4a: {  	[tilespmem:v29+s15+$0x0] =	vst.idx.msk $0xffff, v0  }
0x4b: {  	v30 =	vadd.s32 $0x100, v12;
	v0 =	vld [tilespmem:s31+$0x1A0];
	_ =	sdelay $0x4  }
0x4c: {  	[tilespmem:v30+s15+$0x0] =	vst.idx.msk $0xffff, v0  }
0x4d: {  	v31 =	vadd.s32 $0x180, v12;
	v0 =	vld [tilespmem:s31+$0x1B0];
	_ =	sdelay $0x4  }
0x4e: {  	[tilespmem:v31+s15+$0x0] =	vst.idx.msk $0xffff, v0  }
0x4f: {  	v32 =	vadd.s32 $0x200, v12;
	v0 =	vld [tilespmem:s31+$0x1C0];
	_ =	sdelay $0x4  }
0x50: {  	[tilespmem:v32+s15+$0x0] =	vst.idx.msk $0xffff, v0  }
0x51: {  	v33 =	vadd.s32 $0x280, v12;
	v0 =	vld [tilespmem:s31+$0x1D0];
	_ =	sdelay $0x4  }
0x52: {  	[tilespmem:v33+s15+$0x0] =	vst.idx.msk $0xffff, v0  }
0x53: {  	v34 =	vadd.s32 $0x300, v12;
	v0 =	vld [tilespmem:s31+$0x1E0];
	_ =	sdelay $0x4  }
0x54: {  	[tilespmem:v34+s15+$0x0] =	vst.idx.msk $0xffff, v0  }
0x55: {  	v35 =	vadd.s32 $0x380, v12;
	v0 =	vld [tilespmem:s31+$0x1F0];
	_ =	sdelay $0x4  }
0x56: {  	[tilespmem:v35+s15+$0x0] =	vst.idx.msk $0xffff, v0  }
0x57: {  	v0 =	vld [tilespmem:s31+$0x200];
	_ =	sdelay $0x4  }
0x58: {  	[tilespmem:v11+s15+$0x0] =	vst.idx.msk $0xffff, v0  }
0x59: {  	v36 =	vadd.s32 $0x80, v11;
	v0 =	vld [tilespmem:s31+$0x210];
	_ =	sdelay $0x4  }
0x5a: {  	[tilespmem:v36+s15+$0x0] =	vst.idx.msk $0xffff, v0  }
0x5b: {  	v37 =	vadd.s32 $0x100, v11;
	v0 =	vld [tilespmem:s31+$0x220];
	_ =	sdelay $0x4  }
0x5c: {  	[tilespmem:v37+s15+$0x0] =	vst.idx.msk $0xffff, v0  }
0x5d: {  	v38 =	vadd.s32 $0x180, v11;
	v0 =	vld [tilespmem:s31+$0x230];
	_ =	sdelay $0x4  }
0x5e: {  	[tilespmem:v38+s15+$0x0] =	vst.idx.msk $0xffff, v0  }
0x5f: {  	v39 =	vadd.s32 $0x200, v11;
	v0 =	vld [tilespmem:s31+$0x240];
	_ =	sdelay $0x4  }
0x60: {  	[tilespmem:v39+s15+$0x0] =	vst.idx.msk $0xffff, v0  }
0x61: {  	v40 =	vadd.s32 $0x280, v11;
	v0 =	vld [tilespmem:s31+$0x250];
	_ =	sdelay $0x4  }
0x62: {  	[tilespmem:v40+s15+$0x0] =	vst.idx.msk $0xffff, v0  }
0x63: {  	v41 =	vadd.s32 $0x300, v11;
	v0 =	vld [tilespmem:s31+$0x260];
	_ =	sdelay $0x4  }
0x64: {  	[tilespmem:v41+s15+$0x0] =	vst.idx.msk $0xffff, v0  }
0x65: {  	v42 =	vadd.s32 $0x380, v11;
	v0 =	vld [tilespmem:s31+$0x270];
	_ =	sdelay $0x4  }
0x66: {  	[tilespmem:v42+s15+$0x0] =	vst.idx.msk $0xffff, v0  }
0x67: {  	v0 =	vld [tilespmem:s31+$0x280];
	_ =	sdelay $0x4  }
0x68: {  	[tilespmem:v10+s15+$0x0] =	vst.idx.msk $0xffff, v0  }
0x69: {  	v43 =	vadd.s32 $0x80, v10;
	v0 =	vld [tilespmem:s31+$0x290];
	_ =	sdelay $0x4  }
0x6a: {  	[tilespmem:v43+s15+$0x0] =	vst.idx.msk $0xffff, v0  }
0x6b: {  	v44 =	vadd.s32 $0x100, v10;
	v0 =	vld [tilespmem:s31+$0x2A0];
	_ =	sdelay $0x4  }
0x6c: {  	[tilespmem:v44+s15+$0x0] =	vst.idx.msk $0xffff, v0  }
0x6d: {  	v45 =	vadd.s32 $0x180, v10;
	v0 =	vld [tilespmem:s31+$0x2B0];
	_ =	sdelay $0x4  }
0x6e: {  	[tilespmem:v45+s15+$0x0] =	vst.idx.msk $0xffff, v0  }
0x6f: {  	v46 =	vadd.s32 $0x200, v10;
	v0 =	vld [tilespmem:s31+$0x2C0];
	_ =	sdelay $0x4  }
0x70: {  	[tilespmem:v46+s15+$0x0] =	vst.idx.msk $0xffff, v0  }
0x71: {  	v47 =	vadd.s32 $0x280, v10;
	v0 =	vld [tilespmem:s31+$0x2D0];
	_ =	sdelay $0x4  }
0x72: {  	[tilespmem:v47+s15+$0x0] =	vst.idx.msk $0xffff, v0  }
0x73: {  	v48 =	vadd.s32 $0x300, v10;
	v0 =	vld [tilespmem:s31+$0x2E0];
	_ =	sdelay $0x4  }
0x74: {  	[tilespmem:v48+s15+$0x0] =	vst.idx.msk $0xffff, v0  }
0x75: {  	v49 =	vadd.s32 $0x380, v10;
	v0 =	vld [tilespmem:s31+$0x2F0];
	_ =	sdelay $0x4  }
0x76: {  	[tilespmem:v49+s15+$0x0] =	vst.idx.msk $0xffff, v0  }
0x77: {  	v0 =	vld [tilespmem:s31+$0x300];
	_ =	sdelay $0x4  }
0x78: {  	[tilespmem:v9+s15+$0x0] =	vst.idx.msk $0xffff, v0  }
0x79: {  	v50 =	vadd.s32 $0x80, v9;
	v0 =	vld [tilespmem:s31+$0x310];
	_ =	sdelay $0x4  }
0x7a: {  	[tilespmem:v50+s15+$0x0] =	vst.idx.msk $0xffff, v0  }
0x7b: {  	v51 =	vadd.s32 $0x100, v9;
	v0 =	vld [tilespmem:s31+$0x320];
	_ =	sdelay $0x4  }
0x7c: {  	[tilespmem:v51+s15+$0x0] =	vst.idx.msk $0xffff, v0  }
0x7d: {  	v52 =	vadd.s32 $0x180, v9;
	v0 =	vld [tilespmem:s31+$0x330];
	_ =	sdelay $0x4  }
0x7e: {  	[tilespmem:v52+s15+$0x0] =	vst.idx.msk $0xffff, v0  }
0x7f: {  	v53 =	vadd.s32 $0x200, v9;
	v0 =	vld [tilespmem:s31+$0x340];
	_ =	sdelay $0x4  }
0x80: {  	[tilespmem:v53+s15+$0x0] =	vst.idx.msk $0xffff, v0  }
0x81: {  	v54 =	vadd.s32 $0x280, v9;
	v0 =	vld [tilespmem:s31+$0x350];
	_ =	sdelay $0x4  }
0x82: {  	[tilespmem:v54+s15+$0x0] =	vst.idx.msk $0xffff, v0  }
0x83: {  	v55 =	vadd.s32 $0x300, v9;
	v0 =	vld [tilespmem:s31+$0x360];
	_ =	sdelay $0x4  }
0x84: {  	[tilespmem:v55+s15+$0x0] =	vst.idx.msk $0xffff, v0  }
0x85: {  	v56 =	vadd.s32 $0x380, v9;
	v0 =	vld [tilespmem:s31+$0x370];
	_ =	sdelay $0x4  }
0x86: {  	[tilespmem:v56+s15+$0x0] =	vst.idx.msk $0xffff, v0  }
0x87: {  	v0 =	vld [tilespmem:s31+$0x380];
	_ =	sdelay $0x4  }
0x88: {  	[tilespmem:v8+s15+$0x0] =	vst.idx.msk $0xffff, v0  }
0x89: {  	v57 =	vadd.s32 $0x80, v8;
	v0 =	vld [tilespmem:s31+$0x390];
	_ =	sdelay $0x4  }
0x8a: {  	[tilespmem:v57+s15+$0x0] =	vst.idx.msk $0xffff, v0  }
0x8b: {  	v58 =	vadd.s32 $0x100, v8;
	v0 =	vld [tilespmem:s31+$0x3A0];
	_ =	sdelay $0x4  }
0x8c: {  	[tilespmem:v58+s15+$0x0] =	vst.idx.msk $0xffff, v0  }
0x8d: {  	v59 =	vadd.s32 $0x180, v8;
	v0 =	vld [tilespmem:s31+$0x3B0];
	_ =	sdelay $0x4  }
0x8e: {  	[tilespmem:v59+s15+$0x0] =	vst.idx.msk $0xffff, v0  }
0x8f: {  	v60 =	vadd.s32 $0x200, v8;
	v0 =	vld [tilespmem:s31+$0x3C0];
	_ =	sdelay $0x4  }
0x90: {  	[tilespmem:v60+s15+$0x0] =	vst.idx.msk $0xffff, v0  }
0x91: {  	v61 =	vadd.s32 $0x280, v8;
	v0 =	vld [tilespmem:s31+$0x3D0];
	_ =	sdelay $0x4  }
0x92: {  	[tilespmem:v61+s15+$0x0] =	vst.idx.msk $0xffff, v0  }
0x93: {  	v63 =	vadd.s32 $0x300, v8;
	v0 =	vld [tilespmem:s31+$0x3E0];
	_ =	sdelay $0x4  }
0x94: {  	[tilespmem:v63+s15+$0x0] =	vst.idx.msk $0xffff, v0  }
0x95: {  	v62 =	vadd.s32 $0x380, v8;
	v0 =	vld [tilespmem:s31+$0x3F0];
	_ =	sdelay $0x3  }
0x96: {  	v2 =	vmov v13;
	v3 =	vmov v12;
	v4 =	vmov v11;
	[tilespmem:$0x1FFF0] =	vst v1  }
0x97: {  	s24 =	simm.s32 $0x400;
	s23 =	simm.s32 $0x2000;
	v5 =	vmovc v10;
	v6 =	vmovc v9;
	v7 =	vmov v8;
	s22 =	sshll.u32 s21, $0x6;
	v1 =	vmov v14;
	[tilespmem:v62+s15+$0x0] =	vst.idx.msk $0xffff, v0;
	v0 =	vmov v16  }
.LBB2_3:
0x98: {  	p2 =	sne.s32 s23, $0xA000;
	v15 =	vld [tilespmem:s24+$0x0];
	v0 =	vadd.s32 $0x400, v0;
	_ =	sdelay $0x4  }
0x99: {  	[tilespmem:v0+s15+$0x0] =	vst.idx.msk $0xffff, v15  }
0x9a: {  	v15 =	vadd.s32 $0x80, v0;
	v17 =	vld [tilespmem:s24+$0x10];
	_ =	sdelay $0x4  }
0x9b: {  	[tilespmem:v15+s15+$0x0] =	vst.idx.msk $0xffff, v17  }
0x9c: {  	v15 =	vadd.s32 $0x100, v0;
	v17 =	vld [tilespmem:s24+$0x20];
	_ =	sdelay $0x4  }
0x9d: {  	[tilespmem:v15+s15+$0x0] =	vst.idx.msk $0xffff, v17  }
0x9e: {  	v15 =	vadd.s32 $0x180, v0;
	v17 =	vld [tilespmem:s24+$0x30];
	_ =	sdelay $0x4  }
0x9f: {  	[tilespmem:v15+s15+$0x0] =	vst.idx.msk $0xffff, v17  }
0xa0: {  	v15 =	vadd.s32 $0x200, v0;
	v17 =	vld [tilespmem:s24+$0x40];
	_ =	sdelay $0x4  }
0xa1: {  	[tilespmem:v15+s15+$0x0] =	vst.idx.msk $0xffff, v17  }
0xa2: {  	v15 =	vadd.s32 $0x280, v0;
	v17 =	vld [tilespmem:s24+$0x50];
	_ =	sdelay $0x4  }
0xa3: {  	[tilespmem:v15+s15+$0x0] =	vst.idx.msk $0xffff, v17  }
0xa4: {  	v15 =	vadd.s32 $0x300, v0;
	v17 =	vld [tilespmem:s24+$0x60];
	_ =	sdelay $0x4  }
0xa5: {  	[tilespmem:v15+s15+$0x0] =	vst.idx.msk $0xffff, v17  }
0xa6: {  	v15 =	vadd.s32 $0x380, v0;
	v17 =	vld [tilespmem:s24+$0x70];
	_ =	sdelay $0x4  }
0xa7: {  	[tilespmem:v15+s15+$0x0] =	vst.idx.msk $0xffff, v17  }
0xa8: {  	v1 =	vadd.s32 $0x400, v1;
	v15 =	vld [tilespmem:s24+$0x80];
	_ =	sdelay $0x4  }
0xa9: {  	[tilespmem:v1+s15+$0x0] =	vst.idx.msk $0xffff, v15  }
0xaa: {  	v15 =	vadd.s32 $0x80, v1;
	v17 =	vld [tilespmem:s24+$0x90];
	_ =	sdelay $0x4  }
0xab: {  	[tilespmem:v15+s15+$0x0] =	vst.idx.msk $0xffff, v17  }
0xac: {  	v15 =	vadd.s32 $0x100, v1;
	v17 =	vld [tilespmem:s24+$0xA0];
	_ =	sdelay $0x4  }
0xad: {  	[tilespmem:v15+s15+$0x0] =	vst.idx.msk $0xffff, v17  }
0xae: {  	v15 =	vadd.s32 $0x180, v1;
	v17 =	vld [tilespmem:s24+$0xB0];
	_ =	sdelay $0x4  }
0xaf: {  	[tilespmem:v15+s15+$0x0] =	vst.idx.msk $0xffff, v17  }
0xb0: {  	v15 =	vadd.s32 $0x200, v1;
	v17 =	vld [tilespmem:s24+$0xC0];
	_ =	sdelay $0x4  }
0xb1: {  	[tilespmem:v15+s15+$0x0] =	vst.idx.msk $0xffff, v17  }
0xb2: {  	v15 =	vadd.s32 $0x280, v1;
	v17 =	vld [tilespmem:s24+$0xD0];
	_ =	sdelay $0x4  }
0xb3: {  	[tilespmem:v15+s15+$0x0] =	vst.idx.msk $0xffff, v17  }
0xb4: {  	v15 =	vadd.s32 $0x300, v1;
	v17 =	vld [tilespmem:s24+$0xE0];
	_ =	sdelay $0x4  }
0xb5: {  	[tilespmem:v15+s15+$0x0] =	vst.idx.msk $0xffff, v17  }
0xb6: {  	v15 =	vadd.s32 $0x380, v1;
	v17 =	vld [tilespmem:s24+$0xF0];
	_ =	sdelay $0x4  }
0xb7: {  	[tilespmem:v15+s15+$0x0] =	vst.idx.msk $0xffff, v17  }
0xb8: {  	v2 =	vadd.s32 $0x400, v2;
	v15 =	vld [tilespmem:s24+$0x100];
	_ =	sdelay $0x4  }
0xb9: {  	[tilespmem:v2+s15+$0x0] =	vst.idx.msk $0xffff, v15  }
0xba: {  	v15 =	vadd.s32 $0x80, v2;
	v17 =	vld [tilespmem:s24+$0x110];
	_ =	sdelay $0x4  }
0xbb: {  	[tilespmem:v15+s15+$0x0] =	vst.idx.msk $0xffff, v17  }
0xbc: {  	v15 =	vadd.s32 $0x100, v2;
	v17 =	vld [tilespmem:s24+$0x120];
	_ =	sdelay $0x4  }
0xbd: {  	[tilespmem:v15+s15+$0x0] =	vst.idx.msk $0xffff, v17  }
0xbe: {  	v15 =	vadd.s32 $0x180, v2;
	v17 =	vld [tilespmem:s24+$0x130];
	_ =	sdelay $0x4  }
0xbf: {  	[tilespmem:v15+s15+$0x0] =	vst.idx.msk $0xffff, v17  }
0xc0: {  	v15 =	vadd.s32 $0x200, v2;
	v17 =	vld [tilespmem:s24+$0x140];
	_ =	sdelay $0x4  }
0xc1: {  	[tilespmem:v15+s15+$0x0] =	vst.idx.msk $0xffff, v17  }
0xc2: {  	v15 =	vadd.s32 $0x280, v2;
	v17 =	vld [tilespmem:s24+$0x150];
	_ =	sdelay $0x4  }
0xc3: {  	[tilespmem:v15+s15+$0x0] =	vst.idx.msk $0xffff, v17  }
0xc4: {  	v15 =	vadd.s32 $0x300, v2;
	v17 =	vld [tilespmem:s24+$0x160];
	_ =	sdelay $0x4  }
0xc5: {  	[tilespmem:v15+s15+$0x0] =	vst.idx.msk $0xffff, v17  }
0xc6: {  	v15 =	vadd.s32 $0x380, v2;
	v17 =	vld [tilespmem:s24+$0x170];
	_ =	sdelay $0x4  }
0xc7: {  	[tilespmem:v15+s15+$0x0] =	vst.idx.msk $0xffff, v17  }
0xc8: {  	v3 =	vadd.s32 $0x400, v3;
	v15 =	vld [tilespmem:s24+$0x180];
	_ =	sdelay $0x4  }
0xc9: {  	[tilespmem:v3+s15+$0x0] =	vst.idx.msk $0xffff, v15  }
0xca: {  	v15 =	vadd.s32 $0x80, v3;
	v17 =	vld [tilespmem:s24+$0x190];
	_ =	sdelay $0x4  }
0xcb: {  	[tilespmem:v15+s15+$0x0] =	vst.idx.msk $0xffff, v17  }
0xcc: {  	v15 =	vadd.s32 $0x100, v3;
	v17 =	vld [tilespmem:s24+$0x1A0];
	_ =	sdelay $0x4  }
0xcd: {  	[tilespmem:v15+s15+$0x0] =	vst.idx.msk $0xffff, v17  }
0xce: {  	v15 =	vadd.s32 $0x180, v3;
	v17 =	vld [tilespmem:s24+$0x1B0];
	_ =	sdelay $0x4  }
0xcf: {  	[tilespmem:v15+s15+$0x0] =	vst.idx.msk $0xffff, v17  }
0xd0: {  	v15 =	vadd.s32 $0x200, v3;
	v17 =	vld [tilespmem:s24+$0x1C0];
	_ =	sdelay $0x4  }
0xd1: {  	[tilespmem:v15+s15+$0x0] =	vst.idx.msk $0xffff, v17  }
0xd2: {  	v15 =	vadd.s32 $0x280, v3;
	v17 =	vld [tilespmem:s24+$0x1D0];
	_ =	sdelay $0x4  }
0xd3: {  	[tilespmem:v15+s15+$0x0] =	vst.idx.msk $0xffff, v17  }
0xd4: {  	v15 =	vadd.s32 $0x300, v3;
	v17 =	vld [tilespmem:s24+$0x1E0];
	_ =	sdelay $0x4  }
0xd5: {  	[tilespmem:v15+s15+$0x0] =	vst.idx.msk $0xffff, v17  }
0xd6: {  	v15 =	vadd.s32 $0x380, v3;
	v17 =	vld [tilespmem:s24+$0x1F0];
	_ =	sdelay $0x4  }
0xd7: {  	[tilespmem:v15+s15+$0x0] =	vst.idx.msk $0xffff, v17  }
0xd8: {  	v4 =	vadd.s32 $0x400, v4;
	v15 =	vld [tilespmem:s24+$0x200];
	_ =	sdelay $0x4  }
0xd9: {  	[tilespmem:v4+s15+$0x0] =	vst.idx.msk $0xffff, v15  }
0xda: {  	v15 =	vadd.s32 $0x80, v4;
	v17 =	vld [tilespmem:s24+$0x210];
	_ =	sdelay $0x4  }
0xdb: {  	[tilespmem:v15+s15+$0x0] =	vst.idx.msk $0xffff, v17  }
0xdc: {  	v15 =	vadd.s32 $0x100, v4;
	v17 =	vld [tilespmem:s24+$0x220];
	_ =	sdelay $0x4  }
0xdd: {  	[tilespmem:v15+s15+$0x0] =	vst.idx.msk $0xffff, v17  }
0xde: {  	v15 =	vadd.s32 $0x180, v4;
	v17 =	vld [tilespmem:s24+$0x230];
	_ =	sdelay $0x4  }
0xdf: {  	[tilespmem:v15+s15+$0x0] =	vst.idx.msk $0xffff, v17  }
0xe0: {  	v15 =	vadd.s32 $0x200, v4;
	v17 =	vld [tilespmem:s24+$0x240];
	_ =	sdelay $0x4  }
0xe1: {  	[tilespmem:v15+s15+$0x0] =	vst.idx.msk $0xffff, v17  }
0xe2: {  	v15 =	vadd.s32 $0x280, v4;
	v17 =	vld [tilespmem:s24+$0x250];
	_ =	sdelay $0x4  }
0xe3: {  	[tilespmem:v15+s15+$0x0] =	vst.idx.msk $0xffff, v17  }
0xe4: {  	v15 =	vadd.s32 $0x300, v4;
	v17 =	vld [tilespmem:s24+$0x260];
	_ =	sdelay $0x4  }
0xe5: {  	[tilespmem:v15+s15+$0x0] =	vst.idx.msk $0xffff, v17  }
0xe6: {  	v15 =	vadd.s32 $0x380, v4;
	v17 =	vld [tilespmem:s24+$0x270];
	_ =	sdelay $0x4  }
0xe7: {  	[tilespmem:v15+s15+$0x0] =	vst.idx.msk $0xffff, v17  }
0xe8: {  	v5 =	vadd.s32 $0x400, v5;
	v15 =	vld [tilespmem:s24+$0x280];
	_ =	sdelay $0x4  }
0xe9: {  	[tilespmem:v5+s15+$0x0] =	vst.idx.msk $0xffff, v15  }
0xea: {  	v15 =	vadd.s32 $0x80, v5;
	v17 =	vld [tilespmem:s24+$0x290];
	_ =	sdelay $0x4  }
0xeb: {  	[tilespmem:v15+s15+$0x0] =	vst.idx.msk $0xffff, v17  }
0xec: {  	v15 =	vadd.s32 $0x100, v5;
	v17 =	vld [tilespmem:s24+$0x2A0];
	_ =	sdelay $0x4  }
0xed: {  	[tilespmem:v15+s15+$0x0] =	vst.idx.msk $0xffff, v17  }
0xee: {  	v15 =	vadd.s32 $0x180, v5;
	v17 =	vld [tilespmem:s24+$0x2B0];
	_ =	sdelay $0x4  }
0xef: {  	[tilespmem:v15+s15+$0x0] =	vst.idx.msk $0xffff, v17  }
0xf0: {  	v15 =	vadd.s32 $0x200, v5;
	v17 =	vld [tilespmem:s24+$0x2C0];
	_ =	sdelay $0x4  }
0xf1: {  	[tilespmem:v15+s15+$0x0] =	vst.idx.msk $0xffff, v17  }
0xf2: {  	v15 =	vadd.s32 $0x280, v5;
	v17 =	vld [tilespmem:s24+$0x2D0];
	_ =	sdelay $0x4  }
0xf3: {  	[tilespmem:v15+s15+$0x0] =	vst.idx.msk $0xffff, v17  }
0xf4: {  	v15 =	vadd.s32 $0x300, v5;
	v17 =	vld [tilespmem:s24+$0x2E0];
	_ =	sdelay $0x4  }
0xf5: {  	[tilespmem:v15+s15+$0x0] =	vst.idx.msk $0xffff, v17  }
0xf6: {  	v15 =	vadd.s32 $0x380, v5;
	v17 =	vld [tilespmem:s24+$0x2F0];
	_ =	sdelay $0x4  }
0xf7: {  	[tilespmem:v15+s15+$0x0] =	vst.idx.msk $0xffff, v17  }
0xf8: {  	v6 =	vadd.s32 $0x400, v6;
	v15 =	vld [tilespmem:s24+$0x300];
	_ =	sdelay $0x4  }
0xf9: {  	[tilespmem:v6+s15+$0x0] =	vst.idx.msk $0xffff, v15  }
0xfa: {  	v15 =	vadd.s32 $0x80, v6;
	v17 =	vld [tilespmem:s24+$0x310];
	_ =	sdelay $0x4  }
0xfb: {  	[tilespmem:v15+s15+$0x0] =	vst.idx.msk $0xffff, v17  }
0xfc: {  	v15 =	vadd.s32 $0x100, v6;
	v17 =	vld [tilespmem:s24+$0x320];
	_ =	sdelay $0x4  }
0xfd: {  	[tilespmem:v15+s15+$0x0] =	vst.idx.msk $0xffff, v17  }
0xfe: {  	v15 =	vadd.s32 $0x180, v6;
	v17 =	vld [tilespmem:s24+$0x330];
	_ =	sdelay $0x4  }
0xff: {  	[tilespmem:v15+s15+$0x0] =	vst.idx.msk $0xffff, v17  }
0x100: {  	v15 =	vadd.s32 $0x200, v6;
	v17 =	vld [tilespmem:s24+$0x340];
	_ =	sdelay $0x4  }
0x101: {  	[tilespmem:v15+s15+$0x0] =	vst.idx.msk $0xffff, v17  }
0x102: {  	v15 =	vadd.s32 $0x280, v6;
	v17 =	vld [tilespmem:s24+$0x350];
	_ =	sdelay $0x4  }
0x103: {  	[tilespmem:v15+s15+$0x0] =	vst.idx.msk $0xffff, v17  }
0x104: {  	v15 =	vadd.s32 $0x300, v6;
	v17 =	vld [tilespmem:s24+$0x360];
	_ =	sdelay $0x4  }
0x105: {  	[tilespmem:v15+s15+$0x0] =	vst.idx.msk $0xffff, v17  }
0x106: {  	v15 =	vadd.s32 $0x380, v6;
	v17 =	vld [tilespmem:s24+$0x370];
	_ =	sdelay $0x4  }
0x107: {  	[tilespmem:v15+s15+$0x0] =	vst.idx.msk $0xffff, v17  }
0x108: {  	v7 =	vadd.s32 $0x400, v7;
	v15 =	vld [tilespmem:s24+$0x380];
	_ =	sdelay $0x4  }
0x109: {  	[tilespmem:v7+s15+$0x0] =	vst.idx.msk $0xffff, v15  }
0x10a: {  	v15 =	vadd.s32 $0x80, v7;
	v17 =	vld [tilespmem:s24+$0x390];
	_ =	sdelay $0x4  }
0x10b: {  	[tilespmem:v15+s15+$0x0] =	vst.idx.msk $0xffff, v17  }
0x10c: {  	v15 =	vadd.s32 $0x100, v7;
	v17 =	vld [tilespmem:s24+$0x3A0];
	_ =	sdelay $0x4  }
0x10d: {  	[tilespmem:v15+s15+$0x0] =	vst.idx.msk $0xffff, v17  }
0x10e: {  	v15 =	vadd.s32 $0x180, v7;
	v17 =	vld [tilespmem:s24+$0x3B0];
	_ =	sdelay $0x4  }
0x10f: {  	[tilespmem:v15+s15+$0x0] =	vst.idx.msk $0xffff, v17  }
0x110: {  	v15 =	vadd.s32 $0x200, v7;
	v17 =	vld [tilespmem:s24+$0x3C0];
	_ =	sdelay $0x4  }
0x111: {  	[tilespmem:v15+s15+$0x0] =	vst.idx.msk $0xffff, v17  }
0x112: {  	v15 =	vadd.s32 $0x280, v7;
	v17 =	vld [tilespmem:s24+$0x3D0];
	_ =	sdelay $0x4  }
0x113: {  	[tilespmem:v15+s15+$0x0] =	vst.idx.msk $0xffff, v17  }
0x114: {  	v15 =	vadd.s32 $0x300, v7;
	v17 =	vld [tilespmem:s24+$0x3E0];
	_ =	sdelay $0x4  }
0x115: {  	[tilespmem:v15+s15+$0x0] =	vst.idx.msk $0xffff, v17  }
0x116: {  	v15 =	vadd.s32 $0x380, v7;
	v17 =	vld [tilespmem:s24+$0x3F0]  }
.Ltmp0:
0x117: {  	(pc) =	sbr.rel @p2 .LBB2_3-.Ltmp0, $2  }
0x118: {  	_ =	sdelay $0x2  }
0x119: {  	s24 =	sshra.s32 s23, $0x2;
	s23 =	sadd.s32 $0x1000, s23;
	[tilespmem:v15+s15+$0x0] =	vst.idx.msk $0xffff, v17  }
0x11a: {  	v0 =	vadd.s32 $0x400, v0;
	v15 =	vld [tilespmem:s24+$0x0];
	_ =	sdelay $0x4  }
0x11b: {  	[tilespmem:v0+s15+$0x0] =	vst.idx.msk $0xffff, v15  }
0x11c: {  	v15 =	vadd.s32 $0x80, v0;
	v17 =	vld [tilespmem:s24+$0x10];
	_ =	sdelay $0x4  }
0x11d: {  	[tilespmem:v15+s15+$0x0] =	vst.idx.msk $0xffff, v17  }
0x11e: {  	v15 =	vadd.s32 $0x100, v0;
	v17 =	vld [tilespmem:s24+$0x20];
	_ =	sdelay $0x4  }
0x11f: {  	[tilespmem:v15+s15+$0x0] =	vst.idx.msk $0xffff, v17  }
0x120: {  	v15 =	vadd.s32 $0x180, v0;
	v17 =	vld [tilespmem:s24+$0x30];
	_ =	sdelay $0x4  }
0x121: {  	[tilespmem:v15+s15+$0x0] =	vst.idx.msk $0xffff, v17  }
0x122: {  	v15 =	vadd.s32 $0x200, v0;
	v17 =	vld [tilespmem:s24+$0x40];
	_ =	sdelay $0x4  }
0x123: {  	[tilespmem:v15+s15+$0x0] =	vst.idx.msk $0xffff, v17  }
0x124: {  	v15 =	vadd.s32 $0x280, v0;
	v17 =	vld [tilespmem:s24+$0x50];
	_ =	sdelay $0x4  }
0x125: {  	[tilespmem:v15+s15+$0x0] =	vst.idx.msk $0xffff, v17  }
0x126: {  	v15 =	vadd.s32 $0x300, v0;
	v17 =	vld [tilespmem:s24+$0x60];
	_ =	sdelay $0x4  }
0x127: {  	[tilespmem:v15+s15+$0x0] =	vst.idx.msk $0xffff, v17  }
0x128: {  	v0 =	vadd.s32 $0x380, v0;
	v15 =	vld [tilespmem:s24+$0x70];
	_ =	sdelay $0x4  }
0x129: {  	[tilespmem:v0+s15+$0x0] =	vst.idx.msk $0xffff, v15  }
0x12a: {  	v1 =	vadd.s32 $0x400, v1;
	v0 =	vld [tilespmem:s24+$0x80];
	_ =	sdelay $0x4  }
0x12b: {  	[tilespmem:v1+s15+$0x0] =	vst.idx.msk $0xffff, v0  }
0x12c: {  	v0 =	vadd.s32 $0x80, v1;
	v15 =	vld [tilespmem:s24+$0x90];
	_ =	sdelay $0x4  }
0x12d: {  	[tilespmem:v0+s15+$0x0] =	vst.idx.msk $0xffff, v15  }
0x12e: {  	v0 =	vadd.s32 $0x100, v1;
	v15 =	vld [tilespmem:s24+$0xA0];
	_ =	sdelay $0x4  }
0x12f: {  	[tilespmem:v0+s15+$0x0] =	vst.idx.msk $0xffff, v15  }
0x130: {  	v0 =	vadd.s32 $0x180, v1;
	v15 =	vld [tilespmem:s24+$0xB0];
	_ =	sdelay $0x4  }
0x131: {  	[tilespmem:v0+s15+$0x0] =	vst.idx.msk $0xffff, v15  }
0x132: {  	v0 =	vadd.s32 $0x200, v1;
	v15 =	vld [tilespmem:s24+$0xC0];
	_ =	sdelay $0x4  }
0x133: {  	[tilespmem:v0+s15+$0x0] =	vst.idx.msk $0xffff, v15  }
0x134: {  	v0 =	vadd.s32 $0x280, v1;
	v15 =	vld [tilespmem:s24+$0xD0];
	_ =	sdelay $0x4  }
0x135: {  	[tilespmem:v0+s15+$0x0] =	vst.idx.msk $0xffff, v15  }
0x136: {  	v0 =	vadd.s32 $0x300, v1;
	v15 =	vld [tilespmem:s24+$0xE0];
	_ =	sdelay $0x4  }
0x137: {  	[tilespmem:v0+s15+$0x0] =	vst.idx.msk $0xffff, v15  }
0x138: {  	v0 =	vadd.s32 $0x380, v1;
	v1 =	vld [tilespmem:s24+$0xF0];
	_ =	sdelay $0x4  }
0x139: {  	[tilespmem:v0+s15+$0x0] =	vst.idx.msk $0xffff, v1  }
0x13a: {  	v1 =	vadd.s32 $0x400, v2;
	v0 =	vld [tilespmem:s24+$0x100];
	_ =	sdelay $0x4  }
0x13b: {  	[tilespmem:v1+s15+$0x0] =	vst.idx.msk $0xffff, v0  }
0x13c: {  	v0 =	vadd.s32 $0x80, v1;
	v2 =	vld [tilespmem:s24+$0x110];
	_ =	sdelay $0x4  }
0x13d: {  	[tilespmem:v0+s15+$0x0] =	vst.idx.msk $0xffff, v2  }
0x13e: {  	v0 =	vadd.s32 $0x100, v1;
	v2 =	vld [tilespmem:s24+$0x120];
	_ =	sdelay $0x4  }
0x13f: {  	[tilespmem:v0+s15+$0x0] =	vst.idx.msk $0xffff, v2  }
0x140: {  	v0 =	vadd.s32 $0x180, v1;
	v2 =	vld [tilespmem:s24+$0x130];
	_ =	sdelay $0x4  }
0x141: {  	[tilespmem:v0+s15+$0x0] =	vst.idx.msk $0xffff, v2  }
0x142: {  	v0 =	vadd.s32 $0x200, v1;
	v2 =	vld [tilespmem:s24+$0x140];
	_ =	sdelay $0x4  }
0x143: {  	[tilespmem:v0+s15+$0x0] =	vst.idx.msk $0xffff, v2  }
0x144: {  	v0 =	vadd.s32 $0x280, v1;
	v2 =	vld [tilespmem:s24+$0x150];
	_ =	sdelay $0x4  }
0x145: {  	[tilespmem:v0+s15+$0x0] =	vst.idx.msk $0xffff, v2  }
0x146: {  	v0 =	vadd.s32 $0x300, v1;
	v2 =	vld [tilespmem:s24+$0x160];
	_ =	sdelay $0x4  }
0x147: {  	[tilespmem:v0+s15+$0x0] =	vst.idx.msk $0xffff, v2  }
0x148: {  	v0 =	vadd.s32 $0x380, v1;
	v1 =	vld [tilespmem:s24+$0x170];
	_ =	sdelay $0x4  }
0x149: {  	[tilespmem:v0+s15+$0x0] =	vst.idx.msk $0xffff, v1  }
0x14a: {  	v1 =	vadd.s32 $0x400, v3;
	v0 =	vld [tilespmem:s24+$0x180];
	_ =	sdelay $0x4  }
0x14b: {  	[tilespmem:v1+s15+$0x0] =	vst.idx.msk $0xffff, v0  }
0x14c: {  	v0 =	vadd.s32 $0x80, v1;
	v2 =	vld [tilespmem:s24+$0x190];
	_ =	sdelay $0x4  }
0x14d: {  	[tilespmem:v0+s15+$0x0] =	vst.idx.msk $0xffff, v2  }
0x14e: {  	v0 =	vadd.s32 $0x100, v1;
	v2 =	vld [tilespmem:s24+$0x1A0];
	_ =	sdelay $0x4  }
0x14f: {  	[tilespmem:v0+s15+$0x0] =	vst.idx.msk $0xffff, v2  }
0x150: {  	v0 =	vadd.s32 $0x180, v1;
	v2 =	vld [tilespmem:s24+$0x1B0];
	_ =	sdelay $0x4  }
0x151: {  	[tilespmem:v0+s15+$0x0] =	vst.idx.msk $0xffff, v2  }
0x152: {  	v0 =	vadd.s32 $0x200, v1;
	v2 =	vld [tilespmem:s24+$0x1C0];
	_ =	sdelay $0x4  }
0x153: {  	[tilespmem:v0+s15+$0x0] =	vst.idx.msk $0xffff, v2  }
0x154: {  	v0 =	vadd.s32 $0x280, v1;
	v2 =	vld [tilespmem:s24+$0x1D0];
	_ =	sdelay $0x4  }
0x155: {  	[tilespmem:v0+s15+$0x0] =	vst.idx.msk $0xffff, v2  }
0x156: {  	v0 =	vadd.s32 $0x300, v1;
	v2 =	vld [tilespmem:s24+$0x1E0];
	_ =	sdelay $0x4  }
0x157: {  	[tilespmem:v0+s15+$0x0] =	vst.idx.msk $0xffff, v2  }
0x158: {  	v0 =	vadd.s32 $0x380, v1;
	v1 =	vld [tilespmem:s24+$0x1F0];
	_ =	sdelay $0x4  }
0x159: {  	[tilespmem:v0+s15+$0x0] =	vst.idx.msk $0xffff, v1  }
0x15a: {  	v1 =	vadd.s32 $0x400, v4;
	v0 =	vld [tilespmem:s24+$0x200];
	_ =	sdelay $0x4  }
0x15b: {  	[tilespmem:v1+s15+$0x0] =	vst.idx.msk $0xffff, v0  }
0x15c: {  	v0 =	vadd.s32 $0x80, v1;
	v2 =	vld [tilespmem:s24+$0x210];
	_ =	sdelay $0x4  }
0x15d: {  	[tilespmem:v0+s15+$0x0] =	vst.idx.msk $0xffff, v2  }
0x15e: {  	v0 =	vadd.s32 $0x100, v1;
	v2 =	vld [tilespmem:s24+$0x220];
	_ =	sdelay $0x4  }
0x15f: {  	[tilespmem:v0+s15+$0x0] =	vst.idx.msk $0xffff, v2  }
0x160: {  	v0 =	vadd.s32 $0x180, v1;
	v2 =	vld [tilespmem:s24+$0x230];
	_ =	sdelay $0x4  }
0x161: {  	[tilespmem:v0+s15+$0x0] =	vst.idx.msk $0xffff, v2  }
0x162: {  	v0 =	vadd.s32 $0x200, v1;
	v2 =	vld [tilespmem:s24+$0x240];
	_ =	sdelay $0x4  }
0x163: {  	[tilespmem:v0+s15+$0x0] =	vst.idx.msk $0xffff, v2  }
0x164: {  	v0 =	vadd.s32 $0x280, v1;
	v2 =	vld [tilespmem:s24+$0x250];
	_ =	sdelay $0x4  }
0x165: {  	[tilespmem:v0+s15+$0x0] =	vst.idx.msk $0xffff, v2  }
0x166: {  	v0 =	vadd.s32 $0x300, v1;
	v2 =	vld [tilespmem:s24+$0x260];
	_ =	sdelay $0x4  }
0x167: {  	[tilespmem:v0+s15+$0x0] =	vst.idx.msk $0xffff, v2  }
0x168: {  	v0 =	vadd.s32 $0x380, v1;
	v1 =	vld [tilespmem:s24+$0x270];
	_ =	sdelay $0x4  }
0x169: {  	[tilespmem:v0+s15+$0x0] =	vst.idx.msk $0xffff, v1  }
0x16a: {  	v1 =	vadd.s32 $0x400, v5;
	v0 =	vld [tilespmem:s24+$0x280];
	_ =	sdelay $0x4  }
0x16b: {  	[tilespmem:v1+s15+$0x0] =	vst.idx.msk $0xffff, v0  }
0x16c: {  	v0 =	vadd.s32 $0x80, v1;
	v2 =	vld [tilespmem:s24+$0x290];
	_ =	sdelay $0x4  }
0x16d: {  	[tilespmem:v0+s15+$0x0] =	vst.idx.msk $0xffff, v2  }
0x16e: {  	v0 =	vadd.s32 $0x100, v1;
	v2 =	vld [tilespmem:s24+$0x2A0];
	_ =	sdelay $0x4  }
0x16f: {  	[tilespmem:v0+s15+$0x0] =	vst.idx.msk $0xffff, v2  }
0x170: {  	v0 =	vadd.s32 $0x180, v1;
	v2 =	vld [tilespmem:s24+$0x2B0];
	_ =	sdelay $0x4  }
0x171: {  	[tilespmem:v0+s15+$0x0] =	vst.idx.msk $0xffff, v2  }
0x172: {  	v0 =	vadd.s32 $0x200, v1;
	v2 =	vld [tilespmem:s24+$0x2C0];
	_ =	sdelay $0x4  }
0x173: {  	[tilespmem:v0+s15+$0x0] =	vst.idx.msk $0xffff, v2  }
0x174: {  	v0 =	vadd.s32 $0x280, v1;
	v2 =	vld [tilespmem:s24+$0x2D0];
	_ =	sdelay $0x4  }
0x175: {  	[tilespmem:v0+s15+$0x0] =	vst.idx.msk $0xffff, v2  }
0x176: {  	v0 =	vadd.s32 $0x300, v1;
	v2 =	vld [tilespmem:s24+$0x2E0];
	_ =	sdelay $0x4  }
0x177: {  	[tilespmem:v0+s15+$0x0] =	vst.idx.msk $0xffff, v2  }
0x178: {  	v0 =	vadd.s32 $0x380, v1;
	v1 =	vld [tilespmem:s24+$0x2F0];
	_ =	sdelay $0x4  }
0x179: {  	[tilespmem:v0+s15+$0x0] =	vst.idx.msk $0xffff, v1  }
0x17a: {  	v1 =	vadd.s32 $0x400, v6;
	v0 =	vld [tilespmem:s24+$0x300];
	_ =	sdelay $0x4  }
0x17b: {  	[tilespmem:v1+s15+$0x0] =	vst.idx.msk $0xffff, v0  }
0x17c: {  	v0 =	vadd.s32 $0x80, v1;
	v2 =	vld [tilespmem:s24+$0x310];
	_ =	sdelay $0x4  }
0x17d: {  	[tilespmem:v0+s15+$0x0] =	vst.idx.msk $0xffff, v2  }
0x17e: {  	v0 =	vadd.s32 $0x100, v1;
	v2 =	vld [tilespmem:s24+$0x320];
	_ =	sdelay $0x4  }
0x17f: {  	[tilespmem:v0+s15+$0x0] =	vst.idx.msk $0xffff, v2  }
0x180: {  	v0 =	vadd.s32 $0x180, v1;
	v2 =	vld [tilespmem:s24+$0x330];
	_ =	sdelay $0x4  }
0x181: {  	[tilespmem:v0+s15+$0x0] =	vst.idx.msk $0xffff, v2  }
0x182: {  	v0 =	vadd.s32 $0x200, v1;
	v2 =	vld [tilespmem:s24+$0x340];
	_ =	sdelay $0x4  }
0x183: {  	[tilespmem:v0+s15+$0x0] =	vst.idx.msk $0xffff, v2  }
0x184: {  	v0 =	vadd.s32 $0x280, v1;
	v2 =	vld [tilespmem:s24+$0x350];
	_ =	sdelay $0x4  }
0x185: {  	[tilespmem:v0+s15+$0x0] =	vst.idx.msk $0xffff, v2  }
0x186: {  	v0 =	vadd.s32 $0x300, v1;
	v2 =	vld [tilespmem:s24+$0x360];
	_ =	sdelay $0x4  }
0x187: {  	[tilespmem:v0+s15+$0x0] =	vst.idx.msk $0xffff, v2  }
0x188: {  	v0 =	vadd.s32 $0x380, v1;
	v1 =	vld [tilespmem:s24+$0x370];
	_ =	sdelay $0x4  }
0x189: {  	[tilespmem:v0+s15+$0x0] =	vst.idx.msk $0xffff, v1  }
0x18a: {  	v1 =	vadd.s32 $0x400, v7;
	v0 =	vld [tilespmem:s24+$0x380];
	_ =	sdelay $0x4  }
0x18b: {  	[tilespmem:v1+s15+$0x0] =	vst.idx.msk $0xffff, v0  }
0x18c: {  	v0 =	vadd.s32 $0x80, v1;
	v2 =	vld [tilespmem:s24+$0x390];
	_ =	sdelay $0x4  }
0x18d: {  	[tilespmem:v0+s15+$0x0] =	vst.idx.msk $0xffff, v2  }
0x18e: {  	v0 =	vadd.s32 $0x100, v1;
	v2 =	vld [tilespmem:s24+$0x3A0];
	_ =	sdelay $0x4  }
0x18f: {  	[tilespmem:v0+s15+$0x0] =	vst.idx.msk $0xffff, v2  }
0x190: {  	v0 =	vadd.s32 $0x180, v1;
	v2 =	vld [tilespmem:s24+$0x3B0];
	_ =	sdelay $0x4  }
0x191: {  	[tilespmem:v0+s15+$0x0] =	vst.idx.msk $0xffff, v2  }
0x192: {  	v0 =	vadd.s32 $0x200, v1;
	v2 =	vld [tilespmem:s24+$0x3C0];
	_ =	sdelay $0x4  }
0x193: {  	[tilespmem:v0+s15+$0x0] =	vst.idx.msk $0xffff, v2  }
0x194: {  	v0 =	vadd.s32 $0x280, v1;
	v2 =	vld [tilespmem:s24+$0x3D0];
	_ =	sdelay $0x4  }
0x195: {  	[tilespmem:v0+s15+$0x0] =	vst.idx.msk $0xffff, v2  }
0x196: {  	s23 =	sor.u32 s4, s22;
	v0 =	vadd.s32 $0x300, v1;
	v2 =	vld [tilespmem:s24+$0x3E0]  }
0x197: {  	s28 =	sadd.s32 s8, s22;
	s25 =	smulhi.u32 $0xE6C2B449, s23  }
0x198: {  	s28 =	smin.u32 s28, $0x735  }
0x199: {  	s31 =	smulhi.u32 $0x39B0AD2, s28;
	s25 =	sshrl.u32 s25, $0x6  }
0x19a: {  	s26 =	smul.u32 $0x47, s25  }
0x19b: {  	s25 =	smul.u32 $0xC3500, s25;
	[tilespmem:v0+s15+$0x0] =	vst.idx.msk $0xffff, v2  }
0x19c: {  	s29 =	smul.u32 $0x47, s31;
	s30 =	ssub.s32 s23, s26;
	v0 =	vadd.s32 $0x380, v1;
	v1 =	vld [tilespmem:s24+$0x3F0]  }
0x19d: {  	s24 =	smul.u32 $0x2C00, s30  }
0x19e: {  	s29 =	ssub.s32 s28, s29;
	s26 =	smul.u32 $0xC3800, s31  }
0x19f: {  	s24 =	sadd.s32 s24, s25;
	s25 =	smul.u32 $0x2C00, s29  }
0x1a0: {  	s24 =	sshrl.u32 s24, $0x3  }
0x1a1: {  	s24 =	sadd.s32 s6, s24;
	s30 =	sadd.s32 s25, s26;
	[tilespmem:v0+s15+$0x0] =	vst.idx.msk $0xffff, v1  }
0x1a2: {  	[hbm4b:s24+s3] =	stream.linear.scatter [tilespmem:s15], [sflag:$0x3], $0x2C00, $0x38;
	[tilespmem:$0xB500] =	vst v63  }
0x1a3: {  	s24 =	sshrl.u32 s30, $0x3  }
0x1a4: {  	s24 =	sadd.s32 s2, s24  }
0x1a5: {  	[tilespmem:s3], [sflag:$0x1] =	stream.linear.gather [hbm4b:s24+s3], $0x2C00, $0x38;
	[tilespmem:$0xB500] =	vst v63  }
0x1a6: {  	_ =	swait.ge [sflag:s16], $0x2C00  }
0x1a7: {  	[sflag:s16] =	ssyncset.done $0x0  }
0x1a8: {  	s24 =	simm.s32 @!p1 $0x4;
	[sflag:s16] =	ssyncadd.s32 $0xFFFFD400  }
0x1a9: {  	_ =	swait.ge @!p1 [sflag:s24], $0x2C00  }
0x1aa: {  	[sflag:s24] =	ssyncset.done @!p1 $0x0  }
0x1ab: {  	s31 =	simm.s32 $0x0;
	[sflag:s24] =	ssyncadd.s32 @!p1 $0xFFFFD400  }
0x1ac: {  	v0 =	vld [tilespmem:s31+$0x2C00];
	_ =	sdelay $0x2  }
0x1ad: {  	v1 =	vld [tilespmem:$0x1FF60];
	_ =	sdelay $0x1  }
0x1ae: {  	[tilespmem:v16+s17+$0x0] =	vst.idx.msk $0xffff, v0  }
0x1af: {  	v0 =	vld [tilespmem:s31+$0x2C10];
	_ =	sdelay $0x4  }
0x1b0: {  	[tilespmem:v1+s17+$0x0] =	vst.idx.msk $0xffff, v0;
	v1 =	vld [tilespmem:$0x1FF70];
	_ =	sdelay $0x2  }
0x1b1: {  	v0 =	vld [tilespmem:s31+$0x2C20];
	_ =	sdelay $0x4  }
0x1b2: {  	[tilespmem:v1+s17+$0x0] =	vst.idx.msk $0xffff, v0;
	v1 =	vld [tilespmem:$0x1FF80];
	_ =	sdelay $0x2  }
0x1b3: {  	v0 =	vld [tilespmem:s31+$0x2C30];
	_ =	sdelay $0x4  }
0x1b4: {  	[tilespmem:v1+s17+$0x0] =	vst.idx.msk $0xffff, v0;
	v1 =	vld [tilespmem:$0x1FF90];
	_ =	sdelay $0x2  }
0x1b5: {  	v0 =	vld [tilespmem:s31+$0x2C40];
	_ =	sdelay $0x4  }
0x1b6: {  	[tilespmem:v1+s17+$0x0] =	vst.idx.msk $0xffff, v0;
	v1 =	vld [tilespmem:$0x1FFA0];
	_ =	sdelay $0x2  }
0x1b7: {  	v0 =	vld [tilespmem:s31+$0x2C50];
	_ =	sdelay $0x4  }
0x1b8: {  	[tilespmem:v1+s17+$0x0] =	vst.idx.msk $0xffff, v0;
	v1 =	vld [tilespmem:$0x1FFB0];
	_ =	sdelay $0x2  }
0x1b9: {  	v0 =	vld [tilespmem:s31+$0x2C60];
	_ =	sdelay $0x4  }
0x1ba: {  	[tilespmem:v1+s17+$0x0] =	vst.idx.msk $0xffff, v0;
	v1 =	vld [tilespmem:$0x1FFC0];
	_ =	sdelay $0x2  }
0x1bb: {  	v0 =	vld [tilespmem:s31+$0x2C70];
	_ =	sdelay $0x4  }
0x1bc: {  	[tilespmem:v1+s17+$0x0] =	vst.idx.msk $0xffff, v0  }
0x1bd: {  	v0 =	vld [tilespmem:s31+$0x2C80];
	_ =	sdelay $0x2  }
0x1be: {  	v1 =	vld [tilespmem:$0x1FFD0];
	_ =	sdelay $0x1  }
0x1bf: {  	[tilespmem:v14+s17+$0x0] =	vst.idx.msk $0xffff, v0  }
0x1c0: {  	v0 =	vld [tilespmem:s31+$0x2C90];
	_ =	sdelay $0x4  }
0x1c1: {  	[tilespmem:v1+s17+$0x0] =	vst.idx.msk $0xffff, v0;
	v1 =	vld [tilespmem:$0x1FFE0];
	_ =	sdelay $0x2  }
0x1c2: {  	v0 =	vld [tilespmem:s31+$0x2CA0];
	_ =	sdelay $0x4  }
0x1c3: {  	[tilespmem:v1+s17+$0x0] =	vst.idx.msk $0xffff, v0;
	v1 =	vld [tilespmem:$0x1FFF0];
	_ =	sdelay $0x2  }
0x1c4: {  	v0 =	vld [tilespmem:s31+$0x2CB0];
	_ =	sdelay $0x4  }
0x1c5: {  	[tilespmem:v1+s17+$0x0] =	vst.idx.msk $0xffff, v0  }
0x1c6: {  	v0 =	vld [tilespmem:s31+$0x2CC0];
	_ =	sdelay $0x4  }
0x1c7: {  	[tilespmem:v18+s17+$0x0] =	vst.idx.msk $0xffff, v0  }
0x1c8: {  	v0 =	vld [tilespmem:s31+$0x2CD0];
	_ =	sdelay $0x4  }
0x1c9: {  	[tilespmem:v19+s17+$0x0] =	vst.idx.msk $0xffff, v0  }
0x1ca: {  	v0 =	vld [tilespmem:s31+$0x2CE0];
	_ =	sdelay $0x4  }
0x1cb: {  	[tilespmem:v20+s17+$0x0] =	vst.idx.msk $0xffff, v0  }
0x1cc: {  	v0 =	vld [tilespmem:s31+$0x2CF0];
	_ =	sdelay $0x4  }
0x1cd: {  	[tilespmem:v21+s17+$0x0] =	vst.idx.msk $0xffff, v0  }
0x1ce: {  	v0 =	vld [tilespmem:s31+$0x2D00];
	_ =	sdelay $0x4  }
0x1cf: {  	[tilespmem:v13+s17+$0x0] =	vst.idx.msk $0xffff, v0  }
0x1d0: {  	v0 =	vld [tilespmem:s31+$0x2D10];
	_ =	sdelay $0x4  }
0x1d1: {  	[tilespmem:v22+s17+$0x0] =	vst.idx.msk $0xffff, v0  }
0x1d2: {  	v0 =	vld [tilespmem:s31+$0x2D20];
	_ =	sdelay $0x4  }
0x1d3: {  	[tilespmem:v23+s17+$0x0] =	vst.idx.msk $0xffff, v0  }
0x1d4: {  	v0 =	vld [tilespmem:s31+$0x2D30];
	_ =	sdelay $0x4  }
0x1d5: {  	[tilespmem:v24+s17+$0x0] =	vst.idx.msk $0xffff, v0  }
0x1d6: {  	v0 =	vld [tilespmem:s31+$0x2D40];
	_ =	sdelay $0x4  }
0x1d7: {  	[tilespmem:v25+s17+$0x0] =	vst.idx.msk $0xffff, v0  }
0x1d8: {  	v0 =	vld [tilespmem:s31+$0x2D50];
	_ =	sdelay $0x4  }
0x1d9: {  	[tilespmem:v26+s17+$0x0] =	vst.idx.msk $0xffff, v0  }
0x1da: {  	v0 =	vld [tilespmem:s31+$0x2D60];
	_ =	sdelay $0x4  }
0x1db: {  	[tilespmem:v27+s17+$0x0] =	vst.idx.msk $0xffff, v0  }
0x1dc: {  	v0 =	vld [tilespmem:s31+$0x2D70];
	_ =	sdelay $0x4  }
0x1dd: {  	[tilespmem:v28+s17+$0x0] =	vst.idx.msk $0xffff, v0  }
0x1de: {  	v0 =	vld [tilespmem:s31+$0x2D80];
	_ =	sdelay $0x4  }
0x1df: {  	[tilespmem:v12+s17+$0x0] =	vst.idx.msk $0xffff, v0  }
0x1e0: {  	v0 =	vld [tilespmem:s31+$0x2D90];
	_ =	sdelay $0x4  }
0x1e1: {  	[tilespmem:v29+s17+$0x0] =	vst.idx.msk $0xffff, v0  }
0x1e2: {  	v0 =	vld [tilespmem:s31+$0x2DA0];
	_ =	sdelay $0x4  }
0x1e3: {  	[tilespmem:v30+s17+$0x0] =	vst.idx.msk $0xffff, v0  }
0x1e4: {  	v0 =	vld [tilespmem:s31+$0x2DB0];
	_ =	sdelay $0x4  }
0x1e5: {  	[tilespmem:v31+s17+$0x0] =	vst.idx.msk $0xffff, v0  }
0x1e6: {  	v0 =	vld [tilespmem:s31+$0x2DC0];
	_ =	sdelay $0x4  }
0x1e7: {  	[tilespmem:v32+s17+$0x0] =	vst.idx.msk $0xffff, v0  }
0x1e8: {  	v0 =	vld [tilespmem:s31+$0x2DD0];
	_ =	sdelay $0x4  }
0x1e9: {  	[tilespmem:v33+s17+$0x0] =	vst.idx.msk $0xffff, v0  }
0x1ea: {  	v0 =	vld [tilespmem:s31+$0x2DE0];
	_ =	sdelay $0x4  }
0x1eb: {  	[tilespmem:v34+s17+$0x0] =	vst.idx.msk $0xffff, v0  }
0x1ec: {  	v0 =	vld [tilespmem:s31+$0x2DF0];
	_ =	sdelay $0x4  }
0x1ed: {  	[tilespmem:v35+s17+$0x0] =	vst.idx.msk $0xffff, v0  }
0x1ee: {  	v0 =	vld [tilespmem:s31+$0x2E00];
	_ =	sdelay $0x4  }
0x1ef: {  	[tilespmem:v11+s17+$0x0] =	vst.idx.msk $0xffff, v0  }
0x1f0: {  	v0 =	vld [tilespmem:s31+$0x2E10];
	_ =	sdelay $0x4  }
0x1f1: {  	[tilespmem:v36+s17+$0x0] =	vst.idx.msk $0xffff, v0  }
0x1f2: {  	v0 =	vld [tilespmem:s31+$0x2E20];
	_ =	sdelay $0x4  }
0x1f3: {  	[tilespmem:v37+s17+$0x0] =	vst.idx.msk $0xffff, v0  }
0x1f4: {  	v0 =	vld [tilespmem:s31+$0x2E30];
	_ =	sdelay $0x4  }
0x1f5: {  	[tilespmem:v38+s17+$0x0] =	vst.idx.msk $0xffff, v0  }
0x1f6: {  	v0 =	vld [tilespmem:s31+$0x2E40];
	_ =	sdelay $0x4  }
0x1f7: {  	[tilespmem:v39+s17+$0x0] =	vst.idx.msk $0xffff, v0  }
0x1f8: {  	v0 =	vld [tilespmem:s31+$0x2E50];
	_ =	sdelay $0x4  }
0x1f9: {  	[tilespmem:v40+s17+$0x0] =	vst.idx.msk $0xffff, v0  }
0x1fa: {  	v0 =	vld [tilespmem:s31+$0x2E60];
	_ =	sdelay $0x4  }
0x1fb: {  	[tilespmem:v41+s17+$0x0] =	vst.idx.msk $0xffff, v0  }
0x1fc: {  	v0 =	vld [tilespmem:s31+$0x2E70];
	_ =	sdelay $0x4  }
0x1fd: {  	[tilespmem:v42+s17+$0x0] =	vst.idx.msk $0xffff, v0  }
0x1fe: {  	v0 =	vld [tilespmem:s31+$0x2E80];
	_ =	sdelay $0x4  }
0x1ff: {  	[tilespmem:v10+s17+$0x0] =	vst.idx.msk $0xffff, v0  }
0x200: {  	v0 =	vld [tilespmem:s31+$0x2E90];
	_ =	sdelay $0x4  }
0x201: {  	[tilespmem:v43+s17+$0x0] =	vst.idx.msk $0xffff, v0  }
0x202: {  	v0 =	vld [tilespmem:s31+$0x2EA0];
	_ =	sdelay $0x4  }
0x203: {  	[tilespmem:v44+s17+$0x0] =	vst.idx.msk $0xffff, v0  }
0x204: {  	v0 =	vld [tilespmem:s31+$0x2EB0];
	_ =	sdelay $0x4  }
0x205: {  	[tilespmem:v45+s17+$0x0] =	vst.idx.msk $0xffff, v0  }
0x206: {  	v0 =	vld [tilespmem:s31+$0x2EC0];
	_ =	sdelay $0x4  }
0x207: {  	[tilespmem:v46+s17+$0x0] =	vst.idx.msk $0xffff, v0  }
0x208: {  	v0 =	vld [tilespmem:s31+$0x2ED0];
	_ =	sdelay $0x4  }
0x209: {  	[tilespmem:v47+s17+$0x0] =	vst.idx.msk $0xffff, v0  }
0x20a: {  	v0 =	vld [tilespmem:s31+$0x2EE0];
	_ =	sdelay $0x4  }
0x20b: {  	[tilespmem:v48+s17+$0x0] =	vst.idx.msk $0xffff, v0  }
0x20c: {  	v0 =	vld [tilespmem:s31+$0x2EF0];
	_ =	sdelay $0x4  }
0x20d: {  	[tilespmem:v49+s17+$0x0] =	vst.idx.msk $0xffff, v0  }
0x20e: {  	v0 =	vld [tilespmem:s31+$0x2F00];
	_ =	sdelay $0x4  }
0x20f: {  	[tilespmem:v9+s17+$0x0] =	vst.idx.msk $0xffff, v0  }
0x210: {  	v0 =	vld [tilespmem:s31+$0x2F10];
	_ =	sdelay $0x4  }
0x211: {  	[tilespmem:v50+s17+$0x0] =	vst.idx.msk $0xffff, v0  }
0x212: {  	v0 =	vld [tilespmem:s31+$0x2F20];
	_ =	sdelay $0x4  }
0x213: {  	[tilespmem:v51+s17+$0x0] =	vst.idx.msk $0xffff, v0  }
0x214: {  	v0 =	vld [tilespmem:s31+$0x2F30];
	_ =	sdelay $0x4  }
0x215: {  	[tilespmem:v52+s17+$0x0] =	vst.idx.msk $0xffff, v0  }
0x216: {  	v0 =	vld [tilespmem:s31+$0x2F40];
	_ =	sdelay $0x4  }
0x217: {  	[tilespmem:v53+s17+$0x0] =	vst.idx.msk $0xffff, v0  }
0x218: {  	v0 =	vld [tilespmem:s31+$0x2F50];
	_ =	sdelay $0x4  }
0x219: {  	[tilespmem:v54+s17+$0x0] =	vst.idx.msk $0xffff, v0  }
0x21a: {  	v0 =	vld [tilespmem:s31+$0x2F60];
	_ =	sdelay $0x4  }
0x21b: {  	[tilespmem:v55+s17+$0x0] =	vst.idx.msk $0xffff, v0  }
0x21c: {  	v0 =	vld [tilespmem:s31+$0x2F70];
	_ =	sdelay $0x4  }
0x21d: {  	[tilespmem:v56+s17+$0x0] =	vst.idx.msk $0xffff, v0  }
0x21e: {  	v0 =	vld [tilespmem:s31+$0x2F80];
	_ =	sdelay $0x4  }
0x21f: {  	[tilespmem:v8+s17+$0x0] =	vst.idx.msk $0xffff, v0  }
0x220: {  	v0 =	vld [tilespmem:s31+$0x2F90];
	_ =	sdelay $0x4  }
0x221: {  	[tilespmem:v57+s17+$0x0] =	vst.idx.msk $0xffff, v0  }
0x222: {  	v0 =	vld [tilespmem:s31+$0x2FA0];
	_ =	sdelay $0x4  }
0x223: {  	[tilespmem:v58+s17+$0x0] =	vst.idx.msk $0xffff, v0  }
0x224: {  	v0 =	vld [tilespmem:s31+$0x2FB0];
	_ =	sdelay $0x4  }
0x225: {  	[tilespmem:v59+s17+$0x0] =	vst.idx.msk $0xffff, v0  }
0x226: {  	v0 =	vld [tilespmem:s31+$0x2FC0];
	_ =	sdelay $0x4  }
0x227: {  	[tilespmem:v60+s17+$0x0] =	vst.idx.msk $0xffff, v0  }
0x228: {  	v0 =	vld [tilespmem:s31+$0x2FD0];
	_ =	sdelay $0x4  }
0x229: {  	[tilespmem:v61+s17+$0x0] =	vst.idx.msk $0xffff, v0  }
0x22a: {  	v0 =	vld [tilespmem:s31+$0x2FE0];
	_ =	sdelay $0x4  }
0x22b: {  	[tilespmem:v63+s17+$0x0] =	vst.idx.msk $0xffff, v0  }
0x22c: {  	v0 =	vld [tilespmem:s31+$0x2FF0];
	_ =	sdelay $0x3  }
0x22d: {  	v15 =	vmov v16;
	v3 =	vmov v12;
	v4 =	vmov v11  }
0x22e: {  	v5 =	vmovc v10;
	v6 =	vmovc v9;
	v7 =	vmov v8;
	v2 =	vmov v13;
	s25 =	simm.s32 $0x2000;
	s24 =	simm.s32 $0x400;
	v1 =	vmov v14;
	[tilespmem:v62+s17+$0x0] =	vst.idx.msk $0xffff, v0  }
.LBB2_5:
0x22f: {  	p1 =	sne.s32 s25, $0xA000;
	v0 =	vld [tilespmem:s24+$0x2C00];
	v15 =	vadd.s32 $0x400, v15;
	_ =	sdelay $0x4  }
0x230: {  	[tilespmem:v15+s17+$0x0] =	vst.idx.msk $0xffff, v0  }
0x231: {  	v0 =	vadd.s32 $0x80, v15;
	v17 =	vld [tilespmem:s24+$0x2C10];
	_ =	sdelay $0x4  }
0x232: {  	[tilespmem:v0+s17+$0x0] =	vst.idx.msk $0xffff, v17  }
0x233: {  	v0 =	vadd.s32 $0x100, v15;
	v17 =	vld [tilespmem:s24+$0x2C20];
	_ =	sdelay $0x4  }
0x234: {  	[tilespmem:v0+s17+$0x0] =	vst.idx.msk $0xffff, v17  }
0x235: {  	v0 =	vadd.s32 $0x180, v15;
	v17 =	vld [tilespmem:s24+$0x2C30];
	_ =	sdelay $0x4  }
0x236: {  	[tilespmem:v0+s17+$0x0] =	vst.idx.msk $0xffff, v17  }
0x237: {  	v0 =	vadd.s32 $0x200, v15;
	v17 =	vld [tilespmem:s24+$0x2C40];
	_ =	sdelay $0x4  }
0x238: {  	[tilespmem:v0+s17+$0x0] =	vst.idx.msk $0xffff, v17  }
0x239: {  	v0 =	vadd.s32 $0x280, v15;
	v17 =	vld [tilespmem:s24+$0x2C50];
	_ =	sdelay $0x4  }
0x23a: {  	[tilespmem:v0+s17+$0x0] =	vst.idx.msk $0xffff, v17  }
0x23b: {  	v0 =	vadd.s32 $0x300, v15;
	v17 =	vld [tilespmem:s24+$0x2C60];
	_ =	sdelay $0x4  }
0x23c: {  	[tilespmem:v0+s17+$0x0] =	vst.idx.msk $0xffff, v17  }
0x23d: {  	v0 =	vadd.s32 $0x380, v15;
	v17 =	vld [tilespmem:s24+$0x2C70];
	_ =	sdelay $0x4  }
0x23e: {  	[tilespmem:v0+s17+$0x0] =	vst.idx.msk $0xffff, v17  }
0x23f: {  	v1 =	vadd.s32 $0x400, v1;
	v0 =	vld [tilespmem:s24+$0x2C80];
	_ =	sdelay $0x4  }
0x240: {  	[tilespmem:v1+s17+$0x0] =	vst.idx.msk $0xffff, v0  }
0x241: {  	v0 =	vadd.s32 $0x80, v1;
	v17 =	vld [tilespmem:s24+$0x2C90];
	_ =	sdelay $0x4  }
0x242: {  	[tilespmem:v0+s17+$0x0] =	vst.idx.msk $0xffff, v17  }
0x243: {  	v0 =	vadd.s32 $0x100, v1;
	v17 =	vld [tilespmem:s24+$0x2CA0];
	_ =	sdelay $0x4  }
0x244: {  	[tilespmem:v0+s17+$0x0] =	vst.idx.msk $0xffff, v17  }
0x245: {  	v0 =	vadd.s32 $0x180, v1;
	v17 =	vld [tilespmem:s24+$0x2CB0];
	_ =	sdelay $0x4  }
0x246: {  	[tilespmem:v0+s17+$0x0] =	vst.idx.msk $0xffff, v17  }
0x247: {  	v0 =	vadd.s32 $0x200, v1;
	v17 =	vld [tilespmem:s24+$0x2CC0];
	_ =	sdelay $0x4  }
0x248: {  	[tilespmem:v0+s17+$0x0] =	vst.idx.msk $0xffff, v17  }
0x249: {  	v0 =	vadd.s32 $0x280, v1;
	v17 =	vld [tilespmem:s24+$0x2CD0];
	_ =	sdelay $0x4  }
0x24a: {  	[tilespmem:v0+s17+$0x0] =	vst.idx.msk $0xffff, v17  }
0x24b: {  	v0 =	vadd.s32 $0x300, v1;
	v17 =	vld [tilespmem:s24+$0x2CE0];
	_ =	sdelay $0x4  }
0x24c: {  	[tilespmem:v0+s17+$0x0] =	vst.idx.msk $0xffff, v17  }
0x24d: {  	v0 =	vadd.s32 $0x380, v1;
	v17 =	vld [tilespmem:s24+$0x2CF0];
	_ =	sdelay $0x4  }
0x24e: {  	[tilespmem:v0+s17+$0x0] =	vst.idx.msk $0xffff, v17  }
0x24f: {  	v2 =	vadd.s32 $0x400, v2;
	v0 =	vld [tilespmem:s24+$0x2D00];
	_ =	sdelay $0x4  }
0x250: {  	[tilespmem:v2+s17+$0x0] =	vst.idx.msk $0xffff, v0  }
0x251: {  	v0 =	vadd.s32 $0x80, v2;
	v17 =	vld [tilespmem:s24+$0x2D10];
	_ =	sdelay $0x4  }
0x252: {  	[tilespmem:v0+s17+$0x0] =	vst.idx.msk $0xffff, v17  }
0x253: {  	v0 =	vadd.s32 $0x100, v2;
	v17 =	vld [tilespmem:s24+$0x2D20];
	_ =	sdelay $0x4  }
0x254: {  	[tilespmem:v0+s17+$0x0] =	vst.idx.msk $0xffff, v17  }
0x255: {  	v0 =	vadd.s32 $0x180, v2;
	v17 =	vld [tilespmem:s24+$0x2D30];
	_ =	sdelay $0x4  }
0x256: {  	[tilespmem:v0+s17+$0x0] =	vst.idx.msk $0xffff, v17  }
0x257: {  	v0 =	vadd.s32 $0x200, v2;
	v17 =	vld [tilespmem:s24+$0x2D40];
	_ =	sdelay $0x4  }
0x258: {  	[tilespmem:v0+s17+$0x0] =	vst.idx.msk $0xffff, v17  }
0x259: {  	v0 =	vadd.s32 $0x280, v2;
	v17 =	vld [tilespmem:s24+$0x2D50];
	_ =	sdelay $0x4  }
0x25a: {  	[tilespmem:v0+s17+$0x0] =	vst.idx.msk $0xffff, v17  }
0x25b: {  	v0 =	vadd.s32 $0x300, v2;
	v17 =	vld [tilespmem:s24+$0x2D60];
	_ =	sdelay $0x4  }
0x25c: {  	[tilespmem:v0+s17+$0x0] =	vst.idx.msk $0xffff, v17  }
0x25d: {  	v0 =	vadd.s32 $0x380, v2;
	v17 =	vld [tilespmem:s24+$0x2D70];
	_ =	sdelay $0x4  }
0x25e: {  	[tilespmem:v0+s17+$0x0] =	vst.idx.msk $0xffff, v17  }
0x25f: {  	v3 =	vadd.s32 $0x400, v3;
	v0 =	vld [tilespmem:s24+$0x2D80];
	_ =	sdelay $0x4  }
0x260: {  	[tilespmem:v3+s17+$0x0] =	vst.idx.msk $0xffff, v0  }
0x261: {  	v0 =	vadd.s32 $0x80, v3;
	v17 =	vld [tilespmem:s24+$0x2D90];
	_ =	sdelay $0x4  }
0x262: {  	[tilespmem:v0+s17+$0x0] =	vst.idx.msk $0xffff, v17  }
0x263: {  	v0 =	vadd.s32 $0x100, v3;
	v17 =	vld [tilespmem:s24+$0x2DA0];
	_ =	sdelay $0x4  }
0x264: {  	[tilespmem:v0+s17+$0x0] =	vst.idx.msk $0xffff, v17  }
0x265: {  	v0 =	vadd.s32 $0x180, v3;
	v17 =	vld [tilespmem:s24+$0x2DB0];
	_ =	sdelay $0x4  }
0x266: {  	[tilespmem:v0+s17+$0x0] =	vst.idx.msk $0xffff, v17  }
0x267: {  	v0 =	vadd.s32 $0x200, v3;
	v17 =	vld [tilespmem:s24+$0x2DC0];
	_ =	sdelay $0x4  }
0x268: {  	[tilespmem:v0+s17+$0x0] =	vst.idx.msk $0xffff, v17  }
0x269: {  	v0 =	vadd.s32 $0x280, v3;
	v17 =	vld [tilespmem:s24+$0x2DD0];
	_ =	sdelay $0x4  }
0x26a: {  	[tilespmem:v0+s17+$0x0] =	vst.idx.msk $0xffff, v17  }
0x26b: {  	v0 =	vadd.s32 $0x300, v3;
	v17 =	vld [tilespmem:s24+$0x2DE0];
	_ =	sdelay $0x4  }
0x26c: {  	[tilespmem:v0+s17+$0x0] =	vst.idx.msk $0xffff, v17  }
0x26d: {  	v0 =	vadd.s32 $0x380, v3;
	v17 =	vld [tilespmem:s24+$0x2DF0];
	_ =	sdelay $0x4  }
0x26e: {  	[tilespmem:v0+s17+$0x0] =	vst.idx.msk $0xffff, v17  }
0x26f: {  	v4 =	vadd.s32 $0x400, v4;
	v0 =	vld [tilespmem:s24+$0x2E00];
	_ =	sdelay $0x4  }
0x270: {  	[tilespmem:v4+s17+$0x0] =	vst.idx.msk $0xffff, v0  }
0x271: {  	v0 =	vadd.s32 $0x80, v4;
	v17 =	vld [tilespmem:s24+$0x2E10];
	_ =	sdelay $0x4  }
0x272: {  	[tilespmem:v0+s17+$0x0] =	vst.idx.msk $0xffff, v17  }
0x273: {  	v0 =	vadd.s32 $0x100, v4;
	v17 =	vld [tilespmem:s24+$0x2E20];
	_ =	sdelay $0x4  }
0x274: {  	[tilespmem:v0+s17+$0x0] =	vst.idx.msk $0xffff, v17  }
0x275: {  	v0 =	vadd.s32 $0x180, v4;
	v17 =	vld [tilespmem:s24+$0x2E30];
	_ =	sdelay $0x4  }
0x276: {  	[tilespmem:v0+s17+$0x0] =	vst.idx.msk $0xffff, v17  }
0x277: {  	v0 =	vadd.s32 $0x200, v4;
	v17 =	vld [tilespmem:s24+$0x2E40];
	_ =	sdelay $0x4  }
0x278: {  	[tilespmem:v0+s17+$0x0] =	vst.idx.msk $0xffff, v17  }
0x279: {  	v0 =	vadd.s32 $0x280, v4;
	v17 =	vld [tilespmem:s24+$0x2E50];
	_ =	sdelay $0x4  }
0x27a: {  	[tilespmem:v0+s17+$0x0] =	vst.idx.msk $0xffff, v17  }
0x27b: {  	v0 =	vadd.s32 $0x300, v4;
	v17 =	vld [tilespmem:s24+$0x2E60];
	_ =	sdelay $0x4  }
0x27c: {  	[tilespmem:v0+s17+$0x0] =	vst.idx.msk $0xffff, v17  }
0x27d: {  	v0 =	vadd.s32 $0x380, v4;
	v17 =	vld [tilespmem:s24+$0x2E70];
	_ =	sdelay $0x4  }
0x27e: {  	[tilespmem:v0+s17+$0x0] =	vst.idx.msk $0xffff, v17  }
0x27f: {  	v5 =	vadd.s32 $0x400, v5;
	v0 =	vld [tilespmem:s24+$0x2E80];
	_ =	sdelay $0x4  }
0x280: {  	[tilespmem:v5+s17+$0x0] =	vst.idx.msk $0xffff, v0  }
0x281: {  	v0 =	vadd.s32 $0x80, v5;
	v17 =	vld [tilespmem:s24+$0x2E90];
	_ =	sdelay $0x4  }
0x282: {  	[tilespmem:v0+s17+$0x0] =	vst.idx.msk $0xffff, v17  }
0x283: {  	v0 =	vadd.s32 $0x100, v5;
	v17 =	vld [tilespmem:s24+$0x2EA0];
	_ =	sdelay $0x4  }
0x284: {  	[tilespmem:v0+s17+$0x0] =	vst.idx.msk $0xffff, v17  }
0x285: {  	v0 =	vadd.s32 $0x180, v5;
	v17 =	vld [tilespmem:s24+$0x2EB0];
	_ =	sdelay $0x4  }
0x286: {  	[tilespmem:v0+s17+$0x0] =	vst.idx.msk $0xffff, v17  }
0x287: {  	v0 =	vadd.s32 $0x200, v5;
	v17 =	vld [tilespmem:s24+$0x2EC0];
	_ =	sdelay $0x4  }
0x288: {  	[tilespmem:v0+s17+$0x0] =	vst.idx.msk $0xffff, v17  }
0x289: {  	v0 =	vadd.s32 $0x280, v5;
	v17 =	vld [tilespmem:s24+$0x2ED0];
	_ =	sdelay $0x4  }
0x28a: {  	[tilespmem:v0+s17+$0x0] =	vst.idx.msk $0xffff, v17  }
0x28b: {  	v0 =	vadd.s32 $0x300, v5;
	v17 =	vld [tilespmem:s24+$0x2EE0];
	_ =	sdelay $0x4  }
0x28c: {  	[tilespmem:v0+s17+$0x0] =	vst.idx.msk $0xffff, v17  }
0x28d: {  	v0 =	vadd.s32 $0x380, v5;
	v17 =	vld [tilespmem:s24+$0x2EF0];
	_ =	sdelay $0x4  }
0x28e: {  	[tilespmem:v0+s17+$0x0] =	vst.idx.msk $0xffff, v17  }
0x28f: {  	v6 =	vadd.s32 $0x400, v6;
	v0 =	vld [tilespmem:s24+$0x2F00];
	_ =	sdelay $0x4  }
0x290: {  	[tilespmem:v6+s17+$0x0] =	vst.idx.msk $0xffff, v0  }
0x291: {  	v0 =	vadd.s32 $0x80, v6;
	v17 =	vld [tilespmem:s24+$0x2F10];
	_ =	sdelay $0x4  }
0x292: {  	[tilespmem:v0+s17+$0x0] =	vst.idx.msk $0xffff, v17  }
0x293: {  	v0 =	vadd.s32 $0x100, v6;
	v17 =	vld [tilespmem:s24+$0x2F20];
	_ =	sdelay $0x4  }
0x294: {  	[tilespmem:v0+s17+$0x0] =	vst.idx.msk $0xffff, v17  }
0x295: {  	v0 =	vadd.s32 $0x180, v6;
	v17 =	vld [tilespmem:s24+$0x2F30];
	_ =	sdelay $0x4  }
0x296: {  	[tilespmem:v0+s17+$0x0] =	vst.idx.msk $0xffff, v17  }
0x297: {  	v0 =	vadd.s32 $0x200, v6;
	v17 =	vld [tilespmem:s24+$0x2F40];
	_ =	sdelay $0x4  }
0x298: {  	[tilespmem:v0+s17+$0x0] =	vst.idx.msk $0xffff, v17  }
0x299: {  	v0 =	vadd.s32 $0x280, v6;
	v17 =	vld [tilespmem:s24+$0x2F50];
	_ =	sdelay $0x4  }
0x29a: {  	[tilespmem:v0+s17+$0x0] =	vst.idx.msk $0xffff, v17  }
0x29b: {  	v0 =	vadd.s32 $0x300, v6;
	v17 =	vld [tilespmem:s24+$0x2F60];
	_ =	sdelay $0x4  }
0x29c: {  	[tilespmem:v0+s17+$0x0] =	vst.idx.msk $0xffff, v17  }
0x29d: {  	v0 =	vadd.s32 $0x380, v6;
	v17 =	vld [tilespmem:s24+$0x2F70];
	_ =	sdelay $0x4  }
0x29e: {  	[tilespmem:v0+s17+$0x0] =	vst.idx.msk $0xffff, v17  }
0x29f: {  	v7 =	vadd.s32 $0x400, v7;
	v0 =	vld [tilespmem:s24+$0x2F80];
	_ =	sdelay $0x4  }
0x2a0: {  	[tilespmem:v7+s17+$0x0] =	vst.idx.msk $0xffff, v0  }
0x2a1: {  	v0 =	vadd.s32 $0x80, v7;
	v17 =	vld [tilespmem:s24+$0x2F90];
	_ =	sdelay $0x4  }
0x2a2: {  	[tilespmem:v0+s17+$0x0] =	vst.idx.msk $0xffff, v17  }
0x2a3: {  	v0 =	vadd.s32 $0x100, v7;
	v17 =	vld [tilespmem:s24+$0x2FA0];
	_ =	sdelay $0x4  }
0x2a4: {  	[tilespmem:v0+s17+$0x0] =	vst.idx.msk $0xffff, v17  }
0x2a5: {  	v0 =	vadd.s32 $0x180, v7;
	v17 =	vld [tilespmem:s24+$0x2FB0];
	_ =	sdelay $0x4  }
0x2a6: {  	[tilespmem:v0+s17+$0x0] =	vst.idx.msk $0xffff, v17  }
0x2a7: {  	v0 =	vadd.s32 $0x200, v7;
	v17 =	vld [tilespmem:s24+$0x2FC0];
	_ =	sdelay $0x4  }
0x2a8: {  	[tilespmem:v0+s17+$0x0] =	vst.idx.msk $0xffff, v17  }
0x2a9: {  	v0 =	vadd.s32 $0x280, v7;
	v17 =	vld [tilespmem:s24+$0x2FD0];
	_ =	sdelay $0x4  }
0x2aa: {  	[tilespmem:v0+s17+$0x0] =	vst.idx.msk $0xffff, v17  }
0x2ab: {  	v0 =	vadd.s32 $0x300, v7;
	v17 =	vld [tilespmem:s24+$0x2FE0];
	_ =	sdelay $0x4  }
0x2ac: {  	[tilespmem:v0+s17+$0x0] =	vst.idx.msk $0xffff, v17  }
0x2ad: {  	v0 =	vadd.s32 $0x380, v7;
	v17 =	vld [tilespmem:s24+$0x2FF0]  }
.Ltmp1:
0x2ae: {  	(pc) =	sbr.rel @p1 .LBB2_5-.Ltmp1, $2  }
0x2af: {  	_ =	sdelay $0x2  }
0x2b0: {  	s24 =	sshra.s32 s25, $0x2;
	s25 =	sadd.s32 $0x1000, s25;
	[tilespmem:v0+s17+$0x0] =	vst.idx.msk $0xffff, v17  }
0x2b1: {  	v0 =	vld [tilespmem:s24+$0x2C00];
	v15 =	vadd.s32 $0x400, v15;
	_ =	sdelay $0x4  }
0x2b2: {  	[tilespmem:v15+s17+$0x0] =	vst.idx.msk $0xffff, v0  }
0x2b3: {  	v38 =	vadd.s32 $0x80, v15;
	v17 =	vld [tilespmem:s24+$0x2C10];
	_ =	sdelay $0x4  }
0x2b4: {  	[tilespmem:v38+s17+$0x0] =	vst.idx.msk $0xffff, v17  }
0x2b5: {  	v39 =	vadd.s32 $0x100, v15;
	v17 =	vld [tilespmem:s24+$0x2C20];
	_ =	sdelay $0x4  }
0x2b6: {  	[tilespmem:v39+s17+$0x0] =	vst.idx.msk $0xffff, v17  }
0x2b7: {  	v40 =	vadd.s32 $0x180, v15;
	v17 =	vld [tilespmem:s24+$0x2C30];
	_ =	sdelay $0x4  }
0x2b8: {  	[tilespmem:v40+s17+$0x0] =	vst.idx.msk $0xffff, v17  }
0x2b9: {  	v41 =	vadd.s32 $0x200, v15;
	v17 =	vld [tilespmem:s24+$0x2C40];
	_ =	sdelay $0x4  }
0x2ba: {  	[tilespmem:v41+s17+$0x0] =	vst.idx.msk $0xffff, v17  }
0x2bb: {  	v42 =	vadd.s32 $0x280, v15;
	v17 =	vld [tilespmem:s24+$0x2C50];
	_ =	sdelay $0x4  }
0x2bc: {  	[tilespmem:v42+s17+$0x0] =	vst.idx.msk $0xffff, v17  }
0x2bd: {  	v43 =	vadd.s32 $0x300, v15;
	v17 =	vld [tilespmem:s24+$0x2C60];
	_ =	sdelay $0x4  }
0x2be: {  	[tilespmem:v43+s17+$0x0] =	vst.idx.msk $0xffff, v17  }
0x2bf: {  	v44 =	vadd.s32 $0x380, v15;
	v15 =	vld [tilespmem:s24+$0x2C70];
	_ =	sdelay $0x4  }
0x2c0: {  	[tilespmem:v44+s17+$0x0] =	vst.idx.msk $0xffff, v15  }
0x2c1: {  	v1 =	vadd.s32 $0x400, v1;
	v0 =	vld [tilespmem:s24+$0x2C80];
	_ =	sdelay $0x4  }
0x2c2: {  	[tilespmem:v1+s17+$0x0] =	vst.idx.msk $0xffff, v0  }
0x2c3: {  	v45 =	vadd.s32 $0x80, v1;
	v15 =	vld [tilespmem:s24+$0x2C90];
	_ =	sdelay $0x4  }
0x2c4: {  	[tilespmem:v45+s17+$0x0] =	vst.idx.msk $0xffff, v15  }
0x2c5: {  	v46 =	vadd.s32 $0x100, v1;
	v15 =	vld [tilespmem:s24+$0x2CA0];
	_ =	sdelay $0x4  }
0x2c6: {  	[tilespmem:v46+s17+$0x0] =	vst.idx.msk $0xffff, v15  }
0x2c7: {  	v47 =	vadd.s32 $0x180, v1;
	v15 =	vld [tilespmem:s24+$0x2CB0];
	_ =	sdelay $0x4  }
0x2c8: {  	[tilespmem:v47+s17+$0x0] =	vst.idx.msk $0xffff, v15  }
0x2c9: {  	v48 =	vadd.s32 $0x200, v1;
	v15 =	vld [tilespmem:s24+$0x2CC0];
	_ =	sdelay $0x4  }
0x2ca: {  	[tilespmem:v48+s17+$0x0] =	vst.idx.msk $0xffff, v15  }
0x2cb: {  	v49 =	vadd.s32 $0x280, v1;
	v15 =	vld [tilespmem:s24+$0x2CD0];
	_ =	sdelay $0x4  }
0x2cc: {  	[tilespmem:v49+s17+$0x0] =	vst.idx.msk $0xffff, v15  }
0x2cd: {  	v50 =	vadd.s32 $0x300, v1;
	v15 =	vld [tilespmem:s24+$0x2CE0];
	_ =	sdelay $0x4  }
0x2ce: {  	[tilespmem:v50+s17+$0x0] =	vst.idx.msk $0xffff, v15  }
0x2cf: {  	v51 =	vadd.s32 $0x380, v1;
	v52 =	vld [tilespmem:s24+$0x2CF0];
	_ =	sdelay $0x4  }
0x2d0: {  	[tilespmem:v51+s17+$0x0] =	vst.idx.msk $0xffff, v52  }
0x2d1: {  	v53 =	vadd.s32 $0x400, v2;
	v0 =	vld [tilespmem:s24+$0x2D00];
	_ =	sdelay $0x4  }
0x2d2: {  	[tilespmem:v53+s17+$0x0] =	vst.idx.msk $0xffff, v0  }
0x2d3: {  	v54 =	vadd.s32 $0x80, v53;
	v55 =	vld [tilespmem:s24+$0x2D10];
	_ =	sdelay $0x4  }
0x2d4: {  	[tilespmem:v54+s17+$0x0] =	vst.idx.msk $0xffff, v55  }
0x2d5: {  	v56 =	vadd.s32 $0x100, v53;
	v2 =	vld [tilespmem:s24+$0x2D20];
	_ =	sdelay $0x4  }
0x2d6: {  	[tilespmem:v56+s17+$0x0] =	vst.idx.msk $0xffff, v2  }
0x2d7: {  	v57 =	vadd.s32 $0x180, v53;
	v2 =	vld [tilespmem:s24+$0x2D30];
	_ =	sdelay $0x4  }
0x2d8: {  	[tilespmem:v57+s17+$0x0] =	vst.idx.msk $0xffff, v2  }
0x2d9: {  	v58 =	vadd.s32 $0x200, v53;
	v2 =	vld [tilespmem:s24+$0x2D40];
	_ =	sdelay $0x4  }
0x2da: {  	[tilespmem:v58+s17+$0x0] =	vst.idx.msk $0xffff, v2  }
0x2db: {  	v59 =	vadd.s32 $0x280, v53;
	v2 =	vld [tilespmem:s24+$0x2D50];
	_ =	sdelay $0x4  }
0x2dc: {  	[tilespmem:v59+s17+$0x0] =	vst.idx.msk $0xffff, v2  }
0x2dd: {  	v60 =	vadd.s32 $0x300, v53;
	v2 =	vld [tilespmem:s24+$0x2D60];
	_ =	sdelay $0x4  }
0x2de: {  	[tilespmem:v60+s17+$0x0] =	vst.idx.msk $0xffff, v2  }
0x2df: {  	v61 =	vadd.s32 $0x380, v53;
	v62 =	vld [tilespmem:s24+$0x2D70];
	_ =	sdelay $0x4  }
0x2e0: {  	[tilespmem:v61+s17+$0x0] =	vst.idx.msk $0xffff, v62  }
0x2e1: {  	v63 =	vadd.s32 $0x400, v3;
	v0 =	vld [tilespmem:s24+$0x2D80];
	_ =	sdelay $0x4  }
0x2e2: {  	[tilespmem:v63+s17+$0x0] =	vst.idx.msk $0xffff, v0  }
0x2e3: {  	v20 =	vadd.s32 $0x80, v63;
	v2 =	vld [tilespmem:s24+$0x2D90];
	_ =	sdelay $0x4  }
0x2e4: {  	[tilespmem:v20+s17+$0x0] =	vst.idx.msk $0xffff, v2  }
0x2e5: {  	v21 =	vadd.s32 $0x100, v63;
	v2 =	vld [tilespmem:s24+$0x2DA0];
	_ =	sdelay $0x4  }
0x2e6: {  	[tilespmem:v21+s17+$0x0] =	vst.idx.msk $0xffff, v2  }
0x2e7: {  	v22 =	vadd.s32 $0x180, v63;
	v2 =	vld [tilespmem:s24+$0x2DB0];
	_ =	sdelay $0x4  }
0x2e8: {  	[tilespmem:v22+s17+$0x0] =	vst.idx.msk $0xffff, v2  }
0x2e9: {  	v23 =	vadd.s32 $0x200, v63;
	v2 =	vld [tilespmem:s24+$0x2DC0];
	_ =	sdelay $0x4  }
0x2ea: {  	[tilespmem:v23+s17+$0x0] =	vst.idx.msk $0xffff, v2  }
0x2eb: {  	v24 =	vadd.s32 $0x280, v63;
	v2 =	vld [tilespmem:s24+$0x2DD0];
	_ =	sdelay $0x4  }
0x2ec: {  	[tilespmem:v24+s17+$0x0] =	vst.idx.msk $0xffff, v2  }
0x2ed: {  	v25 =	vadd.s32 $0x300, v63;
	v2 =	vld [tilespmem:s24+$0x2DE0];
	_ =	sdelay $0x4  }
0x2ee: {  	[tilespmem:v25+s17+$0x0] =	vst.idx.msk $0xffff, v2  }
0x2ef: {  	v26 =	vadd.s32 $0x380, v63;
	v27 =	vld [tilespmem:s24+$0x2DF0];
	_ =	sdelay $0x4  }
0x2f0: {  	[tilespmem:v26+s17+$0x0] =	vst.idx.msk $0xffff, v27  }
0x2f1: {  	v28 =	vadd.s32 $0x400, v4;
	v0 =	vld [tilespmem:s24+$0x2E00];
	_ =	sdelay $0x4  }
0x2f2: {  	[tilespmem:v28+s17+$0x0] =	vst.idx.msk $0xffff, v0  }
0x2f3: {  	v29 =	vadd.s32 $0x80, v28;
	v2 =	vld [tilespmem:s24+$0x2E10];
	_ =	sdelay $0x4  }
0x2f4: {  	[tilespmem:v29+s17+$0x0] =	vst.idx.msk $0xffff, v2  }
0x2f5: {  	v30 =	vadd.s32 $0x100, v28;
	v2 =	vld [tilespmem:s24+$0x2E20];
	_ =	sdelay $0x4  }
0x2f6: {  	[tilespmem:v30+s17+$0x0] =	vst.idx.msk $0xffff, v2  }
0x2f7: {  	v31 =	vadd.s32 $0x180, v28;
	v2 =	vld [tilespmem:s24+$0x2E30];
	_ =	sdelay $0x4  }
0x2f8: {  	[tilespmem:v31+s17+$0x0] =	vst.idx.msk $0xffff, v2  }
0x2f9: {  	v32 =	vadd.s32 $0x200, v28;
	v2 =	vld [tilespmem:s24+$0x2E40];
	_ =	sdelay $0x4  }
0x2fa: {  	[tilespmem:v32+s17+$0x0] =	vst.idx.msk $0xffff, v2  }
0x2fb: {  	v33 =	vadd.s32 $0x280, v28;
	v2 =	vld [tilespmem:s24+$0x2E50];
	_ =	sdelay $0x4  }
0x2fc: {  	[tilespmem:v33+s17+$0x0] =	vst.idx.msk $0xffff, v2  }
0x2fd: {  	v34 =	vadd.s32 $0x300, v28;
	v2 =	vld [tilespmem:s24+$0x2E60];
	_ =	sdelay $0x4  }
0x2fe: {  	[tilespmem:v34+s17+$0x0] =	vst.idx.msk $0xffff, v2  }
0x2ff: {  	v35 =	vadd.s32 $0x380, v28;
	v36 =	vld [tilespmem:s24+$0x2E70];
	_ =	sdelay $0x4  }
0x300: {  	[tilespmem:v35+s17+$0x0] =	vst.idx.msk $0xffff, v36  }
0x301: {  	v37 =	vadd.s32 $0x400, v5;
	v0 =	vld [tilespmem:s24+$0x2E80];
	_ =	sdelay $0x4  }
0x302: {  	[tilespmem:v37+s17+$0x0] =	vst.idx.msk $0xffff, v0  }
0x303: {  	v38 =	vadd.s32 $0x80, v37;
	v2 =	vld [tilespmem:s24+$0x2E90];
	_ =	sdelay $0x4  }
0x304: {  	[tilespmem:v38+s17+$0x0] =	vst.idx.msk $0xffff, v2  }
0x305: {  	v39 =	vadd.s32 $0x100, v37;
	v2 =	vld [tilespmem:s24+$0x2EA0];
	_ =	sdelay $0x4  }
0x306: {  	[tilespmem:v39+s17+$0x0] =	vst.idx.msk $0xffff, v2  }
0x307: {  	v40 =	vadd.s32 $0x180, v37;
	v2 =	vld [tilespmem:s24+$0x2EB0];
	_ =	sdelay $0x4  }
0x308: {  	[tilespmem:v40+s17+$0x0] =	vst.idx.msk $0xffff, v2  }
0x309: {  	v41 =	vadd.s32 $0x200, v37;
	v2 =	vld [tilespmem:s24+$0x2EC0];
	_ =	sdelay $0x4  }
0x30a: {  	[tilespmem:v41+s17+$0x0] =	vst.idx.msk $0xffff, v2  }
0x30b: {  	v42 =	vadd.s32 $0x280, v37;
	v2 =	vld [tilespmem:s24+$0x2ED0];
	_ =	sdelay $0x4  }
0x30c: {  	[tilespmem:v42+s17+$0x0] =	vst.idx.msk $0xffff, v2  }
0x30d: {  	v43 =	vadd.s32 $0x300, v37;
	v2 =	vld [tilespmem:s24+$0x2EE0];
	_ =	sdelay $0x4  }
0x30e: {  	[tilespmem:v43+s17+$0x0] =	vst.idx.msk $0xffff, v2  }
0x30f: {  	v44 =	vadd.s32 $0x380, v37;
	v45 =	vld [tilespmem:s24+$0x2EF0];
	_ =	sdelay $0x4  }
0x310: {  	[tilespmem:v44+s17+$0x0] =	vst.idx.msk $0xffff, v45  }
0x311: {  	v46 =	vadd.s32 $0x400, v6;
	v0 =	vld [tilespmem:s24+$0x2F00];
	_ =	sdelay $0x4  }
0x312: {  	[tilespmem:v46+s17+$0x0] =	vst.idx.msk $0xffff, v0  }
0x313: {  	v47 =	vadd.s32 $0x80, v46;
	v2 =	vld [tilespmem:s24+$0x2F10];
	_ =	sdelay $0x4  }
0x314: {  	[tilespmem:v47+s17+$0x0] =	vst.idx.msk $0xffff, v2  }
0x315: {  	v48 =	vadd.s32 $0x100, v46;
	v2 =	vld [tilespmem:s24+$0x2F20];
	_ =	sdelay $0x4  }
0x316: {  	[tilespmem:v48+s17+$0x0] =	vst.idx.msk $0xffff, v2  }
0x317: {  	v49 =	vadd.s32 $0x180, v46;
	v2 =	vld [tilespmem:s24+$0x2F30];
	_ =	sdelay $0x4  }
0x318: {  	[tilespmem:v49+s17+$0x0] =	vst.idx.msk $0xffff, v2  }
0x319: {  	v50 =	vadd.s32 $0x200, v46;
	v2 =	vld [tilespmem:s24+$0x2F40];
	_ =	sdelay $0x4  }
0x31a: {  	[tilespmem:v50+s17+$0x0] =	vst.idx.msk $0xffff, v2  }
0x31b: {  	v51 =	vadd.s32 $0x280, v46;
	v2 =	vld [tilespmem:s24+$0x2F50];
	_ =	sdelay $0x4  }
0x31c: {  	[tilespmem:v51+s17+$0x0] =	vst.idx.msk $0xffff, v2  }
0x31d: {  	v52 =	vadd.s32 $0x300, v46;
	v2 =	vld [tilespmem:s24+$0x2F60];
	_ =	sdelay $0x4  }
0x31e: {  	[tilespmem:v52+s17+$0x0] =	vst.idx.msk $0xffff, v2  }
0x31f: {  	v53 =	vadd.s32 $0x380, v46;
	v54 =	vld [tilespmem:s24+$0x2F70];
	_ =	sdelay $0x4  }
0x320: {  	[tilespmem:v53+s17+$0x0] =	vst.idx.msk $0xffff, v54  }
0x321: {  	v55 =	vadd.s32 $0x400, v7;
	v0 =	vld [tilespmem:s24+$0x2F80];
	_ =	sdelay $0x4  }
0x322: {  	[tilespmem:v55+s17+$0x0] =	vst.idx.msk $0xffff, v0  }
0x323: {  	v56 =	vadd.s32 $0x80, v55;
	v2 =	vld [tilespmem:s24+$0x2F90];
	_ =	sdelay $0x4  }
0x324: {  	[tilespmem:v56+s17+$0x0] =	vst.idx.msk $0xffff, v2  }
0x325: {  	v57 =	vadd.s32 $0x100, v55;
	v2 =	vld [tilespmem:s24+$0x2FA0];
	_ =	sdelay $0x4  }
0x326: {  	[tilespmem:v57+s17+$0x0] =	vst.idx.msk $0xffff, v2  }
0x327: {  	v58 =	vadd.s32 $0x180, v55;
	v2 =	vld [tilespmem:s24+$0x2FB0];
	_ =	sdelay $0x4  }
0x328: {  	[tilespmem:v58+s17+$0x0] =	vst.idx.msk $0xffff, v2  }
0x329: {  	v59 =	vadd.s32 $0x200, v55;
	v2 =	vld [tilespmem:s24+$0x2FC0];
	_ =	sdelay $0x4  }
0x32a: {  	[tilespmem:v59+s17+$0x0] =	vst.idx.msk $0xffff, v2  }
0x32b: {  	v60 =	vadd.s32 $0x280, v55;
	v2 =	vld [tilespmem:s24+$0x2FD0];
	_ =	sdelay $0x4  }
0x32c: {  	s23 =	sor.u32 $0x20, s23;
	[tilespmem:v60+s17+$0x0] =	vst.idx.msk $0xffff, v2  }
0x32d: {  	s22 =	sadd.s32 s9, s22;
	s23 =	smin.u32 s23, $0x735;
	v61 =	vadd.s32 $0x300, v55;
	v2 =	vld [tilespmem:s24+$0x2FE0]  }
0x32e: {  	s22 =	smin.u32 s22, $0x735;
	s25 =	smulhi.u32 $0x39B0AD2, s23  }
0x32f: {  	s30 =	smulhi.u32 $0x39B0AD2, s22  }
0x330: {  	s26 =	smul.u32 $0x47, s25  }
0x331: {  	s31 =	smul.u32 $0x47, s30  }
0x332: {  	s25 =	smul.u32 $0xC3500, s25;
	s23 =	ssub.s32 s23, s26;
	[tilespmem:v61+s17+$0x0] =	vst.idx.msk $0xffff, v2  }
0x333: {  	s22 =	ssub.s32 s22, s31;
	s23 =	smul.u32 $0x2C00, s23;
	v62 =	vadd.s32 $0x380, v55;
	v63 =	vld [tilespmem:s24+$0x2FF0]  }
0x334: {  	s22 =	smul.u32 $0x2C00, s22  }
0x335: {  	s21 =	sadd.s32 $0x1, s21;
	s24 =	smul.u32 $0xC3800, s30  }
0x336: {  	p1 =	sne.s32 s21, $0x1D;
	s23 =	sadd.s32 s23, s25  }
.Ltmp2:
0x337: {  	s23 =	sshrl.u32 s23, $0x3;
	s22 =	sadd.s32 s22, s24;
	(pc) =	sbr.rel @p1 .LBB2_2-.Ltmp2, $4  }
0x338: {  	s23 =	sadd.s32 s6, s23;
	s22 =	sshrl.u32 s22, $0x3;
	[tilespmem:v62+s17+$0x0] =	vst.idx.msk $0xffff, v63  }
0x339: {  	[hbm4b:s23+s3] =	stream.linear.scatter [tilespmem:s17], [sflag:$0x4], $0x2C00, $0x38;
	[tilespmem:$0xB500] =	vst v63  }
0x33a: {  	s22 =	sadd.s32 s2, s22  }
0x33b: {  	[tilespmem:s13], [sflag:$0x2] =	stream.linear.gather [hbm4b:s22+s3], $0x2C00, $0x38;
	[tilespmem:$0xB500] =	vst v63  }
0x33c: {  	_ =	swait.ge [sflag:s14], $0x2C00  }
0x33d: {  	[sflag:s14] =	ssyncset.done $0x0  }
0x33e: {  	[sflag:s14] =	ssyncadd.s32 $0xFFFFD400  }
0x33f: {  	_ =	swait.ge [sflag:s18], $0x2C00  }
0x340: {  	[sflag:s18] =	ssyncset.done $0x0  }
0x341: {  	[sflag:s18] =	ssyncadd.s32 $0xFFFFD400  }
0x342: {  	_ =	swait.ge [sflag:s16], $0x2C00  }
0x343: {  	[sflag:s16] =	ssyncset.done $0x0  }
0x344: {  	[sflag:s16] =	ssyncadd.s32 $0xFFFFD400  }
0x345: {  	_ =	swait.ge [sflag:s19], $0x2C00  }
0x346: {  	[sflag:s19] =	ssyncset.done $0x0  }
0x347: {  	s21 =	simm.s32 @!p0 $0x0;
	s22 =	simm.s32 @!p0 $0xB000;
	[sflag:s19] =	ssyncadd.s32 $0xFFFFD400  }
0x348: {  	[tilespmem:s22], [sflag:$0x5] =	stream.linear.gather @!p0 [hbm4b:s10+s21], $0x400, $0x38;
	[tilespmem:$0xB500] =	vst v63  }
0x349: {  	s22 =	simm.s32 @!p0 $0x5  }
0x34a: {  	_ =	swait.ge @!p0 [sflag:s22], $0x400  }
0x34b: {  	v0 =	vlaneseq.u32 @!p0;
	[sflag:s22] =	ssyncset.done @!p0 $0x0  }
0x34c: {  	v0 =	vmul.u32 @!p0 $0x8, v0;
	[sflag:s22] =	ssyncadd.s32 @!p0 $0xFFFFFC00  }
0x34d: {  	v1 =	vld @!p0 [tilespmem:$0xB000];
	_ =	sdelay $0x3  }
0x34e: {  	s23 =	simm.s32 @!p0 $0xB400  }
0x34f: {  	[tilespmem:v0+s23+$0x0] =	vst.idx.msk @!p0 $0xffff, v1  }
0x350: {  	v2 =	vor.u32 @!p0 $0x80, v0;
	v1 =	vld @!p0 [tilespmem:$0xB010];
	_ =	sdelay $0x4  }
0x351: {  	[tilespmem:v2+s23+$0x0] =	vst.idx.msk @!p0 $0xffff, v1  }
0x352: {  	v2 =	vor.u32 @!p0 $0x1, v0;
	v1 =	vld @!p0 [tilespmem:$0xB080];
	_ =	sdelay $0x4  }
0x353: {  	[tilespmem:v2+s23+$0x0] =	vst.idx.msk @!p0 $0xffff, v1  }
0x354: {  	v2 =	vor.u32 @!p0 $0x81, v0;
	v1 =	vld @!p0 [tilespmem:$0xB090];
	_ =	sdelay $0x4  }
0x355: {  	[tilespmem:v2+s23+$0x0] =	vst.idx.msk @!p0 $0xffff, v1  }
0x356: {  	v2 =	vor.u32 @!p0 $0x2, v0;
	v1 =	vld @!p0 [tilespmem:$0xB100];
	_ =	sdelay $0x4  }
0x357: {  	[tilespmem:v2+s23+$0x0] =	vst.idx.msk @!p0 $0xffff, v1  }
0x358: {  	v2 =	vor.u32 @!p0 $0x82, v0;
	v1 =	vld @!p0 [tilespmem:$0xB110];
	_ =	sdelay $0x4  }
0x359: {  	[tilespmem:v2+s23+$0x0] =	vst.idx.msk @!p0 $0xffff, v1  }
0x35a: {  	v2 =	vor.u32 @!p0 $0x3, v0;
	v1 =	vld @!p0 [tilespmem:$0xB180];
	_ =	sdelay $0x4  }
0x35b: {  	[tilespmem:v2+s23+$0x0] =	vst.idx.msk @!p0 $0xffff, v1  }
0x35c: {  	v2 =	vor.u32 @!p0 $0x83, v0;
	v1 =	vld @!p0 [tilespmem:$0xB190];
	_ =	sdelay $0x4  }
0x35d: {  	[tilespmem:v2+s23+$0x0] =	vst.idx.msk @!p0 $0xffff, v1  }
0x35e: {  	v2 =	vor.u32 @!p0 $0x4, v0;
	v1 =	vld @!p0 [tilespmem:$0xB200];
	_ =	sdelay $0x4  }
0x35f: {  	[tilespmem:v2+s23+$0x0] =	vst.idx.msk @!p0 $0xffff, v1  }
0x360: {  	v2 =	vor.u32 @!p0 $0x84, v0;
	v1 =	vld @!p0 [tilespmem:$0xB210];
	_ =	sdelay $0x4  }
0x361: {  	[tilespmem:v2+s23+$0x0] =	vst.idx.msk @!p0 $0xffff, v1  }
0x362: {  	v2 =	vor.u32 @!p0 $0x5, v0;
	v1 =	vld @!p0 [tilespmem:$0xB280];
	_ =	sdelay $0x4  }
0x363: {  	[tilespmem:v2+s23+$0x0] =	vst.idx.msk @!p0 $0xffff, v1  }
0x364: {  	v2 =	vor.u32 @!p0 $0x85, v0;
	v1 =	vld @!p0 [tilespmem:$0xB290];
	_ =	sdelay $0x4  }
0x365: {  	[tilespmem:v2+s23+$0x0] =	vst.idx.msk @!p0 $0xffff, v1  }
0x366: {  	v2 =	vor.u32 @!p0 $0x6, v0;
	v1 =	vld @!p0 [tilespmem:$0xB300];
	_ =	sdelay $0x4  }
0x367: {  	[tilespmem:v2+s23+$0x0] =	vst.idx.msk @!p0 $0xffff, v1  }
0x368: {  	v2 =	vor.u32 @!p0 $0x86, v0;
	v1 =	vld @!p0 [tilespmem:$0xB310];
	_ =	sdelay $0x4  }
0x369: {  	[tilespmem:v2+s23+$0x0] =	vst.idx.msk @!p0 $0xffff, v1  }
0x36a: {  	v2 =	vor.u32 @!p0 $0x7, v0;
	v1 =	vld @!p0 [tilespmem:$0xB380];
	_ =	sdelay $0x4  }
0x36b: {  	[tilespmem:v2+s23+$0x0] =	vst.idx.msk @!p0 $0xffff, v1  }
0x36c: {  	v0 =	vor.u32 @!p0 $0x87, v0;
	v1 =	vld @!p0 [tilespmem:$0xB390];
	_ =	sdelay $0x2  }
0x36d: {  	s20 =	sadd.s32 $0x1, s20  }
0x36e: {  	p1 =	sne.s32 s20, s12  }
.Ltmp3:
0x36f: {  	[tilespmem:v0+s23+$0x0] =	vst.idx.msk @!p0 $0xffff, v1;
	(pc) =	sbr.rel @p1 .LBB2_1-.Ltmp3, $4  }
0x370: {  	[hbm4b:s11+s21] =	stream.linear.scatter @!p0 [tilespmem:s23], [sflag:$0x5], $0x100, $0x38;
	[tilespmem:$0xB500] =	vst v63  }
0x371: {  	_ =	swait.ge @!p0 [sflag:s22], $0x100  }
0x372: {  	[sflag:s22] =	ssyncset.done @!p0 $0x0  }
0x373: {  	[sflag:s22] =	ssyncadd.s32 @!p0 $0xFFFFFF00  }
0x374: {  	_ =	sfence.sel $0x180000  }
0x375: {  	[bflag:$0x0] =	sbarrier.arrive $0xFFFF  }
0x376: {  	p0 =	sne.s32 s0, $0x0;
	_ =	strace $0x9000004A  }
0x377: {  	s0 =	sadd.s32 @!p0 $0x100000, s1;
	[bflag:$0x2] =	sbarrier.arrive $0xFFFF  }
0x378: {  	[sflag:s0] =	ssyncadd.tile.s32 @!p0 $0x1;
	_ =	shalt  }
.Lfunc_end2:
_tile_overlayer_lowered:
.L_overlay_start_2:
0x379: {  	(tag) =	ssettag $0x2  }
0x37a: {  	s0 =	rddreg [dreg:$0x0];
	s2 =	stileid.u32  }
0x37b: {  	s1 =	rddreg [dreg:$0x1];
	p0 =	sne.s32 s2, $0x0  }
0x37c: {  	s3 =	rddreg [dreg:$0x2];
	[bflag:$0x3] =	sbarrier.arrive $0xFFFF;
	s2 =	simm.s32 @!p0 $0x1C05  }
0x37d: {  	[timem:s3], [sflag:s2] =	dma.local @!p0 [hbm:s0], s1  }
0x37e: {  	s0 =	simm.s32 @!p0 $0x5  }
0x37f: {  	_ =	swait.ge @!p0 [sflag:s0], s1  }
0x380: {  	s1 =	ssub.s32 @!p0 $0x0, s1;
	[sflag:s0] =	ssyncset.done @!p0 $0x0  }
0x381: {  	[sflag:s0] =	ssyncadd.s32 @!p0 s1  }
0x382: {  	[bflag:$0x3] =	sbarrier.arrive $0xFFFF  }
0x383: {  	_ =	shalt  }

// kernel: kernel.9.cloned.1.call-start
scs
__scs_entry_jumppad:
0x0: {  	(pc) =	sbr.rel $0x88, $3  }
0x1: {  	(tag) =	ssettag $0x0;
	lr =	simm.s32 $0x1  }
0x2: {  	[smem:$0x3F98] =	sst lr;
	_ =	strace $0xD0000000  }
0x3: {  	_ = 	snop  }
0x4: {  	_ = 	snop  }
0x5: {  	_ = 	snop  }
0x6: {  	_ = 	snop  }
0x7: {  	_ = 	snop  }
__scs_overlays_trampoline_lowered:
0x8: {  	[smem:$0x3FA7] =	sst s0  }
0x9: {  	[smem:$0x3FA8] =	sst s1  }
0xa: {  	[smem:$0x3FA9] =	sst s2  }
0xb: {  	[smem:$0x3FAA] =	sst s3  }
0xc: {  	[smem:$0x3FAB] =	sst s4  }
0xd: {  	[smem:$0x3FAC] =	sst s5  }
0xe: {  	[smem:$0x3FAD] =	sst s6  }
0xf: {  	[smem:$0x3FAE] =	sst s7  }
0x10: {  	[smem:$0x3FAF] =	sst s8  }
0x11: {  	[smem:$0x3FB0] =	sst s9;
	s0 =	simm.s32 @!p0 $0x0  }
0x12: {  	s1 =	sld [smem:$0x3F96];
	s0 =	simm.s32 @p0 $0x1  }
0x13: {  	[smem:$0x3FB1] =	sst s0;
	s0 =	simm.s32 @!p1 $0x0  }
0x14: {  	s2 =	sld [smem:$0x3F95];
	s0 =	simm.s32 @p1 $0x1  }
0x15: {  	[smem:$0x3FB2] =	sst s0;
	s0 =	simm.s32 @!p2 $0x0  }
0x16: {  	s3 =	sld [smem:$0x3FDB];
	s0 =	simm.s32 @p2 $0x1  }
0x17: {  	s4 =	simm.s32 $0x1BF5;
	[smem:$0x3FB4] =	sst s0  }
0x18: {  	s0 =	sld [smem:$0x3F97];
	_ =	swait.ge [sflag:s4], $0x0  }
0x19: {  	s7 =	sld [smem:$0x3F98]  }
0x1a: {  	s8 =	sadd.s32 $0xFFFFE003, lr  }
0x1b: {  	s9 =	sadd.s32 $0xFFFFFEF7, lr;
	s5 =	simm.s32 $0xFFFFFFFF;
	p2 =	slt.u32 s8, $0xFFFFF086  }
0x1c: {  	p1 =	slt.u32 s9, $0xF7A;
	s5 =	simm.s32 @!p2 $0x0  }
0x1d: {  	s5 =	simm.s32 @p1 $0x1;
	p0 =	seq.s32 s7, s2  }
0x1e: {  	s7 =	smul.u32 @!p0 $0xF7A, s2;
	p2 =	seq.s32 @!p0 s5, $0x0  }
0x1f: {  	s9 =	smul.u32 $0xF7A, s1;
	s8 =	simm.s32 @!p0 $0x1BF5;
	p2 =	por !p2, p0  }
0x20: {  	[sflag:s8] =	ssyncset.s32 @!p0 $0xFFFFF086;
	s6 =	sadd.s32 @!p0 s3, s7;
	s7 =	simm.s32 @!p0 $0x108  }
0x21: {  	s3 =	sadd.s32 s3, s9;
	s6 =	sadd.s32 @!p0 $0x88, s6;
	s7 =	simm.s32 @p2 $0x1082  }
0x22: {  	[simem:s7], [sflag:s8] =	dma.local @!p0 [hbm:s6], $0xF7A  }
0x23: {  	s9 =	sor.u32 $0xD0000000, s2;
	s6 =	simm.s32 $0x108;
	_ =	swait.ge @!p0 [sflag:s8], $0x0  }
0x24: {  	s3 =	sadd.s32 $0x88, s3;
	s6 =	simm.s32 @!p1 $0x1082;
	[sflag:s4] =	ssyncset.s32 $0xFFFFF086  }
0x25: {  	[simem:s6], [sflag:s4] =	dma.local [hbm:s3], $0xF7A  }
0x26: {  	[smem:$0x3F98] =	sst s1;
	(tag) =	ssettag s2;
	_ =	strace s9  }
0x27: {  	s1 =	sld [smem:$0x3FA8]  }
0x28: {  	s2 =	sld [smem:$0x3FA9]  }
0x29: {  	s4 =	sld [smem:$0x3FAB]  }
0x2a: {  	p0 =	seq.s32 s5, $0x0;
	s5 =	sld [smem:$0x3FAC]  }
0x2b: {  	s6 =	sld [smem:$0x3FAD]  }
0x2c: {  	s7 =	sld [smem:$0x3FAE]  }
0x2d: {  	s3 =	simm.s32 $0x108;
	s8 =	sld [smem:$0x3FAF]  }
0x2e: {  	s3 =	simm.s32 @!p0 $0x1082;
	s9 =	sld [smem:$0x3FB0]  }
0x2f: {  	lr =	sadd.s32 s0, s3;
	s0 =	sld [smem:$0x3FA7]  }
0x30: {  	s3 =	sld [smem:$0x3FAA]  }
0x31: {  	[smem:$0x3FB3] =	sst s10  }
0x32: {  	s10 =	sld [smem:$0x3FB1];
	_ =	sdelay $0x3  }
0x33: {  	p0 =	seq.s32 s10, $0x1;
	s10 =	sld [smem:$0x3FB3];
	_ =	sdelay $0x3  }
0x34: {  	[smem:$0x3FB3] =	sst s10  }
0x35: {  	s10 =	sld [smem:$0x3FB2];
	_ =	sdelay $0x3  }
0x36: {  	p1 =	seq.s32 s10, $0x1;
	s10 =	sld [smem:$0x3FB3];
	_ =	sdelay $0x3  }
0x37: {  	[smem:$0x3FB3] =	sst s10  }
0x38: {  	s10 =	sld [smem:$0x3FB4]  }
0x39: {  	_ = 	snop;
	(pc) =	sbr.ind lr, $3  }
0x3a: {  	_ = 	snop  }
0x3b: {  	_ = 	snop  }
0x3c: {  	p2 =	seq.s32 s10, $0x1;
	s10 =	sld [smem:$0x3FB3]  }
0x3d: {  	_ =	shalt  }
0x3e: {  	_ =	shalt  }
0x3f: {  	_ =	shalt  }
0x40: {  	_ =	shalt  }
0x41: {  	_ =	shalt  }
0x42: {  	_ =	shalt  }
0x43: {  	_ =	shalt  }
0x44: {  	_ =	shalt  }
0x45: {  	_ =	shalt  }
0x46: {  	_ =	shalt  }
0x47: {  	_ =	shalt  }
0x48: {  	_ =	shalt  }
0x49: {  	_ =	shalt  }
0x4a: {  	_ =	shalt  }
0x4b: {  	_ =	shalt  }
0x4c: {  	_ =	shalt  }
0x4d: {  	_ =	shalt  }
0x4e: {  	_ =	shalt  }
0x4f: {  	_ =	shalt  }
0x50: {  	_ =	shalt  }
0x51: {  	_ =	shalt  }
0x52: {  	_ =	shalt  }
0x53: {  	_ =	shalt  }
0x54: {  	_ =	shalt  }
0x55: {  	_ =	shalt  }
0x56: {  	_ =	shalt  }
0x57: {  	_ =	shalt  }
0x58: {  	_ =	shalt  }
0x59: {  	_ =	shalt  }
0x5a: {  	_ =	shalt  }
0x5b: {  	_ =	shalt  }
0x5c: {  	_ =	shalt  }
0x5d: {  	_ =	shalt  }
0x5e: {  	_ =	shalt  }
0x5f: {  	_ =	shalt  }
0x60: {  	_ =	shalt  }
0x61: {  	_ =	shalt  }
0x62: {  	_ =	shalt  }
0x63: {  	_ =	shalt  }
0x64: {  	_ =	shalt  }
0x65: {  	_ =	shalt  }
0x66: {  	_ =	shalt  }
0x67: {  	_ =	shalt  }
0x68: {  	_ =	shalt  }
0x69: {  	_ =	shalt  }
0x6a: {  	_ =	shalt  }
0x6b: {  	_ =	shalt  }
0x6c: {  	_ =	shalt  }
0x6d: {  	_ =	shalt  }
0x6e: {  	_ =	shalt  }
0x6f: {  	_ =	shalt  }
0x70: {  	_ =	shalt  }
0x71: {  	_ =	shalt  }
0x72: {  	_ =	shalt  }
0x73: {  	_ =	shalt  }
0x74: {  	_ =	shalt  }
0x75: {  	_ =	shalt  }
0x76: {  	_ =	shalt  }
0x77: {  	_ =	shalt  }
0x78: {  	_ =	shalt  }
0x79: {  	_ =	shalt  }
0x7a: {  	_ =	shalt  }
0x7b: {  	_ =	shalt  }
0x7c: {  	_ =	shalt  }
0x7d: {  	_ =	shalt  }
0x7e: {  	_ =	shalt  }
0x7f: {  	_ =	shalt  }
0x80: {  	_ =	shalt  }
0x81: {  	_ =	shalt  }
0x82: {  	_ =	shalt  }
0x83: {  	_ =	shalt  }
0x84: {  	_ =	shalt  }
0x85: {  	_ =	shalt  }
0x86: {  	_ =	shalt  }
0x87: {  	_ =	shalt  }
.Lfunc_end0:
.L_simem_size_0:
called_computation.1_lowered:
.L_overlay_start_0:
0x88: {  	s2 =	sld [smem:$0x3FD9]  }
0x89: {  	s3 =	sld [smem:$0x3FFE];
	_ =	sdelay $0x1  }
0x8a: {  	s1 =	srdreg.scid  }
0x8b: {  	s0 =	sand.u32 $0x1, s1  }
0x8c: {  	s16 =	sshll.u32 s0, $0xA;
	s2 =	sadd.s32 s3, s2  }
0x8d: {  	s2 =	sadd.s32 s2, s16  }
0x8e: {  	[smem:$0x3FBF] =	sst s2  }
0x8f: {  	_ = 	snop  }
0x90: {  	(tm) =	ssettm $0x1  }
0x91: {  	s17 =	sld [smem:$0x3FFB];
	_ =	sdelay $0x3  }
0x92: {  	_ =	strace s17  }
0x93: {  	s2 =	sld [smem:$0x3FFC];
	_ =	sdelay $0x3  }
0x94: {  	_ =	strace s2  }
0x95: {  	s2 =	sld [smem:$0x3FFD];
	_ =	sdelay $0x3  }
0x96: {  	_ =	strace s2  }
0x97: {  	_ =	strace $0x8FFFFFFF  }
0x98: {  	s18 =	sld [smem:$0x3FDB];
	_ =	sdelay $0x1  }
0x99: {  	s19 =	simm.s32 $_scs_section_size  }
0x9a: {  	s4 =	simm.s32 $_size__tile_overlayer_lowered;
	s5 =	simm.s32 $_tile_overlayer_lowered  }
0x9b: {  	s22 =	simm.s32 $0x1BFF;
	s21 =	sshll.u32 s5, $0x1;
	s2 =	sadd.s32 s19, s18  }
0x9c: {  	s6 =	simm.s32 $0x0;
	s20 =	sshll.u32 s4, $0x1;
	s4 =	sadd.s32 s21, s2  }
0x9d: {  	[timem:s6], [sflag:s22] =	dma.local [hbm:s4], s20  }
0x9e: {  	_ =	swait.ge [sflag:s22], s20  }
0x9f: {  	s3 =	ssub.s32 $0x0, s20;
	[sflag:s22] =	ssyncset.done $0x0  }
0xa0: {  	[sflag:s22] =	ssyncadd.s32 s3;
	_ =	sdelay $0x1  }
0xa1: {  	s23 =	simm.s32 $0x1B8B  }
0xa2: {  	_ =	swait.ge [sflag:s23], $0x1  }
0xa3: {  	[sflag:s23] =	ssyncset.done $0x0  }
0xa4: {  	s25 =	simm.s32 $0x1B8E;
	s24 =	sld [smem:$0x3FFE];
	[sflag:s23] =	ssyncadd.s32 $0xFFFFFFFF  }
0xa5: {  	s26 =	simm.s32 $execute0_lowered;
	[smem:$0x3FD2] =	sst s25  }
0xa6: {  	s4 =	sshll.u32 s26, $0x1;
	_ =	strace $0x80000046;
	[dreg:$0x1] =	wrdreg $0xFFFFFFFF  }
0xa7: {  	s28 =	simm.s32 $_size_execute0_lowered;
	s2 =	sadd.s32 s2, s4;
	[dreg:$0x0] =	wrdreg $0x0  }
0xa8: {  	s4 =	sshll.u32 s28, $0x1;
	[dreg:$0x2] =	wrdreg s2  }
0xa9: {  	[dreg:$0x3] =	wrdreg s4  }
0xaa: {  	[dreg:$0x4] =	wrdreg $0xC0  }
0xab: {  	_ =	task [dreg:s6], $0x5FFFF  }
0xac: {  	[dreg:$0x1] =	wrdreg $0xFFFFFFFF  }
0xad: {  	[dreg:$0x0] =	wrdreg $0x60  }
0xae: {  	[dreg:$0x2] =	wrdreg s24  }
0xaf: {  	[dreg:$0x3] =	wrdreg $0xA  }
0xb0: {  	_ =	task.clear_ibuf [dreg:s6], $0x4FFFF;
	_ =	strace $0x90000046  }
0xb1: {  	s29 =	simm.s32 $0xA;
	_ =	strace $0x80000048  }
0xb2: {  	_ =	swait.ge [sflag:s29], $0x1  }
0xb3: {  	[sflag:s29] =	ssyncadd.s32 $0xFFFFFFFF  }
0xb4: {  	_ =	strace $0x90000048  }
0xb5: {  	_ =	sfence  }
0xb6: {  	s30 =	sld [smem:$0x0];
	_ =	sdelay $0x2  }
0xb7: {  	s31 =	sshll.u32 s1, $0xD;
	s1 =	sshrl.u32 s1, $0x2  }
0xb8: {  	s3 =	sand.u32 $0x4000, s31;
	s1 =	sadd.s32 s1, s30  }
0xb9: {  	s0 =	sor.u32 s3, s0;
	s1 =	sshll.u32 s1, $0x11  }
0xba: {  	s0 =	sor.u32 s1, s0  }
0xbb: {  	s0 =	sadd.s32 $0x8F2B, s0  }
0xbc: {  	[sflag:s0] =	ssyncadd.remote.s32 $0x1  }
0xbd: {  	_ =	sfence.sel $0xFFFF  }
0xbe: {  	[dreg:$0x0] =	wrdreg $0xFFFFFFFF;
	(pc) =	sbr.abs _section_cstart, $3  }
0xbf: {  	[dreg:$0x1] =	wrdreg $0xFFFFFFFF  }
0xc0: {  	_ =	task.clear_ibuf [dreg:s6], $0x2FFFF;
	_ =	strace $0x9FFFFFFF  }
0xc1: {  	(tm) =	ssettm $0x7FFFFFFF  }
tec
execute0_lowered:
.L_overlay_start_1:
0x0: {  	(tag) =	ssettag $0x1  }
0x1: {  	s1 =	srdreg.scid;
	s0 =	stileid.u32  }
0x2: {  	s4 =	sand.u32 $0x1, s1;
	s5 =	sshll.u32 s0, $0x1  }
0x3: {  	s3 =	rddreg [dreg:$0x0];
	s5 =	sor.u32 s4, s5  }
0x4: {  	s2 =	simm.s32 $0x0;
	s1 =	rddreg [dreg:$0x1];
	s5 =	smul.u32 $0x3400, s5  }
0x5: {  	[smem:$0x7FF] =	sst s2;
	s8 =	smul.u32 $0x6800, s0;
	s6 =	ssub.s32 $0x2, s4  }
0x6: {  	_ =	strace $0x80000047;
	s7 =	sshrl.u32 s6, $0x1;
	s5 =	sshrl.u32 s5, $0x3  }
0x7: {  	s31 =	smul.u32 $0x3400, s4;
	s6 =	ssub.s32 s6, s7;
	s5 =	sadd.s32 s5, s3  }
0x8: {  	s7 =	simm.s32 $0x1;
	s3 =	sadd.s32 $0x1E00, s5;
	s4 =	sadd.s32 $0xEE00, s5  }
0x9: {  	v0 =	vlaneseq.u32;
	s5 =	smax.u32 s6, $0x1;
	s6 =	sadd.s32 s31, s8;
	s8 =	simm.s32 $0x0  }
.LBB2_1:
0xa: {  	v1 =	vor.u32 s6, v0  }
0xb: {  	v2 =	vmulhi.u32 $0x4EC4EC4F, v1  }
0xc: {  	[tilespmem:s2], [sflag:$0x1] =	stream.linear.gather [hbm4b:s3+s2], $0x3400, $0x38;
	[tilespmem:$0x3400] =	vst v63  }
0xd: {  	_ =	swait.ge [sflag:s7], $0x3400;
	v2 =	vshrl.u32 v2, $0x3  }
0xe: {  	[sflag:s7] =	ssyncset.done $0x0;
	v2 =	vmul.u32 $0x1A, v2  }
0xf: {  	s9 =	simm.s32 $0x0;
	[sflag:s7] =	ssyncadd.s32 $0xFFFFCC00  }
0x10: {  	v3 =	vsub.s32 v1, v2;
	v2 =	vld [tilespmem:s9+$0x0];
	_ =	sdelay $0x1  }
0x11: {  	s11 =	sadd.s32 $0x10, s6  }
0x12: {  	s10 =	simm.s32 $0x40;
	s12 =	simm.s32 $0x80;
	v1 =	vor.u32 s11, v0;
	v3 =	vmul.u32 $0x186A0, v3  }
.LBB2_2:
0x13: {  	p0 =	sne.s32 s12, $0xCFC0;
	v4 =	vmulhi.u32 $0x4EC4EC4F, v1  }
0x14: {  	v2 =	vadd.s32 v3, v2  }
.Ltmp0:
0x15: {  	v3 =	vshrl.u32 v4, $0x3;
	[tilespmem:s9+$0x0] =	vst v2;
	s9 =	sshra.s32 s10, $0x2;
	s10 =	smov.u32 s12;
	(pc) =	sbr.rel @p0 .LBB2_2-.Ltmp0, $3  }
0x16: {  	v2 =	vld [tilespmem:s9+$0x0];
	v3 =	vmul.u32 $0x1A, v3;
	_ =	sdelay $0x1  }
0x17: {  	s11 =	sadd.s32 $0x10, s11;
	v3 =	vsub.s32 v1, v3  }
0x18: {  	s12 =	sadd.s32 $0x40, s12;
	v1 =	vor.u32 s11, v0;
	v3 =	vmul.u32 $0x186A0, v3  }
0x19: {  	v4 =	vmulhi.u32 $0x4EC4EC4F, v1  }
0x1a: {  	v2 =	vadd.s32 v3, v2  }
0x1b: {  	s10 =	sshra.s32 s10, $0x2;
	v3 =	vshrl.u32 v4, $0x3;
	[tilespmem:s9+$0x0] =	vst v2  }
0x1c: {  	v2 =	vld [tilespmem:s10+$0x0];
	v3 =	vmul.u32 $0x1A, v3;
	_ =	sdelay $0x1  }
0x1d: {  	v1 =	vsub.s32 v1, v3  }
0x1e: {  	v1 =	vmul.u32 $0x186A0, v1  }
0x1f: {  	s8 =	sadd.s32 $0x1, s8  }
0x20: {  	p0 =	sne.s32 s8, s5;
	v1 =	vadd.s32 v1, v2  }
.Ltmp1:
0x21: {  	[tilespmem:s10+$0x0] =	vst v1;
	(pc) =	sbr.rel @p0 .LBB2_1-.Ltmp1, $4  }
0x22: {  	[hbm4b:s4+s2] =	stream.linear.scatter [tilespmem:s2], [sflag:$0x1], $0x3400, $0x38;
	[tilespmem:$0x3400] =	vst v63  }
0x23: {  	_ =	swait.ge [sflag:s7], $0x3400  }
0x24: {  	[sflag:s7] =	ssyncset.done $0x0  }
0x25: {  	[sflag:s7] =	ssyncadd.s32 $0xFFFFCC00  }
0x26: {  	_ =	sfence.sel $0x180000  }
0x27: {  	[bflag:$0x0] =	sbarrier.arrive $0xFFFF  }
0x28: {  	p0 =	sne.s32 s0, $0x0;
	_ =	strace $0x90000047  }
0x29: {  	s0 =	sadd.s32 @!p0 $0x100000, s1;
	[bflag:$0x2] =	sbarrier.arrive $0xFFFF  }
0x2a: {  	[sflag:s0] =	ssyncadd.tile.s32 @!p0 $0x1;
	_ =	shalt  }
.Lfunc_end2:
_tile_overlayer_lowered:
.L_overlay_start_2:
0x2b: {  	(tag) =	ssettag $0x2  }
0x2c: {  	s0 =	rddreg [dreg:$0x0];
	s2 =	stileid.u32  }
0x2d: {  	s1 =	rddreg [dreg:$0x1];
	p0 =	sne.s32 s2, $0x0  }
0x2e: {  	s3 =	rddreg [dreg:$0x2];
	[bflag:$0x3] =	sbarrier.arrive $0xFFFF;
	s2 =	simm.s32 @!p0 $0x1C01  }
0x2f: {  	[timem:s3], [sflag:s2] =	dma.local @!p0 [hbm:s0], s1  }
0x30: {  	s0 =	simm.s32 @!p0 $0x1  }
0x31: {  	_ =	swait.ge @!p0 [sflag:s0], s1  }
0x32: {  	s1 =	ssub.s32 @!p0 $0x0, s1;
	[sflag:s0] =	ssyncset.done @!p0 $0x0  }
0x33: {  	[sflag:s0] =	ssyncadd.s32 @!p0 s1  }
0x34: {  	[bflag:$0x3] =	sbarrier.arrive $0xFFFF  }
0x35: {  	_ =	shalt  }

// kernel: rowgather_h0.3.cloned.1.call-start
scs
__scs_entry_jumppad:
0x0: {  	(pc) =	sbr.rel $0x88, $3  }
0x1: {  	(tag) =	ssettag $0x0;
	lr =	simm.s32 $0x1  }
0x2: {  	[smem:$0x3F98] =	sst lr;
	_ =	strace $0xD0000000  }
0x3: {  	_ = 	snop  }
0x4: {  	_ = 	snop  }
0x5: {  	_ = 	snop  }
0x6: {  	_ = 	snop  }
0x7: {  	_ = 	snop  }
__scs_overlays_trampoline_lowered:
0x8: {  	[smem:$0x3FA7] =	sst s0  }
0x9: {  	[smem:$0x3FA8] =	sst s1  }
0xa: {  	[smem:$0x3FA9] =	sst s2  }
0xb: {  	[smem:$0x3FAA] =	sst s3  }
0xc: {  	[smem:$0x3FAB] =	sst s4  }
0xd: {  	[smem:$0x3FAC] =	sst s5  }
0xe: {  	[smem:$0x3FAD] =	sst s6  }
0xf: {  	[smem:$0x3FAE] =	sst s7  }
0x10: {  	[smem:$0x3FAF] =	sst s8  }
0x11: {  	[smem:$0x3FB0] =	sst s9;
	s0 =	simm.s32 @!p0 $0x0  }
0x12: {  	s1 =	sld [smem:$0x3F96];
	s0 =	simm.s32 @p0 $0x1  }
0x13: {  	[smem:$0x3FB1] =	sst s0;
	s0 =	simm.s32 @!p1 $0x0  }
0x14: {  	s2 =	sld [smem:$0x3F95];
	s0 =	simm.s32 @p1 $0x1  }
0x15: {  	[smem:$0x3FB2] =	sst s0;
	s0 =	simm.s32 @!p2 $0x0  }
0x16: {  	s3 =	sld [smem:$0x3FDB];
	s0 =	simm.s32 @p2 $0x1  }
0x17: {  	s4 =	simm.s32 $0x1BF5;
	[smem:$0x3FB4] =	sst s0  }
0x18: {  	s0 =	sld [smem:$0x3F97];
	_ =	swait.ge [sflag:s4], $0x0  }
0x19: {  	s7 =	sld [smem:$0x3F98]  }
0x1a: {  	s8 =	sadd.s32 $0xFFFFE003, lr  }
0x1b: {  	s9 =	sadd.s32 $0xFFFFFEF7, lr;
	s5 =	simm.s32 $0xFFFFFFFF;
	p2 =	slt.u32 s8, $0xFFFFF086  }
0x1c: {  	p1 =	slt.u32 s9, $0xF7A;
	s5 =	simm.s32 @!p2 $0x0  }
0x1d: {  	s5 =	simm.s32 @p1 $0x1;
	p0 =	seq.s32 s7, s2  }
0x1e: {  	s7 =	smul.u32 @!p0 $0xF7A, s2;
	p2 =	seq.s32 @!p0 s5, $0x0  }
0x1f: {  	s9 =	smul.u32 $0xF7A, s1;
	s8 =	simm.s32 @!p0 $0x1BF5;
	p2 =	por !p2, p0  }
0x20: {  	[sflag:s8] =	ssyncset.s32 @!p0 $0xFFFFF086;
	s6 =	sadd.s32 @!p0 s3, s7;
	s7 =	simm.s32 @!p0 $0x108  }
0x21: {  	s3 =	sadd.s32 s3, s9;
	s6 =	sadd.s32 @!p0 $0x88, s6;
	s7 =	simm.s32 @p2 $0x1082  }
0x22: {  	[simem:s7], [sflag:s8] =	dma.local @!p0 [hbm:s6], $0xF7A  }
0x23: {  	s9 =	sor.u32 $0xD0000000, s2;
	s6 =	simm.s32 $0x108;
	_ =	swait.ge @!p0 [sflag:s8], $0x0  }
0x24: {  	s3 =	sadd.s32 $0x88, s3;
	s6 =	simm.s32 @!p1 $0x1082;
	[sflag:s4] =	ssyncset.s32 $0xFFFFF086  }
0x25: {  	[simem:s6], [sflag:s4] =	dma.local [hbm:s3], $0xF7A  }
0x26: {  	[smem:$0x3F98] =	sst s1;
	(tag) =	ssettag s2;
	_ =	strace s9  }
0x27: {  	s1 =	sld [smem:$0x3FA8]  }
0x28: {  	s2 =	sld [smem:$0x3FA9]  }
0x29: {  	s4 =	sld [smem:$0x3FAB]  }
0x2a: {  	p0 =	seq.s32 s5, $0x0;
	s5 =	sld [smem:$0x3FAC]  }
0x2b: {  	s6 =	sld [smem:$0x3FAD]  }
0x2c: {  	s7 =	sld [smem:$0x3FAE]  }
0x2d: {  	s3 =	simm.s32 $0x108;
	s8 =	sld [smem:$0x3FAF]  }
0x2e: {  	s3 =	simm.s32 @!p0 $0x1082;
	s9 =	sld [smem:$0x3FB0]  }
0x2f: {  	lr =	sadd.s32 s0, s3;
	s0 =	sld [smem:$0x3FA7]  }
0x30: {  	s3 =	sld [smem:$0x3FAA]  }
0x31: {  	[smem:$0x3FB3] =	sst s10  }
0x32: {  	s10 =	sld [smem:$0x3FB1];
	_ =	sdelay $0x3  }
0x33: {  	p0 =	seq.s32 s10, $0x1;
	s10 =	sld [smem:$0x3FB3];
	_ =	sdelay $0x3  }
0x34: {  	[smem:$0x3FB3] =	sst s10  }
0x35: {  	s10 =	sld [smem:$0x3FB2];
	_ =	sdelay $0x3  }
0x36: {  	p1 =	seq.s32 s10, $0x1;
	s10 =	sld [smem:$0x3FB3];
	_ =	sdelay $0x3  }
0x37: {  	[smem:$0x3FB3] =	sst s10  }
0x38: {  	s10 =	sld [smem:$0x3FB4]  }
0x39: {  	_ = 	snop;
	(pc) =	sbr.ind lr, $3  }
0x3a: {  	_ = 	snop  }
0x3b: {  	_ = 	snop  }
0x3c: {  	p2 =	seq.s32 s10, $0x1;
	s10 =	sld [smem:$0x3FB3]  }
0x3d: {  	_ =	shalt  }
0x3e: {  	_ =	shalt  }
0x3f: {  	_ =	shalt  }
0x40: {  	_ =	shalt  }
0x41: {  	_ =	shalt  }
0x42: {  	_ =	shalt  }
0x43: {  	_ =	shalt  }
0x44: {  	_ =	shalt  }
0x45: {  	_ =	shalt  }
0x46: {  	_ =	shalt  }
0x47: {  	_ =	shalt  }
0x48: {  	_ =	shalt  }
0x49: {  	_ =	shalt  }
0x4a: {  	_ =	shalt  }
0x4b: {  	_ =	shalt  }
0x4c: {  	_ =	shalt  }
0x4d: {  	_ =	shalt  }
0x4e: {  	_ =	shalt  }
0x4f: {  	_ =	shalt  }
0x50: {  	_ =	shalt  }
0x51: {  	_ =	shalt  }
0x52: {  	_ =	shalt  }
0x53: {  	_ =	shalt  }
0x54: {  	_ =	shalt  }
0x55: {  	_ =	shalt  }
0x56: {  	_ =	shalt  }
0x57: {  	_ =	shalt  }
0x58: {  	_ =	shalt  }
0x59: {  	_ =	shalt  }
0x5a: {  	_ =	shalt  }
0x5b: {  	_ =	shalt  }
0x5c: {  	_ =	shalt  }
0x5d: {  	_ =	shalt  }
0x5e: {  	_ =	shalt  }
0x5f: {  	_ =	shalt  }
0x60: {  	_ =	shalt  }
0x61: {  	_ =	shalt  }
0x62: {  	_ =	shalt  }
0x63: {  	_ =	shalt  }
0x64: {  	_ =	shalt  }
0x65: {  	_ =	shalt  }
0x66: {  	_ =	shalt  }
0x67: {  	_ =	shalt  }
0x68: {  	_ =	shalt  }
0x69: {  	_ =	shalt  }
0x6a: {  	_ =	shalt  }
0x6b: {  	_ =	shalt  }
0x6c: {  	_ =	shalt  }
0x6d: {  	_ =	shalt  }
0x6e: {  	_ =	shalt  }
0x6f: {  	_ =	shalt  }
0x70: {  	_ =	shalt  }
0x71: {  	_ =	shalt  }
0x72: {  	_ =	shalt  }
0x73: {  	_ =	shalt  }
0x74: {  	_ =	shalt  }
0x75: {  	_ =	shalt  }
0x76: {  	_ =	shalt  }
0x77: {  	_ =	shalt  }
0x78: {  	_ =	shalt  }
0x79: {  	_ =	shalt  }
0x7a: {  	_ =	shalt  }
0x7b: {  	_ =	shalt  }
0x7c: {  	_ =	shalt  }
0x7d: {  	_ =	shalt  }
0x7e: {  	_ =	shalt  }
0x7f: {  	_ =	shalt  }
0x80: {  	_ =	shalt  }
0x81: {  	_ =	shalt  }
0x82: {  	_ =	shalt  }
0x83: {  	_ =	shalt  }
0x84: {  	_ =	shalt  }
0x85: {  	_ =	shalt  }
0x86: {  	_ =	shalt  }
0x87: {  	_ =	shalt  }
.Lfunc_end0:
.L_simem_size_0:
called_computation.2_lowered:
.L_overlay_start_0:
0x88: {  	s2 =	sld [smem:$0x3FD9]  }
0x89: {  	s3 =	sld [smem:$0x3FFE];
	_ =	sdelay $0x1  }
0x8a: {  	s1 =	srdreg.scid  }
0x8b: {  	s0 =	sand.u32 $0x1, s1  }
0x8c: {  	s16 =	sshll.u32 s0, $0xA;
	s2 =	sadd.s32 s3, s2  }
0x8d: {  	s2 =	sadd.s32 s2, s16  }
0x8e: {  	[smem:$0x3FBF] =	sst s2  }
0x8f: {  	_ = 	snop  }
0x90: {  	(tm) =	ssettm $0x1  }
0x91: {  	s17 =	sld [smem:$0x3FFB];
	_ =	sdelay $0x3  }
0x92: {  	_ =	strace s17  }
0x93: {  	s2 =	sld [smem:$0x3FFC];
	_ =	sdelay $0x3  }
0x94: {  	_ =	strace s2  }
0x95: {  	s2 =	sld [smem:$0x3FFD];
	_ =	sdelay $0x3  }
0x96: {  	_ =	strace s2  }
0x97: {  	_ =	strace $0x8FFFFFFF  }
0x98: {  	s18 =	sld [smem:$0x3FDB];
	_ =	sdelay $0x1  }
0x99: {  	s19 =	simm.s32 $_scs_section_size  }
0x9a: {  	s4 =	simm.s32 $_size__tile_overlayer_lowered;
	s5 =	simm.s32 $_tile_overlayer_lowered  }
0x9b: {  	s22 =	simm.s32 $0x1BFF;
	s21 =	sshll.u32 s5, $0x1;
	s2 =	sadd.s32 s19, s18  }
0x9c: {  	s6 =	simm.s32 $0x0;
	s20 =	sshll.u32 s4, $0x1;
	s4 =	sadd.s32 s21, s2  }
0x9d: {  	[timem:s6], [sflag:s22] =	dma.local [hbm:s4], s20  }
0x9e: {  	_ =	swait.ge [sflag:s22], s20  }
0x9f: {  	s3 =	ssub.s32 $0x0, s20;
	[sflag:s22] =	ssyncset.done $0x0  }
0xa0: {  	[sflag:s22] =	ssyncadd.s32 s3;
	_ =	sdelay $0x1  }
0xa1: {  	s23 =	simm.s32 $0x1B8B  }
0xa2: {  	_ =	swait.ge [sflag:s23], $0x1  }
0xa3: {  	[sflag:s23] =	ssyncset.done $0x0  }
0xa4: {  	s25 =	simm.s32 $0x1B8E;
	s24 =	sld [smem:$0x3FFE];
	[sflag:s23] =	ssyncadd.s32 $0xFFFFFFFF  }
0xa5: {  	s26 =	simm.s32 $execute0_lowered;
	[smem:$0x3FD2] =	sst s25  }
0xa6: {  	s4 =	sshll.u32 s26, $0x1;
	_ =	strace $0x8000004C;
	[dreg:$0x1] =	wrdreg $0xFFFFFFFF  }
0xa7: {  	s28 =	simm.s32 $_size_execute0_lowered;
	s2 =	sadd.s32 s2, s4;
	[dreg:$0x0] =	wrdreg $0x0  }
0xa8: {  	s4 =	sshll.u32 s28, $0x1;
	[dreg:$0x2] =	wrdreg s2  }
0xa9: {  	[dreg:$0x3] =	wrdreg s4  }
0xaa: {  	[dreg:$0x4] =	wrdreg $0xC0  }
0xab: {  	_ =	task [dreg:s6], $0x5FFFF  }
0xac: {  	[dreg:$0x1] =	wrdreg $0xFFFFFFFF  }
0xad: {  	[dreg:$0x0] =	wrdreg $0x60  }
0xae: {  	[dreg:$0x2] =	wrdreg s24  }
0xaf: {  	[dreg:$0x3] =	wrdreg $0x9  }
0xb0: {  	_ =	task.clear_ibuf [dreg:s6], $0x4FFFF;
	_ =	strace $0x9000004C  }
0xb1: {  	s29 =	simm.s32 $0x9;
	_ =	strace $0x8000004E  }
0xb2: {  	_ =	swait.ge [sflag:s29], $0x1  }
0xb3: {  	[sflag:s29] =	ssyncadd.s32 $0xFFFFFFFF  }
0xb4: {  	_ =	strace $0x9000004E  }
0xb5: {  	_ =	sfence  }
0xb6: {  	s30 =	sld [smem:$0x0];
	_ =	sdelay $0x2  }
0xb7: {  	s31 =	sshll.u32 s1, $0xD;
	s1 =	sshrl.u32 s1, $0x2  }
0xb8: {  	s3 =	sand.u32 $0x4000, s31;
	s1 =	sadd.s32 s1, s30  }
0xb9: {  	s0 =	sor.u32 s3, s0;
	s1 =	sshll.u32 s1, $0x11  }
0xba: {  	s0 =	sor.u32 s1, s0  }
0xbb: {  	s0 =	sadd.s32 $0x8F2B, s0  }
0xbc: {  	[sflag:s0] =	ssyncadd.remote.s32 $0x1  }
0xbd: {  	_ =	sfence.sel $0xFFFF  }
0xbe: {  	[dreg:$0x0] =	wrdreg $0xFFFFFFFF;
	(pc) =	sbr.abs _section_cstart, $3  }
0xbf: {  	[dreg:$0x1] =	wrdreg $0xFFFFFFFF  }
0xc0: {  	_ =	task.clear_ibuf [dreg:s6], $0x2FFFF;
	_ =	strace $0x9FFFFFFF  }
0xc1: {  	(tm) =	ssettm $0x7FFFFFFF  }
tec
execute0_lowered:
.L_overlay_start_1:
0x0: {  	(tag) =	ssettag $0x1  }
0x1: {  	s1 =	srdreg.scid;
	s0 =	stileid.u32  }
0x2: {  	s18 =	sand.u32 $0x1, s1;
	s30 =	sshll.u32 s0, $0x1  }
0x3: {  	s1 =	sor.u32 s18, s30  }
0x4: {  	s15 =	smul.u32 $0x1A00, s1  }
0x5: {  	s10 =	rddreg [dreg:$0x0];
	s2 =	simm.s32 $0x0;
	s4 =	simm.s32 $0x4  }
0x6: {  	[smem:$0x7FF] =	sst s2;
	s16 =	sadd.s32 $0xEE00, s10;
	s3 =	sshrl.u32 s15, $0x3  }
0x7: {  	s1 =	rddreg [dreg:$0x1];
	_ =	strace $0x8000004D;
	s3 =	sadd.s32 s16, s3  }
0x8: {  	[tilespmem:s2], [sflag:$0x4] =	stream.linear.gather [hbm4b:s3+s2], $0x680, $0x38;
	[tilespmem:$0x7500] =	vst v63  }
0x9: {  	s6 =	simm.s32 $0x680;
	_ =	swait.ge [sflag:s4], $0x680  }
0xa: {  	s7 =	simm.s32 $0xD00;
	s13 =	sadd.s32 $0x680, s15;
	[sflag:s4] =	ssyncset.done $0x0  }
0xb: {  	s5 =	sadd.s32 $0x1BE00, s10;
	s8 =	sshrl.u32 s13, $0x3;
	[sflag:s4] =	ssyncadd.s32 $0xFFFFF980  }
0xc: {  	[tilespmem:s7], [sflag:$0x1] =	stream.indirect.gather [hbm4b:s5+s6], $0x8, s2, s6, $0xb8;
	[tilespmem:$0x7500] =	vst v63  }
0xd: {  	s8 =	sadd.s32 s16, s8  }
0xe: {  	[tilespmem:s6], [sflag:$0x4] =	stream.linear.gather [hbm4b:s8+s2], $0x680, $0x38;
	[tilespmem:$0x7500] =	vst v63  }
0xf: {  	_ =	swait.ge [sflag:s4], $0x680  }
0x10: {  	[sflag:s4] =	ssyncset.done $0x0  }
0x11: {  	s9 =	simm.s32 $0x1;
	[sflag:s4] =	ssyncadd.s32 $0xFFFFF980  }
0x12: {  	_ =	swait.ge [sflag:s9], $0x3400  }
0x13: {  	s19 =	sadd.s32 $0x296C00, s10;
	[sflag:s9] =	ssyncset.done $0x0  }
0x14: {  	s10 =	sadd.s32 s19, s15;
	s17 =	sadd.s32 $0xD00, s15;
	[sflag:s9] =	ssyncadd.s32 $0xFFFFCC00  }
0x15: {  	[hbm4b:s10+s2] =	stream.linear.scatter [tilespmem:s7], [sflag:$0x2], $0x3400, $0x38;
	[tilespmem:$0x7500] =	vst v63  }
0x16: {  	s11 =	simm.s32 $0x4100;
	s12 =	sshrl.u32 s17, $0x3  }
0x17: {  	[tilespmem:s11], [sflag:$0x1] =	stream.indirect.gather [hbm4b:s5+s6], $0x8, s6, s6, $0xb8;
	[tilespmem:$0x7500] =	vst v63  }
0x18: {  	s12 =	sadd.s32 s16, s12  }
0x19: {  	[tilespmem:s2], [sflag:$0x4] =	stream.linear.gather [hbm4b:s12+s2], $0x680, $0x38;
	[tilespmem:$0x7500] =	vst v63  }
0x1a: {  	_ =	swait.ge [sflag:s4], $0x680  }
0x1b: {  	[sflag:s4] =	ssyncset.done $0x0  }
0x1c: {  	[sflag:s4] =	ssyncadd.s32 $0xFFFFF980  }
0x1d: {  	_ =	swait.ge [sflag:s9], $0x3400  }
0x1e: {  	[sflag:s9] =	ssyncset.done $0x0  }
0x1f: {  	s14 =	simm.s32 $0x2;
	s13 =	sadd.s32 s19, s13;
	[sflag:s9] =	ssyncadd.s32 $0xFFFFCC00  }
0x20: {  	[hbm4b:s13+s2] =	stream.linear.scatter [tilespmem:s11], [sflag:$0x3], $0x3400, $0x38;
	[tilespmem:$0x7500] =	vst v63  }
0x21: {  	_ =	swait.ge [sflag:s14], $0x3400  }
0x22: {  	s20 =	sadd.s32 $0x1380, s15;
	[sflag:s14] =	ssyncset.done $0x0  }
0x23: {  	s15 =	sshrl.u32 s20, $0x3;
	[sflag:s14] =	ssyncadd.s32 $0xFFFFCC00  }
0x24: {  	[tilespmem:s7], [sflag:$0x1] =	stream.indirect.gather [hbm4b:s5+s6], $0x8, s2, s6, $0xb8;
	[tilespmem:$0x7500] =	vst v63  }
0x25: {  	s15 =	sadd.s32 s16, s15  }
0x26: {  	[tilespmem:s6], [sflag:$0x4] =	stream.linear.gather [hbm4b:s15+s2], $0x680, $0x38;
	[tilespmem:$0x7500] =	vst v63  }
0x27: {  	_ =	swait.ge [sflag:s4], $0x680  }
0x28: {  	[sflag:s4] =	ssyncset.done $0x0  }
0x29: {  	[sflag:s4] =	ssyncadd.s32 $0xFFFFF980  }
0x2a: {  	_ =	swait.ge [sflag:s9], $0x3400  }
0x2b: {  	[sflag:s9] =	ssyncset.done $0x0  }
0x2c: {  	s17 =	sadd.s32 s19, s17;
	s16 =	simm.s32 $0x3;
	[sflag:s9] =	ssyncadd.s32 $0xFFFFCC00  }
0x2d: {  	[hbm4b:s17+s2] =	stream.linear.scatter [tilespmem:s7], [sflag:$0x2], $0x3400, $0x38;
	[tilespmem:$0x7500] =	vst v63  }
0x2e: {  	_ =	swait.ge [sflag:s16], $0x3400  }
0x2f: {  	s21 =	ssub.s32 $0x2, s18;
	[sflag:s16] =	ssyncset.done $0x0  }
0x30: {  	s31 =	sshrl.u32 s21, $0x1;
	[sflag:s16] =	ssyncadd.s32 $0xFFFFCC00  }
0x31: {  	[tilespmem:s11], [sflag:$0x1] =	stream.indirect.gather [hbm4b:s5+s6], $0x8, s6, s6, $0xb8;
	[tilespmem:$0x7500] =	vst v63  }
0x32: {  	s18 =	sadd.s32 s19, s20;
	s19 =	ssub.s32 s21, s31;
	_ =	swait.ge [sflag:s9], $0x3400  }
0x33: {  	s19 =	smax.u32 s19, $0x1;
	[sflag:s9] =	ssyncset.done $0x0  }
0x34: {  	p0 =	sne.s32 s19, $0x1;
	[sflag:s9] =	ssyncadd.s32 $0xFFFFCC00  }
0x35: {  	[hbm4b:s18+s2] =	stream.linear.scatter [tilespmem:s11], [sflag:$0x3], $0x3400, $0x38;
	[tilespmem:$0x7500] =	vst v63  }
.Ltmp0:
0x36: {  	_ =	swait.ge [sflag:s14], $0x3400;
	(pc) =	sbr.rel @!p0 .LBB2_2-.Ltmp0, $4  }
0x37: {  	[sflag:s14] =	ssyncset.done $0x0  }
0x38: {  	[sflag:s14] =	ssyncadd.s32 $0xFFFFCC00  }
0x39: {  	_ =	swait.ge [sflag:s16], $0x3400  }
0x3a: {  	s19 =	sadd.s32 $0xFFFFFFFF, s19;
	[sflag:s16] =	ssyncset.done $0x0  }
.LBB2_1:
0x3b: {  	p0 =	sne.s32 s19, $0x1;
	s19 =	sadd.s32 $0xFFFFFFFF, s19;
	[sflag:s16] =	ssyncadd.s32 $0xFFFFCC00  }
0x3c: {  	[tilespmem:s2], [sflag:$0x4] =	stream.linear.gather [hbm4b:s3+s2], $0x680, $0x38;
	[tilespmem:$0x7500] =	vst v63  }
0x3d: {  	_ =	swait.ge [sflag:s4], $0x680  }
0x3e: {  	[sflag:s4] =	ssyncset.done $0x0  }
0x3f: {  	[sflag:s4] =	ssyncadd.s32 $0xFFFFF980  }
0x40: {  	[tilespmem:s7], [sflag:$0x1] =	stream.indirect.gather [hbm4b:s5+s6], $0x8, s2, s6, $0xb8;
	[tilespmem:$0x7500] =	vst v63  }
0x41: {  	_ = 	snop  }
0x42: {  	[tilespmem:s6], [sflag:$0x4] =	stream.linear.gather [hbm4b:s8+s2], $0x680, $0x38;
	[tilespmem:$0x7500] =	vst v63  }
0x43: {  	_ =	swait.ge [sflag:s4], $0x680  }
0x44: {  	[sflag:s4] =	ssyncset.done $0x0  }
0x45: {  	[sflag:s4] =	ssyncadd.s32 $0xFFFFF980  }
0x46: {  	_ =	swait.ge [sflag:s9], $0x3400  }
0x47: {  	[sflag:s9] =	ssyncset.done $0x0  }
0x48: {  	[sflag:s9] =	ssyncadd.s32 $0xFFFFCC00  }
0x49: {  	[hbm4b:s10+s2] =	stream.linear.scatter [tilespmem:s7], [sflag:$0x2], $0x3400, $0x38;
	[tilespmem:$0x7500] =	vst v63  }
0x4a: {  	_ = 	snop  }
0x4b: {  	[tilespmem:s11], [sflag:$0x1] =	stream.indirect.gather [hbm4b:s5+s6], $0x8, s6, s6, $0xb8;
	[tilespmem:$0x7500] =	vst v63  }
0x4c: {  	_ = 	snop  }
0x4d: {  	[tilespmem:s2], [sflag:$0x4] =	stream.linear.gather [hbm4b:s12+s2], $0x680, $0x38;
	[tilespmem:$0x7500] =	vst v63  }
0x4e: {  	_ =	swait.ge [sflag:s4], $0x680  }
0x4f: {  	[sflag:s4] =	ssyncset.done $0x0  }
0x50: {  	[sflag:s4] =	ssyncadd.s32 $0xFFFFF980  }
0x51: {  	_ =	swait.ge [sflag:s9], $0x3400  }
0x52: {  	[sflag:s9] =	ssyncset.done $0x0  }
0x53: {  	[sflag:s9] =	ssyncadd.s32 $0xFFFFCC00  }
0x54: {  	[hbm4b:s13+s2] =	stream.linear.scatter [tilespmem:s11], [sflag:$0x3], $0x3400, $0x38;
	[tilespmem:$0x7500] =	vst v63  }
0x55: {  	_ =	swait.ge [sflag:s14], $0x3400  }
0x56: {  	[sflag:s14] =	ssyncset.done $0x0  }
0x57: {  	[sflag:s14] =	ssyncadd.s32 $0xFFFFCC00  }
0x58: {  	[tilespmem:s7], [sflag:$0x1] =	stream.indirect.gather [hbm4b:s5+s6], $0x8, s2, s6, $0xb8;
	[tilespmem:$0x7500] =	vst v63  }
0x59: {  	_ = 	snop  }
0x5a: {  	[tilespmem:s6], [sflag:$0x4] =	stream.linear.gather [hbm4b:s15+s2], $0x680, $0x38;
	[tilespmem:$0x7500] =	vst v63  }
0x5b: {  	_ =	swait.ge [sflag:s4], $0x680  }
0x5c: {  	[sflag:s4] =	ssyncset.done $0x0  }
0x5d: {  	[sflag:s4] =	ssyncadd.s32 $0xFFFFF980  }
0x5e: {  	_ =	swait.ge [sflag:s9], $0x3400  }
0x5f: {  	[sflag:s9] =	ssyncset.done $0x0  }
0x60: {  	[sflag:s9] =	ssyncadd.s32 $0xFFFFCC00  }
0x61: {  	[hbm4b:s17+s2] =	stream.linear.scatter [tilespmem:s7], [sflag:$0x2], $0x3400, $0x38;
	[tilespmem:$0x7500] =	vst v63  }
0x62: {  	_ =	swait.ge [sflag:s16], $0x3400  }
0x63: {  	[sflag:s16] =	ssyncset.done $0x0  }
0x64: {  	[sflag:s16] =	ssyncadd.s32 $0xFFFFCC00  }
0x65: {  	[tilespmem:s11], [sflag:$0x1] =	stream.indirect.gather [hbm4b:s5+s6], $0x8, s6, s6, $0xb8;
	[tilespmem:$0x7500] =	vst v63  }
0x66: {  	_ =	swait.ge [sflag:s9], $0x3400  }
0x67: {  	[sflag:s9] =	ssyncset.done $0x0  }
0x68: {  	[sflag:s9] =	ssyncadd.s32 $0xFFFFCC00  }
0x69: {  	[hbm4b:s18+s2] =	stream.linear.scatter [tilespmem:s11], [sflag:$0x3], $0x3400, $0x38;
	[tilespmem:$0x7500] =	vst v63  }
.Ltmp1:
0x6a: {  	_ =	swait.ge [sflag:s14], $0x3400;
	(pc) =	sbr.rel @p0 .LBB2_1-.Ltmp1, $4  }
0x6b: {  	[sflag:s14] =	ssyncset.done $0x0  }
0x6c: {  	[sflag:s14] =	ssyncadd.s32 $0xFFFFCC00  }
0x6d: {  	_ =	swait.ge [sflag:s16], $0x3400  }
0x6e: {  	[sflag:s16] =	ssyncset.done $0x0  }
.LBB2_2:
0x6f: {  	[sflag:s16] =	ssyncadd.s32 $0xFFFFCC00  }
0x70: {  	_ =	sfence.sel $0x180000  }
0x71: {  	[bflag:$0x0] =	sbarrier.arrive $0xFFFF  }
0x72: {  	p0 =	sne.s32 s0, $0x0;
	_ =	strace $0x9000004D  }
0x73: {  	s0 =	sadd.s32 @!p0 $0x100000, s1;
	[bflag:$0x2] =	sbarrier.arrive $0xFFFF  }
0x74: {  	[sflag:s0] =	ssyncadd.tile.s32 @!p0 $0x1;
	_ =	shalt  }
.Lfunc_end2:
_tile_overlayer_lowered:
.L_overlay_start_2:
0x75: {  	(tag) =	ssettag $0x2  }
0x76: {  	s0 =	rddreg [dreg:$0x0];
	s2 =	stileid.u32  }
0x77: {  	s1 =	rddreg [dreg:$0x1];
	p0 =	sne.s32 s2, $0x0  }
0x78: {  	s3 =	rddreg [dreg:$0x2];
	[bflag:$0x3] =	sbarrier.arrive $0xFFFF;
	s2 =	simm.s32 @!p0 $0x1C04  }
0x79: {  	[timem:s3], [sflag:s2] =	dma.local @!p0 [hbm:s0], s1  }
0x7a: {  	s0 =	simm.s32 @!p0 $0x4  }
0x7b: {  	_ =	swait.ge @!p0 [sflag:s0], s1  }
0x7c: {  	s1 =	ssub.s32 @!p0 $0x0, s1;
	[sflag:s0] =	ssyncset.done @!p0 $0x0  }
0x7d: {  	[sflag:s0] =	ssyncadd.s32 @!p0 s1  }
0x7e: {  	[bflag:$0x3] =	sbarrier.arrive $0xFFFF  }
0x7f: {  	_ =	shalt  }

// kernel: rowgather_h1.3.cloned.1.call-start
scs
__scs_entry_jumppad:
0x0: {  	(pc) =	sbr.rel $0x88, $3  }
0x1: {  	(tag) =	ssettag $0x0;
	lr =	simm.s32 $0x1  }
0x2: {  	[smem:$0x3F98] =	sst lr;
	_ =	strace $0xD0000000  }
0x3: {  	_ = 	snop  }
0x4: {  	_ = 	snop  }
0x5: {  	_ = 	snop  }
0x6: {  	_ = 	snop  }
0x7: {  	_ = 	snop  }
__scs_overlays_trampoline_lowered:
0x8: {  	[smem:$0x3FA7] =	sst s0  }
0x9: {  	[smem:$0x3FA8] =	sst s1  }
0xa: {  	[smem:$0x3FA9] =	sst s2  }
0xb: {  	[smem:$0x3FAA] =	sst s3  }
0xc: {  	[smem:$0x3FAB] =	sst s4  }
0xd: {  	[smem:$0x3FAC] =	sst s5  }
0xe: {  	[smem:$0x3FAD] =	sst s6  }
0xf: {  	[smem:$0x3FAE] =	sst s7  }
0x10: {  	[smem:$0x3FAF] =	sst s8  }
0x11: {  	[smem:$0x3FB0] =	sst s9;
	s0 =	simm.s32 @!p0 $0x0  }
0x12: {  	s1 =	sld [smem:$0x3F96];
	s0 =	simm.s32 @p0 $0x1  }
0x13: {  	[smem:$0x3FB1] =	sst s0;
	s0 =	simm.s32 @!p1 $0x0  }
0x14: {  	s2 =	sld [smem:$0x3F95];
	s0 =	simm.s32 @p1 $0x1  }
0x15: {  	[smem:$0x3FB2] =	sst s0;
	s0 =	simm.s32 @!p2 $0x0  }
0x16: {  	s3 =	sld [smem:$0x3FDB];
	s0 =	simm.s32 @p2 $0x1  }
0x17: {  	s4 =	simm.s32 $0x1BF5;
	[smem:$0x3FB4] =	sst s0  }
0x18: {  	s0 =	sld [smem:$0x3F97];
	_ =	swait.ge [sflag:s4], $0x0  }
0x19: {  	s7 =	sld [smem:$0x3F98]  }
0x1a: {  	s8 =	sadd.s32 $0xFFFFE003, lr  }
0x1b: {  	s9 =	sadd.s32 $0xFFFFFEF7, lr;
	s5 =	simm.s32 $0xFFFFFFFF;
	p2 =	slt.u32 s8, $0xFFFFF086  }
0x1c: {  	p1 =	slt.u32 s9, $0xF7A;
	s5 =	simm.s32 @!p2 $0x0  }
0x1d: {  	s5 =	simm.s32 @p1 $0x1;
	p0 =	seq.s32 s7, s2  }
0x1e: {  	s7 =	smul.u32 @!p0 $0xF7A, s2;
	p2 =	seq.s32 @!p0 s5, $0x0  }
0x1f: {  	s9 =	smul.u32 $0xF7A, s1;
	s8 =	simm.s32 @!p0 $0x1BF5;
	p2 =	por !p2, p0  }
0x20: {  	[sflag:s8] =	ssyncset.s32 @!p0 $0xFFFFF086;
	s6 =	sadd.s32 @!p0 s3, s7;
	s7 =	simm.s32 @!p0 $0x108  }
0x21: {  	s3 =	sadd.s32 s3, s9;
	s6 =	sadd.s32 @!p0 $0x88, s6;
	s7 =	simm.s32 @p2 $0x1082  }
0x22: {  	[simem:s7], [sflag:s8] =	dma.local @!p0 [hbm:s6], $0xF7A  }
0x23: {  	s9 =	sor.u32 $0xD0000000, s2;
	s6 =	simm.s32 $0x108;
	_ =	swait.ge @!p0 [sflag:s8], $0x0  }
0x24: {  	s3 =	sadd.s32 $0x88, s3;
	s6 =	simm.s32 @!p1 $0x1082;
	[sflag:s4] =	ssyncset.s32 $0xFFFFF086  }
0x25: {  	[simem:s6], [sflag:s4] =	dma.local [hbm:s3], $0xF7A  }
0x26: {  	[smem:$0x3F98] =	sst s1;
	(tag) =	ssettag s2;
	_ =	strace s9  }
0x27: {  	s1 =	sld [smem:$0x3FA8]  }
0x28: {  	s2 =	sld [smem:$0x3FA9]  }
0x29: {  	s4 =	sld [smem:$0x3FAB]  }
0x2a: {  	p0 =	seq.s32 s5, $0x0;
	s5 =	sld [smem:$0x3FAC]  }
0x2b: {  	s6 =	sld [smem:$0x3FAD]  }
0x2c: {  	s7 =	sld [smem:$0x3FAE]  }
0x2d: {  	s3 =	simm.s32 $0x108;
	s8 =	sld [smem:$0x3FAF]  }
0x2e: {  	s3 =	simm.s32 @!p0 $0x1082;
	s9 =	sld [smem:$0x3FB0]  }
0x2f: {  	lr =	sadd.s32 s0, s3;
	s0 =	sld [smem:$0x3FA7]  }
0x30: {  	s3 =	sld [smem:$0x3FAA]  }
0x31: {  	[smem:$0x3FB3] =	sst s10  }
0x32: {  	s10 =	sld [smem:$0x3FB1];
	_ =	sdelay $0x3  }
0x33: {  	p0 =	seq.s32 s10, $0x1;
	s10 =	sld [smem:$0x3FB3];
	_ =	sdelay $0x3  }
0x34: {  	[smem:$0x3FB3] =	sst s10  }
0x35: {  	s10 =	sld [smem:$0x3FB2];
	_ =	sdelay $0x3  }
0x36: {  	p1 =	seq.s32 s10, $0x1;
	s10 =	sld [smem:$0x3FB3];
	_ =	sdelay $0x3  }
0x37: {  	[smem:$0x3FB3] =	sst s10  }
0x38: {  	s10 =	sld [smem:$0x3FB4]  }
0x39: {  	_ = 	snop;
	(pc) =	sbr.ind lr, $3  }
0x3a: {  	_ = 	snop  }
0x3b: {  	_ = 	snop  }
0x3c: {  	p2 =	seq.s32 s10, $0x1;
	s10 =	sld [smem:$0x3FB3]  }
0x3d: {  	_ =	shalt  }
0x3e: {  	_ =	shalt  }
0x3f: {  	_ =	shalt  }
0x40: {  	_ =	shalt  }
0x41: {  	_ =	shalt  }
0x42: {  	_ =	shalt  }
0x43: {  	_ =	shalt  }
0x44: {  	_ =	shalt  }
0x45: {  	_ =	shalt  }
0x46: {  	_ =	shalt  }
0x47: {  	_ =	shalt  }
0x48: {  	_ =	shalt  }
0x49: {  	_ =	shalt  }
0x4a: {  	_ =	shalt  }
0x4b: {  	_ =	shalt  }
0x4c: {  	_ =	shalt  }
0x4d: {  	_ =	shalt  }
0x4e: {  	_ =	shalt  }
0x4f: {  	_ =	shalt  }
0x50: {  	_ =	shalt  }
0x51: {  	_ =	shalt  }
0x52: {  	_ =	shalt  }
0x53: {  	_ =	shalt  }
0x54: {  	_ =	shalt  }
0x55: {  	_ =	shalt  }
0x56: {  	_ =	shalt  }
0x57: {  	_ =	shalt  }
0x58: {  	_ =	shalt  }
0x59: {  	_ =	shalt  }
0x5a: {  	_ =	shalt  }
0x5b: {  	_ =	shalt  }
0x5c: {  	_ =	shalt  }
0x5d: {  	_ =	shalt  }
0x5e: {  	_ =	shalt  }
0x5f: {  	_ =	shalt  }
0x60: {  	_ =	shalt  }
0x61: {  	_ =	shalt  }
0x62: {  	_ =	shalt  }
0x63: {  	_ =	shalt  }
0x64: {  	_ =	shalt  }
0x65: {  	_ =	shalt  }
0x66: {  	_ =	shalt  }
0x67: {  	_ =	shalt  }
0x68: {  	_ =	shalt  }
0x69: {  	_ =	shalt  }
0x6a: {  	_ =	shalt  }
0x6b: {  	_ =	shalt  }
0x6c: {  	_ =	shalt  }
0x6d: {  	_ =	shalt  }
0x6e: {  	_ =	shalt  }
0x6f: {  	_ =	shalt  }
0x70: {  	_ =	shalt  }
0x71: {  	_ =	shalt  }
0x72: {  	_ =	shalt  }
0x73: {  	_ =	shalt  }
0x74: {  	_ =	shalt  }
0x75: {  	_ =	shalt  }
0x76: {  	_ =	shalt  }
0x77: {  	_ =	shalt  }
0x78: {  	_ =	shalt  }
0x79: {  	_ =	shalt  }
0x7a: {  	_ =	shalt  }
0x7b: {  	_ =	shalt  }
0x7c: {  	_ =	shalt  }
0x7d: {  	_ =	shalt  }
0x7e: {  	_ =	shalt  }
0x7f: {  	_ =	shalt  }
0x80: {  	_ =	shalt  }
0x81: {  	_ =	shalt  }
0x82: {  	_ =	shalt  }
0x83: {  	_ =	shalt  }
0x84: {  	_ =	shalt  }
0x85: {  	_ =	shalt  }
0x86: {  	_ =	shalt  }
0x87: {  	_ =	shalt  }
.Lfunc_end0:
.L_simem_size_0:
called_computation.3_lowered:
.L_overlay_start_0:
0x88: {  	s2 =	sld [smem:$0x3FD9]  }
0x89: {  	s3 =	sld [smem:$0x3FFE];
	_ =	sdelay $0x1  }
0x8a: {  	s1 =	srdreg.scid  }
0x8b: {  	s0 =	sand.u32 $0x1, s1  }
0x8c: {  	s17 =	sshll.u32 s0, $0xA;
	s2 =	sadd.s32 s3, s2  }
0x8d: {  	s2 =	sadd.s32 s2, s17  }
0x8e: {  	[smem:$0x3FBF] =	sst s2  }
0x8f: {  	_ = 	snop  }
0x90: {  	(tm) =	ssettm $0x1  }
0x91: {  	s18 =	sld [smem:$0x3FFB];
	_ =	sdelay $0x3  }
0x92: {  	_ =	strace s18  }
0x93: {  	s2 =	sld [smem:$0x3FFC];
	_ =	sdelay $0x3  }
0x94: {  	_ =	strace s2  }
0x95: {  	s2 =	sld [smem:$0x3FFD];
	_ =	sdelay $0x3  }
0x96: {  	_ =	strace s2  }
0x97: {  	_ =	strace $0x8FFFFFFF  }
0x98: {  	s19 =	sld [smem:$0x3FDB];
	_ =	sdelay $0x1  }
0x99: {  	s20 =	simm.s32 $_scs_section_size  }
0x9a: {  	s4 =	simm.s32 $_size__tile_overlayer_lowered;
	s5 =	simm.s32 $_tile_overlayer_lowered  }
0x9b: {  	s6 =	simm.s32 $0x1BFF;
	s21 =	sshll.u32 s5, $0x1;
	s3 =	sadd.s32 s20, s19  }
0x9c: {  	s22 =	simm.s32 $0x0;
	s4 =	sshll.u32 s4, $0x1;
	s5 =	sadd.s32 s21, s3  }
0x9d: {  	[timem:s22], [sflag:s6] =	dma.local [hbm:s5], s4  }
0x9e: {  	_ =	swait.ge [sflag:s6], s4  }
0x9f: {  	s4 =	ssub.s32 $0x0, s4;
	[sflag:s6] =	ssyncset.done $0x0  }
0xa0: {  	[sflag:s6] =	ssyncadd.s32 s4;
	_ =	sdelay $0x1  }
0xa1: {  	s23 =	simm.s32 $0x1B8B  }
0xa2: {  	_ =	swait.ge [sflag:s23], $0x1  }
0xa3: {  	[sflag:s23] =	ssyncset.done $0x0  }
0xa4: {  	[sflag:s23] =	ssyncadd.s32 $0xFFFFFFFF  }
0xa5: {  	s4 =	sld [smem:$0x0]  }
0xa6: {  	s5 =	sand.u32 $0xFFFFFFFE, s1  }
0xa7: {  	p0 =	sne.s32 s1, s5  }
0xa8: {  	s5 =	sshll.u32 @p0 s5, $0xE  }
0xa9: {  	s5 =	sadd.s32 @p0 $0x11B8D, s5;
	s6 =	sshll.u32 @p0 s4, $0x11  }
0xaa: {  	s5 =	sor.u32 @p0 s6, s5  }
0xab: {  	[sflag:s5] =	ssyncadd.remote.s32 @p0 $0x1;
	_ =	sdelay $0x1  }
0xac: {  	s5 =	simm.s32 @p0 $0x1B8D  }
0xad: {  	_ =	swait.eq @p0 [sflag:s5], $0x1  }
0xae: {  	[sflag:s5] =	ssyncadd.s32 @p0 $0xFFFFFFFF  }
0xaf: {  	s6 =	sshll.u32 @!p0 s1, $0xE  }
0xb0: {  	s6 =	sor.u32 @!p0 $0x4000, s6;
	s5 =	simm.s32 @!p0 $0x1B8D  }
0xb1: {  	s4 =	sshll.u32 @!p0 s4, $0x11;
	s6 =	sadd.s32 @!p0 $0x11B8D, s6;
	_ =	swait.eq @!p0 [sflag:s5], $0x1  }
0xb2: {  	s4 =	sor.u32 @!p0 s4, s6;
	[sflag:s5] =	ssyncadd.s32 @!p0 $0xFFFFFFFF  }
0xb3: {  	s25 =	simm.s32 $0x1B8E;
	s24 =	sld [smem:$0x3FFE];
	[sflag:s4] =	ssyncadd.remote.s32 @!p0 $0x1  }
0xb4: {  	s26 =	simm.s32 $execute0_lowered;
	[smem:$0x3FD2] =	sst s25  }
0xb5: {  	s5 =	sshll.u32 s26, $0x1;
	_ =	strace $0x8000004F;
	[dreg:$0x1] =	wrdreg $0xFFFFFFFF  }
0xb6: {  	s28 =	simm.s32 $_size_execute0_lowered;
	s3 =	sadd.s32 s3, s5;
	[dreg:$0x0] =	wrdreg $0x0  }
0xb7: {  	s5 =	sshll.u32 s28, $0x1;
	[dreg:$0x2] =	wrdreg s3  }
0xb8: {  	[dreg:$0x3] =	wrdreg s5  }
0xb9: {  	[dreg:$0x4] =	wrdreg $0xC0  }
0xba: {  	_ =	task [dreg:s22], $0x5FFFF  }
0xbb: {  	[dreg:$0x1] =	wrdreg $0xFFFFFFFF  }
0xbc: {  	[dreg:$0x0] =	wrdreg $0x60  }
0xbd: {  	[dreg:$0x2] =	wrdreg s24  }
0xbe: {  	[dreg:$0x3] =	wrdreg $0xA  }
0xbf: {  	_ =	task.clear_ibuf [dreg:s22], $0x4FFFF;
	_ =	strace $0x9000004F  }
0xc0: {  	s29 =	simm.s32 $0xA;
	_ =	strace $0x80000051  }
0xc1: {  	_ =	swait.ge [sflag:s29], $0x1  }
0xc2: {  	[sflag:s29] =	ssyncadd.s32 $0xFFFFFFFF  }
0xc3: {  	_ =	strace $0x90000051  }
0xc4: {  	_ =	sfence  }
0xc5: {  	s30 =	sld [smem:$0x0];
	_ =	sdelay $0x2  }
0xc6: {  	s31 =	sshll.u32 s1, $0xD;
	s1 =	sshrl.u32 s1, $0x2  }
0xc7: {  	s4 =	sand.u32 $0x4000, s31;
	s1 =	sadd.s32 s1, s30  }
0xc8: {  	s0 =	sor.u32 s4, s0;
	s1 =	sshll.u32 s1, $0x11  }
0xc9: {  	s0 =	sor.u32 s1, s0  }
0xca: {  	s0 =	sadd.s32 $0x8F2B, s0  }
0xcb: {  	[sflag:s0] =	ssyncadd.remote.s32 $0x1  }
0xcc: {  	_ =	sfence.sel $0xFFFF  }
0xcd: {  	[dreg:$0x0] =	wrdreg $0xFFFFFFFF;
	(pc) =	sbr.abs _section_cstart, $3  }
0xce: {  	[dreg:$0x1] =	wrdreg $0xFFFFFFFF  }
0xcf: {  	_ =	task.clear_ibuf [dreg:s22], $0x2FFFF;
	_ =	strace $0x9FFFFFFF  }
0xd0: {  	(tm) =	ssettm $0x7FFFFFFF  }
0xd1: {  	_ =	shalt  }
tec
execute0_lowered:
.L_overlay_start_1:
0x0: {  	(tag) =	ssettag $0x1  }
0x1: {  	s1 =	srdreg.scid;
	s0 =	stileid.u32  }
0x2: {  	s18 =	sand.u32 $0x1, s1;
	s30 =	sshll.u32 s0, $0x1  }
0x3: {  	s13 =	sor.u32 s18, s30  }
0x4: {  	s10 =	smul.u32 $0x1A00, s13;
	_ =	sdelay $0x1  }
0x5: {  	s11 =	rddreg [dreg:$0x0];
	s2 =	simm.s32 $0x0;
	s3 =	sshrl.u32 s10, $0x3  }
0x6: {  	s4 =	simm.s32 $0x4;
	[smem:$0x7FF] =	sst s2;
	s15 =	sadd.s32 s3, s11  }
0x7: {  	s1 =	rddreg [dreg:$0x1];
	_ =	strace $0x80000050;
	s3 =	sadd.s32 $0x15600, s15  }
0x8: {  	[tilespmem:s2], [sflag:$0x4] =	stream.linear.gather [hbm4b:s3+s2], $0x680, $0x38;
	[tilespmem:$0x7500] =	vst v63  }
0x9: {  	_ =	swait.ge [sflag:s4], $0x680  }
0xa: {  	s6 =	simm.s32 $0x680;
	[sflag:s4] =	ssyncset.done $0x0  }
0xb: {  	s7 =	simm.s32 $0xD00;
	s5 =	sadd.s32 $0x1BE00, s11;
	[sflag:s4] =	ssyncadd.s32 $0xFFFFF980  }
0xc: {  	[tilespmem:s7], [sflag:$0x1] =	stream.indirect.gather [hbm4b:s5+s6], $0x8, s2, s6, $0xb8;
	[tilespmem:$0x7500] =	vst v63  }
0xd: {  	s8 =	sadd.s32 $0x156D0, s15  }
0xe: {  	[tilespmem:s6], [sflag:$0x4] =	stream.linear.gather [hbm4b:s8+s2], $0x680, $0x38;
	[tilespmem:$0x7500] =	vst v63  }
0xf: {  	_ =	swait.ge [sflag:s4], $0x680  }
0x10: {  	[sflag:s4] =	ssyncset.done $0x0  }
0x11: {  	s9 =	simm.s32 $0x1;
	[sflag:s4] =	ssyncadd.s32 $0xFFFFF980  }
0x12: {  	_ =	swait.ge [sflag:s9], $0x3400  }
0x13: {  	s14 =	sadd.s32 $0x2CAC00, s11;
	[sflag:s9] =	ssyncset.done $0x0  }
0x14: {  	s10 =	sadd.s32 s14, s10;
	[sflag:s9] =	ssyncadd.s32 $0xFFFFCC00  }
0x15: {  	[hbm4b:s10+s2] =	stream.linear.scatter [tilespmem:s7], [sflag:$0x2], $0x3400, $0x38;
	[tilespmem:$0x7500] =	vst v63  }
0x16: {  	s11 =	simm.s32 $0x4100  }
0x17: {  	[tilespmem:s11], [sflag:$0x1] =	stream.indirect.gather [hbm4b:s5+s6], $0x8, s6, s6, $0xb8;
	[tilespmem:$0x7500] =	vst v63  }
0x18: {  	s12 =	sadd.s32 $0x157A0, s15  }
0x19: {  	[tilespmem:s2], [sflag:$0x4] =	stream.linear.gather [hbm4b:s12+s2], $0x680, $0x38;
	[tilespmem:$0x7500] =	vst v63  }
0x1a: {  	_ =	swait.ge [sflag:s4], $0x680  }
0x1b: {  	s13 =	smul.u32 $0xD000, s13;
	[sflag:s4] =	ssyncset.done $0x0  }
0x1c: {  	[sflag:s4] =	ssyncadd.s32 $0xFFFFF980  }
0x1d: {  	s13 =	sshrl.u32 s13, $0x3;
	_ =	swait.ge [sflag:s9], $0x3400  }
0x1e: {  	s19 =	sadd.s32 s14, s13;
	[sflag:s9] =	ssyncset.done $0x0  }
0x1f: {  	s14 =	simm.s32 $0x2;
	s13 =	sadd.s32 $0x680, s19;
	[sflag:s9] =	ssyncadd.s32 $0xFFFFCC00  }
0x20: {  	[hbm4b:s13+s2] =	stream.linear.scatter [tilespmem:s11], [sflag:$0x3], $0x3400, $0x38;
	[tilespmem:$0x7500] =	vst v63  }
0x21: {  	_ =	swait.ge [sflag:s14], $0x3400  }
0x22: {  	[sflag:s14] =	ssyncset.done $0x0  }
0x23: {  	[sflag:s14] =	ssyncadd.s32 $0xFFFFCC00  }
0x24: {  	[tilespmem:s7], [sflag:$0x1] =	stream.indirect.gather [hbm4b:s5+s6], $0x8, s2, s6, $0xb8;
	[tilespmem:$0x7500] =	vst v63  }
0x25: {  	s15 =	sadd.s32 $0x15870, s15  }
0x26: {  	[tilespmem:s6], [sflag:$0x4] =	stream.linear.gather [hbm4b:s15+s2], $0x680, $0x38;
	[tilespmem:$0x7500] =	vst v63  }
0x27: {  	_ =	swait.ge [sflag:s4], $0x680  }
0x28: {  	[sflag:s4] =	ssyncset.done $0x0  }
0x29: {  	[sflag:s4] =	ssyncadd.s32 $0xFFFFF980  }
0x2a: {  	_ =	swait.ge [sflag:s9], $0x3400  }
0x2b: {  	[sflag:s9] =	ssyncset.done $0x0  }
0x2c: {  	s16 =	simm.s32 $0x3;
	s17 =	sadd.s32 $0xD00, s19;
	[sflag:s9] =	ssyncadd.s32 $0xFFFFCC00  }
0x2d: {  	[hbm4b:s17+s2] =	stream.linear.scatter [tilespmem:s7], [sflag:$0x2], $0x3400, $0x38;
	[tilespmem:$0x7500] =	vst v63  }
0x2e: {  	_ =	swait.ge [sflag:s16], $0x3400  }
0x2f: {  	s20 =	ssub.s32 $0x2, s18;
	[sflag:s16] =	ssyncset.done $0x0  }
0x30: {  	s31 =	sshrl.u32 s20, $0x1;
	[sflag:s16] =	ssyncadd.s32 $0xFFFFCC00  }
0x31: {  	[tilespmem:s11], [sflag:$0x1] =	stream.indirect.gather [hbm4b:s5+s6], $0x8, s6, s6, $0xb8;
	[tilespmem:$0x7500] =	vst v63  }
0x32: {  	s18 =	sadd.s32 $0x1380, s19;
	s19 =	ssub.s32 s20, s31;
	_ =	swait.ge [sflag:s9], $0x3400  }
0x33: {  	s19 =	smax.u32 s19, $0x1;
	[sflag:s9] =	ssyncset.done $0x0  }
0x34: {  	p0 =	sne.s32 s19, $0x1;
	[sflag:s9] =	ssyncadd.s32 $0xFFFFCC00  }
0x35: {  	[hbm4b:s18+s2] =	stream.linear.scatter [tilespmem:s11], [sflag:$0x3], $0x3400, $0x38;
	[tilespmem:$0x7500] =	vst v63  }
.Ltmp0:
0x36: {  	_ =	swait.ge [sflag:s14], $0x3400;
	(pc) =	sbr.rel @!p0 .LBB2_2-.Ltmp0, $4  }
0x37: {  	[sflag:s14] =	ssyncset.done $0x0  }
0x38: {  	[sflag:s14] =	ssyncadd.s32 $0xFFFFCC00  }
0x39: {  	_ =	swait.ge [sflag:s16], $0x3400  }
0x3a: {  	s19 =	sadd.s32 $0xFFFFFFFF, s19;
	[sflag:s16] =	ssyncset.done $0x0  }
.LBB2_1:
0x3b: {  	p0 =	sne.s32 s19, $0x1;
	s19 =	sadd.s32 $0xFFFFFFFF, s19;
	[sflag:s16] =	ssyncadd.s32 $0xFFFFCC00  }
0x3c: {  	[tilespmem:s2], [sflag:$0x4] =	stream.linear.gather [hbm4b:s3+s2], $0x680, $0x38;
	[tilespmem:$0x7500] =	vst v63  }
0x3d: {  	_ =	swait.ge [sflag:s4], $0x680  }
0x3e: {  	[sflag:s4] =	ssyncset.done $0x0  }
0x3f: {  	[sflag:s4] =	ssyncadd.s32 $0xFFFFF980  }
0x40: {  	[tilespmem:s7], [sflag:$0x1] =	stream.indirect.gather [hbm4b:s5+s6], $0x8, s2, s6, $0xb8;
	[tilespmem:$0x7500] =	vst v63  }
0x41: {  	_ = 	snop  }
0x42: {  	[tilespmem:s6], [sflag:$0x4] =	stream.linear.gather [hbm4b:s8+s2], $0x680, $0x38;
	[tilespmem:$0x7500] =	vst v63  }
0x43: {  	_ =	swait.ge [sflag:s4], $0x680  }
0x44: {  	[sflag:s4] =	ssyncset.done $0x0  }
0x45: {  	[sflag:s4] =	ssyncadd.s32 $0xFFFFF980  }
0x46: {  	_ =	swait.ge [sflag:s9], $0x3400  }
0x47: {  	[sflag:s9] =	ssyncset.done $0x0  }
0x48: {  	[sflag:s9] =	ssyncadd.s32 $0xFFFFCC00  }
0x49: {  	[hbm4b:s10+s2] =	stream.linear.scatter [tilespmem:s7], [sflag:$0x2], $0x3400, $0x38;
	[tilespmem:$0x7500] =	vst v63  }
0x4a: {  	_ = 	snop  }
0x4b: {  	[tilespmem:s11], [sflag:$0x1] =	stream.indirect.gather [hbm4b:s5+s6], $0x8, s6, s6, $0xb8;
	[tilespmem:$0x7500] =	vst v63  }
0x4c: {  	_ = 	snop  }
0x4d: {  	[tilespmem:s2], [sflag:$0x4] =	stream.linear.gather [hbm4b:s12+s2], $0x680, $0x38;
	[tilespmem:$0x7500] =	vst v63  }
0x4e: {  	_ =	swait.ge [sflag:s4], $0x680  }
0x4f: {  	[sflag:s4] =	ssyncset.done $0x0  }
0x50: {  	[sflag:s4] =	ssyncadd.s32 $0xFFFFF980  }
0x51: {  	_ =	swait.ge [sflag:s9], $0x3400  }
0x52: {  	[sflag:s9] =	ssyncset.done $0x0  }
0x53: {  	[sflag:s9] =	ssyncadd.s32 $0xFFFFCC00  }
0x54: {  	[hbm4b:s13+s2] =	stream.linear.scatter [tilespmem:s11], [sflag:$0x3], $0x3400, $0x38;
	[tilespmem:$0x7500] =	vst v63  }
0x55: {  	_ =	swait.ge [sflag:s14], $0x3400  }
0x56: {  	[sflag:s14] =	ssyncset.done $0x0  }
0x57: {  	[sflag:s14] =	ssyncadd.s32 $0xFFFFCC00  }
0x58: {  	[tilespmem:s7], [sflag:$0x1] =	stream.indirect.gather [hbm4b:s5+s6], $0x8, s2, s6, $0xb8;
	[tilespmem:$0x7500] =	vst v63  }
0x59: {  	_ = 	snop  }
0x5a: {  	[tilespmem:s6], [sflag:$0x4] =	stream.linear.gather [hbm4b:s15+s2], $0x680, $0x38;
	[tilespmem:$0x7500] =	vst v63  }
0x5b: {  	_ =	swait.ge [sflag:s4], $0x680  }
0x5c: {  	[sflag:s4] =	ssyncset.done $0x0  }
0x5d: {  	[sflag:s4] =	ssyncadd.s32 $0xFFFFF980  }
0x5e: {  	_ =	swait.ge [sflag:s9], $0x3400  }
0x5f: {  	[sflag:s9] =	ssyncset.done $0x0  }
0x60: {  	[sflag:s9] =	ssyncadd.s32 $0xFFFFCC00  }
0x61: {  	[hbm4b:s17+s2] =	stream.linear.scatter [tilespmem:s7], [sflag:$0x2], $0x3400, $0x38;
	[tilespmem:$0x7500] =	vst v63  }
0x62: {  	_ =	swait.ge [sflag:s16], $0x3400  }
0x63: {  	[sflag:s16] =	ssyncset.done $0x0  }
0x64: {  	[sflag:s16] =	ssyncadd.s32 $0xFFFFCC00  }
0x65: {  	[tilespmem:s11], [sflag:$0x1] =	stream.indirect.gather [hbm4b:s5+s6], $0x8, s6, s6, $0xb8;
	[tilespmem:$0x7500] =	vst v63  }
0x66: {  	_ =	swait.ge [sflag:s9], $0x3400  }
0x67: {  	[sflag:s9] =	ssyncset.done $0x0  }
0x68: {  	[sflag:s9] =	ssyncadd.s32 $0xFFFFCC00  }
0x69: {  	[hbm4b:s18+s2] =	stream.linear.scatter [tilespmem:s11], [sflag:$0x3], $0x3400, $0x38;
	[tilespmem:$0x7500] =	vst v63  }
.Ltmp1:
0x6a: {  	_ =	swait.ge [sflag:s14], $0x3400;
	(pc) =	sbr.rel @p0 .LBB2_1-.Ltmp1, $4  }
0x6b: {  	[sflag:s14] =	ssyncset.done $0x0  }
0x6c: {  	[sflag:s14] =	ssyncadd.s32 $0xFFFFCC00  }
0x6d: {  	_ =	swait.ge [sflag:s16], $0x3400  }
0x6e: {  	[sflag:s16] =	ssyncset.done $0x0  }
.LBB2_2:
0x6f: {  	[sflag:s16] =	ssyncadd.s32 $0xFFFFCC00  }
0x70: {  	_ =	sfence.sel $0x180000  }
0x71: {  	[bflag:$0x0] =	sbarrier.arrive $0xFFFF  }
0x72: {  	p0 =	sne.s32 s0, $0x0;
	_ =	strace $0x90000050  }
0x73: {  	s0 =	sadd.s32 @!p0 $0x100000, s1;
	[bflag:$0x2] =	sbarrier.arrive $0xFFFF  }
0x74: {  	[sflag:s0] =	ssyncadd.tile.s32 @!p0 $0x1;
	_ =	shalt  }
.Lfunc_end2:
_tile_overlayer_lowered:
.L_overlay_start_2:
0x75: {  	(tag) =	ssettag $0x2  }
0x76: {  	s0 =	rddreg [dreg:$0x0];
	s2 =	stileid.u32  }
0x77: {  	s1 =	rddreg [dreg:$0x1];
	p0 =	sne.s32 s2, $0x0  }
0x78: {  	s3 =	rddreg [dreg:$0x2];
	[bflag:$0x3] =	sbarrier.arrive $0xFFFF;
	s2 =	simm.s32 @!p0 $0x1C04  }
0x79: {  	[timem:s3], [sflag:s2] =	dma.local @!p0 [hbm:s0], s1  }
0x7a: {  	s0 =	simm.s32 @!p0 $0x4  }
0x7b: {  	_ =	swait.ge @!p0 [sflag:s0], s1  }
0x7c: {  	s1 =	ssub.s32 @!p0 $0x0, s1;
	[sflag:s0] =	ssyncset.done @!p0 $0x0  }
0x7d: {  	[sflag:s0] =	ssyncadd.s32 @!p0 s1  }
0x7e: {  	[bflag:$0x3] =	sbarrier.arrive $0xFFFF  }
0x7f: {  	_ =	shalt  }

</sc_bundles>
